<compile_context>
chip_gen: v7x
topology: tpu7x:2x2x1
jax: 0.10.2.dev20260603
libtpu: 0.0.44.dev20260713+nightly
codegen_flags: <defaults>
</compile_context>

<pallas_src>
import functools

import jax
import jax.numpy as jnp
from jax import lax
from jax.experimental import pallas as pl
from jax.experimental.pallas import tpu as pltpu
from jax.experimental.pallas import tpu_sc as plsc

VOCAB = 100000
HIDDEN = 128
MAXLEN = 512
BATCH = 256

NC, NS = 2, 16
NW = NC * NS
ROWS = BATCH * MAXLEN
NQ = 4
QL = MAXLEN // NQ
NB = NW // NQ
BPG = BATCH // NB
CH = QL


def _prep_body(seg_tab_ref, pos_ref, comb_ref):
    comb_ref[...] = seg_tab_ref[...][:, None, :] + pos_ref[...][None, :, :]


def _prep(segment_table, pos_weight):
    return pl.pallas_call(
        _prep_body,
        out_shape=jax.ShapeDtypeStruct((2, MAXLEN, HIDDEN), jnp.float32),
    )(segment_table, pos_weight)


@functools.partial(
    pl.kernel,
    out_type=jax.ShapeDtypeStruct((ROWS, HIDDEN), jnp.float32),
    mesh=plsc.VectorSubcoreMesh(core_axis_name="c", subcore_axis_name="s"),
    compiler_params=pltpu.CompilerParams(needs_layout_passes=False),
    scratch_types=[
        pltpu.VMEM((BPG, CH), jnp.int32),
        pltpu.VMEM((BPG * CH,), jnp.int32),
        pltpu.VMEM((2 * QL * HIDDEN,), jnp.float32),
        pltpu.VMEM((CH, HIDDEN), jnp.float32),
        pltpu.VMEM((CH, HIDDEN), jnp.float32),
        pltpu.VMEM((CH, HIDDEN), jnp.float32),
        pltpu.VMEM((CH, HIDDEN), jnp.float32),
        pltpu.VMEM((BPG // 2, CH), jnp.int32),
        pltpu.VMEM_SHARED((2 * MAXLEN, HIDDEN), jnp.float32),
        [pltpu.SemaphoreType.DMA] * 4,
        [pltpu.SemaphoreType.DMA] * 4,
    ],
)
def _sc_embed(tok_hbm, seg_hbm, table_hbm, comb_hbm, comb2_hbm, out_hbm,
              tki, svi, comb_l, buf_a, buf_b, buf_c, buf_d, cvi, comb_sp,
              sgs, sws):
    wid = lax.axis_index("s") * NC + lax.axis_index("c")
    q = wid % NQ
    u = wid // NQ

    pltpu.sync_copy(tok_hbm.at[q, pl.ds(u * BPG, BPG)], tki)
    pltpu.sync_copy(seg_hbm.at[q, pl.ds(u * BPG * CH, BPG * CH)], svi)
    pltpu.sync_copy(comb_hbm.at[0, q], comb_l.at[pl.ds(0, QL * HIDDEN)])
    pltpu.sync_copy(comb_hbm.at[1, q], comb_l.at[pl.ds(QL * HIDDEN, QL * HIDDEN)])

    @pl.when(lax.axis_index("s") == 0)
    def _fill_spmem():
        pltpu.sync_copy(comb2_hbm, comb_sp)

    lane = lax.iota(jnp.int32, 16)
    cols = [kk * 16 + lane for kk in range(HIDDEN // 16)]

    for js in range(BPG // 2):
        j = js * 2
        for g in range(CH // 16):
            segv = svi[pl.ds(j * CH + g * 16, 16)]
            cvi[js, pl.ds(g * 16, 16)] = (
                segv * MAXLEN + q * QL + (g * 16) + lane)

    plsc.subcore_barrier()

    def out_at(j):
        return out_hbm.at[pl.ds((u * BPG + j) * MAXLEN + q * QL, CH)]

    def gather(j, buf, sem):
        pltpu.async_copy(table_hbm.at[tki.at[j]], buf, sem)

    def gather_wait(j, buf, sem):
        pltpu.make_async_copy(table_hbm.at[tki.at[j]], buf, sem).wait()

    def tec_add(j, buf):
        @plsc.parallel_loop(0, CH, unroll=4)
        def _r(r):
            rv = jnp.full((16,), j * CH + r, jnp.int32)
            s_vec = plsc.load_gather(svi, [rv])
            base = s_vec * (QL * HIDDEN) + jnp.full((16,), r * HIDDEN,
                                                    jnp.int32)
            for kk in range(HIDDEN // 16):
                v = plsc.load_gather(comb_l, [base + cols[kk]])
                plsc.addupdate(buf.at[r].at[pl.ds(kk * 16, 16)], v)

    def wr(j, buf, sem):
        pltpu.async_copy(buf, out_at(j), sem)

    def wr_wait(j, buf, sem):
        pltpu.make_async_copy(buf, out_at(j), sem).wait()

    def g_init(jj, buf, sem):
        pltpu.async_copy(comb_sp.at[cvi.at[jj]], buf, sem)

    def g_init_wait(jj, buf, sem):
        pltpu.make_async_copy(comb_sp.at[cvi.at[jj]], buf, sem).wait()

    def g_add(j, buf, sem):
        pltpu.async_copy(table_hbm.at[tki.at[j]], buf, sem, add=True)

    bufs = (buf_a, buf_b, buf_c, buf_d)

    g_init(0, bufs[0], sgs[0])
    gather(1, bufs[1], sgs[1])
    g_init(1, bufs[2], sgs[2])
    gather(3, bufs[3], sgs[3])

    @pl.loop(0, BPG // 4)
    def _quad(jj):
        j0 = jj * 4

        for i in (0, 1, 2, 3):
            j = j0 + i
            if i % 2 == 0:
                g_init_wait(jj * 2 + i // 2, bufs[i], sgs[i])
                g_add(j, bufs[i], sgs[i])
                gather_wait(j, bufs[i], sgs[i])
            else:
                gather_wait(j, bufs[i], sgs[i])
                tec_add(j, bufs[i])
            wr(j, bufs[i], sws[i])

        @pl.when(jj < BPG // 4 - 1)
        def _():
            for i in (0, 1, 2, 3):
                j = j0 + i
                wr_wait(j, bufs[i], sws[i])
                if i % 2 == 0:
                    g_init(jj * 2 + 2 + i // 2, bufs[i], sgs[i])
                else:
                    gather(j + 4, bufs[i], sgs[i])

    for i in range(4):
        wr_wait(BPG - 4 + i, bufs[i], sws[i])


def kernel(tokens, segments, token_table, segment_table, pos_weight):
    comb = _prep(segment_table, pos_weight)
    comb2 = comb.reshape(2 * MAXLEN, HIDDEN)
    comb = comb.reshape(2, NQ, QL * HIDDEN)
    tok = tokens.astype(jnp.int32).reshape(BATCH, NQ, QL).transpose(1, 0, 2)
    seg = (segments.astype(jnp.int32).reshape(BATCH, NQ, QL)
           .transpose(1, 0, 2).reshape(NQ, BATCH * QL))
    out = _sc_embed(tok, seg, token_table, comb, comb2)
    return out.reshape(BATCH, MAXLEN, HIDDEN)

# --- scband reference (transcript-rebuilt; emitter-appended) ---
"""Pipeline reference for scband-bertencoder-72327249264982 (READ-ONLY COPY).

The authoritative reference and input builder live on the scoring server;
editing this copy changes nothing except your own understanding.
"""

import jax, jax.numpy as jnp
import numpy as np

VOCAB = 100000
HIDDEN = 128
MAXLEN = 512
BATCH = 256

def setup_inputs(seed: int = 0) -> dict:
    key = jax.random.key(seed)
    k1, k2, k3, k4 = jax.random.split(key, 4)
    tokens = jax.random.randint(k1, (BATCH, MAXLEN), 0, VOCAB, dtype=jnp.int64 if jax.config.jax_enable_x64 else jnp.int32)
    segments = jax.random.randint(k2, (BATCH, MAXLEN), 0, 2, dtype=jnp.int64 if jax.config.jax_enable_x64 else jnp.int32)
    token_table = jax.random.normal(k3, (VOCAB, HIDDEN), dtype=jnp.float32) * 0.02
    segment_table = jax.random.normal(k4, (2, HIDDEN), dtype=jnp.float32) * 0.02
    pos_weight = jnp.zeros((MAXLEN, HIDDEN), dtype=jnp.float32)
    return {"tokens": tokens, "segments": segments, "token_table": token_table, "segment_table": segment_table, "pos_weight": pos_weight}

def reference(tokens, segments, token_table, segment_table, pos_weight):
    # token embedding lookup: gather rows from table
    X = jnp.take(token_table, tokens, axis=0)            # [B, L, H]
    # segment embedding lookup
    X = X + jnp.take(segment_table, segments, axis=0)    # [B, L, H]
    # learned positional embedding added (broadcast over batch)
    X = X + pos_weight[None, :, :]                       # [B, L, H]
    return X

if __name__ == "__main__":
    import jax
    _d = setup_inputs()
    print(jax.jit(kernel)(*tuple(_d.values())))

</pallas_src>

<mosaic_0001>
#map = affine_map<(d0, d1) -> (0, 0, 0)>
#map1 = affine_map<(d0, d1) -> (0, 0)>
module attributes {stable_mosaic.version = 14 : i64} {
  func.func @_sc_embed(%arg0: i32, %arg1: i32, %arg2: memref<4x256x128xi32, #tpu.memory_space<hbm>>, %arg3: memref<4x32768xi32, #tpu.memory_space<hbm>>, %arg4: memref<100000x128xf32, #tpu.memory_space<hbm>>, %arg5: memref<2x4x16384xf32, #tpu.memory_space<hbm>>, %arg6: memref<1024x128xf32, #tpu.memory_space<hbm>>, %arg7: memref<131072x128xf32, #tpu.memory_space<hbm>>, %arg8: memref<32x128xi32, #tpu.memory_space<vmem>>, %arg9: memref<4096xi32, #tpu.memory_space<vmem>>, %arg10: memref<32768xf32, #tpu.memory_space<vmem>>, %arg11: memref<128x128xf32, #tpu.memory_space<vmem>>, %arg12: memref<128x128xf32, #tpu.memory_space<vmem>>, %arg13: memref<128x128xf32, #tpu.memory_space<vmem>>, %arg14: memref<128x128xf32, #tpu.memory_space<vmem>>, %arg15: memref<16x128xi32, #tpu.memory_space<vmem>>, %arg16: memref<1024x128xf32, #tpu.memory_space<vmem_shared>>, %arg17: memref<!tpu.dma_semaphore, #tpu.memory_space<semaphore_mem>>, %arg18: memref<!tpu.dma_semaphore, #tpu.memory_space<semaphore_mem>>, %arg19: memref<!tpu.dma_semaphore, #tpu.memory_space<semaphore_mem>>, %arg20: memref<!tpu.dma_semaphore, #tpu.memory_space<semaphore_mem>>, %arg21: memref<!tpu.dma_semaphore, #tpu.memory_space<semaphore_mem>>, %arg22: memref<!tpu.dma_semaphore, #tpu.memory_space<semaphore_mem>>, %arg23: memref<!tpu.dma_semaphore, #tpu.memory_space<semaphore_mem>>, %arg24: memref<!tpu.dma_semaphore, #tpu.memory_space<semaphore_mem>>) attributes {dimension_semantics = [#tpu.dimension_semantics<core_parallel>, #tpu.dimension_semantics<subcore_parallel>], iteration_bounds = array<i64: 2, 16>, scalar_prefetch = 0 : i64, scratch_operands = 17 : i64, tpu.core_type = #tpu.core_type<sc_vector_subcore>, window_params = [{transform_indices = #map}, {transform_indices = #map1}, {transform_indices = #map1}, {transform_indices = #map}, {transform_indices = #map1}, {transform_indices = #map1}]} {
    %mul3A = arith.constant 2 : i32
    %mul3A_0 = arith.muli %arg1, %mul3A : i32
    %add3A = arith.addi %mul3A_0, %arg0 : i32
    %jit3A = arith.constant 4 : i32
    %eq3A = arith.constant 0 : i32
    %eq3A_1 = arith.cmpi eq, %jit3A, %eq3A : i32
    %jit3A_2 = arith.constant 1 : i32
    %select_n3A = arith.select %eq3A_1, %jit3A_2, %jit3A : i32
    %rem3A = arith.remsi %add3A, %select_n3A : i32
    %ne3A = arith.constant 0 : i32
    %ne3A_3 = arith.cmpi ne, %rem3A, %ne3A : i32
    %lt3A = arith.constant 0 : i32
    %lt3A_4 = arith.cmpi slt, %rem3A, %lt3A : i32
    %lt3A_5 = arith.constant 0 : i32
    %lt3A_6 = arith.cmpi slt, %select_n3A, %lt3A_5 : i32
    %ne3A_7 = arith.xori %lt3A_4, %lt3A_6 : i1
    %and3A = arith.andi %ne3A_7, %ne3A_3 : i1
    %add3A_8 = arith.addi %rem3A, %select_n3A : i32
    %select_n3A_9 = arith.select %and3A, %add3A_8, %rem3A : i32
    %jit3A_10 = arith.constant 4 : i32
    %div3A = arith.divsi %add3A, %jit3A_10 : i32
    %sign3A = arith.constant 0 : i32
    %sign3A_11 = arith.cmpi sgt, %add3A, %sign3A : i32
    %sign3A_12 = arith.extui %sign3A_11 : i1 to i32
    %sign3A_13 = arith.constant 0 : i32
    %sign3A_14 = arith.cmpi slt, %add3A, %sign3A_13 : i32
    %sign3A_15 = arith.extui %sign3A_14 : i1 to i32
    %sign3A_16 = arith.subi %sign3A_12, %sign3A_15 : i32
    %sign3A_17 = arith.constant 0 : i32
    %sign3A_18 = arith.cmpi sgt, %jit3A_10, %sign3A_17 : i32
    %sign3A_19 = arith.extui %sign3A_18 : i1 to i32
    %sign3A_20 = arith.constant 0 : i32
    %sign3A_21 = arith.cmpi slt, %jit3A_10, %sign3A_20 : i32
    %sign3A_22 = arith.extui %sign3A_21 : i1 to i32
    %sign3A_23 = arith.subi %sign3A_19, %sign3A_22 : i32
    %ne3A_24 = arith.cmpi ne, %sign3A_16, %sign3A_23 : i32
    %rem3A_25 = arith.remsi %add3A, %jit3A_10 : i32
    %ne3A_26 = arith.constant 0 : i32
    %ne3A_27 = arith.cmpi ne, %rem3A_25, %ne3A_26 : i32
    %and3A_28 = arith.andi %ne3A_24, %ne3A_27 : i1
    %sub3A = arith.constant 1 : i32
    %sub3A_29 = arith.subi %div3A, %sub3A : i32
    %select_n3A_30 = arith.select %and3A_28, %sub3A_29, %div3A : i32
    %mul3A_31 = arith.constant 32 : i32
    %mul3A_32 = arith.muli %select_n3A_30, %mul3A_31 : i32
    "tpu.region"() ({
      %run_scoped3A_2321 = tpu.sem_alloc : memref<!tpu.dma_semaphore, #tpu.memory_space<semaphore_mem>>
      %dma_start3A_2322 = arith.constant 0 : i32
      %dma_start3A_2323 = tpu.memref_slice %arg2[%select_n3A_9, %mul3A_32, %dma_start3A_2322] : memref<4x256x128xi32, #tpu.memory_space<hbm>> -> memref<1x32x128xi32, #tpu.memory_space<hbm>>
      %dma_start3A_2324 = tpu.memref_squeeze %dma_start3A_2323 : memref<1x32x128xi32, #tpu.memory_space<hbm>> -> memref<32x128xi32, #tpu.memory_space<hbm>>
      %dma_start3A_2325 = arith.constant 0 : i32
      %dma_start3A_2326 = tpu.memref_slice %arg2[%select_n3A_9, %mul3A_32, %dma_start3A_2325] : memref<4x256x128xi32, #tpu.memory_space<hbm>> -> memref<1x32x128xi32, #tpu.memory_space<hbm>>
      %dma_start3A_2327 = tpu.memref_squeeze %dma_start3A_2326 : memref<1x32x128xi32, #tpu.memory_space<hbm>> -> memref<32x128xi32, #tpu.memory_space<hbm>>
      tpu.enqueue_dma source(%dma_start3A_2327 : memref<32x128xi32, #tpu.memory_space<hbm>>) target(%arg8 : memref<32x128xi32, #tpu.memory_space<vmem>>) target_semaphore(%run_scoped3A_2321 : memref<!tpu.dma_semaphore, #tpu.memory_space<semaphore_mem>>)
      %dma_wait3A_2328 = arith.constant 0 : i32
      %dma_wait3A_2329 = tpu.memref_slice %arg2[%select_n3A_9, %mul3A_32, %dma_wait3A_2328] : memref<4x256x128xi32, #tpu.memory_space<hbm>> -> memref<1x32x128xi32, #tpu.memory_space<hbm>>
      %dma_wait3A_2330 = tpu.memref_squeeze %dma_wait3A_2329 : memref<1x32x128xi32, #tpu.memory_space<hbm>> -> memref<32x128xi32, #tpu.memory_space<hbm>>
      %dma_wait3A_2331 = arith.constant 0 : i32
      %dma_wait3A_2332 = tpu.memref_slice %arg2[%select_n3A_9, %mul3A_32, %dma_wait3A_2331] : memref<4x256x128xi32, #tpu.memory_space<hbm>> -> memref<1x32x128xi32, #tpu.memory_space<hbm>>
      %dma_wait3A_2333 = tpu.memref_squeeze %dma_wait3A_2332 : memref<1x32x128xi32, #tpu.memory_space<hbm>> -> memref<32x128xi32, #tpu.memory_space<hbm>>
      tpu.wait_dma2 semaphore(%run_scoped3A_2321 : memref<!tpu.dma_semaphore, #tpu.memory_space<semaphore_mem>>) src(%dma_wait3A_2333 : memref<32x128xi32, #tpu.memory_space<hbm>>) dst(%arg8 : memref<32x128xi32, #tpu.memory_space<vmem>>)
      tpu.yield
    }) : () -> ()
    %mul3A_33 = arith.constant 32 : i32
    %mul3A_34 = arith.muli %select_n3A_30, %mul3A_33 : i32
    %mul3A_35 = arith.constant 128 : i32
    %mul3A_36 = arith.muli %mul3A_34, %mul3A_35 : i32
    "tpu.region"() ({
      %run_scoped3A_2321 = tpu.sem_alloc : memref<!tpu.dma_semaphore, #tpu.memory_space<semaphore_mem>>
      %dma_start3A_2322 = tpu.memref_slice %arg3[%select_n3A_9, %mul3A_36] : memref<4x32768xi32, #tpu.memory_space<hbm>> -> memref<1x4096xi32, #tpu.memory_space<hbm>>
      %dma_start3A_2323 = tpu.memref_squeeze %dma_start3A_2322 : memref<1x4096xi32, #tpu.memory_space<hbm>> -> memref<4096xi32, #tpu.memory_space<hbm>>
      %dma_start3A_2324 = tpu.memref_slice %arg3[%select_n3A_9, %mul3A_36] : memref<4x32768xi32, #tpu.memory_space<hbm>> -> memref<1x4096xi32, #tpu.memory_space<hbm>>
      %dma_start3A_2325 = tpu.memref_squeeze %dma_start3A_2324 : memref<1x4096xi32, #tpu.memory_space<hbm>> -> memref<4096xi32, #tpu.memory_space<hbm>>
      tpu.enqueue_dma source(%dma_start3A_2325 : memref<4096xi32, #tpu.memory_space<hbm>>) target(%arg9 : memref<4096xi32, #tpu.memory_space<vmem>>) target_semaphore(%run_scoped3A_2321 : memref<!tpu.dma_semaphore, #tpu.memory_space<semaphore_mem>>)
      %dma_wait3A_2326 = tpu.memref_slice %arg3[%select_n3A_9, %mul3A_36] : memref<4x32768xi32, #tpu.memory_space<hbm>> -> memref<1x4096xi32, #tpu.memory_space<hbm>>
      %dma_wait3A_2327 = tpu.memref_squeeze %dma_wait3A_2326 : memref<1x4096xi32, #tpu.memory_space<hbm>> -> memref<4096xi32, #tpu.memory_space<hbm>>
      %dma_wait3A_2328 = tpu.memref_slice %arg3[%select_n3A_9, %mul3A_36] : memref<4x32768xi32, #tpu.memory_space<hbm>> -> memref<1x4096xi32, #tpu.memory_space<hbm>>
      %dma_wait3A_2329 = tpu.memref_squeeze %dma_wait3A_2328 : memref<1x4096xi32, #tpu.memory_space<hbm>> -> memref<4096xi32, #tpu.memory_space<hbm>>
      tpu.wait_dma2 semaphore(%run_scoped3A_2321 : memref<!tpu.dma_semaphore, #tpu.memory_space<semaphore_mem>>) src(%dma_wait3A_2329 : memref<4096xi32, #tpu.memory_space<hbm>>) dst(%arg9 : memref<4096xi32, #tpu.memory_space<vmem>>)
      tpu.yield
    }) : () -> ()
    %run_scoped3A = arith.constant 0 : i32
    "tpu.region"() ({
      %run_scoped3A_2321 = tpu.sem_alloc : memref<!tpu.dma_semaphore, #tpu.memory_space<semaphore_mem>>
      %dma_start3A_2322 = arith.constant 0 : i32
      %dma_start3A_2323 = tpu.memref_slice %arg10[%dma_start3A_2322] : memref<32768xf32, #tpu.memory_space<vmem>> -> memref<16384xf32, #tpu.memory_space<vmem>>
      %dma_start3A_2324 = arith.constant 0 : i32
      %dma_start3A_2325 = tpu.memref_slice %arg5[%run_scoped3A, %select_n3A_9, %dma_start3A_2324] : memref<2x4x16384xf32, #tpu.memory_space<hbm>> -> memref<1x1x16384xf32, #tpu.memory_space<hbm>>
      %dma_start3A_2326 = tpu.memref_squeeze %dma_start3A_2325 : memref<1x1x16384xf32, #tpu.memory_space<hbm>> -> memref<16384xf32, #tpu.memory_space<hbm>>
      %dma_start3A_2327 = arith.constant 0 : i32
      %dma_start3A_2328 = tpu.memref_slice %arg10[%dma_start3A_2327] : memref<32768xf32, #tpu.memory_space<vmem>> -> memref<16384xf32, #tpu.memory_space<vmem>>
      %dma_start3A_2329 = arith.constant 0 : i32
      %dma_start3A_2330 = tpu.memref_slice %arg5[%run_scoped3A, %select_n3A_9, %dma_start3A_2329] : memref<2x4x16384xf32, #tpu.memory_space<hbm>> -> memref<1x1x16384xf32, #tpu.memory_space<hbm>>
      %dma_start3A_2331 = tpu.memref_squeeze %dma_start3A_2330 : memref<1x1x16384xf32, #tpu.memory_space<hbm>> -> memref<16384xf32, #tpu.memory_space<hbm>>
      tpu.enqueue_dma source(%dma_start3A_2331 : memref<16384xf32, #tpu.memory_space<hbm>>) target(%dma_start3A_2328 : memref<16384xf32, #tpu.memory_space<vmem>>) target_semaphore(%run_scoped3A_2321 : memref<!tpu.dma_semaphore, #tpu.memory_space<semaphore_mem>>)
      %dma_wait3A_2332 = arith.constant 0 : i32
      %dma_wait3A_2333 = tpu.memref_slice %arg10[%dma_wait3A_2332] : memref<32768xf32, #tpu.memory_space<vmem>> -> memref<16384xf32, #tpu.memory_space<vmem>>
      %dma_wait3A_2334 = arith.constant 0 : i32
      %dma_wait3A_2335 = tpu.memref_slice %arg5[%run_scoped3A, %select_n3A_9, %dma_wait3A_2334] : memref<2x4x16384xf32, #tpu.memory_space<hbm>> -> memref<1x1x16384xf32, #tpu.memory_space<hbm>>
      %dma_wait3A_2336 = tpu.memref_squeeze %dma_wait3A_2335 : memref<1x1x16384xf32, #tpu.memory_space<hbm>> -> memref<16384xf32, #tpu.memory_space<hbm>>
      %dma_wait3A_2337 = arith.constant 0 : i32
      %dma_wait3A_2338 = tpu.memref_slice %arg10[%dma_wait3A_2337] : memref<32768xf32, #tpu.memory_space<vmem>> -> memref<16384xf32, #tpu.memory_space<vmem>>
      %dma_wait3A_2339 = arith.constant 0 : i32
      %dma_wait3A_2340 = tpu.memref_slice %arg5[%run_scoped3A, %select_n3A_9, %dma_wait3A_2339] : memref<2x4x16384xf32, #tpu.memory_space<hbm>> -> memref<1x1x16384xf32, #tpu.memory_space<hbm>>
      %dma_wait3A_2341 = tpu.memref_squeeze %dma_wait3A_2340 : memref<1x1x16384xf32, #tpu.memory_space<hbm>> -> memref<16384xf32, #tpu.memory_space<hbm>>
      tpu.wait_dma2 semaphore(%run_scoped3A_2321 : memref<!tpu.dma_semaphore, #tpu.memory_space<semaphore_mem>>) src(%dma_wait3A_2341 : memref<16384xf32, #tpu.memory_space<hbm>>) dst(%dma_wait3A_2338 : memref<16384xf32, #tpu.memory_space<vmem>>)
      tpu.yield
    }) : () -> ()
    %run_scoped3A_37 = arith.constant 1 : i32
    "tpu.region"() ({
      %run_scoped3A_2321 = tpu.sem_alloc : memref<!tpu.dma_semaphore, #tpu.memory_space<semaphore_mem>>
      %dma_start3A_2322 = arith.constant 16384 : i32
      %dma_start3A_2323 = tpu.memref_slice %arg10[%dma_start3A_2322] : memref<32768xf32, #tpu.memory_space<vmem>> -> memref<16384xf32, #tpu.memory_space<vmem>>
      %dma_start3A_2324 = arith.constant 0 : i32
      %dma_start3A_2325 = tpu.memref_slice %arg5[%run_scoped3A_37, %select_n3A_9, %dma_start3A_2324] : memref<2x4x16384xf32, #tpu.memory_space<hbm>> -> memref<1x1x16384xf32, #tpu.memory_space<hbm>>
      %dma_start3A_2326 = tpu.memref_squeeze %dma_start3A_2325 : memref<1x1x16384xf32, #tpu.memory_space<hbm>> -> memref<16384xf32, #tpu.memory_space<hbm>>
      %dma_start3A_2327 = arith.constant 16384 : i32
      %dma_start3A_2328 = tpu.memref_slice %arg10[%dma_start3A_2327] : memref<32768xf32, #tpu.memory_space<vmem>> -> memref<16384xf32, #tpu.memory_space<vmem>>
      %dma_start3A_2329 = arith.constant 0 : i32
      %dma_start3A_2330 = tpu.memref_slice %arg5[%run_scoped3A_37, %select_n3A_9, %dma_start3A_2329] : memref<2x4x16384xf32, #tpu.memory_space<hbm>> -> memref<1x1x16384xf32, #tpu.memory_space<hbm>>
      %dma_start3A_2331 = tpu.memref_squeeze %dma_start3A_2330 : memref<1x1x16384xf32, #tpu.memory_space<hbm>> -> memref<16384xf32, #tpu.memory_space<hbm>>
      tpu.enqueue_dma source(%dma_start3A_2331 : memref<16384xf32, #tpu.memory_space<hbm>>) target(%dma_start3A_2328 : memref<16384xf32, #tpu.memory_space<vmem>>) target_semaphore(%run_scoped3A_2321 : memref<!tpu.dma_semaphore, #tpu.memory_space<semaphore_mem>>)
      %dma_wait3A_2332 = arith.constant 16384 : i32
      %dma_wait3A_2333 = tpu.memref_slice %arg10[%dma_wait3A_2332] : memref<32768xf32, #tpu.memory_space<vmem>> -> memref<16384xf32, #tpu.memory_space<vmem>>
      %dma_wait3A_2334 = arith.constant 0 : i32
      %dma_wait3A_2335 = tpu.memref_slice %arg5[%run_scoped3A_37, %select_n3A_9, %dma_wait3A_2334] : memref<2x4x16384xf32, #tpu.memory_space<hbm>> -> memref<1x1x16384xf32, #tpu.memory_space<hbm>>
      %dma_wait3A_2336 = tpu.memref_squeeze %dma_wait3A_2335 : memref<1x1x16384xf32, #tpu.memory_space<hbm>> -> memref<16384xf32, #tpu.memory_space<hbm>>
      %dma_wait3A_2337 = arith.constant 16384 : i32
      %dma_wait3A_2338 = tpu.memref_slice %arg10[%dma_wait3A_2337] : memref<32768xf32, #tpu.memory_space<vmem>> -> memref<16384xf32, #tpu.memory_space<vmem>>
      %dma_wait3A_2339 = arith.constant 0 : i32
      %dma_wait3A_2340 = tpu.memref_slice %arg5[%run_scoped3A_37, %select_n3A_9, %dma_wait3A_2339] : memref<2x4x16384xf32, #tpu.memory_space<hbm>> -> memref<1x1x16384xf32, #tpu.memory_space<hbm>>
      %dma_wait3A_2341 = tpu.memref_squeeze %dma_wait3A_2340 : memref<1x1x16384xf32, #tpu.memory_space<hbm>> -> memref<16384xf32, #tpu.memory_space<hbm>>
      tpu.wait_dma2 semaphore(%run_scoped3A_2321 : memref<!tpu.dma_semaphore, #tpu.memory_space<semaphore_mem>>) src(%dma_wait3A_2341 : memref<16384xf32, #tpu.memory_space<hbm>>) dst(%dma_wait3A_2338 : memref<16384xf32, #tpu.memory_space<vmem>>)
      tpu.yield
    }) : () -> ()
    %eq3A_38 = arith.constant 0 : i32
    %eq3A_39 = arith.cmpi eq, %arg1, %eq3A_38 : i32
    %convert_element_type3A = arith.extui %eq3A_39 : i1 to i32
    %cond3A = arith.constant 0 : i32
    %cond3A_40 = arith.cmpi ne, %convert_element_type3A, %cond3A : i32
    scf.if %cond3A_40 {
      "tpu.region"() ({
        %run_scoped3A_2321 = tpu.sem_alloc : memref<!tpu.dma_semaphore, #tpu.memory_space<semaphore_mem>>
        tpu.enqueue_dma source(%arg6 : memref<1024x128xf32, #tpu.memory_space<hbm>>) target(%arg16 : memref<1024x128xf32, #tpu.memory_space<vmem_shared>>) target_semaphore(%run_scoped3A_2321 : memref<!tpu.dma_semaphore, #tpu.memory_space<semaphore_mem>>)
        tpu.wait_dma2 semaphore(%run_scoped3A_2321 : memref<!tpu.dma_semaphore, #tpu.memory_space<semaphore_mem>>) src(%arg6 : memref<1024x128xf32, #tpu.memory_space<hbm>>) dst(%arg16 : memref<1024x128xf32, #tpu.memory_space<vmem_shared>>)
        tpu.yield
      }) : () -> ()
    } else {
    }
    %iota3A = tpu.iota {dimensions = array<i32: 0>} : vector<16xi32>
    %add3A_41 = arith.constant 0 : i32
    %add3A_42 = vector.broadcast %add3A_41 : i32 to vector<16xi32>
    %add3A_43 = arith.addi %add3A_42, %iota3A : vector<16xi32>
    %add3A_44 = arith.constant 16 : i32
    %add3A_45 = vector.broadcast %add3A_44 : i32 to vector<16xi32>
    %add3A_46 = arith.addi %add3A_45, %iota3A : vector<16xi32>
    %add3A_47 = arith.constant 32 : i32
    %add3A_48 = vector.broadcast %add3A_47 : i32 to vector<16xi32>
    %add3A_49 = arith.addi %add3A_48, %iota3A : vector<16xi32>
    %add3A_50 = arith.constant 48 : i32
    %add3A_51 = vector.broadcast %add3A_50 : i32 to vector<16xi32>
    %add3A_52 = arith.addi %add3A_51, %iota3A : vector<16xi32>
    %add3A_53 = arith.constant 64 : i32
    %add3A_54 = vector.broadcast %add3A_53 : i32 to vector<16xi32>
    %add3A_55 = arith.addi %add3A_54, %iota3A : vector<16xi32>
    %add3A_56 = arith.constant 80 : i32
    %add3A_57 = vector.broadcast %add3A_56 : i32 to vector<16xi32>
    %add3A_58 = arith.addi %add3A_57, %iota3A : vector<16xi32>
    %add3A_59 = arith.constant 96 : i32
    %add3A_60 = vector.broadcast %add3A_59 : i32 to vector<16xi32>
    %add3A_61 = arith.addi %add3A_60, %iota3A : vector<16xi32>
    %add3A_62 = arith.constant 112 : i32
    %add3A_63 = vector.broadcast %add3A_62 : i32 to vector<16xi32>
    %add3A_64 = arith.addi %add3A_63, %iota3A : vector<16xi32>
    %get3A = arith.constant 0 : index
    %get3A_65 = tpu.vector_load %arg9[%get3A] {strides = array<i32>} : memref<4096xi32, #tpu.memory_space<vmem>>, vector<16xi32>,
    %mul3A_66 = arith.constant 512 : i32
    %mul3A_67 = vector.broadcast %mul3A_66 : i32 to vector<16xi32>
    %mul3A_68 = arith.muli %get3A_65, %mul3A_67 : vector<16xi32>
    %mul3A_69 = arith.constant 128 : i32
    %mul3A_70 = arith.muli %select_n3A_9, %mul3A_69 : i32
    %add3A_71 = vector.broadcast %mul3A_70 : i32 to vector<16xi32>
    %add3A_72 = arith.addi %mul3A_68, %add3A_71 : vector<16xi32>
    %add3A_73 = arith.constant 0 : i32
    %add3A_74 = vector.broadcast %add3A_73 : i32 to vector<16xi32>
    %add3A_75 = arith.addi %add3A_72, %add3A_74 : vector<16xi32>
    %add3A_76 = arith.addi %add3A_75, %iota3A : vector<16xi32>
    %swap3A = arith.constant 0 : i32
    %swap3A_77 = arith.index_cast %swap3A : i32 to index
    %swap3A_78 = arith.constant 0 : index
    %swap3A_79 = tpu.vector_load %arg15[%swap3A_77, %swap3A_78] {strides = array<i32>} : memref<16x128xi32, #tpu.memory_space<vmem>>, vector<16xi32>,
    tpu.vector_store %arg15[%swap3A_77, %swap3A_78], %add3A_76 {strides = array<i32>} : memref<16x128xi32, #tpu.memory_space<vmem>>, vector<16xi32>,
    %get3A_80 = arith.constant 16 : index
    %get3A_81 = tpu.vector_load %arg9[%get3A_80] {strides = array<i32>} : memref<4096xi32, #tpu.memory_space<vmem>>, vector<16xi32>,
    %mul3A_82 = arith.constant 512 : i32
    %mul3A_83 = vector.broadcast %mul3A_82 : i32 to vector<16xi32>
    %mul3A_84 = arith.muli %get3A_81, %mul3A_83 : vector<16xi32>
    %mul3A_85 = arith.constant 128 : i32
    %mul3A_86 = arith.muli %select_n3A_9, %mul3A_85 : i32
    %add3A_87 = vector.broadcast %mul3A_86 : i32 to vector<16xi32>
    %add3A_88 = arith.addi %mul3A_84, %add3A_87 : vector<16xi32>
    %add3A_89 = arith.constant 16 : i32
    %add3A_90 = vector.broadcast %add3A_89 : i32 to vector<16xi32>
    %add3A_91 = arith.addi %add3A_88, %add3A_90 : vector<16xi32>
    %add3A_92 = arith.addi %add3A_91, %iota3A : vector<16xi32>
    %swap3A_93 = arith.constant 0 : i32
    %swap3A_94 = arith.index_cast %swap3A_93 : i32 to index
    %swap3A_95 = arith.constant 16 : index
    %swap3A_96 = tpu.vector_load %arg15[%swap3A_94, %swap3A_95] {strides = array<i32>} : memref<16x128xi32, #tpu.memory_space<vmem>>, vector<16xi32>,
    tpu.vector_store %arg15[%swap3A_94, %swap3A_95], %add3A_92 {strides = array<i32>} : memref<16x128xi32, #tpu.memory_space<vmem>>, vector<16xi32>,
    %get3A_97 = arith.constant 32 : index
    %get3A_98 = tpu.vector_load %arg9[%get3A_97] {strides = array<i32>} : memref<4096xi32, #tpu.memory_space<vmem>>, vector<16xi32>,
    %mul3A_99 = arith.constant 512 : i32
    %mul3A_100 = vector.broadcast %mul3A_99 : i32 to vector<16xi32>
    %mul3A_101 = arith.muli %get3A_98, %mul3A_100 : vector<16xi32>
    %mul3A_102 = arith.constant 128 : i32
    %mul3A_103 = arith.muli %select_n3A_9, %mul3A_102 : i32
    %add3A_104 = vector.broadcast %mul3A_103 : i32 to vector<16xi32>
    %add3A_105 = arith.addi %mul3A_101, %add3A_104 : vector<16xi32>
    %add3A_106 = arith.constant 32 : i32
    %add3A_107 = vector.broadcast %add3A_106 : i32 to vector<16xi32>
    %add3A_108 = arith.addi %add3A_105, %add3A_107 : vector<16xi32>
    %add3A_109 = arith.addi %add3A_108, %iota3A : vector<16xi32>
    %swap3A_110 = arith.constant 0 : i32
    %swap3A_111 = arith.index_cast %swap3A_110 : i32 to index
    %swap3A_112 = arith.constant 32 : index
    %swap3A_113 = tpu.vector_load %arg15[%swap3A_111, %swap3A_112] {strides = array<i32>} : memref<16x128xi32, #tpu.memory_space<vmem>>, vector<16xi32>,
    tpu.vector_store %arg15[%swap3A_111, %swap3A_112], %add3A_109 {strides = array<i32>} : memref<16x128xi32, #tpu.memory_space<vmem>>, vector<16xi32>,
    %get3A_114 = arith.constant 48 : index
    %get3A_115 = tpu.vector_load %arg9[%get3A_114] {strides = array<i32>} : memref<4096xi32, #tpu.memory_space<vmem>>, vector<16xi32>,
    %mul3A_116 = arith.constant 512 : i32
    %mul3A_117 = vector.broadcast %mul3A_116 : i32 to vector<16xi32>
    %mul3A_118 = arith.muli %get3A_115, %mul3A_117 : vector<16xi32>
    %mul3A_119 = arith.constant 128 : i32
    %mul3A_120 = arith.muli %select_n3A_9, %mul3A_119 : i32
    %add3A_121 = vector.broadcast %mul3A_120 : i32 to vector<16xi32>
    %add3A_122 = arith.addi %mul3A_118, %add3A_121 : vector<16xi32>
    %add3A_123 = arith.constant 48 : i32
    %add3A_124 = vector.broadcast %add3A_123 : i32 to vector<16xi32>
    %add3A_125 = arith.addi %add3A_122, %add3A_124 : vector<16xi32>
    %add3A_126 = arith.addi %add3A_125, %iota3A : vector<16xi32>
    %swap3A_127 = arith.constant 0 : i32
    %swap3A_128 = arith.index_cast %swap3A_127 : i32 to index
    %swap3A_129 = arith.constant 48 : index
    %swap3A_130 = tpu.vector_load %arg15[%swap3A_128, %swap3A_129] {strides = array<i32>} : memref<16x128xi32, #tpu.memory_space<vmem>>, vector<16xi32>,
    tpu.vector_store %arg15[%swap3A_128, %swap3A_129], %add3A_126 {strides = array<i32>} : memref<16x128xi32, #tpu.memory_space<vmem>>, vector<16xi32>,
    %get3A_131 = arith.constant 64 : index
    %get3A_132 = tpu.vector_load %arg9[%get3A_131] {strides = array<i32>} : memref<4096xi32, #tpu.memory_space<vmem>>, vector<16xi32>,
    %mul3A_133 = arith.constant 512 : i32
    %mul3A_134 = vector.broadcast %mul3A_133 : i32 to vector<16xi32>
    %mul3A_135 = arith.muli %get3A_132, %mul3A_134 : vector<16xi32>
    %mul3A_136 = arith.constant 128 : i32
    %mul3A_137 = arith.muli %select_n3A_9, %mul3A_136 : i32
    %add3A_138 = vector.broadcast %mul3A_137 : i32 to vector<16xi32>
    %add3A_139 = arith.addi %mul3A_135, %add3A_138 : vector<16xi32>
    %add3A_140 = arith.constant 64 : i32
    %add3A_141 = vector.broadcast %add3A_140 : i32 to vector<16xi32>
    %add3A_142 = arith.addi %add3A_139, %add3A_141 : vector<16xi32>
    %add3A_143 = arith.addi %add3A_142, %iota3A : vector<16xi32>
    %swap3A_144 = arith.constant 0 : i32
    %swap3A_145 = arith.index_cast %swap3A_144 : i32 to index
    %swap3A_146 = arith.constant 64 : index
    %swap3A_147 = tpu.vector_load %arg15[%swap3A_145, %swap3A_146] {strides = array<i32>} : memref<16x128xi32, #tpu.memory_space<vmem>>, vector<16xi32>,
    tpu.vector_store %arg15[%swap3A_145, %swap3A_146], %add3A_143 {strides = array<i32>} : memref<16x128xi32, #tpu.memory_space<vmem>>, vector<16xi32>,
    %get3A_148 = arith.constant 80 : index
    %get3A_149 = tpu.vector_load %arg9[%get3A_148] {strides = array<i32>} : memref<4096xi32, #tpu.memory_space<vmem>>, vector<16xi32>,
    %mul3A_150 = arith.constant 512 : i32
    %mul3A_151 = vector.broadcast %mul3A_150 : i32 to vector<16xi32>
    %mul3A_152 = arith.muli %get3A_149, %mul3A_151 : vector<16xi32>
    %mul3A_153 = arith.constant 128 : i32
    %mul3A_154 = arith.muli %select_n3A_9, %mul3A_153 : i32
    %add3A_155 = vector.broadcast %mul3A_154 : i32 to vector<16xi32>
    %add3A_156 = arith.addi %mul3A_152, %add3A_155 : vector<16xi32>
    %add3A_157 = arith.constant 80 : i32
    %add3A_158 = vector.broadcast %add3A_157 : i32 to vector<16xi32>
    %add3A_159 = arith.addi %add3A_156, %add3A_158 : vector<16xi32>
    %add3A_160 = arith.addi %add3A_159, %iota3A : vector<16xi32>
    %swap3A_161 = arith.constant 0 : i32
    %swap3A_162 = arith.index_cast %swap3A_161 : i32 to index
    %swap3A_163 = arith.constant 80 : index
    %swap3A_164 = tpu.vector_load %arg15[%swap3A_162, %swap3A_163] {strides = array<i32>} : memref<16x128xi32, #tpu.memory_space<vmem>>, vector<16xi32>,
    tpu.vector_store %arg15[%swap3A_162, %swap3A_163], %add3A_160 {strides = array<i32>} : memref<16x128xi32, #tpu.memory_space<vmem>>, vector<16xi32>,
    %get3A_165 = arith.constant 96 : index
    %get3A_166 = tpu.vector_load %arg9[%get3A_165] {strides = array<i32>} : memref<4096xi32, #tpu.memory_space<vmem>>, vector<16xi32>,
    %mul3A_167 = arith.constant 512 : i32
    %mul3A_168 = vector.broadcast %mul3A_167 : i32 to vector<16xi32>
    %mul3A_169 = arith.muli %get3A_166, %mul3A_168 : vector<16xi32>
    %mul3A_170 = arith.constant 128 : i32
    %mul3A_171 = arith.muli %select_n3A_9, %mul3A_170 : i32
    %add3A_172 = vector.broadcast %mul3A_171 : i32 to vector<16xi32>
    %add3A_173 = arith.addi %mul3A_169, %add3A_172 : vector<16xi32>
    %add3A_174 = arith.constant 96 : i32
    %add3A_175 = vector.broadcast %add3A_174 : i32 to vector<16xi32>
    %add3A_176 = arith.addi %add3A_173, %add3A_175 : vector<16xi32>
    %add3A_177 = arith.addi %add3A_176, %iota3A : vector<16xi32>
    %swap3A_178 = arith.constant 0 : i32
    %swap3A_179 = arith.index_cast %swap3A_178 : i32 to index
    %swap3A_180 = arith.constant 96 : index
    %swap3A_181 = tpu.vector_load %arg15[%swap3A_179, %swap3A_180] {strides = array<i32>} : memref<16x128xi32, #tpu.memory_space<vmem>>, vector<16xi32>,
    tpu.vector_store %arg15[%swap3A_179, %swap3A_180], %add3A_177 {strides = array<i32>} : memref<16x128xi32, #tpu.memory_space<vmem>>, vector<16xi32>,
    %get3A_182 = arith.constant 112 : index
    %get3A_183 = tpu.vector_load %arg9[%get3A_182] {strides = array<i32>} : memref<4096xi32, #tpu.memory_space<vmem>>, vector<16xi32>,
    %mul3A_184 = arith.constant 512 : i32
    %mul3A_185 = vector.broadcast %mul3A_184 : i32 to vector<16xi32>
    %mul3A_186 = arith.muli %get3A_183, %mul3A_185 : vector<16xi32>
    %mul3A_187 = arith.constant 128 : i32
    %mul3A_188 = arith.muli %select_n3A_9, %mul3A_187 : i32
    %add3A_189 = vector.broadcast %mul3A_188 : i32 to vector<16xi32>
    %add3A_190 = arith.addi %mul3A_186, %add3A_189 : vector<16xi32>
    %add3A_191 = arith.constant 112 : i32
    %add3A_192 = vector.broadcast %add3A_191 : i32 to vector<16xi32>
    %add3A_193 = arith.addi %add3A_190, %add3A_192 : vector<16xi32>
    %add3A_194 = arith.addi %add3A_193, %iota3A : vector<16xi32>
    %swap3A_195 = arith.constant 0 : i32
    %swap3A_196 = arith.index_cast %swap3A_195 : i32 to index
    %swap3A_197 = arith.constant 112 : index
    %swap3A_198 = tpu.vector_load %arg15[%swap3A_196, %swap3A_197] {strides = array<i32>} : memref<16x128xi32, #tpu.memory_space<vmem>>, vector<16xi32>,
    tpu.vector_store %arg15[%swap3A_196, %swap3A_197], %add3A_194 {strides = array<i32>} : memref<16x128xi32, #tpu.memory_space<vmem>>, vector<16xi32>,
    %get3A_199 = arith.constant 256 : index
    %get3A_200 = tpu.vector_load %arg9[%get3A_199] {strides = array<i32>} : memref<4096xi32, #tpu.memory_space<vmem>>, vector<16xi32>,
    %mul3A_201 = arith.constant 512 : i32
    %mul3A_202 = vector.broadcast %mul3A_201 : i32 to vector<16xi32>
    %mul3A_203 = arith.muli %get3A_200, %mul3A_202 : vector<16xi32>
    %mul3A_204 = arith.constant 128 : i32
    %mul3A_205 = arith.muli %select_n3A_9, %mul3A_204 : i32
    %add3A_206 = vector.broadcast %mul3A_205 : i32 to vector<16xi32>
    %add3A_207 = arith.addi %mul3A_203, %add3A_206 : vector<16xi32>
    %add3A_208 = arith.constant 0 : i32
    %add3A_209 = vector.broadcast %add3A_208 : i32 to vector<16xi32>
    %add3A_210 = arith.addi %add3A_207, %add3A_209 : vector<16xi32>
    %add3A_211 = arith.addi %add3A_210, %iota3A : vector<16xi32>
    %swap3A_212 = arith.constant 1 : i32
    %swap3A_213 = arith.index_cast %swap3A_212 : i32 to index
    %swap3A_214 = arith.constant 0 : index
    %swap3A_215 = tpu.vector_load %arg15[%swap3A_213, %swap3A_214] {strides = array<i32>} : memref<16x128xi32, #tpu.memory_space<vmem>>, vector<16xi32>,
    tpu.vector_store %arg15[%swap3A_213, %swap3A_214], %add3A_211 {strides = array<i32>} : memref<16x128xi32, #tpu.memory_space<vmem>>, vector<16xi32>,
    %get3A_216 = arith.constant 272 : index
    %get3A_217 = tpu.vector_load %arg9[%get3A_216] {strides = array<i32>} : memref<4096xi32, #tpu.memory_space<vmem>>, vector<16xi32>,
    %mul3A_218 = arith.constant 512 : i32
    %mul3A_219 = vector.broadcast %mul3A_218 : i32 to vector<16xi32>
    %mul3A_220 = arith.muli %get3A_217, %mul3A_219 : vector<16xi32>
    %mul3A_221 = arith.constant 128 : i32
    %mul3A_222 = arith.muli %select_n3A_9, %mul3A_221 : i32
    %add3A_223 = vector.broadcast %mul3A_222 : i32 to vector<16xi32>
    %add3A_224 = arith.addi %mul3A_220, %add3A_223 : vector<16xi32>
    %add3A_225 = arith.constant 16 : i32
    %add3A_226 = vector.broadcast %add3A_225 : i32 to vector<16xi32>
    %add3A_227 = arith.addi %add3A_224, %add3A_226 : vector<16xi32>
    %add3A_228 = arith.addi %add3A_227, %iota3A : vector<16xi32>
    %swap3A_229 = arith.constant 1 : i32
    %swap3A_230 = arith.index_cast %swap3A_229 : i32 to index
    %swap3A_231 = arith.constant 16 : index
    %swap3A_232 = tpu.vector_load %arg15[%swap3A_230, %swap3A_231] {strides = array<i32>} : memref<16x128xi32, #tpu.memory_space<vmem>>, vector<16xi32>,
    tpu.vector_store %arg15[%swap3A_230, %swap3A_231], %add3A_228 {strides = array<i32>} : memref<16x128xi32, #tpu.memory_space<vmem>>, vector<16xi32>,
    %get3A_233 = arith.constant 288 : index
    %get3A_234 = tpu.vector_load %arg9[%get3A_233] {strides = array<i32>} : memref<4096xi32, #tpu.memory_space<vmem>>, vector<16xi32>,
    %mul3A_235 = arith.constant 512 : i32
    %mul3A_236 = vector.broadcast %mul3A_235 : i32 to vector<16xi32>
    %mul3A_237 = arith.muli %get3A_234, %mul3A_236 : vector<16xi32>
    %mul3A_238 = arith.constant 128 : i32
    %mul3A_239 = arith.muli %select_n3A_9, %mul3A_238 : i32
    %add3A_240 = vector.broadcast %mul3A_239 : i32 to vector<16xi32>
    %add3A_241 = arith.addi %mul3A_237, %add3A_240 : vector<16xi32>
    %add3A_242 = arith.constant 32 : i32
    %add3A_243 = vector.broadcast %add3A_242 : i32 to vector<16xi32>
    %add3A_244 = arith.addi %add3A_241, %add3A_243 : vector<16xi32>
    %add3A_245 = arith.addi %add3A_244, %iota3A : vector<16xi32>
    %swap3A_246 = arith.constant 1 : i32
    %swap3A_247 = arith.index_cast %swap3A_246 : i32 to index
    %swap3A_248 = arith.constant 32 : index
    %swap3A_249 = tpu.vector_load %arg15[%swap3A_247, %swap3A_248] {strides = array<i32>} : memref<16x128xi32, #tpu.memory_space<vmem>>, vector<16xi32>,
    tpu.vector_store %arg15[%swap3A_247, %swap3A_248], %add3A_245 {strides = array<i32>} : memref<16x128xi32, #tpu.memory_space<vmem>>, vector<16xi32>,
    %get3A_250 = arith.constant 304 : index
    %get3A_251 = tpu.vector_load %arg9[%get3A_250] {strides = array<i32>} : memref<4096xi32, #tpu.memory_space<vmem>>, vector<16xi32>,
    %mul3A_252 = arith.constant 512 : i32
    %mul3A_253 = vector.broadcast %mul3A_252 : i32 to vector<16xi32>
    %mul3A_254 = arith.muli %get3A_251, %mul3A_253 : vector<16xi32>
    %mul3A_255 = arith.constant 128 : i32
    %mul3A_256 = arith.muli %select_n3A_9, %mul3A_255 : i32
    %add3A_257 = vector.broadcast %mul3A_256 : i32 to vector<16xi32>
    %add3A_258 = arith.addi %mul3A_254, %add3A_257 : vector<16xi32>
    %add3A_259 = arith.constant 48 : i32
    %add3A_260 = vector.broadcast %add3A_259 : i32 to vector<16xi32>
    %add3A_261 = arith.addi %add3A_258, %add3A_260 : vector<16xi32>
    %add3A_262 = arith.addi %add3A_261, %iota3A : vector<16xi32>
    %swap3A_263 = arith.constant 1 : i32
    %swap3A_264 = arith.index_cast %swap3A_263 : i32 to index
    %swap3A_265 = arith.constant 48 : index
    %swap3A_266 = tpu.vector_load %arg15[%swap3A_264, %swap3A_265] {strides = array<i32>} : memref<16x128xi32, #tpu.memory_space<vmem>>, vector<16xi32>,
    tpu.vector_store %arg15[%swap3A_264, %swap3A_265], %add3A_262 {strides = array<i32>} : memref<16x128xi32, #tpu.memory_space<vmem>>, vector<16xi32>,
    %get3A_267 = arith.constant 320 : index
    %get3A_268 = tpu.vector_load %arg9[%get3A_267] {strides = array<i32>} : memref<4096xi32, #tpu.memory_space<vmem>>, vector<16xi32>,
    %mul3A_269 = arith.constant 512 : i32
    %mul3A_270 = vector.broadcast %mul3A_269 : i32 to vector<16xi32>
    %mul3A_271 = arith.muli %get3A_268, %mul3A_270 : vector<16xi32>
    %mul3A_272 = arith.constant 128 : i32
    %mul3A_273 = arith.muli %select_n3A_9, %mul3A_272 : i32
    %add3A_274 = vector.broadcast %mul3A_273 : i32 to vector<16xi32>
    %add3A_275 = arith.addi %mul3A_271, %add3A_274 : vector<16xi32>
    %add3A_276 = arith.constant 64 : i32
    %add3A_277 = vector.broadcast %add3A_276 : i32 to vector<16xi32>
    %add3A_278 = arith.addi %add3A_275, %add3A_277 : vector<16xi32>
    %add3A_279 = arith.addi %add3A_278, %iota3A : vector<16xi32>
    %swap3A_280 = arith.constant 1 : i32
    %swap3A_281 = arith.index_cast %swap3A_280 : i32 to index
    %swap3A_282 = arith.constant 64 : index
    %swap3A_283 = tpu.vector_load %arg15[%swap3A_281, %swap3A_282] {strides = array<i32>} : memref<16x128xi32, #tpu.memory_space<vmem>>, vector<16xi32>,
    tpu.vector_store %arg15[%swap3A_281, %swap3A_282], %add3A_279 {strides = array<i32>} : memref<16x128xi32, #tpu.memory_space<vmem>>, vector<16xi32>,
    %get3A_284 = arith.constant 336 : index
    %get3A_285 = tpu.vector_load %arg9[%get3A_284] {strides = array<i32>} : memref<4096xi32, #tpu.memory_space<vmem>>, vector<16xi32>,
    %mul3A_286 = arith.constant 512 : i32
    %mul3A_287 = vector.broadcast %mul3A_286 : i32 to vector<16xi32>
    %mul3A_288 = arith.muli %get3A_285, %mul3A_287 : vector<16xi32>
    %mul3A_289 = arith.constant 128 : i32
    %mul3A_290 = arith.muli %select_n3A_9, %mul3A_289 : i32
    %add3A_291 = vector.broadcast %mul3A_290 : i32 to vector<16xi32>
    %add3A_292 = arith.addi %mul3A_288, %add3A_291 : vector<16xi32>
    %add3A_293 = arith.constant 80 : i32
    %add3A_294 = vector.broadcast %add3A_293 : i32 to vector<16xi32>
    %add3A_295 = arith.addi %add3A_292, %add3A_294 : vector<16xi32>
    %add3A_296 = arith.addi %add3A_295, %iota3A : vector<16xi32>
    %swap3A_297 = arith.constant 1 : i32
    %swap3A_298 = arith.index_cast %swap3A_297 : i32 to index
    %swap3A_299 = arith.constant 80 : index
    %swap3A_300 = tpu.vector_load %arg15[%swap3A_298, %swap3A_299] {strides = array<i32>} : memref<16x128xi32, #tpu.memory_space<vmem>>, vector<16xi32>,
    tpu.vector_store %arg15[%swap3A_298, %swap3A_299], %add3A_296 {strides = array<i32>} : memref<16x128xi32, #tpu.memory_space<vmem>>, vector<16xi32>,
    %get3A_301 = arith.constant 352 : index
    %get3A_302 = tpu.vector_load %arg9[%get3A_301] {strides = array<i32>} : memref<4096xi32, #tpu.memory_space<vmem>>, vector<16xi32>,
    %mul3A_303 = arith.constant 512 : i32
    %mul3A_304 = vector.broadcast %mul3A_303 : i32 to vector<16xi32>
    %mul3A_305 = arith.muli %get3A_302, %mul3A_304 : vector<16xi32>
    %mul3A_306 = arith.constant 128 : i32
    %mul3A_307 = arith.muli %select_n3A_9, %mul3A_306 : i32
    %add3A_308 = vector.broadcast %mul3A_307 : i32 to vector<16xi32>
    %add3A_309 = arith.addi %mul3A_305, %add3A_308 : vector<16xi32>
    %add3A_310 = arith.constant 96 : i32
    %add3A_311 = vector.broadcast %add3A_310 : i32 to vector<16xi32>
    %add3A_312 = arith.addi %add3A_309, %add3A_311 : vector<16xi32>
    %add3A_313 = arith.addi %add3A_312, %iota3A : vector<16xi32>
    %swap3A_314 = arith.constant 1 : i32
    %swap3A_315 = arith.index_cast %swap3A_314 : i32 to index
    %swap3A_316 = arith.constant 96 : index
    %swap3A_317 = tpu.vector_load %arg15[%swap3A_315, %swap3A_316] {strides = array<i32>} : memref<16x128xi32, #tpu.memory_space<vmem>>, vector<16xi32>,
    tpu.vector_store %arg15[%swap3A_315, %swap3A_316], %add3A_313 {strides = array<i32>} : memref<16x128xi32, #tpu.memory_space<vmem>>, vector<16xi32>,
    %get3A_318 = arith.constant 368 : index
    %get3A_319 = tpu.vector_load %arg9[%get3A_318] {strides = array<i32>} : memref<4096xi32, #tpu.memory_space<vmem>>, vector<16xi32>,
    %mul3A_320 = arith.constant 512 : i32
    %mul3A_321 = vector.broadcast %mul3A_320 : i32 to vector<16xi32>
    %mul3A_322 = arith.muli %get3A_319, %mul3A_321 : vector<16xi32>
    %mul3A_323 = arith.constant 128 : i32
    %mul3A_324 = arith.muli %select_n3A_9, %mul3A_323 : i32
    %add3A_325 = vector.broadcast %mul3A_324 : i32 to vector<16xi32>
    %add3A_326 = arith.addi %mul3A_322, %add3A_325 : vector<16xi32>
    %add3A_327 = arith.constant 112 : i32
    %add3A_328 = vector.broadcast %add3A_327 : i32 to vector<16xi32>
    %add3A_329 = arith.addi %add3A_326, %add3A_328 : vector<16xi32>
    %add3A_330 = arith.addi %add3A_329, %iota3A : vector<16xi32>
    %swap3A_331 = arith.constant 1 : i32
    %swap3A_332 = arith.index_cast %swap3A_331 : i32 to index
    %swap3A_333 = arith.constant 112 : index
    %swap3A_334 = tpu.vector_load %arg15[%swap3A_332, %swap3A_333] {strides = array<i32>} : memref<16x128xi32, #tpu.memory_space<vmem>>, vector<16xi32>,
    tpu.vector_store %arg15[%swap3A_332, %swap3A_333], %add3A_330 {strides = array<i32>} : memref<16x128xi32, #tpu.memory_space<vmem>>, vector<16xi32>,
    %get3A_335 = arith.constant 512 : index
    %get3A_336 = tpu.vector_load %arg9[%get3A_335] {strides = array<i32>} : memref<4096xi32, #tpu.memory_space<vmem>>, vector<16xi32>,
    %mul3A_337 = arith.constant 512 : i32
    %mul3A_338 = vector.broadcast %mul3A_337 : i32 to vector<16xi32>
    %mul3A_339 = arith.muli %get3A_336, %mul3A_338 : vector<16xi32>
    %mul3A_340 = arith.constant 128 : i32
    %mul3A_341 = arith.muli %select_n3A_9, %mul3A_340 : i32
    %add3A_342 = vector.broadcast %mul3A_341 : i32 to vector<16xi32>
    %add3A_343 = arith.addi %mul3A_339, %add3A_342 : vector<16xi32>
    %add3A_344 = arith.constant 0 : i32
    %add3A_345 = vector.broadcast %add3A_344 : i32 to vector<16xi32>
    %add3A_346 = arith.addi %add3A_343, %add3A_345 : vector<16xi32>
    %add3A_347 = arith.addi %add3A_346, %iota3A : vector<16xi32>
    %swap3A_348 = arith.constant 2 : i32
    %swap3A_349 = arith.index_cast %swap3A_348 : i32 to index
    %swap3A_350 = arith.constant 0 : index
    %swap3A_351 = tpu.vector_load %arg15[%swap3A_349, %swap3A_350] {strides = array<i32>} : memref<16x128xi32, #tpu.memory_space<vmem>>, vector<16xi32>,
    tpu.vector_store %arg15[%swap3A_349, %swap3A_350], %add3A_347 {strides = array<i32>} : memref<16x128xi32, #tpu.memory_space<vmem>>, vector<16xi32>,
    %get3A_352 = arith.constant 528 : index
    %get3A_353 = tpu.vector_load %arg9[%get3A_352] {strides = array<i32>} : memref<4096xi32, #tpu.memory_space<vmem>>, vector<16xi32>,
    %mul3A_354 = arith.constant 512 : i32
    %mul3A_355 = vector.broadcast %mul3A_354 : i32 to vector<16xi32>
    %mul3A_356 = arith.muli %get3A_353, %mul3A_355 : vector<16xi32>
    %mul3A_357 = arith.constant 128 : i32
    %mul3A_358 = arith.muli %select_n3A_9, %mul3A_357 : i32
    %add3A_359 = vector.broadcast %mul3A_358 : i32 to vector<16xi32>
    %add3A_360 = arith.addi %mul3A_356, %add3A_359 : vector<16xi32>
    %add3A_361 = arith.constant 16 : i32
    %add3A_362 = vector.broadcast %add3A_361 : i32 to vector<16xi32>
    %add3A_363 = arith.addi %add3A_360, %add3A_362 : vector<16xi32>
    %add3A_364 = arith.addi %add3A_363, %iota3A : vector<16xi32>
    %swap3A_365 = arith.constant 2 : i32
    %swap3A_366 = arith.index_cast %swap3A_365 : i32 to index
    %swap3A_367 = arith.constant 16 : index
    %swap3A_368 = tpu.vector_load %arg15[%swap3A_366, %swap3A_367] {strides = array<i32>} : memref<16x128xi32, #tpu.memory_space<vmem>>, vector<16xi32>,
    tpu.vector_store %arg15[%swap3A_366, %swap3A_367], %add3A_364 {strides = array<i32>} : memref<16x128xi32, #tpu.memory_space<vmem>>, vector<16xi32>,
    %get3A_369 = arith.constant 544 : index
    %get3A_370 = tpu.vector_load %arg9[%get3A_369] {strides = array<i32>} : memref<4096xi32, #tpu.memory_space<vmem>>, vector<16xi32>,
    %mul3A_371 = arith.constant 512 : i32
    %mul3A_372 = vector.broadcast %mul3A_371 : i32 to vector<16xi32>
    %mul3A_373 = arith.muli %get3A_370, %mul3A_372 : vector<16xi32>
    %mul3A_374 = arith.constant 128 : i32
    %mul3A_375 = arith.muli %select_n3A_9, %mul3A_374 : i32
    %add3A_376 = vector.broadcast %mul3A_375 : i32 to vector<16xi32>
    %add3A_377 = arith.addi %mul3A_373, %add3A_376 : vector<16xi32>
    %add3A_378 = arith.constant 32 : i32
    %add3A_379 = vector.broadcast %add3A_378 : i32 to vector<16xi32>
    %add3A_380 = arith.addi %add3A_377, %add3A_379 : vector<16xi32>
    %add3A_381 = arith.addi %add3A_380, %iota3A : vector<16xi32>
    %swap3A_382 = arith.constant 2 : i32
    %swap3A_383 = arith.index_cast %swap3A_382 : i32 to index
    %swap3A_384 = arith.constant 32 : index
    %swap3A_385 = tpu.vector_load %arg15[%swap3A_383, %swap3A_384] {strides = array<i32>} : memref<16x128xi32, #tpu.memory_space<vmem>>, vector<16xi32>,
    tpu.vector_store %arg15[%swap3A_383, %swap3A_384], %add3A_381 {strides = array<i32>} : memref<16x128xi32, #tpu.memory_space<vmem>>, vector<16xi32>,
    %get3A_386 = arith.constant 560 : index
    %get3A_387 = tpu.vector_load %arg9[%get3A_386] {strides = array<i32>} : memref<4096xi32, #tpu.memory_space<vmem>>, vector<16xi32>,
    %mul3A_388 = arith.constant 512 : i32
    %mul3A_389 = vector.broadcast %mul3A_388 : i32 to vector<16xi32>
    %mul3A_390 = arith.muli %get3A_387, %mul3A_389 : vector<16xi32>
    %mul3A_391 = arith.constant 128 : i32
    %mul3A_392 = arith.muli %select_n3A_9, %mul3A_391 : i32
    %add3A_393 = vector.broadcast %mul3A_392 : i32 to vector<16xi32>
    %add3A_394 = arith.addi %mul3A_390, %add3A_393 : vector<16xi32>
    %add3A_395 = arith.constant 48 : i32
    %add3A_396 = vector.broadcast %add3A_395 : i32 to vector<16xi32>
    %add3A_397 = arith.addi %add3A_394, %add3A_396 : vector<16xi32>
    %add3A_398 = arith.addi %add3A_397, %iota3A : vector<16xi32>
    %swap3A_399 = arith.constant 2 : i32
    %swap3A_400 = arith.index_cast %swap3A_399 : i32 to index
    %swap3A_401 = arith.constant 48 : index
    %swap3A_402 = tpu.vector_load %arg15[%swap3A_400, %swap3A_401] {strides = array<i32>} : memref<16x128xi32, #tpu.memory_space<vmem>>, vector<16xi32>,
    tpu.vector_store %arg15[%swap3A_400, %swap3A_401], %add3A_398 {strides = array<i32>} : memref<16x128xi32, #tpu.memory_space<vmem>>, vector<16xi32>,
    %get3A_403 = arith.constant 576 : index
    %get3A_404 = tpu.vector_load %arg9[%get3A_403] {strides = array<i32>} : memref<4096xi32, #tpu.memory_space<vmem>>, vector<16xi32>,
    %mul3A_405 = arith.constant 512 : i32
    %mul3A_406 = vector.broadcast %mul3A_405 : i32 to vector<16xi32>
    %mul3A_407 = arith.muli %get3A_404, %mul3A_406 : vector<16xi32>
    %mul3A_408 = arith.constant 128 : i32
    %mul3A_409 = arith.muli %select_n3A_9, %mul3A_408 : i32
    %add3A_410 = vector.broadcast %mul3A_409 : i32 to vector<16xi32>
    %add3A_411 = arith.addi %mul3A_407, %add3A_410 : vector<16xi32>
    %add3A_412 = arith.constant 64 : i32
    %add3A_413 = vector.broadcast %add3A_412 : i32 to vector<16xi32>
    %add3A_414 = arith.addi %add3A_411, %add3A_413 : vector<16xi32>
    %add3A_415 = arith.addi %add3A_414, %iota3A : vector<16xi32>
    %swap3A_416 = arith.constant 2 : i32
    %swap3A_417 = arith.index_cast %swap3A_416 : i32 to index
    %swap3A_418 = arith.constant 64 : index
    %swap3A_419 = tpu.vector_load %arg15[%swap3A_417, %swap3A_418] {strides = array<i32>} : memref<16x128xi32, #tpu.memory_space<vmem>>, vector<16xi32>,
    tpu.vector_store %arg15[%swap3A_417, %swap3A_418], %add3A_415 {strides = array<i32>} : memref<16x128xi32, #tpu.memory_space<vmem>>, vector<16xi32>,
    %get3A_420 = arith.constant 592 : index
    %get3A_421 = tpu.vector_load %arg9[%get3A_420] {strides = array<i32>} : memref<4096xi32, #tpu.memory_space<vmem>>, vector<16xi32>,
    %mul3A_422 = arith.constant 512 : i32
    %mul3A_423 = vector.broadcast %mul3A_422 : i32 to vector<16xi32>
    %mul3A_424 = arith.muli %get3A_421, %mul3A_423 : vector<16xi32>
    %mul3A_425 = arith.constant 128 : i32
    %mul3A_426 = arith.muli %select_n3A_9, %mul3A_425 : i32
    %add3A_427 = vector.broadcast %mul3A_426 : i32 to vector<16xi32>
    %add3A_428 = arith.addi %mul3A_424, %add3A_427 : vector<16xi32>
    %add3A_429 = arith.constant 80 : i32
    %add3A_430 = vector.broadcast %add3A_429 : i32 to vector<16xi32>
    %add3A_431 = arith.addi %add3A_428, %add3A_430 : vector<16xi32>
    %add3A_432 = arith.addi %add3A_431, %iota3A : vector<16xi32>
    %swap3A_433 = arith.constant 2 : i32
    %swap3A_434 = arith.index_cast %swap3A_433 : i32 to index
    %swap3A_435 = arith.constant 80 : index
    %swap3A_436 = tpu.vector_load %arg15[%swap3A_434, %swap3A_435] {strides = array<i32>} : memref<16x128xi32, #tpu.memory_space<vmem>>, vector<16xi32>,
    tpu.vector_store %arg15[%swap3A_434, %swap3A_435], %add3A_432 {strides = array<i32>} : memref<16x128xi32, #tpu.memory_space<vmem>>, vector<16xi32>,
    %get3A_437 = arith.constant 608 : index
    %get3A_438 = tpu.vector_load %arg9[%get3A_437] {strides = array<i32>} : memref<4096xi32, #tpu.memory_space<vmem>>, vector<16xi32>,
    %mul3A_439 = arith.constant 512 : i32
    %mul3A_440 = vector.broadcast %mul3A_439 : i32 to vector<16xi32>
    %mul3A_441 = arith.muli %get3A_438, %mul3A_440 : vector<16xi32>
    %mul3A_442 = arith.constant 128 : i32
    %mul3A_443 = arith.muli %select_n3A_9, %mul3A_442 : i32
    %add3A_444 = vector.broadcast %mul3A_443 : i32 to vector<16xi32>
    %add3A_445 = arith.addi %mul3A_441, %add3A_444 : vector<16xi32>
    %add3A_446 = arith.constant 96 : i32
    %add3A_447 = vector.broadcast %add3A_446 : i32 to vector<16xi32>
    %add3A_448 = arith.addi %add3A_445, %add3A_447 : vector<16xi32>
    %add3A_449 = arith.addi %add3A_448, %iota3A : vector<16xi32>
    %swap3A_450 = arith.constant 2 : i32
    %swap3A_451 = arith.index_cast %swap3A_450 : i32 to index
    %swap3A_452 = arith.constant 96 : index
    %swap3A_453 = tpu.vector_load %arg15[%swap3A_451, %swap3A_452] {strides = array<i32>} : memref<16x128xi32, #tpu.memory_space<vmem>>, vector<16xi32>,
    tpu.vector_store %arg15[%swap3A_451, %swap3A_452], %add3A_449 {strides = array<i32>} : memref<16x128xi32, #tpu.memory_space<vmem>>, vector<16xi32>,
    %get3A_454 = arith.constant 624 : index
    %get3A_455 = tpu.vector_load %arg9[%get3A_454] {strides = array<i32>} : memref<4096xi32, #tpu.memory_space<vmem>>, vector<16xi32>,
    %mul3A_456 = arith.constant 512 : i32
    %mul3A_457 = vector.broadcast %mul3A_456 : i32 to vector<16xi32>
    %mul3A_458 = arith.muli %get3A_455, %mul3A_457 : vector<16xi32>
    %mul3A_459 = arith.constant 128 : i32
    %mul3A_460 = arith.muli %select_n3A_9, %mul3A_459 : i32
    %add3A_461 = vector.broadcast %mul3A_460 : i32 to vector<16xi32>
    %add3A_462 = arith.addi %mul3A_458, %add3A_461 : vector<16xi32>
    %add3A_463 = arith.constant 112 : i32
    %add3A_464 = vector.broadcast %add3A_463 : i32 to vector<16xi32>
    %add3A_465 = arith.addi %add3A_462, %add3A_464 : vector<16xi32>
    %add3A_466 = arith.addi %add3A_465, %iota3A : vector<16xi32>
    %swap3A_467 = arith.constant 2 : i32
    %swap3A_468 = arith.index_cast %swap3A_467 : i32 to index
    %swap3A_469 = arith.constant 112 : index
    %swap3A_470 = tpu.vector_load %arg15[%swap3A_468, %swap3A_469] {strides = array<i32>} : memref<16x128xi32, #tpu.memory_space<vmem>>, vector<16xi32>,
    tpu.vector_store %arg15[%swap3A_468, %swap3A_469], %add3A_466 {strides = array<i32>} : memref<16x128xi32, #tpu.memory_space<vmem>>, vector<16xi32>,
    %get3A_471 = arith.constant 768 : index
    %get3A_472 = tpu.vector_load %arg9[%get3A_471] {strides = array<i32>} : memref<4096xi32, #tpu.memory_space<vmem>>, vector<16xi32>,
    %mul3A_473 = arith.constant 512 : i32
    %mul3A_474 = vector.broadcast %mul3A_473 : i32 to vector<16xi32>
    %mul3A_475 = arith.muli %get3A_472, %mul3A_474 : vector<16xi32>
    %mul3A_476 = arith.constant 128 : i32
    %mul3A_477 = arith.muli %select_n3A_9, %mul3A_476 : i32
    %add3A_478 = vector.broadcast %mul3A_477 : i32 to vector<16xi32>
    %add3A_479 = arith.addi %mul3A_475, %add3A_478 : vector<16xi32>
    %add3A_480 = arith.constant 0 : i32
    %add3A_481 = vector.broadcast %add3A_480 : i32 to vector<16xi32>
    %add3A_482 = arith.addi %add3A_479, %add3A_481 : vector<16xi32>
    %add3A_483 = arith.addi %add3A_482, %iota3A : vector<16xi32>
    %swap3A_484 = arith.constant 3 : i32
    %swap3A_485 = arith.index_cast %swap3A_484 : i32 to index
    %swap3A_486 = arith.constant 0 : index
    %swap3A_487 = tpu.vector_load %arg15[%swap3A_485, %swap3A_486] {strides = array<i32>} : memref<16x128xi32, #tpu.memory_space<vmem>>, vector<16xi32>,
    tpu.vector_store %arg15[%swap3A_485, %swap3A_486], %add3A_483 {strides = array<i32>} : memref<16x128xi32, #tpu.memory_space<vmem>>, vector<16xi32>,
    %get3A_488 = arith.constant 784 : index
    %get3A_489 = tpu.vector_load %arg9[%get3A_488] {strides = array<i32>} : memref<4096xi32, #tpu.memory_space<vmem>>, vector<16xi32>,
    %mul3A_490 = arith.constant 512 : i32
    %mul3A_491 = vector.broadcast %mul3A_490 : i32 to vector<16xi32>
    %mul3A_492 = arith.muli %get3A_489, %mul3A_491 : vector<16xi32>
    %mul3A_493 = arith.constant 128 : i32
    %mul3A_494 = arith.muli %select_n3A_9, %mul3A_493 : i32
    %add3A_495 = vector.broadcast %mul3A_494 : i32 to vector<16xi32>
    %add3A_496 = arith.addi %mul3A_492, %add3A_495 : vector<16xi32>
    %add3A_497 = arith.constant 16 : i32
    %add3A_498 = vector.broadcast %add3A_497 : i32 to vector<16xi32>
    %add3A_499 = arith.addi %add3A_496, %add3A_498 : vector<16xi32>
    %add3A_500 = arith.addi %add3A_499, %iota3A : vector<16xi32>
    %swap3A_501 = arith.constant 3 : i32
    %swap3A_502 = arith.index_cast %swap3A_501 : i32 to index
    %swap3A_503 = arith.constant 16 : index
    %swap3A_504 = tpu.vector_load %arg15[%swap3A_502, %swap3A_503] {strides = array<i32>} : memref<16x128xi32, #tpu.memory_space<vmem>>, vector<16xi32>,
    tpu.vector_store %arg15[%swap3A_502, %swap3A_503], %add3A_500 {strides = array<i32>} : memref<16x128xi32, #tpu.memory_space<vmem>>, vector<16xi32>,
    %get3A_505 = arith.constant 800 : index
    %get3A_506 = tpu.vector_load %arg9[%get3A_505] {strides = array<i32>} : memref<4096xi32, #tpu.memory_space<vmem>>, vector<16xi32>,
    %mul3A_507 = arith.constant 512 : i32
    %mul3A_508 = vector.broadcast %mul3A_507 : i32 to vector<16xi32>
    %mul3A_509 = arith.muli %get3A_506, %mul3A_508 : vector<16xi32>
    %mul3A_510 = arith.constant 128 : i32
    %mul3A_511 = arith.muli %select_n3A_9, %mul3A_510 : i32
    %add3A_512 = vector.broadcast %mul3A_511 : i32 to vector<16xi32>
    %add3A_513 = arith.addi %mul3A_509, %add3A_512 : vector<16xi32>
    %add3A_514 = arith.constant 32 : i32
    %add3A_515 = vector.broadcast %add3A_514 : i32 to vector<16xi32>
    %add3A_516 = arith.addi %add3A_513, %add3A_515 : vector<16xi32>
    %add3A_517 = arith.addi %add3A_516, %iota3A : vector<16xi32>
    %swap3A_518 = arith.constant 3 : i32
    %swap3A_519 = arith.index_cast %swap3A_518 : i32 to index
    %swap3A_520 = arith.constant 32 : index
    %swap3A_521 = tpu.vector_load %arg15[%swap3A_519, %swap3A_520] {strides = array<i32>} : memref<16x128xi32, #tpu.memory_space<vmem>>, vector<16xi32>,
    tpu.vector_store %arg15[%swap3A_519, %swap3A_520], %add3A_517 {strides = array<i32>} : memref<16x128xi32, #tpu.memory_space<vmem>>, vector<16xi32>,
    %get3A_522 = arith.constant 816 : index
    %get3A_523 = tpu.vector_load %arg9[%get3A_522] {strides = array<i32>} : memref<4096xi32, #tpu.memory_space<vmem>>, vector<16xi32>,
    %mul3A_524 = arith.constant 512 : i32
    %mul3A_525 = vector.broadcast %mul3A_524 : i32 to vector<16xi32>
    %mul3A_526 = arith.muli %get3A_523, %mul3A_525 : vector<16xi32>
    %mul3A_527 = arith.constant 128 : i32
    %mul3A_528 = arith.muli %select_n3A_9, %mul3A_527 : i32
    %add3A_529 = vector.broadcast %mul3A_528 : i32 to vector<16xi32>
    %add3A_530 = arith.addi %mul3A_526, %add3A_529 : vector<16xi32>
    %add3A_531 = arith.constant 48 : i32
    %add3A_532 = vector.broadcast %add3A_531 : i32 to vector<16xi32>
    %add3A_533 = arith.addi %add3A_530, %add3A_532 : vector<16xi32>
    %add3A_534 = arith.addi %add3A_533, %iota3A : vector<16xi32>
    %swap3A_535 = arith.constant 3 : i32
    %swap3A_536 = arith.index_cast %swap3A_535 : i32 to index
    %swap3A_537 = arith.constant 48 : index
    %swap3A_538 = tpu.vector_load %arg15[%swap3A_536, %swap3A_537] {strides = array<i32>} : memref<16x128xi32, #tpu.memory_space<vmem>>, vector<16xi32>,
    tpu.vector_store %arg15[%swap3A_536, %swap3A_537], %add3A_534 {strides = array<i32>} : memref<16x128xi32, #tpu.memory_space<vmem>>, vector<16xi32>,
    %get3A_539 = arith.constant 832 : index
    %get3A_540 = tpu.vector_load %arg9[%get3A_539] {strides = array<i32>} : memref<4096xi32, #tpu.memory_space<vmem>>, vector<16xi32>,
    %mul3A_541 = arith.constant 512 : i32
    %mul3A_542 = vector.broadcast %mul3A_541 : i32 to vector<16xi32>
    %mul3A_543 = arith.muli %get3A_540, %mul3A_542 : vector<16xi32>
    %mul3A_544 = arith.constant 128 : i32
    %mul3A_545 = arith.muli %select_n3A_9, %mul3A_544 : i32
    %add3A_546 = vector.broadcast %mul3A_545 : i32 to vector<16xi32>
    %add3A_547 = arith.addi %mul3A_543, %add3A_546 : vector<16xi32>
    %add3A_548 = arith.constant 64 : i32
    %add3A_549 = vector.broadcast %add3A_548 : i32 to vector<16xi32>
    %add3A_550 = arith.addi %add3A_547, %add3A_549 : vector<16xi32>
    %add3A_551 = arith.addi %add3A_550, %iota3A : vector<16xi32>
    %swap3A_552 = arith.constant 3 : i32
    %swap3A_553 = arith.index_cast %swap3A_552 : i32 to index
    %swap3A_554 = arith.constant 64 : index
    %swap3A_555 = tpu.vector_load %arg15[%swap3A_553, %swap3A_554] {strides = array<i32>} : memref<16x128xi32, #tpu.memory_space<vmem>>, vector<16xi32>,
    tpu.vector_store %arg15[%swap3A_553, %swap3A_554], %add3A_551 {strides = array<i32>} : memref<16x128xi32, #tpu.memory_space<vmem>>, vector<16xi32>,
    %get3A_556 = arith.constant 848 : index
    %get3A_557 = tpu.vector_load %arg9[%get3A_556] {strides = array<i32>} : memref<4096xi32, #tpu.memory_space<vmem>>, vector<16xi32>,
    %mul3A_558 = arith.constant 512 : i32
    %mul3A_559 = vector.broadcast %mul3A_558 : i32 to vector<16xi32>
    %mul3A_560 = arith.muli %get3A_557, %mul3A_559 : vector<16xi32>
    %mul3A_561 = arith.constant 128 : i32
    %mul3A_562 = arith.muli %select_n3A_9, %mul3A_561 : i32
    %add3A_563 = vector.broadcast %mul3A_562 : i32 to vector<16xi32>
    %add3A_564 = arith.addi %mul3A_560, %add3A_563 : vector<16xi32>
    %add3A_565 = arith.constant 80 : i32
    %add3A_566 = vector.broadcast %add3A_565 : i32 to vector<16xi32>
    %add3A_567 = arith.addi %add3A_564, %add3A_566 : vector<16xi32>
    %add3A_568 = arith.addi %add3A_567, %iota3A : vector<16xi32>
    %swap3A_569 = arith.constant 3 : i32
    %swap3A_570 = arith.index_cast %swap3A_569 : i32 to index
    %swap3A_571 = arith.constant 80 : index
    %swap3A_572 = tpu.vector_load %arg15[%swap3A_570, %swap3A_571] {strides = array<i32>} : memref<16x128xi32, #tpu.memory_space<vmem>>, vector<16xi32>,
    tpu.vector_store %arg15[%swap3A_570, %swap3A_571], %add3A_568 {strides = array<i32>} : memref<16x128xi32, #tpu.memory_space<vmem>>, vector<16xi32>,
    %get3A_573 = arith.constant 864 : index
    %get3A_574 = tpu.vector_load %arg9[%get3A_573] {strides = array<i32>} : memref<4096xi32, #tpu.memory_space<vmem>>, vector<16xi32>,
    %mul3A_575 = arith.constant 512 : i32
    %mul3A_576 = vector.broadcast %mul3A_575 : i32 to vector<16xi32>
    %mul3A_577 = arith.muli %get3A_574, %mul3A_576 : vector<16xi32>
    %mul3A_578 = arith.constant 128 : i32
    %mul3A_579 = arith.muli %select_n3A_9, %mul3A_578 : i32
    %add3A_580 = vector.broadcast %mul3A_579 : i32 to vector<16xi32>
    %add3A_581 = arith.addi %mul3A_577, %add3A_580 : vector<16xi32>
    %add3A_582 = arith.constant 96 : i32
    %add3A_583 = vector.broadcast %add3A_582 : i32 to vector<16xi32>
    %add3A_584 = arith.addi %add3A_581, %add3A_583 : vector<16xi32>
    %add3A_585 = arith.addi %add3A_584, %iota3A : vector<16xi32>
    %swap3A_586 = arith.constant 3 : i32
    %swap3A_587 = arith.index_cast %swap3A_586 : i32 to index
    %swap3A_588 = arith.constant 96 : index
    %swap3A_589 = tpu.vector_load %arg15[%swap3A_587, %swap3A_588] {strides = array<i32>} : memref<16x128xi32, #tpu.memory_space<vmem>>, vector<16xi32>,
    tpu.vector_store %arg15[%swap3A_587, %swap3A_588], %add3A_585 {strides = array<i32>} : memref<16x128xi32, #tpu.memory_space<vmem>>, vector<16xi32>,
    %get3A_590 = arith.constant 880 : index
    %get3A_591 = tpu.vector_load %arg9[%get3A_590] {strides = array<i32>} : memref<4096xi32, #tpu.memory_space<vmem>>, vector<16xi32>,
    %mul3A_592 = arith.constant 512 : i32
    %mul3A_593 = vector.broadcast %mul3A_592 : i32 to vector<16xi32>
    %mul3A_594 = arith.muli %get3A_591, %mul3A_593 : vector<16xi32>
    %mul3A_595 = arith.constant 128 : i32
    %mul3A_596 = arith.muli %select_n3A_9, %mul3A_595 : i32
    %add3A_597 = vector.broadcast %mul3A_596 : i32 to vector<16xi32>
    %add3A_598 = arith.addi %mul3A_594, %add3A_597 : vector<16xi32>
    %add3A_599 = arith.constant 112 : i32
    %add3A_600 = vector.broadcast %add3A_599 : i32 to vector<16xi32>
    %add3A_601 = arith.addi %add3A_598, %add3A_600 : vector<16xi32>
    %add3A_602 = arith.addi %add3A_601, %iota3A : vector<16xi32>
    %swap3A_603 = arith.constant 3 : i32
    %swap3A_604 = arith.index_cast %swap3A_603 : i32 to index
    %swap3A_605 = arith.constant 112 : index
    %swap3A_606 = tpu.vector_load %arg15[%swap3A_604, %swap3A_605] {strides = array<i32>} : memref<16x128xi32, #tpu.memory_space<vmem>>, vector<16xi32>,
    tpu.vector_store %arg15[%swap3A_604, %swap3A_605], %add3A_602 {strides = array<i32>} : memref<16x128xi32, #tpu.memory_space<vmem>>, vector<16xi32>,
    %get3A_607 = arith.constant 1024 : index
    %get3A_608 = tpu.vector_load %arg9[%get3A_607] {strides = array<i32>} : memref<4096xi32, #tpu.memory_space<vmem>>, vector<16xi32>,
    %mul3A_609 = arith.constant 512 : i32
    %mul3A_610 = vector.broadcast %mul3A_609 : i32 to vector<16xi32>
    %mul3A_611 = arith.muli %get3A_608, %mul3A_610 : vector<16xi32>
    %mul3A_612 = arith.constant 128 : i32
    %mul3A_613 = arith.muli %select_n3A_9, %mul3A_612 : i32
    %add3A_614 = vector.broadcast %mul3A_613 : i32 to vector<16xi32>
    %add3A_615 = arith.addi %mul3A_611, %add3A_614 : vector<16xi32>
    %add3A_616 = arith.constant 0 : i32
    %add3A_617 = vector.broadcast %add3A_616 : i32 to vector<16xi32>
    %add3A_618 = arith.addi %add3A_615, %add3A_617 : vector<16xi32>
    %add3A_619 = arith.addi %add3A_618, %iota3A : vector<16xi32>
    %swap3A_620 = arith.constant 4 : i32
    %swap3A_621 = arith.index_cast %swap3A_620 : i32 to index
    %swap3A_622 = arith.constant 0 : index
    %swap3A_623 = tpu.vector_load %arg15[%swap3A_621, %swap3A_622] {strides = array<i32>} : memref<16x128xi32, #tpu.memory_space<vmem>>, vector<16xi32>,
    tpu.vector_store %arg15[%swap3A_621, %swap3A_622], %add3A_619 {strides = array<i32>} : memref<16x128xi32, #tpu.memory_space<vmem>>, vector<16xi32>,
    %get3A_624 = arith.constant 1040 : index
    %get3A_625 = tpu.vector_load %arg9[%get3A_624] {strides = array<i32>} : memref<4096xi32, #tpu.memory_space<vmem>>, vector<16xi32>,
    %mul3A_626 = arith.constant 512 : i32
    %mul3A_627 = vector.broadcast %mul3A_626 : i32 to vector<16xi32>
    %mul3A_628 = arith.muli %get3A_625, %mul3A_627 : vector<16xi32>
    %mul3A_629 = arith.constant 128 : i32
    %mul3A_630 = arith.muli %select_n3A_9, %mul3A_629 : i32
    %add3A_631 = vector.broadcast %mul3A_630 : i32 to vector<16xi32>
    %add3A_632 = arith.addi %mul3A_628, %add3A_631 : vector<16xi32>
    %add3A_633 = arith.constant 16 : i32
    %add3A_634 = vector.broadcast %add3A_633 : i32 to vector<16xi32>
    %add3A_635 = arith.addi %add3A_632, %add3A_634 : vector<16xi32>
    %add3A_636 = arith.addi %add3A_635, %iota3A : vector<16xi32>
    %swap3A_637 = arith.constant 4 : i32
    %swap3A_638 = arith.index_cast %swap3A_637 : i32 to index
    %swap3A_639 = arith.constant 16 : index
    %swap3A_640 = tpu.vector_load %arg15[%swap3A_638, %swap3A_639] {strides = array<i32>} : memref<16x128xi32, #tpu.memory_space<vmem>>, vector<16xi32>,
    tpu.vector_store %arg15[%swap3A_638, %swap3A_639], %add3A_636 {strides = array<i32>} : memref<16x128xi32, #tpu.memory_space<vmem>>, vector<16xi32>,
    %get3A_641 = arith.constant 1056 : index
    %get3A_642 = tpu.vector_load %arg9[%get3A_641] {strides = array<i32>} : memref<4096xi32, #tpu.memory_space<vmem>>, vector<16xi32>,
    %mul3A_643 = arith.constant 512 : i32
    %mul3A_644 = vector.broadcast %mul3A_643 : i32 to vector<16xi32>
    %mul3A_645 = arith.muli %get3A_642, %mul3A_644 : vector<16xi32>
    %mul3A_646 = arith.constant 128 : i32
    %mul3A_647 = arith.muli %select_n3A_9, %mul3A_646 : i32
    %add3A_648 = vector.broadcast %mul3A_647 : i32 to vector<16xi32>
    %add3A_649 = arith.addi %mul3A_645, %add3A_648 : vector<16xi32>
    %add3A_650 = arith.constant 32 : i32
    %add3A_651 = vector.broadcast %add3A_650 : i32 to vector<16xi32>
    %add3A_652 = arith.addi %add3A_649, %add3A_651 : vector<16xi32>
    %add3A_653 = arith.addi %add3A_652, %iota3A : vector<16xi32>
    %swap3A_654 = arith.constant 4 : i32
    %swap3A_655 = arith.index_cast %swap3A_654 : i32 to index
    %swap3A_656 = arith.constant 32 : index
    %swap3A_657 = tpu.vector_load %arg15[%swap3A_655, %swap3A_656] {strides = array<i32>} : memref<16x128xi32, #tpu.memory_space<vmem>>, vector<16xi32>,
    tpu.vector_store %arg15[%swap3A_655, %swap3A_656], %add3A_653 {strides = array<i32>} : memref<16x128xi32, #tpu.memory_space<vmem>>, vector<16xi32>,
    %get3A_658 = arith.constant 1072 : index
    %get3A_659 = tpu.vector_load %arg9[%get3A_658] {strides = array<i32>} : memref<4096xi32, #tpu.memory_space<vmem>>, vector<16xi32>,
    %mul3A_660 = arith.constant 512 : i32
    %mul3A_661 = vector.broadcast %mul3A_660 : i32 to vector<16xi32>
    %mul3A_662 = arith.muli %get3A_659, %mul3A_661 : vector<16xi32>
    %mul3A_663 = arith.constant 128 : i32
    %mul3A_664 = arith.muli %select_n3A_9, %mul3A_663 : i32
    %add3A_665 = vector.broadcast %mul3A_664 : i32 to vector<16xi32>
    %add3A_666 = arith.addi %mul3A_662, %add3A_665 : vector<16xi32>
    %add3A_667 = arith.constant 48 : i32
    %add3A_668 = vector.broadcast %add3A_667 : i32 to vector<16xi32>
    %add3A_669 = arith.addi %add3A_666, %add3A_668 : vector<16xi32>
    %add3A_670 = arith.addi %add3A_669, %iota3A : vector<16xi32>
    %swap3A_671 = arith.constant 4 : i32
    %swap3A_672 = arith.index_cast %swap3A_671 : i32 to index
    %swap3A_673 = arith.constant 48 : index
    %swap3A_674 = tpu.vector_load %arg15[%swap3A_672, %swap3A_673] {strides = array<i32>} : memref<16x128xi32, #tpu.memory_space<vmem>>, vector<16xi32>,
    tpu.vector_store %arg15[%swap3A_672, %swap3A_673], %add3A_670 {strides = array<i32>} : memref<16x128xi32, #tpu.memory_space<vmem>>, vector<16xi32>,
    %get3A_675 = arith.constant 1088 : index
    %get3A_676 = tpu.vector_load %arg9[%get3A_675] {strides = array<i32>} : memref<4096xi32, #tpu.memory_space<vmem>>, vector<16xi32>,
    %mul3A_677 = arith.constant 512 : i32
    %mul3A_678 = vector.broadcast %mul3A_677 : i32 to vector<16xi32>
    %mul3A_679 = arith.muli %get3A_676, %mul3A_678 : vector<16xi32>
    %mul3A_680 = arith.constant 128 : i32
    %mul3A_681 = arith.muli %select_n3A_9, %mul3A_680 : i32
    %add3A_682 = vector.broadcast %mul3A_681 : i32 to vector<16xi32>
    %add3A_683 = arith.addi %mul3A_679, %add3A_682 : vector<16xi32>
    %add3A_684 = arith.constant 64 : i32
    %add3A_685 = vector.broadcast %add3A_684 : i32 to vector<16xi32>
    %add3A_686 = arith.addi %add3A_683, %add3A_685 : vector<16xi32>
    %add3A_687 = arith.addi %add3A_686, %iota3A : vector<16xi32>
    %swap3A_688 = arith.constant 4 : i32
    %swap3A_689 = arith.index_cast %swap3A_688 : i32 to index
    %swap3A_690 = arith.constant 64 : index
    %swap3A_691 = tpu.vector_load %arg15[%swap3A_689, %swap3A_690] {strides = array<i32>} : memref<16x128xi32, #tpu.memory_space<vmem>>, vector<16xi32>,
    tpu.vector_store %arg15[%swap3A_689, %swap3A_690], %add3A_687 {strides = array<i32>} : memref<16x128xi32, #tpu.memory_space<vmem>>, vector<16xi32>,
    %get3A_692 = arith.constant 1104 : index
    %get3A_693 = tpu.vector_load %arg9[%get3A_692] {strides = array<i32>} : memref<4096xi32, #tpu.memory_space<vmem>>, vector<16xi32>,
    %mul3A_694 = arith.constant 512 : i32
    %mul3A_695 = vector.broadcast %mul3A_694 : i32 to vector<16xi32>
    %mul3A_696 = arith.muli %get3A_693, %mul3A_695 : vector<16xi32>
    %mul3A_697 = arith.constant 128 : i32
    %mul3A_698 = arith.muli %select_n3A_9, %mul3A_697 : i32
    %add3A_699 = vector.broadcast %mul3A_698 : i32 to vector<16xi32>
    %add3A_700 = arith.addi %mul3A_696, %add3A_699 : vector<16xi32>
    %add3A_701 = arith.constant 80 : i32
    %add3A_702 = vector.broadcast %add3A_701 : i32 to vector<16xi32>
    %add3A_703 = arith.addi %add3A_700, %add3A_702 : vector<16xi32>
    %add3A_704 = arith.addi %add3A_703, %iota3A : vector<16xi32>
    %swap3A_705 = arith.constant 4 : i32
    %swap3A_706 = arith.index_cast %swap3A_705 : i32 to index
    %swap3A_707 = arith.constant 80 : index
    %swap3A_708 = tpu.vector_load %arg15[%swap3A_706, %swap3A_707] {strides = array<i32>} : memref<16x128xi32, #tpu.memory_space<vmem>>, vector<16xi32>,
    tpu.vector_store %arg15[%swap3A_706, %swap3A_707], %add3A_704 {strides = array<i32>} : memref<16x128xi32, #tpu.memory_space<vmem>>, vector<16xi32>,
    %get3A_709 = arith.constant 1120 : index
    %get3A_710 = tpu.vector_load %arg9[%get3A_709] {strides = array<i32>} : memref<4096xi32, #tpu.memory_space<vmem>>, vector<16xi32>,
    %mul3A_711 = arith.constant 512 : i32
    %mul3A_712 = vector.broadcast %mul3A_711 : i32 to vector<16xi32>
    %mul3A_713 = arith.muli %get3A_710, %mul3A_712 : vector<16xi32>
    %mul3A_714 = arith.constant 128 : i32
    %mul3A_715 = arith.muli %select_n3A_9, %mul3A_714 : i32
    %add3A_716 = vector.broadcast %mul3A_715 : i32 to vector<16xi32>
    %add3A_717 = arith.addi %mul3A_713, %add3A_716 : vector<16xi32>
    %add3A_718 = arith.constant 96 : i32
    %add3A_719 = vector.broadcast %add3A_718 : i32 to vector<16xi32>
    %add3A_720 = arith.addi %add3A_717, %add3A_719 : vector<16xi32>
    %add3A_721 = arith.addi %add3A_720, %iota3A : vector<16xi32>
    %swap3A_722 = arith.constant 4 : i32
    %swap3A_723 = arith.index_cast %swap3A_722 : i32 to index
    %swap3A_724 = arith.constant 96 : index
    %swap3A_725 = tpu.vector_load %arg15[%swap3A_723, %swap3A_724] {strides = array<i32>} : memref<16x128xi32, #tpu.memory_space<vmem>>, vector<16xi32>,
    tpu.vector_store %arg15[%swap3A_723, %swap3A_724], %add3A_721 {strides = array<i32>} : memref<16x128xi32, #tpu.memory_space<vmem>>, vector<16xi32>,
    %get3A_726 = arith.constant 1136 : index
    %get3A_727 = tpu.vector_load %arg9[%get3A_726] {strides = array<i32>} : memref<4096xi32, #tpu.memory_space<vmem>>, vector<16xi32>,
    %mul3A_728 = arith.constant 512 : i32
    %mul3A_729 = vector.broadcast %mul3A_728 : i32 to vector<16xi32>
    %mul3A_730 = arith.muli %get3A_727, %mul3A_729 : vector<16xi32>
    %mul3A_731 = arith.constant 128 : i32
    %mul3A_732 = arith.muli %select_n3A_9, %mul3A_731 : i32
    %add3A_733 = vector.broadcast %mul3A_732 : i32 to vector<16xi32>
    %add3A_734 = arith.addi %mul3A_730, %add3A_733 : vector<16xi32>
    %add3A_735 = arith.constant 112 : i32
    %add3A_736 = vector.broadcast %add3A_735 : i32 to vector<16xi32>
    %add3A_737 = arith.addi %add3A_734, %add3A_736 : vector<16xi32>
    %add3A_738 = arith.addi %add3A_737, %iota3A : vector<16xi32>
    %swap3A_739 = arith.constant 4 : i32
    %swap3A_740 = arith.index_cast %swap3A_739 : i32 to index
    %swap3A_741 = arith.constant 112 : index
    %swap3A_742 = tpu.vector_load %arg15[%swap3A_740, %swap3A_741] {strides = array<i32>} : memref<16x128xi32, #tpu.memory_space<vmem>>, vector<16xi32>,
    tpu.vector_store %arg15[%swap3A_740, %swap3A_741], %add3A_738 {strides = array<i32>} : memref<16x128xi32, #tpu.memory_space<vmem>>, vector<16xi32>,
    %get3A_743 = arith.constant 1280 : index
    %get3A_744 = tpu.vector_load %arg9[%get3A_743] {strides = array<i32>} : memref<4096xi32, #tpu.memory_space<vmem>>, vector<16xi32>,
    %mul3A_745 = arith.constant 512 : i32
    %mul3A_746 = vector.broadcast %mul3A_745 : i32 to vector<16xi32>
    %mul3A_747 = arith.muli %get3A_744, %mul3A_746 : vector<16xi32>
    %mul3A_748 = arith.constant 128 : i32
    %mul3A_749 = arith.muli %select_n3A_9, %mul3A_748 : i32
    %add3A_750 = vector.broadcast %mul3A_749 : i32 to vector<16xi32>
    %add3A_751 = arith.addi %mul3A_747, %add3A_750 : vector<16xi32>
    %add3A_752 = arith.constant 0 : i32
    %add3A_753 = vector.broadcast %add3A_752 : i32 to vector<16xi32>
    %add3A_754 = arith.addi %add3A_751, %add3A_753 : vector<16xi32>
    %add3A_755 = arith.addi %add3A_754, %iota3A : vector<16xi32>
    %swap3A_756 = arith.constant 5 : i32
    %swap3A_757 = arith.index_cast %swap3A_756 : i32 to index
    %swap3A_758 = arith.constant 0 : index
    %swap3A_759 = tpu.vector_load %arg15[%swap3A_757, %swap3A_758] {strides = array<i32>} : memref<16x128xi32, #tpu.memory_space<vmem>>, vector<16xi32>,
    tpu.vector_store %arg15[%swap3A_757, %swap3A_758], %add3A_755 {strides = array<i32>} : memref<16x128xi32, #tpu.memory_space<vmem>>, vector<16xi32>,
    %get3A_760 = arith.constant 1296 : index
    %get3A_761 = tpu.vector_load %arg9[%get3A_760] {strides = array<i32>} : memref<4096xi32, #tpu.memory_space<vmem>>, vector<16xi32>,
    %mul3A_762 = arith.constant 512 : i32
    %mul3A_763 = vector.broadcast %mul3A_762 : i32 to vector<16xi32>
    %mul3A_764 = arith.muli %get3A_761, %mul3A_763 : vector<16xi32>
    %mul3A_765 = arith.constant 128 : i32
    %mul3A_766 = arith.muli %select_n3A_9, %mul3A_765 : i32
    %add3A_767 = vector.broadcast %mul3A_766 : i32 to vector<16xi32>
    %add3A_768 = arith.addi %mul3A_764, %add3A_767 : vector<16xi32>
    %add3A_769 = arith.constant 16 : i32
    %add3A_770 = vector.broadcast %add3A_769 : i32 to vector<16xi32>
    %add3A_771 = arith.addi %add3A_768, %add3A_770 : vector<16xi32>
    %add3A_772 = arith.addi %add3A_771, %iota3A : vector<16xi32>
    %swap3A_773 = arith.constant 5 : i32
    %swap3A_774 = arith.index_cast %swap3A_773 : i32 to index
    %swap3A_775 = arith.constant 16 : index
    %swap3A_776 = tpu.vector_load %arg15[%swap3A_774, %swap3A_775] {strides = array<i32>} : memref<16x128xi32, #tpu.memory_space<vmem>>, vector<16xi32>,
    tpu.vector_store %arg15[%swap3A_774, %swap3A_775], %add3A_772 {strides = array<i32>} : memref<16x128xi32, #tpu.memory_space<vmem>>, vector<16xi32>,
    %get3A_777 = arith.constant 1312 : index
    %get3A_778 = tpu.vector_load %arg9[%get3A_777] {strides = array<i32>} : memref<4096xi32, #tpu.memory_space<vmem>>, vector<16xi32>,
    %mul3A_779 = arith.constant 512 : i32
    %mul3A_780 = vector.broadcast %mul3A_779 : i32 to vector<16xi32>
    %mul3A_781 = arith.muli %get3A_778, %mul3A_780 : vector<16xi32>
    %mul3A_782 = arith.constant 128 : i32
    %mul3A_783 = arith.muli %select_n3A_9, %mul3A_782 : i32
    %add3A_784 = vector.broadcast %mul3A_783 : i32 to vector<16xi32>
    %add3A_785 = arith.addi %mul3A_781, %add3A_784 : vector<16xi32>
    %add3A_786 = arith.constant 32 : i32
    %add3A_787 = vector.broadcast %add3A_786 : i32 to vector<16xi32>
    %add3A_788 = arith.addi %add3A_785, %add3A_787 : vector<16xi32>
    %add3A_789 = arith.addi %add3A_788, %iota3A : vector<16xi32>
    %swap3A_790 = arith.constant 5 : i32
    %swap3A_791 = arith.index_cast %swap3A_790 : i32 to index
    %swap3A_792 = arith.constant 32 : index
    %swap3A_793 = tpu.vector_load %arg15[%swap3A_791, %swap3A_792] {strides = array<i32>} : memref<16x128xi32, #tpu.memory_space<vmem>>, vector<16xi32>,
    tpu.vector_store %arg15[%swap3A_791, %swap3A_792], %add3A_789 {strides = array<i32>} : memref<16x128xi32, #tpu.memory_space<vmem>>, vector<16xi32>,
    %get3A_794 = arith.constant 1328 : index
    %get3A_795 = tpu.vector_load %arg9[%get3A_794] {strides = array<i32>} : memref<4096xi32, #tpu.memory_space<vmem>>, vector<16xi32>,
    %mul3A_796 = arith.constant 512 : i32
    %mul3A_797 = vector.broadcast %mul3A_796 : i32 to vector<16xi32>
    %mul3A_798 = arith.muli %get3A_795, %mul3A_797 : vector<16xi32>
    %mul3A_799 = arith.constant 128 : i32
    %mul3A_800 = arith.muli %select_n3A_9, %mul3A_799 : i32
    %add3A_801 = vector.broadcast %mul3A_800 : i32 to vector<16xi32>
    %add3A_802 = arith.addi %mul3A_798, %add3A_801 : vector<16xi32>
    %add3A_803 = arith.constant 48 : i32
    %add3A_804 = vector.broadcast %add3A_803 : i32 to vector<16xi32>
    %add3A_805 = arith.addi %add3A_802, %add3A_804 : vector<16xi32>
    %add3A_806 = arith.addi %add3A_805, %iota3A : vector<16xi32>
    %swap3A_807 = arith.constant 5 : i32
    %swap3A_808 = arith.index_cast %swap3A_807 : i32 to index
    %swap3A_809 = arith.constant 48 : index
    %swap3A_810 = tpu.vector_load %arg15[%swap3A_808, %swap3A_809] {strides = array<i32>} : memref<16x128xi32, #tpu.memory_space<vmem>>, vector<16xi32>,
    tpu.vector_store %arg15[%swap3A_808, %swap3A_809], %add3A_806 {strides = array<i32>} : memref<16x128xi32, #tpu.memory_space<vmem>>, vector<16xi32>,
    %get3A_811 = arith.constant 1344 : index
    %get3A_812 = tpu.vector_load %arg9[%get3A_811] {strides = array<i32>} : memref<4096xi32, #tpu.memory_space<vmem>>, vector<16xi32>,
    %mul3A_813 = arith.constant 512 : i32
    %mul3A_814 = vector.broadcast %mul3A_813 : i32 to vector<16xi32>
    %mul3A_815 = arith.muli %get3A_812, %mul3A_814 : vector<16xi32>
    %mul3A_816 = arith.constant 128 : i32
    %mul3A_817 = arith.muli %select_n3A_9, %mul3A_816 : i32
    %add3A_818 = vector.broadcast %mul3A_817 : i32 to vector<16xi32>
    %add3A_819 = arith.addi %mul3A_815, %add3A_818 : vector<16xi32>
    %add3A_820 = arith.constant 64 : i32
    %add3A_821 = vector.broadcast %add3A_820 : i32 to vector<16xi32>
    %add3A_822 = arith.addi %add3A_819, %add3A_821 : vector<16xi32>
    %add3A_823 = arith.addi %add3A_822, %iota3A : vector<16xi32>
    %swap3A_824 = arith.constant 5 : i32
    %swap3A_825 = arith.index_cast %swap3A_824 : i32 to index
    %swap3A_826 = arith.constant 64 : index
    %swap3A_827 = tpu.vector_load %arg15[%swap3A_825, %swap3A_826] {strides = array<i32>} : memref<16x128xi32, #tpu.memory_space<vmem>>, vector<16xi32>,
    tpu.vector_store %arg15[%swap3A_825, %swap3A_826], %add3A_823 {strides = array<i32>} : memref<16x128xi32, #tpu.memory_space<vmem>>, vector<16xi32>,
    %get3A_828 = arith.constant 1360 : index
    %get3A_829 = tpu.vector_load %arg9[%get3A_828] {strides = array<i32>} : memref<4096xi32, #tpu.memory_space<vmem>>, vector<16xi32>,
    %mul3A_830 = arith.constant 512 : i32
    %mul3A_831 = vector.broadcast %mul3A_830 : i32 to vector<16xi32>
    %mul3A_832 = arith.muli %get3A_829, %mul3A_831 : vector<16xi32>
    %mul3A_833 = arith.constant 128 : i32
    %mul3A_834 = arith.muli %select_n3A_9, %mul3A_833 : i32
    %add3A_835 = vector.broadcast %mul3A_834 : i32 to vector<16xi32>
    %add3A_836 = arith.addi %mul3A_832, %add3A_835 : vector<16xi32>
    %add3A_837 = arith.constant 80 : i32
    %add3A_838 = vector.broadcast %add3A_837 : i32 to vector<16xi32>
    %add3A_839 = arith.addi %add3A_836, %add3A_838 : vector<16xi32>
    %add3A_840 = arith.addi %add3A_839, %iota3A : vector<16xi32>
    %swap3A_841 = arith.constant 5 : i32
    %swap3A_842 = arith.index_cast %swap3A_841 : i32 to index
    %swap3A_843 = arith.constant 80 : index
    %swap3A_844 = tpu.vector_load %arg15[%swap3A_842, %swap3A_843] {strides = array<i32>} : memref<16x128xi32, #tpu.memory_space<vmem>>, vector<16xi32>,
    tpu.vector_store %arg15[%swap3A_842, %swap3A_843], %add3A_840 {strides = array<i32>} : memref<16x128xi32, #tpu.memory_space<vmem>>, vector<16xi32>,
    %get3A_845 = arith.constant 1376 : index
    %get3A_846 = tpu.vector_load %arg9[%get3A_845] {strides = array<i32>} : memref<4096xi32, #tpu.memory_space<vmem>>, vector<16xi32>,
    %mul3A_847 = arith.constant 512 : i32
    %mul3A_848 = vector.broadcast %mul3A_847 : i32 to vector<16xi32>
    %mul3A_849 = arith.muli %get3A_846, %mul3A_848 : vector<16xi32>
    %mul3A_850 = arith.constant 128 : i32
    %mul3A_851 = arith.muli %select_n3A_9, %mul3A_850 : i32
    %add3A_852 = vector.broadcast %mul3A_851 : i32 to vector<16xi32>
    %add3A_853 = arith.addi %mul3A_849, %add3A_852 : vector<16xi32>
    %add3A_854 = arith.constant 96 : i32
    %add3A_855 = vector.broadcast %add3A_854 : i32 to vector<16xi32>
    %add3A_856 = arith.addi %add3A_853, %add3A_855 : vector<16xi32>
    %add3A_857 = arith.addi %add3A_856, %iota3A : vector<16xi32>
    %swap3A_858 = arith.constant 5 : i32
    %swap3A_859 = arith.index_cast %swap3A_858 : i32 to index
    %swap3A_860 = arith.constant 96 : index
    %swap3A_861 = tpu.vector_load %arg15[%swap3A_859, %swap3A_860] {strides = array<i32>} : memref<16x128xi32, #tpu.memory_space<vmem>>, vector<16xi32>,
    tpu.vector_store %arg15[%swap3A_859, %swap3A_860], %add3A_857 {strides = array<i32>} : memref<16x128xi32, #tpu.memory_space<vmem>>, vector<16xi32>,
    %get3A_862 = arith.constant 1392 : index
    %get3A_863 = tpu.vector_load %arg9[%get3A_862] {strides = array<i32>} : memref<4096xi32, #tpu.memory_space<vmem>>, vector<16xi32>,
    %mul3A_864 = arith.constant 512 : i32
    %mul3A_865 = vector.broadcast %mul3A_864 : i32 to vector<16xi32>
    %mul3A_866 = arith.muli %get3A_863, %mul3A_865 : vector<16xi32>
    %mul3A_867 = arith.constant 128 : i32
    %mul3A_868 = arith.muli %select_n3A_9, %mul3A_867 : i32
    %add3A_869 = vector.broadcast %mul3A_868 : i32 to vector<16xi32>
    %add3A_870 = arith.addi %mul3A_866, %add3A_869 : vector<16xi32>
    %add3A_871 = arith.constant 112 : i32
    %add3A_872 = vector.broadcast %add3A_871 : i32 to vector<16xi32>
    %add3A_873 = arith.addi %add3A_870, %add3A_872 : vector<16xi32>
    %add3A_874 = arith.addi %add3A_873, %iota3A : vector<16xi32>
    %swap3A_875 = arith.constant 5 : i32
    %swap3A_876 = arith.index_cast %swap3A_875 : i32 to index
    %swap3A_877 = arith.constant 112 : index
    %swap3A_878 = tpu.vector_load %arg15[%swap3A_876, %swap3A_877] {strides = array<i32>} : memref<16x128xi32, #tpu.memory_space<vmem>>, vector<16xi32>,
    tpu.vector_store %arg15[%swap3A_876, %swap3A_877], %add3A_874 {strides = array<i32>} : memref<16x128xi32, #tpu.memory_space<vmem>>, vector<16xi32>,
    %get3A_879 = arith.constant 1536 : index
    %get3A_880 = tpu.vector_load %arg9[%get3A_879] {strides = array<i32>} : memref<4096xi32, #tpu.memory_space<vmem>>, vector<16xi32>,
    %mul3A_881 = arith.constant 512 : i32
    %mul3A_882 = vector.broadcast %mul3A_881 : i32 to vector<16xi32>
    %mul3A_883 = arith.muli %get3A_880, %mul3A_882 : vector<16xi32>
    %mul3A_884 = arith.constant 128 : i32
    %mul3A_885 = arith.muli %select_n3A_9, %mul3A_884 : i32
    %add3A_886 = vector.broadcast %mul3A_885 : i32 to vector<16xi32>
    %add3A_887 = arith.addi %mul3A_883, %add3A_886 : vector<16xi32>
    %add3A_888 = arith.constant 0 : i32
    %add3A_889 = vector.broadcast %add3A_888 : i32 to vector<16xi32>
    %add3A_890 = arith.addi %add3A_887, %add3A_889 : vector<16xi32>
    %add3A_891 = arith.addi %add3A_890, %iota3A : vector<16xi32>
    %swap3A_892 = arith.constant 6 : i32
    %swap3A_893 = arith.index_cast %swap3A_892 : i32 to index
    %swap3A_894 = arith.constant 0 : index
    %swap3A_895 = tpu.vector_load %arg15[%swap3A_893, %swap3A_894] {strides = array<i32>} : memref<16x128xi32, #tpu.memory_space<vmem>>, vector<16xi32>,
    tpu.vector_store %arg15[%swap3A_893, %swap3A_894], %add3A_891 {strides = array<i32>} : memref<16x128xi32, #tpu.memory_space<vmem>>, vector<16xi32>,
    %get3A_896 = arith.constant 1552 : index
    %get3A_897 = tpu.vector_load %arg9[%get3A_896] {strides = array<i32>} : memref<4096xi32, #tpu.memory_space<vmem>>, vector<16xi32>,
    %mul3A_898 = arith.constant 512 : i32
    %mul3A_899 = vector.broadcast %mul3A_898 : i32 to vector<16xi32>
    %mul3A_900 = arith.muli %get3A_897, %mul3A_899 : vector<16xi32>
    %mul3A_901 = arith.constant 128 : i32
    %mul3A_902 = arith.muli %select_n3A_9, %mul3A_901 : i32
    %add3A_903 = vector.broadcast %mul3A_902 : i32 to vector<16xi32>
    %add3A_904 = arith.addi %mul3A_900, %add3A_903 : vector<16xi32>
    %add3A_905 = arith.constant 16 : i32
    %add3A_906 = vector.broadcast %add3A_905 : i32 to vector<16xi32>
    %add3A_907 = arith.addi %add3A_904, %add3A_906 : vector<16xi32>
    %add3A_908 = arith.addi %add3A_907, %iota3A : vector<16xi32>
    %swap3A_909 = arith.constant 6 : i32
    %swap3A_910 = arith.index_cast %swap3A_909 : i32 to index
    %swap3A_911 = arith.constant 16 : index
    %swap3A_912 = tpu.vector_load %arg15[%swap3A_910, %swap3A_911] {strides = array<i32>} : memref<16x128xi32, #tpu.memory_space<vmem>>, vector<16xi32>,
    tpu.vector_store %arg15[%swap3A_910, %swap3A_911], %add3A_908 {strides = array<i32>} : memref<16x128xi32, #tpu.memory_space<vmem>>, vector<16xi32>,
    %get3A_913 = arith.constant 1568 : index
    %get3A_914 = tpu.vector_load %arg9[%get3A_913] {strides = array<i32>} : memref<4096xi32, #tpu.memory_space<vmem>>, vector<16xi32>,
    %mul3A_915 = arith.constant 512 : i32
    %mul3A_916 = vector.broadcast %mul3A_915 : i32 to vector<16xi32>
    %mul3A_917 = arith.muli %get3A_914, %mul3A_916 : vector<16xi32>
    %mul3A_918 = arith.constant 128 : i32
    %mul3A_919 = arith.muli %select_n3A_9, %mul3A_918 : i32
    %add3A_920 = vector.broadcast %mul3A_919 : i32 to vector<16xi32>
    %add3A_921 = arith.addi %mul3A_917, %add3A_920 : vector<16xi32>
    %add3A_922 = arith.constant 32 : i32
    %add3A_923 = vector.broadcast %add3A_922 : i32 to vector<16xi32>
    %add3A_924 = arith.addi %add3A_921, %add3A_923 : vector<16xi32>
    %add3A_925 = arith.addi %add3A_924, %iota3A : vector<16xi32>
    %swap3A_926 = arith.constant 6 : i32
    %swap3A_927 = arith.index_cast %swap3A_926 : i32 to index
    %swap3A_928 = arith.constant 32 : index
    %swap3A_929 = tpu.vector_load %arg15[%swap3A_927, %swap3A_928] {strides = array<i32>} : memref<16x128xi32, #tpu.memory_space<vmem>>, vector<16xi32>,
    tpu.vector_store %arg15[%swap3A_927, %swap3A_928], %add3A_925 {strides = array<i32>} : memref<16x128xi32, #tpu.memory_space<vmem>>, vector<16xi32>,
    %get3A_930 = arith.constant 1584 : index
    %get3A_931 = tpu.vector_load %arg9[%get3A_930] {strides = array<i32>} : memref<4096xi32, #tpu.memory_space<vmem>>, vector<16xi32>,
    %mul3A_932 = arith.constant 512 : i32
    %mul3A_933 = vector.broadcast %mul3A_932 : i32 to vector<16xi32>
    %mul3A_934 = arith.muli %get3A_931, %mul3A_933 : vector<16xi32>
    %mul3A_935 = arith.constant 128 : i32
    %mul3A_936 = arith.muli %select_n3A_9, %mul3A_935 : i32
    %add3A_937 = vector.broadcast %mul3A_936 : i32 to vector<16xi32>
    %add3A_938 = arith.addi %mul3A_934, %add3A_937 : vector<16xi32>
    %add3A_939 = arith.constant 48 : i32
    %add3A_940 = vector.broadcast %add3A_939 : i32 to vector<16xi32>
    %add3A_941 = arith.addi %add3A_938, %add3A_940 : vector<16xi32>
    %add3A_942 = arith.addi %add3A_941, %iota3A : vector<16xi32>
    %swap3A_943 = arith.constant 6 : i32
    %swap3A_944 = arith.index_cast %swap3A_943 : i32 to index
    %swap3A_945 = arith.constant 48 : index
    %swap3A_946 = tpu.vector_load %arg15[%swap3A_944, %swap3A_945] {strides = array<i32>} : memref<16x128xi32, #tpu.memory_space<vmem>>, vector<16xi32>,
    tpu.vector_store %arg15[%swap3A_944, %swap3A_945], %add3A_942 {strides = array<i32>} : memref<16x128xi32, #tpu.memory_space<vmem>>, vector<16xi32>,
    %get3A_947 = arith.constant 1600 : index
    %get3A_948 = tpu.vector_load %arg9[%get3A_947] {strides = array<i32>} : memref<4096xi32, #tpu.memory_space<vmem>>, vector<16xi32>,
    %mul3A_949 = arith.constant 512 : i32
    %mul3A_950 = vector.broadcast %mul3A_949 : i32 to vector<16xi32>
    %mul3A_951 = arith.muli %get3A_948, %mul3A_950 : vector<16xi32>
    %mul3A_952 = arith.constant 128 : i32
    %mul3A_953 = arith.muli %select_n3A_9, %mul3A_952 : i32
    %add3A_954 = vector.broadcast %mul3A_953 : i32 to vector<16xi32>
    %add3A_955 = arith.addi %mul3A_951, %add3A_954 : vector<16xi32>
    %add3A_956 = arith.constant 64 : i32
    %add3A_957 = vector.broadcast %add3A_956 : i32 to vector<16xi32>
    %add3A_958 = arith.addi %add3A_955, %add3A_957 : vector<16xi32>
    %add3A_959 = arith.addi %add3A_958, %iota3A : vector<16xi32>
    %swap3A_960 = arith.constant 6 : i32
    %swap3A_961 = arith.index_cast %swap3A_960 : i32 to index
    %swap3A_962 = arith.constant 64 : index
    %swap3A_963 = tpu.vector_load %arg15[%swap3A_961, %swap3A_962] {strides = array<i32>} : memref<16x128xi32, #tpu.memory_space<vmem>>, vector<16xi32>,
    tpu.vector_store %arg15[%swap3A_961, %swap3A_962], %add3A_959 {strides = array<i32>} : memref<16x128xi32, #tpu.memory_space<vmem>>, vector<16xi32>,
    %get3A_964 = arith.constant 1616 : index
    %get3A_965 = tpu.vector_load %arg9[%get3A_964] {strides = array<i32>} : memref<4096xi32, #tpu.memory_space<vmem>>, vector<16xi32>,
    %mul3A_966 = arith.constant 512 : i32
    %mul3A_967 = vector.broadcast %mul3A_966 : i32 to vector<16xi32>
    %mul3A_968 = arith.muli %get3A_965, %mul3A_967 : vector<16xi32>
    %mul3A_969 = arith.constant 128 : i32
    %mul3A_970 = arith.muli %select_n3A_9, %mul3A_969 : i32
    %add3A_971 = vector.broadcast %mul3A_970 : i32 to vector<16xi32>
    %add3A_972 = arith.addi %mul3A_968, %add3A_971 : vector<16xi32>
    %add3A_973 = arith.constant 80 : i32
    %add3A_974 = vector.broadcast %add3A_973 : i32 to vector<16xi32>
    %add3A_975 = arith.addi %add3A_972, %add3A_974 : vector<16xi32>
    %add3A_976 = arith.addi %add3A_975, %iota3A : vector<16xi32>
    %swap3A_977 = arith.constant 6 : i32
    %swap3A_978 = arith.index_cast %swap3A_977 : i32 to index
    %swap3A_979 = arith.constant 80 : index
    %swap3A_980 = tpu.vector_load %arg15[%swap3A_978, %swap3A_979] {strides = array<i32>} : memref<16x128xi32, #tpu.memory_space<vmem>>, vector<16xi32>,
    tpu.vector_store %arg15[%swap3A_978, %swap3A_979], %add3A_976 {strides = array<i32>} : memref<16x128xi32, #tpu.memory_space<vmem>>, vector<16xi32>,
    %get3A_981 = arith.constant 1632 : index
    %get3A_982 = tpu.vector_load %arg9[%get3A_981] {strides = array<i32>} : memref<4096xi32, #tpu.memory_space<vmem>>, vector<16xi32>,
    %mul3A_983 = arith.constant 512 : i32
    %mul3A_984 = vector.broadcast %mul3A_983 : i32 to vector<16xi32>
    %mul3A_985 = arith.muli %get3A_982, %mul3A_984 : vector<16xi32>
    %mul3A_986 = arith.constant 128 : i32
    %mul3A_987 = arith.muli %select_n3A_9, %mul3A_986 : i32
    %add3A_988 = vector.broadcast %mul3A_987 : i32 to vector<16xi32>
    %add3A_989 = arith.addi %mul3A_985, %add3A_988 : vector<16xi32>
    %add3A_990 = arith.constant 96 : i32
    %add3A_991 = vector.broadcast %add3A_990 : i32 to vector<16xi32>
    %add3A_992 = arith.addi %add3A_989, %add3A_991 : vector<16xi32>
    %add3A_993 = arith.addi %add3A_992, %iota3A : vector<16xi32>
    %swap3A_994 = arith.constant 6 : i32
    %swap3A_995 = arith.index_cast %swap3A_994 : i32 to index
    %swap3A_996 = arith.constant 96 : index
    %swap3A_997 = tpu.vector_load %arg15[%swap3A_995, %swap3A_996] {strides = array<i32>} : memref<16x128xi32, #tpu.memory_space<vmem>>, vector<16xi32>,
    tpu.vector_store %arg15[%swap3A_995, %swap3A_996], %add3A_993 {strides = array<i32>} : memref<16x128xi32, #tpu.memory_space<vmem>>, vector<16xi32>,
    %get3A_998 = arith.constant 1648 : index
    %get3A_999 = tpu.vector_load %arg9[%get3A_998] {strides = array<i32>} : memref<4096xi32, #tpu.memory_space<vmem>>, vector<16xi32>,
    %mul3A_1000 = arith.constant 512 : i32
    %mul3A_1001 = vector.broadcast %mul3A_1000 : i32 to vector<16xi32>
    %mul3A_1002 = arith.muli %get3A_999, %mul3A_1001 : vector<16xi32>
    %mul3A_1003 = arith.constant 128 : i32
    %mul3A_1004 = arith.muli %select_n3A_9, %mul3A_1003 : i32
    %add3A_1005 = vector.broadcast %mul3A_1004 : i32 to vector<16xi32>
    %add3A_1006 = arith.addi %mul3A_1002, %add3A_1005 : vector<16xi32>
    %add3A_1007 = arith.constant 112 : i32
    %add3A_1008 = vector.broadcast %add3A_1007 : i32 to vector<16xi32>
    %add3A_1009 = arith.addi %add3A_1006, %add3A_1008 : vector<16xi32>
    %add3A_1010 = arith.addi %add3A_1009, %iota3A : vector<16xi32>
    %swap3A_1011 = arith.constant 6 : i32
    %swap3A_1012 = arith.index_cast %swap3A_1011 : i32 to index
    %swap3A_1013 = arith.constant 112 : index
    %swap3A_1014 = tpu.vector_load %arg15[%swap3A_1012, %swap3A_1013] {strides = array<i32>} : memref<16x128xi32, #tpu.memory_space<vmem>>, vector<16xi32>,
    tpu.vector_store %arg15[%swap3A_1012, %swap3A_1013], %add3A_1010 {strides = array<i32>} : memref<16x128xi32, #tpu.memory_space<vmem>>, vector<16xi32>,
    %get3A_1015 = arith.constant 1792 : index
    %get3A_1016 = tpu.vector_load %arg9[%get3A_1015] {strides = array<i32>} : memref<4096xi32, #tpu.memory_space<vmem>>, vector<16xi32>,
    %mul3A_1017 = arith.constant 512 : i32
    %mul3A_1018 = vector.broadcast %mul3A_1017 : i32 to vector<16xi32>
    %mul3A_1019 = arith.muli %get3A_1016, %mul3A_1018 : vector<16xi32>
    %mul3A_1020 = arith.constant 128 : i32
    %mul3A_1021 = arith.muli %select_n3A_9, %mul3A_1020 : i32
    %add3A_1022 = vector.broadcast %mul3A_1021 : i32 to vector<16xi32>
    %add3A_1023 = arith.addi %mul3A_1019, %add3A_1022 : vector<16xi32>
    %add3A_1024 = arith.constant 0 : i32
    %add3A_1025 = vector.broadcast %add3A_1024 : i32 to vector<16xi32>
    %add3A_1026 = arith.addi %add3A_1023, %add3A_1025 : vector<16xi32>
    %add3A_1027 = arith.addi %add3A_1026, %iota3A : vector<16xi32>
    %swap3A_1028 = arith.constant 7 : i32
    %swap3A_1029 = arith.index_cast %swap3A_1028 : i32 to index
    %swap3A_1030 = arith.constant 0 : index
    %swap3A_1031 = tpu.vector_load %arg15[%swap3A_1029, %swap3A_1030] {strides = array<i32>} : memref<16x128xi32, #tpu.memory_space<vmem>>, vector<16xi32>,
    tpu.vector_store %arg15[%swap3A_1029, %swap3A_1030], %add3A_1027 {strides = array<i32>} : memref<16x128xi32, #tpu.memory_space<vmem>>, vector<16xi32>,
    %get3A_1032 = arith.constant 1808 : index
    %get3A_1033 = tpu.vector_load %arg9[%get3A_1032] {strides = array<i32>} : memref<4096xi32, #tpu.memory_space<vmem>>, vector<16xi32>,
    %mul3A_1034 = arith.constant 512 : i32
    %mul3A_1035 = vector.broadcast %mul3A_1034 : i32 to vector<16xi32>
    %mul3A_1036 = arith.muli %get3A_1033, %mul3A_1035 : vector<16xi32>
    %mul3A_1037 = arith.constant 128 : i32
    %mul3A_1038 = arith.muli %select_n3A_9, %mul3A_1037 : i32
    %add3A_1039 = vector.broadcast %mul3A_1038 : i32 to vector<16xi32>
    %add3A_1040 = arith.addi %mul3A_1036, %add3A_1039 : vector<16xi32>
    %add3A_1041 = arith.constant 16 : i32
    %add3A_1042 = vector.broadcast %add3A_1041 : i32 to vector<16xi32>
    %add3A_1043 = arith.addi %add3A_1040, %add3A_1042 : vector<16xi32>
    %add3A_1044 = arith.addi %add3A_1043, %iota3A : vector<16xi32>
    %swap3A_1045 = arith.constant 7 : i32
    %swap3A_1046 = arith.index_cast %swap3A_1045 : i32 to index
    %swap3A_1047 = arith.constant 16 : index
    %swap3A_1048 = tpu.vector_load %arg15[%swap3A_1046, %swap3A_1047] {strides = array<i32>} : memref<16x128xi32, #tpu.memory_space<vmem>>, vector<16xi32>,
    tpu.vector_store %arg15[%swap3A_1046, %swap3A_1047], %add3A_1044 {strides = array<i32>} : memref<16x128xi32, #tpu.memory_space<vmem>>, vector<16xi32>,
    %get3A_1049 = arith.constant 1824 : index
    %get3A_1050 = tpu.vector_load %arg9[%get3A_1049] {strides = array<i32>} : memref<4096xi32, #tpu.memory_space<vmem>>, vector<16xi32>,
    %mul3A_1051 = arith.constant 512 : i32
    %mul3A_1052 = vector.broadcast %mul3A_1051 : i32 to vector<16xi32>
    %mul3A_1053 = arith.muli %get3A_1050, %mul3A_1052 : vector<16xi32>
    %mul3A_1054 = arith.constant 128 : i32
    %mul3A_1055 = arith.muli %select_n3A_9, %mul3A_1054 : i32
    %add3A_1056 = vector.broadcast %mul3A_1055 : i32 to vector<16xi32>
    %add3A_1057 = arith.addi %mul3A_1053, %add3A_1056 : vector<16xi32>
    %add3A_1058 = arith.constant 32 : i32
    %add3A_1059 = vector.broadcast %add3A_1058 : i32 to vector<16xi32>
    %add3A_1060 = arith.addi %add3A_1057, %add3A_1059 : vector<16xi32>
    %add3A_1061 = arith.addi %add3A_1060, %iota3A : vector<16xi32>
    %swap3A_1062 = arith.constant 7 : i32
    %swap3A_1063 = arith.index_cast %swap3A_1062 : i32 to index
    %swap3A_1064 = arith.constant 32 : index
    %swap3A_1065 = tpu.vector_load %arg15[%swap3A_1063, %swap3A_1064] {strides = array<i32>} : memref<16x128xi32, #tpu.memory_space<vmem>>, vector<16xi32>,
    tpu.vector_store %arg15[%swap3A_1063, %swap3A_1064], %add3A_1061 {strides = array<i32>} : memref<16x128xi32, #tpu.memory_space<vmem>>, vector<16xi32>,
    %get3A_1066 = arith.constant 1840 : index
    %get3A_1067 = tpu.vector_load %arg9[%get3A_1066] {strides = array<i32>} : memref<4096xi32, #tpu.memory_space<vmem>>, vector<16xi32>,
    %mul3A_1068 = arith.constant 512 : i32
    %mul3A_1069 = vector.broadcast %mul3A_1068 : i32 to vector<16xi32>
    %mul3A_1070 = arith.muli %get3A_1067, %mul3A_1069 : vector<16xi32>
    %mul3A_1071 = arith.constant 128 : i32
    %mul3A_1072 = arith.muli %select_n3A_9, %mul3A_1071 : i32
    %add3A_1073 = vector.broadcast %mul3A_1072 : i32 to vector<16xi32>
    %add3A_1074 = arith.addi %mul3A_1070, %add3A_1073 : vector<16xi32>
    %add3A_1075 = arith.constant 48 : i32
    %add3A_1076 = vector.broadcast %add3A_1075 : i32 to vector<16xi32>
    %add3A_1077 = arith.addi %add3A_1074, %add3A_1076 : vector<16xi32>
    %add3A_1078 = arith.addi %add3A_1077, %iota3A : vector<16xi32>
    %swap3A_1079 = arith.constant 7 : i32
    %swap3A_1080 = arith.index_cast %swap3A_1079 : i32 to index
    %swap3A_1081 = arith.constant 48 : index
    %swap3A_1082 = tpu.vector_load %arg15[%swap3A_1080, %swap3A_1081] {strides = array<i32>} : memref<16x128xi32, #tpu.memory_space<vmem>>, vector<16xi32>,
    tpu.vector_store %arg15[%swap3A_1080, %swap3A_1081], %add3A_1078 {strides = array<i32>} : memref<16x128xi32, #tpu.memory_space<vmem>>, vector<16xi32>,
    %get3A_1083 = arith.constant 1856 : index
    %get3A_1084 = tpu.vector_load %arg9[%get3A_1083] {strides = array<i32>} : memref<4096xi32, #tpu.memory_space<vmem>>, vector<16xi32>,
    %mul3A_1085 = arith.constant 512 : i32
    %mul3A_1086 = vector.broadcast %mul3A_1085 : i32 to vector<16xi32>
    %mul3A_1087 = arith.muli %get3A_1084, %mul3A_1086 : vector<16xi32>
    %mul3A_1088 = arith.constant 128 : i32
    %mul3A_1089 = arith.muli %select_n3A_9, %mul3A_1088 : i32
    %add3A_1090 = vector.broadcast %mul3A_1089 : i32 to vector<16xi32>
    %add3A_1091 = arith.addi %mul3A_1087, %add3A_1090 : vector<16xi32>
    %add3A_1092 = arith.constant 64 : i32
    %add3A_1093 = vector.broadcast %add3A_1092 : i32 to vector<16xi32>
    %add3A_1094 = arith.addi %add3A_1091, %add3A_1093 : vector<16xi32>
    %add3A_1095 = arith.addi %add3A_1094, %iota3A : vector<16xi32>
    %swap3A_1096 = arith.constant 7 : i32
    %swap3A_1097 = arith.index_cast %swap3A_1096 : i32 to index
    %swap3A_1098 = arith.constant 64 : index
    %swap3A_1099 = tpu.vector_load %arg15[%swap3A_1097, %swap3A_1098] {strides = array<i32>} : memref<16x128xi32, #tpu.memory_space<vmem>>, vector<16xi32>,
    tpu.vector_store %arg15[%swap3A_1097, %swap3A_1098], %add3A_1095 {strides = array<i32>} : memref<16x128xi32, #tpu.memory_space<vmem>>, vector<16xi32>,
    %get3A_1100 = arith.constant 1872 : index
    %get3A_1101 = tpu.vector_load %arg9[%get3A_1100] {strides = array<i32>} : memref<4096xi32, #tpu.memory_space<vmem>>, vector<16xi32>,
    %mul3A_1102 = arith.constant 512 : i32
    %mul3A_1103 = vector.broadcast %mul3A_1102 : i32 to vector<16xi32>
    %mul3A_1104 = arith.muli %get3A_1101, %mul3A_1103 : vector<16xi32>
    %mul3A_1105 = arith.constant 128 : i32
    %mul3A_1106 = arith.muli %select_n3A_9, %mul3A_1105 : i32
    %add3A_1107 = vector.broadcast %mul3A_1106 : i32 to vector<16xi32>
    %add3A_1108 = arith.addi %mul3A_1104, %add3A_1107 : vector<16xi32>
    %add3A_1109 = arith.constant 80 : i32
    %add3A_1110 = vector.broadcast %add3A_1109 : i32 to vector<16xi32>
    %add3A_1111 = arith.addi %add3A_1108, %add3A_1110 : vector<16xi32>
    %add3A_1112 = arith.addi %add3A_1111, %iota3A : vector<16xi32>
    %swap3A_1113 = arith.constant 7 : i32
    %swap3A_1114 = arith.index_cast %swap3A_1113 : i32 to index
    %swap3A_1115 = arith.constant 80 : index
    %swap3A_1116 = tpu.vector_load %arg15[%swap3A_1114, %swap3A_1115] {strides = array<i32>} : memref<16x128xi32, #tpu.memory_space<vmem>>, vector<16xi32>,
    tpu.vector_store %arg15[%swap3A_1114, %swap3A_1115], %add3A_1112 {strides = array<i32>} : memref<16x128xi32, #tpu.memory_space<vmem>>, vector<16xi32>,
    %get3A_1117 = arith.constant 1888 : index
    %get3A_1118 = tpu.vector_load %arg9[%get3A_1117] {strides = array<i32>} : memref<4096xi32, #tpu.memory_space<vmem>>, vector<16xi32>,
    %mul3A_1119 = arith.constant 512 : i32
    %mul3A_1120 = vector.broadcast %mul3A_1119 : i32 to vector<16xi32>
    %mul3A_1121 = arith.muli %get3A_1118, %mul3A_1120 : vector<16xi32>
    %mul3A_1122 = arith.constant 128 : i32
    %mul3A_1123 = arith.muli %select_n3A_9, %mul3A_1122 : i32
    %add3A_1124 = vector.broadcast %mul3A_1123 : i32 to vector<16xi32>
    %add3A_1125 = arith.addi %mul3A_1121, %add3A_1124 : vector<16xi32>
    %add3A_1126 = arith.constant 96 : i32
    %add3A_1127 = vector.broadcast %add3A_1126 : i32 to vector<16xi32>
    %add3A_1128 = arith.addi %add3A_1125, %add3A_1127 : vector<16xi32>
    %add3A_1129 = arith.addi %add3A_1128, %iota3A : vector<16xi32>
    %swap3A_1130 = arith.constant 7 : i32
    %swap3A_1131 = arith.index_cast %swap3A_1130 : i32 to index
    %swap3A_1132 = arith.constant 96 : index
    %swap3A_1133 = tpu.vector_load %arg15[%swap3A_1131, %swap3A_1132] {strides = array<i32>} : memref<16x128xi32, #tpu.memory_space<vmem>>, vector<16xi32>,
    tpu.vector_store %arg15[%swap3A_1131, %swap3A_1132], %add3A_1129 {strides = array<i32>} : memref<16x128xi32, #tpu.memory_space<vmem>>, vector<16xi32>,
    %get3A_1134 = arith.constant 1904 : index
    %get3A_1135 = tpu.vector_load %arg9[%get3A_1134] {strides = array<i32>} : memref<4096xi32, #tpu.memory_space<vmem>>, vector<16xi32>,
    %mul3A_1136 = arith.constant 512 : i32
    %mul3A_1137 = vector.broadcast %mul3A_1136 : i32 to vector<16xi32>
    %mul3A_1138 = arith.muli %get3A_1135, %mul3A_1137 : vector<16xi32>
    %mul3A_1139 = arith.constant 128 : i32
    %mul3A_1140 = arith.muli %select_n3A_9, %mul3A_1139 : i32
    %add3A_1141 = vector.broadcast %mul3A_1140 : i32 to vector<16xi32>
    %add3A_1142 = arith.addi %mul3A_1138, %add3A_1141 : vector<16xi32>
    %add3A_1143 = arith.constant 112 : i32
    %add3A_1144 = vector.broadcast %add3A_1143 : i32 to vector<16xi32>
    %add3A_1145 = arith.addi %add3A_1142, %add3A_1144 : vector<16xi32>
    %add3A_1146 = arith.addi %add3A_1145, %iota3A : vector<16xi32>
    %swap3A_1147 = arith.constant 7 : i32
    %swap3A_1148 = arith.index_cast %swap3A_1147 : i32 to index
    %swap3A_1149 = arith.constant 112 : index
    %swap3A_1150 = tpu.vector_load %arg15[%swap3A_1148, %swap3A_1149] {strides = array<i32>} : memref<16x128xi32, #tpu.memory_space<vmem>>, vector<16xi32>,
    tpu.vector_store %arg15[%swap3A_1148, %swap3A_1149], %add3A_1146 {strides = array<i32>} : memref<16x128xi32, #tpu.memory_space<vmem>>, vector<16xi32>,
    %get3A_1151 = arith.constant 2048 : index
    %get3A_1152 = tpu.vector_load %arg9[%get3A_1151] {strides = array<i32>} : memref<4096xi32, #tpu.memory_space<vmem>>, vector<16xi32>,
    %mul3A_1153 = arith.constant 512 : i32
    %mul3A_1154 = vector.broadcast %mul3A_1153 : i32 to vector<16xi32>
    %mul3A_1155 = arith.muli %get3A_1152, %mul3A_1154 : vector<16xi32>
    %mul3A_1156 = arith.constant 128 : i32
    %mul3A_1157 = arith.muli %select_n3A_9, %mul3A_1156 : i32
    %add3A_1158 = vector.broadcast %mul3A_1157 : i32 to vector<16xi32>
    %add3A_1159 = arith.addi %mul3A_1155, %add3A_1158 : vector<16xi32>
    %add3A_1160 = arith.constant 0 : i32
    %add3A_1161 = vector.broadcast %add3A_1160 : i32 to vector<16xi32>
    %add3A_1162 = arith.addi %add3A_1159, %add3A_1161 : vector<16xi32>
    %add3A_1163 = arith.addi %add3A_1162, %iota3A : vector<16xi32>
    %swap3A_1164 = arith.constant 8 : i32
    %swap3A_1165 = arith.index_cast %swap3A_1164 : i32 to index
    %swap3A_1166 = arith.constant 0 : index
    %swap3A_1167 = tpu.vector_load %arg15[%swap3A_1165, %swap3A_1166] {strides = array<i32>} : memref<16x128xi32, #tpu.memory_space<vmem>>, vector<16xi32>,
    tpu.vector_store %arg15[%swap3A_1165, %swap3A_1166], %add3A_1163 {strides = array<i32>} : memref<16x128xi32, #tpu.memory_space<vmem>>, vector<16xi32>,
    %get3A_1168 = arith.constant 2064 : index
    %get3A_1169 = tpu.vector_load %arg9[%get3A_1168] {strides = array<i32>} : memref<4096xi32, #tpu.memory_space<vmem>>, vector<16xi32>,
    %mul3A_1170 = arith.constant 512 : i32
    %mul3A_1171 = vector.broadcast %mul3A_1170 : i32 to vector<16xi32>
    %mul3A_1172 = arith.muli %get3A_1169, %mul3A_1171 : vector<16xi32>
    %mul3A_1173 = arith.constant 128 : i32
    %mul3A_1174 = arith.muli %select_n3A_9, %mul3A_1173 : i32
    %add3A_1175 = vector.broadcast %mul3A_1174 : i32 to vector<16xi32>
    %add3A_1176 = arith.addi %mul3A_1172, %add3A_1175 : vector<16xi32>
    %add3A_1177 = arith.constant 16 : i32
    %add3A_1178 = vector.broadcast %add3A_1177 : i32 to vector<16xi32>
    %add3A_1179 = arith.addi %add3A_1176, %add3A_1178 : vector<16xi32>
    %add3A_1180 = arith.addi %add3A_1179, %iota3A : vector<16xi32>
    %swap3A_1181 = arith.constant 8 : i32
    %swap3A_1182 = arith.index_cast %swap3A_1181 : i32 to index
    %swap3A_1183 = arith.constant 16 : index
    %swap3A_1184 = tpu.vector_load %arg15[%swap3A_1182, %swap3A_1183] {strides = array<i32>} : memref<16x128xi32, #tpu.memory_space<vmem>>, vector<16xi32>,
    tpu.vector_store %arg15[%swap3A_1182, %swap3A_1183], %add3A_1180 {strides = array<i32>} : memref<16x128xi32, #tpu.memory_space<vmem>>, vector<16xi32>,
    %get3A_1185 = arith.constant 2080 : index
    %get3A_1186 = tpu.vector_load %arg9[%get3A_1185] {strides = array<i32>} : memref<4096xi32, #tpu.memory_space<vmem>>, vector<16xi32>,
    %mul3A_1187 = arith.constant 512 : i32
    %mul3A_1188 = vector.broadcast %mul3A_1187 : i32 to vector<16xi32>
    %mul3A_1189 = arith.muli %get3A_1186, %mul3A_1188 : vector<16xi32>
    %mul3A_1190 = arith.constant 128 : i32
    %mul3A_1191 = arith.muli %select_n3A_9, %mul3A_1190 : i32
    %add3A_1192 = vector.broadcast %mul3A_1191 : i32 to vector<16xi32>
    %add3A_1193 = arith.addi %mul3A_1189, %add3A_1192 : vector<16xi32>
    %add3A_1194 = arith.constant 32 : i32
    %add3A_1195 = vector.broadcast %add3A_1194 : i32 to vector<16xi32>
    %add3A_1196 = arith.addi %add3A_1193, %add3A_1195 : vector<16xi32>
    %add3A_1197 = arith.addi %add3A_1196, %iota3A : vector<16xi32>
    %swap3A_1198 = arith.constant 8 : i32
    %swap3A_1199 = arith.index_cast %swap3A_1198 : i32 to index
    %swap3A_1200 = arith.constant 32 : index
    %swap3A_1201 = tpu.vector_load %arg15[%swap3A_1199, %swap3A_1200] {strides = array<i32>} : memref<16x128xi32, #tpu.memory_space<vmem>>, vector<16xi32>,
    tpu.vector_store %arg15[%swap3A_1199, %swap3A_1200], %add3A_1197 {strides = array<i32>} : memref<16x128xi32, #tpu.memory_space<vmem>>, vector<16xi32>,
    %get3A_1202 = arith.constant 2096 : index
    %get3A_1203 = tpu.vector_load %arg9[%get3A_1202] {strides = array<i32>} : memref<4096xi32, #tpu.memory_space<vmem>>, vector<16xi32>,
    %mul3A_1204 = arith.constant 512 : i32
    %mul3A_1205 = vector.broadcast %mul3A_1204 : i32 to vector<16xi32>
    %mul3A_1206 = arith.muli %get3A_1203, %mul3A_1205 : vector<16xi32>
    %mul3A_1207 = arith.constant 128 : i32
    %mul3A_1208 = arith.muli %select_n3A_9, %mul3A_1207 : i32
    %add3A_1209 = vector.broadcast %mul3A_1208 : i32 to vector<16xi32>
    %add3A_1210 = arith.addi %mul3A_1206, %add3A_1209 : vector<16xi32>
    %add3A_1211 = arith.constant 48 : i32
    %add3A_1212 = vector.broadcast %add3A_1211 : i32 to vector<16xi32>
    %add3A_1213 = arith.addi %add3A_1210, %add3A_1212 : vector<16xi32>
    %add3A_1214 = arith.addi %add3A_1213, %iota3A : vector<16xi32>
    %swap3A_1215 = arith.constant 8 : i32
    %swap3A_1216 = arith.index_cast %swap3A_1215 : i32 to index
    %swap3A_1217 = arith.constant 48 : index
    %swap3A_1218 = tpu.vector_load %arg15[%swap3A_1216, %swap3A_1217] {strides = array<i32>} : memref<16x128xi32, #tpu.memory_space<vmem>>, vector<16xi32>,
    tpu.vector_store %arg15[%swap3A_1216, %swap3A_1217], %add3A_1214 {strides = array<i32>} : memref<16x128xi32, #tpu.memory_space<vmem>>, vector<16xi32>,
    %get3A_1219 = arith.constant 2112 : index
    %get3A_1220 = tpu.vector_load %arg9[%get3A_1219] {strides = array<i32>} : memref<4096xi32, #tpu.memory_space<vmem>>, vector<16xi32>,
    %mul3A_1221 = arith.constant 512 : i32
    %mul3A_1222 = vector.broadcast %mul3A_1221 : i32 to vector<16xi32>
    %mul3A_1223 = arith.muli %get3A_1220, %mul3A_1222 : vector<16xi32>
    %mul3A_1224 = arith.constant 128 : i32
    %mul3A_1225 = arith.muli %select_n3A_9, %mul3A_1224 : i32
    %add3A_1226 = vector.broadcast %mul3A_1225 : i32 to vector<16xi32>
    %add3A_1227 = arith.addi %mul3A_1223, %add3A_1226 : vector<16xi32>
    %add3A_1228 = arith.constant 64 : i32
    %add3A_1229 = vector.broadcast %add3A_1228 : i32 to vector<16xi32>
    %add3A_1230 = arith.addi %add3A_1227, %add3A_1229 : vector<16xi32>
    %add3A_1231 = arith.addi %add3A_1230, %iota3A : vector<16xi32>
    %swap3A_1232 = arith.constant 8 : i32
    %swap3A_1233 = arith.index_cast %swap3A_1232 : i32 to index
    %swap3A_1234 = arith.constant 64 : index
    %swap3A_1235 = tpu.vector_load %arg15[%swap3A_1233, %swap3A_1234] {strides = array<i32>} : memref<16x128xi32, #tpu.memory_space<vmem>>, vector<16xi32>,
    tpu.vector_store %arg15[%swap3A_1233, %swap3A_1234], %add3A_1231 {strides = array<i32>} : memref<16x128xi32, #tpu.memory_space<vmem>>, vector<16xi32>,
    %get3A_1236 = arith.constant 2128 : index
    %get3A_1237 = tpu.vector_load %arg9[%get3A_1236] {strides = array<i32>} : memref<4096xi32, #tpu.memory_space<vmem>>, vector<16xi32>,
    %mul3A_1238 = arith.constant 512 : i32
    %mul3A_1239 = vector.broadcast %mul3A_1238 : i32 to vector<16xi32>
    %mul3A_1240 = arith.muli %get3A_1237, %mul3A_1239 : vector<16xi32>
    %mul3A_1241 = arith.constant 128 : i32
    %mul3A_1242 = arith.muli %select_n3A_9, %mul3A_1241 : i32
    %add3A_1243 = vector.broadcast %mul3A_1242 : i32 to vector<16xi32>
    %add3A_1244 = arith.addi %mul3A_1240, %add3A_1243 : vector<16xi32>
    %add3A_1245 = arith.constant 80 : i32
    %add3A_1246 = vector.broadcast %add3A_1245 : i32 to vector<16xi32>
    %add3A_1247 = arith.addi %add3A_1244, %add3A_1246 : vector<16xi32>
    %add3A_1248 = arith.addi %add3A_1247, %iota3A : vector<16xi32>
    %swap3A_1249 = arith.constant 8 : i32
    %swap3A_1250 = arith.index_cast %swap3A_1249 : i32 to index
    %swap3A_1251 = arith.constant 80 : index
    %swap3A_1252 = tpu.vector_load %arg15[%swap3A_1250, %swap3A_1251] {strides = array<i32>} : memref<16x128xi32, #tpu.memory_space<vmem>>, vector<16xi32>,
    tpu.vector_store %arg15[%swap3A_1250, %swap3A_1251], %add3A_1248 {strides = array<i32>} : memref<16x128xi32, #tpu.memory_space<vmem>>, vector<16xi32>,
    %get3A_1253 = arith.constant 2144 : index
    %get3A_1254 = tpu.vector_load %arg9[%get3A_1253] {strides = array<i32>} : memref<4096xi32, #tpu.memory_space<vmem>>, vector<16xi32>,
    %mul3A_1255 = arith.constant 512 : i32
    %mul3A_1256 = vector.broadcast %mul3A_1255 : i32 to vector<16xi32>
    %mul3A_1257 = arith.muli %get3A_1254, %mul3A_1256 : vector<16xi32>
    %mul3A_1258 = arith.constant 128 : i32
    %mul3A_1259 = arith.muli %select_n3A_9, %mul3A_1258 : i32
    %add3A_1260 = vector.broadcast %mul3A_1259 : i32 to vector<16xi32>
    %add3A_1261 = arith.addi %mul3A_1257, %add3A_1260 : vector<16xi32>
    %add3A_1262 = arith.constant 96 : i32
    %add3A_1263 = vector.broadcast %add3A_1262 : i32 to vector<16xi32>
    %add3A_1264 = arith.addi %add3A_1261, %add3A_1263 : vector<16xi32>
    %add3A_1265 = arith.addi %add3A_1264, %iota3A : vector<16xi32>
    %swap3A_1266 = arith.constant 8 : i32
    %swap3A_1267 = arith.index_cast %swap3A_1266 : i32 to index
    %swap3A_1268 = arith.constant 96 : index
    %swap3A_1269 = tpu.vector_load %arg15[%swap3A_1267, %swap3A_1268] {strides = array<i32>} : memref<16x128xi32, #tpu.memory_space<vmem>>, vector<16xi32>,
    tpu.vector_store %arg15[%swap3A_1267, %swap3A_1268], %add3A_1265 {strides = array<i32>} : memref<16x128xi32, #tpu.memory_space<vmem>>, vector<16xi32>,
    %get3A_1270 = arith.constant 2160 : index
    %get3A_1271 = tpu.vector_load %arg9[%get3A_1270] {strides = array<i32>} : memref<4096xi32, #tpu.memory_space<vmem>>, vector<16xi32>,
    %mul3A_1272 = arith.constant 512 : i32
    %mul3A_1273 = vector.broadcast %mul3A_1272 : i32 to vector<16xi32>
    %mul3A_1274 = arith.muli %get3A_1271, %mul3A_1273 : vector<16xi32>
    %mul3A_1275 = arith.constant 128 : i32
    %mul3A_1276 = arith.muli %select_n3A_9, %mul3A_1275 : i32
    %add3A_1277 = vector.broadcast %mul3A_1276 : i32 to vector<16xi32>
    %add3A_1278 = arith.addi %mul3A_1274, %add3A_1277 : vector<16xi32>
    %add3A_1279 = arith.constant 112 : i32
    %add3A_1280 = vector.broadcast %add3A_1279 : i32 to vector<16xi32>
    %add3A_1281 = arith.addi %add3A_1278, %add3A_1280 : vector<16xi32>
    %add3A_1282 = arith.addi %add3A_1281, %iota3A : vector<16xi32>
    %swap3A_1283 = arith.constant 8 : i32
    %swap3A_1284 = arith.index_cast %swap3A_1283 : i32 to index
    %swap3A_1285 = arith.constant 112 : index
    %swap3A_1286 = tpu.vector_load %arg15[%swap3A_1284, %swap3A_1285] {strides = array<i32>} : memref<16x128xi32, #tpu.memory_space<vmem>>, vector<16xi32>,
    tpu.vector_store %arg15[%swap3A_1284, %swap3A_1285], %add3A_1282 {strides = array<i32>} : memref<16x128xi32, #tpu.memory_space<vmem>>, vector<16xi32>,
    %get3A_1287 = arith.constant 2304 : index
    %get3A_1288 = tpu.vector_load %arg9[%get3A_1287] {strides = array<i32>} : memref<4096xi32, #tpu.memory_space<vmem>>, vector<16xi32>,
    %mul3A_1289 = arith.constant 512 : i32
    %mul3A_1290 = vector.broadcast %mul3A_1289 : i32 to vector<16xi32>
    %mul3A_1291 = arith.muli %get3A_1288, %mul3A_1290 : vector<16xi32>
    %mul3A_1292 = arith.constant 128 : i32
    %mul3A_1293 = arith.muli %select_n3A_9, %mul3A_1292 : i32
    %add3A_1294 = vector.broadcast %mul3A_1293 : i32 to vector<16xi32>
    %add3A_1295 = arith.addi %mul3A_1291, %add3A_1294 : vector<16xi32>
    %add3A_1296 = arith.constant 0 : i32
    %add3A_1297 = vector.broadcast %add3A_1296 : i32 to vector<16xi32>
    %add3A_1298 = arith.addi %add3A_1295, %add3A_1297 : vector<16xi32>
    %add3A_1299 = arith.addi %add3A_1298, %iota3A : vector<16xi32>
    %swap3A_1300 = arith.constant 9 : i32
    %swap3A_1301 = arith.index_cast %swap3A_1300 : i32 to index
    %swap3A_1302 = arith.constant 0 : index
    %swap3A_1303 = tpu.vector_load %arg15[%swap3A_1301, %swap3A_1302] {strides = array<i32>} : memref<16x128xi32, #tpu.memory_space<vmem>>, vector<16xi32>,
    tpu.vector_store %arg15[%swap3A_1301, %swap3A_1302], %add3A_1299 {strides = array<i32>} : memref<16x128xi32, #tpu.memory_space<vmem>>, vector<16xi32>,
    %get3A_1304 = arith.constant 2320 : index
    %get3A_1305 = tpu.vector_load %arg9[%get3A_1304] {strides = array<i32>} : memref<4096xi32, #tpu.memory_space<vmem>>, vector<16xi32>,
    %mul3A_1306 = arith.constant 512 : i32
    %mul3A_1307 = vector.broadcast %mul3A_1306 : i32 to vector<16xi32>
    %mul3A_1308 = arith.muli %get3A_1305, %mul3A_1307 : vector<16xi32>
    %mul3A_1309 = arith.constant 128 : i32
    %mul3A_1310 = arith.muli %select_n3A_9, %mul3A_1309 : i32
    %add3A_1311 = vector.broadcast %mul3A_1310 : i32 to vector<16xi32>
    %add3A_1312 = arith.addi %mul3A_1308, %add3A_1311 : vector<16xi32>
    %add3A_1313 = arith.constant 16 : i32
    %add3A_1314 = vector.broadcast %add3A_1313 : i32 to vector<16xi32>
    %add3A_1315 = arith.addi %add3A_1312, %add3A_1314 : vector<16xi32>
    %add3A_1316 = arith.addi %add3A_1315, %iota3A : vector<16xi32>
    %swap3A_1317 = arith.constant 9 : i32
    %swap3A_1318 = arith.index_cast %swap3A_1317 : i32 to index
    %swap3A_1319 = arith.constant 16 : index
    %swap3A_1320 = tpu.vector_load %arg15[%swap3A_1318, %swap3A_1319] {strides = array<i32>} : memref<16x128xi32, #tpu.memory_space<vmem>>, vector<16xi32>,
    tpu.vector_store %arg15[%swap3A_1318, %swap3A_1319], %add3A_1316 {strides = array<i32>} : memref<16x128xi32, #tpu.memory_space<vmem>>, vector<16xi32>,
    %get3A_1321 = arith.constant 2336 : index
    %get3A_1322 = tpu.vector_load %arg9[%get3A_1321] {strides = array<i32>} : memref<4096xi32, #tpu.memory_space<vmem>>, vector<16xi32>,
    %mul3A_1323 = arith.constant 512 : i32
    %mul3A_1324 = vector.broadcast %mul3A_1323 : i32 to vector<16xi32>
    %mul3A_1325 = arith.muli %get3A_1322, %mul3A_1324 : vector<16xi32>
    %mul3A_1326 = arith.constant 128 : i32
    %mul3A_1327 = arith.muli %select_n3A_9, %mul3A_1326 : i32
    %add3A_1328 = vector.broadcast %mul3A_1327 : i32 to vector<16xi32>
    %add3A_1329 = arith.addi %mul3A_1325, %add3A_1328 : vector<16xi32>
    %add3A_1330 = arith.constant 32 : i32
    %add3A_1331 = vector.broadcast %add3A_1330 : i32 to vector<16xi32>
    %add3A_1332 = arith.addi %add3A_1329, %add3A_1331 : vector<16xi32>
    %add3A_1333 = arith.addi %add3A_1332, %iota3A : vector<16xi32>
    %swap3A_1334 = arith.constant 9 : i32
    %swap3A_1335 = arith.index_cast %swap3A_1334 : i32 to index
    %swap3A_1336 = arith.constant 32 : index
    %swap3A_1337 = tpu.vector_load %arg15[%swap3A_1335, %swap3A_1336] {strides = array<i32>} : memref<16x128xi32, #tpu.memory_space<vmem>>, vector<16xi32>,
    tpu.vector_store %arg15[%swap3A_1335, %swap3A_1336], %add3A_1333 {strides = array<i32>} : memref<16x128xi32, #tpu.memory_space<vmem>>, vector<16xi32>,
    %get3A_1338 = arith.constant 2352 : index
    %get3A_1339 = tpu.vector_load %arg9[%get3A_1338] {strides = array<i32>} : memref<4096xi32, #tpu.memory_space<vmem>>, vector<16xi32>,
    %mul3A_1340 = arith.constant 512 : i32
    %mul3A_1341 = vector.broadcast %mul3A_1340 : i32 to vector<16xi32>
    %mul3A_1342 = arith.muli %get3A_1339, %mul3A_1341 : vector<16xi32>
    %mul3A_1343 = arith.constant 128 : i32
    %mul3A_1344 = arith.muli %select_n3A_9, %mul3A_1343 : i32
    %add3A_1345 = vector.broadcast %mul3A_1344 : i32 to vector<16xi32>
    %add3A_1346 = arith.addi %mul3A_1342, %add3A_1345 : vector<16xi32>
    %add3A_1347 = arith.constant 48 : i32
    %add3A_1348 = vector.broadcast %add3A_1347 : i32 to vector<16xi32>
    %add3A_1349 = arith.addi %add3A_1346, %add3A_1348 : vector<16xi32>
    %add3A_1350 = arith.addi %add3A_1349, %iota3A : vector<16xi32>
    %swap3A_1351 = arith.constant 9 : i32
    %swap3A_1352 = arith.index_cast %swap3A_1351 : i32 to index
    %swap3A_1353 = arith.constant 48 : index
    %swap3A_1354 = tpu.vector_load %arg15[%swap3A_1352, %swap3A_1353] {strides = array<i32>} : memref<16x128xi32, #tpu.memory_space<vmem>>, vector<16xi32>,
    tpu.vector_store %arg15[%swap3A_1352, %swap3A_1353], %add3A_1350 {strides = array<i32>} : memref<16x128xi32, #tpu.memory_space<vmem>>, vector<16xi32>,
    %get3A_1355 = arith.constant 2368 : index
    %get3A_1356 = tpu.vector_load %arg9[%get3A_1355] {strides = array<i32>} : memref<4096xi32, #tpu.memory_space<vmem>>, vector<16xi32>,
    %mul3A_1357 = arith.constant 512 : i32
    %mul3A_1358 = vector.broadcast %mul3A_1357 : i32 to vector<16xi32>
    %mul3A_1359 = arith.muli %get3A_1356, %mul3A_1358 : vector<16xi32>
    %mul3A_1360 = arith.constant 128 : i32
    %mul3A_1361 = arith.muli %select_n3A_9, %mul3A_1360 : i32
    %add3A_1362 = vector.broadcast %mul3A_1361 : i32 to vector<16xi32>
    %add3A_1363 = arith.addi %mul3A_1359, %add3A_1362 : vector<16xi32>
    %add3A_1364 = arith.constant 64 : i32
    %add3A_1365 = vector.broadcast %add3A_1364 : i32 to vector<16xi32>
    %add3A_1366 = arith.addi %add3A_1363, %add3A_1365 : vector<16xi32>
    %add3A_1367 = arith.addi %add3A_1366, %iota3A : vector<16xi32>
    %swap3A_1368 = arith.constant 9 : i32
    %swap3A_1369 = arith.index_cast %swap3A_1368 : i32 to index
    %swap3A_1370 = arith.constant 64 : index
    %swap3A_1371 = tpu.vector_load %arg15[%swap3A_1369, %swap3A_1370] {strides = array<i32>} : memref<16x128xi32, #tpu.memory_space<vmem>>, vector<16xi32>,
    tpu.vector_store %arg15[%swap3A_1369, %swap3A_1370], %add3A_1367 {strides = array<i32>} : memref<16x128xi32, #tpu.memory_space<vmem>>, vector<16xi32>,
    %get3A_1372 = arith.constant 2384 : index
    %get3A_1373 = tpu.vector_load %arg9[%get3A_1372] {strides = array<i32>} : memref<4096xi32, #tpu.memory_space<vmem>>, vector<16xi32>,
    %mul3A_1374 = arith.constant 512 : i32
    %mul3A_1375 = vector.broadcast %mul3A_1374 : i32 to vector<16xi32>
    %mul3A_1376 = arith.muli %get3A_1373, %mul3A_1375 : vector<16xi32>
    %mul3A_1377 = arith.constant 128 : i32
    %mul3A_1378 = arith.muli %select_n3A_9, %mul3A_1377 : i32
    %add3A_1379 = vector.broadcast %mul3A_1378 : i32 to vector<16xi32>
    %add3A_1380 = arith.addi %mul3A_1376, %add3A_1379 : vector<16xi32>
    %add3A_1381 = arith.constant 80 : i32
    %add3A_1382 = vector.broadcast %add3A_1381 : i32 to vector<16xi32>
    %add3A_1383 = arith.addi %add3A_1380, %add3A_1382 : vector<16xi32>
    %add3A_1384 = arith.addi %add3A_1383, %iota3A : vector<16xi32>
    %swap3A_1385 = arith.constant 9 : i32
    %swap3A_1386 = arith.index_cast %swap3A_1385 : i32 to index
    %swap3A_1387 = arith.constant 80 : index
    %swap3A_1388 = tpu.vector_load %arg15[%swap3A_1386, %swap3A_1387] {strides = array<i32>} : memref<16x128xi32, #tpu.memory_space<vmem>>, vector<16xi32>,
    tpu.vector_store %arg15[%swap3A_1386, %swap3A_1387], %add3A_1384 {strides = array<i32>} : memref<16x128xi32, #tpu.memory_space<vmem>>, vector<16xi32>,
    %get3A_1389 = arith.constant 2400 : index
    %get3A_1390 = tpu.vector_load %arg9[%get3A_1389] {strides = array<i32>} : memref<4096xi32, #tpu.memory_space<vmem>>, vector<16xi32>,
    %mul3A_1391 = arith.constant 512 : i32
    %mul3A_1392 = vector.broadcast %mul3A_1391 : i32 to vector<16xi32>
    %mul3A_1393 = arith.muli %get3A_1390, %mul3A_1392 : vector<16xi32>
    %mul3A_1394 = arith.constant 128 : i32
    %mul3A_1395 = arith.muli %select_n3A_9, %mul3A_1394 : i32
    %add3A_1396 = vector.broadcast %mul3A_1395 : i32 to vector<16xi32>
    %add3A_1397 = arith.addi %mul3A_1393, %add3A_1396 : vector<16xi32>
    %add3A_1398 = arith.constant 96 : i32
    %add3A_1399 = vector.broadcast %add3A_1398 : i32 to vector<16xi32>
    %add3A_1400 = arith.addi %add3A_1397, %add3A_1399 : vector<16xi32>
    %add3A_1401 = arith.addi %add3A_1400, %iota3A : vector<16xi32>
    %swap3A_1402 = arith.constant 9 : i32
    %swap3A_1403 = arith.index_cast %swap3A_1402 : i32 to index
    %swap3A_1404 = arith.constant 96 : index
    %swap3A_1405 = tpu.vector_load %arg15[%swap3A_1403, %swap3A_1404] {strides = array<i32>} : memref<16x128xi32, #tpu.memory_space<vmem>>, vector<16xi32>,
    tpu.vector_store %arg15[%swap3A_1403, %swap3A_1404], %add3A_1401 {strides = array<i32>} : memref<16x128xi32, #tpu.memory_space<vmem>>, vector<16xi32>,
    %get3A_1406 = arith.constant 2416 : index
    %get3A_1407 = tpu.vector_load %arg9[%get3A_1406] {strides = array<i32>} : memref<4096xi32, #tpu.memory_space<vmem>>, vector<16xi32>,
    %mul3A_1408 = arith.constant 512 : i32
    %mul3A_1409 = vector.broadcast %mul3A_1408 : i32 to vector<16xi32>
    %mul3A_1410 = arith.muli %get3A_1407, %mul3A_1409 : vector<16xi32>
    %mul3A_1411 = arith.constant 128 : i32
    %mul3A_1412 = arith.muli %select_n3A_9, %mul3A_1411 : i32
    %add3A_1413 = vector.broadcast %mul3A_1412 : i32 to vector<16xi32>
    %add3A_1414 = arith.addi %mul3A_1410, %add3A_1413 : vector<16xi32>
    %add3A_1415 = arith.constant 112 : i32
    %add3A_1416 = vector.broadcast %add3A_1415 : i32 to vector<16xi32>
    %add3A_1417 = arith.addi %add3A_1414, %add3A_1416 : vector<16xi32>
    %add3A_1418 = arith.addi %add3A_1417, %iota3A : vector<16xi32>
    %swap3A_1419 = arith.constant 9 : i32
    %swap3A_1420 = arith.index_cast %swap3A_1419 : i32 to index
    %swap3A_1421 = arith.constant 112 : index
    %swap3A_1422 = tpu.vector_load %arg15[%swap3A_1420, %swap3A_1421] {strides = array<i32>} : memref<16x128xi32, #tpu.memory_space<vmem>>, vector<16xi32>,
    tpu.vector_store %arg15[%swap3A_1420, %swap3A_1421], %add3A_1418 {strides = array<i32>} : memref<16x128xi32, #tpu.memory_space<vmem>>, vector<16xi32>,
    %get3A_1423 = arith.constant 2560 : index
    %get3A_1424 = tpu.vector_load %arg9[%get3A_1423] {strides = array<i32>} : memref<4096xi32, #tpu.memory_space<vmem>>, vector<16xi32>,
    %mul3A_1425 = arith.constant 512 : i32
    %mul3A_1426 = vector.broadcast %mul3A_1425 : i32 to vector<16xi32>
    %mul3A_1427 = arith.muli %get3A_1424, %mul3A_1426 : vector<16xi32>
    %mul3A_1428 = arith.constant 128 : i32
    %mul3A_1429 = arith.muli %select_n3A_9, %mul3A_1428 : i32
    %add3A_1430 = vector.broadcast %mul3A_1429 : i32 to vector<16xi32>
    %add3A_1431 = arith.addi %mul3A_1427, %add3A_1430 : vector<16xi32>
    %add3A_1432 = arith.constant 0 : i32
    %add3A_1433 = vector.broadcast %add3A_1432 : i32 to vector<16xi32>
    %add3A_1434 = arith.addi %add3A_1431, %add3A_1433 : vector<16xi32>
    %add3A_1435 = arith.addi %add3A_1434, %iota3A : vector<16xi32>
    %swap3A_1436 = arith.constant 10 : i32
    %swap3A_1437 = arith.index_cast %swap3A_1436 : i32 to index
    %swap3A_1438 = arith.constant 0 : index
    %swap3A_1439 = tpu.vector_load %arg15[%swap3A_1437, %swap3A_1438] {strides = array<i32>} : memref<16x128xi32, #tpu.memory_space<vmem>>, vector<16xi32>,
    tpu.vector_store %arg15[%swap3A_1437, %swap3A_1438], %add3A_1435 {strides = array<i32>} : memref<16x128xi32, #tpu.memory_space<vmem>>, vector<16xi32>,
    %get3A_1440 = arith.constant 2576 : index
    %get3A_1441 = tpu.vector_load %arg9[%get3A_1440] {strides = array<i32>} : memref<4096xi32, #tpu.memory_space<vmem>>, vector<16xi32>,
    %mul3A_1442 = arith.constant 512 : i32
    %mul3A_1443 = vector.broadcast %mul3A_1442 : i32 to vector<16xi32>
    %mul3A_1444 = arith.muli %get3A_1441, %mul3A_1443 : vector<16xi32>
    %mul3A_1445 = arith.constant 128 : i32
    %mul3A_1446 = arith.muli %select_n3A_9, %mul3A_1445 : i32
    %add3A_1447 = vector.broadcast %mul3A_1446 : i32 to vector<16xi32>
    %add3A_1448 = arith.addi %mul3A_1444, %add3A_1447 : vector<16xi32>
    %add3A_1449 = arith.constant 16 : i32
    %add3A_1450 = vector.broadcast %add3A_1449 : i32 to vector<16xi32>
    %add3A_1451 = arith.addi %add3A_1448, %add3A_1450 : vector<16xi32>
    %add3A_1452 = arith.addi %add3A_1451, %iota3A : vector<16xi32>
    %swap3A_1453 = arith.constant 10 : i32
    %swap3A_1454 = arith.index_cast %swap3A_1453 : i32 to index
    %swap3A_1455 = arith.constant 16 : index
    %swap3A_1456 = tpu.vector_load %arg15[%swap3A_1454, %swap3A_1455] {strides = array<i32>} : memref<16x128xi32, #tpu.memory_space<vmem>>, vector<16xi32>,
    tpu.vector_store %arg15[%swap3A_1454, %swap3A_1455], %add3A_1452 {strides = array<i32>} : memref<16x128xi32, #tpu.memory_space<vmem>>, vector<16xi32>,
    %get3A_1457 = arith.constant 2592 : index
    %get3A_1458 = tpu.vector_load %arg9[%get3A_1457] {strides = array<i32>} : memref<4096xi32, #tpu.memory_space<vmem>>, vector<16xi32>,
    %mul3A_1459 = arith.constant 512 : i32
    %mul3A_1460 = vector.broadcast %mul3A_1459 : i32 to vector<16xi32>
    %mul3A_1461 = arith.muli %get3A_1458, %mul3A_1460 : vector<16xi32>
    %mul3A_1462 = arith.constant 128 : i32
    %mul3A_1463 = arith.muli %select_n3A_9, %mul3A_1462 : i32
    %add3A_1464 = vector.broadcast %mul3A_1463 : i32 to vector<16xi32>
    %add3A_1465 = arith.addi %mul3A_1461, %add3A_1464 : vector<16xi32>
    %add3A_1466 = arith.constant 32 : i32
    %add3A_1467 = vector.broadcast %add3A_1466 : i32 to vector<16xi32>
    %add3A_1468 = arith.addi %add3A_1465, %add3A_1467 : vector<16xi32>
    %add3A_1469 = arith.addi %add3A_1468, %iota3A : vector<16xi32>
    %swap3A_1470 = arith.constant 10 : i32
    %swap3A_1471 = arith.index_cast %swap3A_1470 : i32 to index
    %swap3A_1472 = arith.constant 32 : index
    %swap3A_1473 = tpu.vector_load %arg15[%swap3A_1471, %swap3A_1472] {strides = array<i32>} : memref<16x128xi32, #tpu.memory_space<vmem>>, vector<16xi32>,
    tpu.vector_store %arg15[%swap3A_1471, %swap3A_1472], %add3A_1469 {strides = array<i32>} : memref<16x128xi32, #tpu.memory_space<vmem>>, vector<16xi32>,
    %get3A_1474 = arith.constant 2608 : index
    %get3A_1475 = tpu.vector_load %arg9[%get3A_1474] {strides = array<i32>} : memref<4096xi32, #tpu.memory_space<vmem>>, vector<16xi32>,
    %mul3A_1476 = arith.constant 512 : i32
    %mul3A_1477 = vector.broadcast %mul3A_1476 : i32 to vector<16xi32>
    %mul3A_1478 = arith.muli %get3A_1475, %mul3A_1477 : vector<16xi32>
    %mul3A_1479 = arith.constant 128 : i32
    %mul3A_1480 = arith.muli %select_n3A_9, %mul3A_1479 : i32
    %add3A_1481 = vector.broadcast %mul3A_1480 : i32 to vector<16xi32>
    %add3A_1482 = arith.addi %mul3A_1478, %add3A_1481 : vector<16xi32>
    %add3A_1483 = arith.constant 48 : i32
    %add3A_1484 = vector.broadcast %add3A_1483 : i32 to vector<16xi32>
    %add3A_1485 = arith.addi %add3A_1482, %add3A_1484 : vector<16xi32>
    %add3A_1486 = arith.addi %add3A_1485, %iota3A : vector<16xi32>
    %swap3A_1487 = arith.constant 10 : i32
    %swap3A_1488 = arith.index_cast %swap3A_1487 : i32 to index
    %swap3A_1489 = arith.constant 48 : index
    %swap3A_1490 = tpu.vector_load %arg15[%swap3A_1488, %swap3A_1489] {strides = array<i32>} : memref<16x128xi32, #tpu.memory_space<vmem>>, vector<16xi32>,
    tpu.vector_store %arg15[%swap3A_1488, %swap3A_1489], %add3A_1486 {strides = array<i32>} : memref<16x128xi32, #tpu.memory_space<vmem>>, vector<16xi32>,
    %get3A_1491 = arith.constant 2624 : index
    %get3A_1492 = tpu.vector_load %arg9[%get3A_1491] {strides = array<i32>} : memref<4096xi32, #tpu.memory_space<vmem>>, vector<16xi32>,
    %mul3A_1493 = arith.constant 512 : i32
    %mul3A_1494 = vector.broadcast %mul3A_1493 : i32 to vector<16xi32>
    %mul3A_1495 = arith.muli %get3A_1492, %mul3A_1494 : vector<16xi32>
    %mul3A_1496 = arith.constant 128 : i32
    %mul3A_1497 = arith.muli %select_n3A_9, %mul3A_1496 : i32
    %add3A_1498 = vector.broadcast %mul3A_1497 : i32 to vector<16xi32>
    %add3A_1499 = arith.addi %mul3A_1495, %add3A_1498 : vector<16xi32>
    %add3A_1500 = arith.constant 64 : i32
    %add3A_1501 = vector.broadcast %add3A_1500 : i32 to vector<16xi32>
    %add3A_1502 = arith.addi %add3A_1499, %add3A_1501 : vector<16xi32>
    %add3A_1503 = arith.addi %add3A_1502, %iota3A : vector<16xi32>
    %swap3A_1504 = arith.constant 10 : i32
    %swap3A_1505 = arith.index_cast %swap3A_1504 : i32 to index
    %swap3A_1506 = arith.constant 64 : index
    %swap3A_1507 = tpu.vector_load %arg15[%swap3A_1505, %swap3A_1506] {strides = array<i32>} : memref<16x128xi32, #tpu.memory_space<vmem>>, vector<16xi32>,
    tpu.vector_store %arg15[%swap3A_1505, %swap3A_1506], %add3A_1503 {strides = array<i32>} : memref<16x128xi32, #tpu.memory_space<vmem>>, vector<16xi32>,
    %get3A_1508 = arith.constant 2640 : index
    %get3A_1509 = tpu.vector_load %arg9[%get3A_1508] {strides = array<i32>} : memref<4096xi32, #tpu.memory_space<vmem>>, vector<16xi32>,
    %mul3A_1510 = arith.constant 512 : i32
    %mul3A_1511 = vector.broadcast %mul3A_1510 : i32 to vector<16xi32>
    %mul3A_1512 = arith.muli %get3A_1509, %mul3A_1511 : vector<16xi32>
    %mul3A_1513 = arith.constant 128 : i32
    %mul3A_1514 = arith.muli %select_n3A_9, %mul3A_1513 : i32
    %add3A_1515 = vector.broadcast %mul3A_1514 : i32 to vector<16xi32>
    %add3A_1516 = arith.addi %mul3A_1512, %add3A_1515 : vector<16xi32>
    %add3A_1517 = arith.constant 80 : i32
    %add3A_1518 = vector.broadcast %add3A_1517 : i32 to vector<16xi32>
    %add3A_1519 = arith.addi %add3A_1516, %add3A_1518 : vector<16xi32>
    %add3A_1520 = arith.addi %add3A_1519, %iota3A : vector<16xi32>
    %swap3A_1521 = arith.constant 10 : i32
    %swap3A_1522 = arith.index_cast %swap3A_1521 : i32 to index
    %swap3A_1523 = arith.constant 80 : index
    %swap3A_1524 = tpu.vector_load %arg15[%swap3A_1522, %swap3A_1523] {strides = array<i32>} : memref<16x128xi32, #tpu.memory_space<vmem>>, vector<16xi32>,
    tpu.vector_store %arg15[%swap3A_1522, %swap3A_1523], %add3A_1520 {strides = array<i32>} : memref<16x128xi32, #tpu.memory_space<vmem>>, vector<16xi32>,
    %get3A_1525 = arith.constant 2656 : index
    %get3A_1526 = tpu.vector_load %arg9[%get3A_1525] {strides = array<i32>} : memref<4096xi32, #tpu.memory_space<vmem>>, vector<16xi32>,
    %mul3A_1527 = arith.constant 512 : i32
    %mul3A_1528 = vector.broadcast %mul3A_1527 : i32 to vector<16xi32>
    %mul3A_1529 = arith.muli %get3A_1526, %mul3A_1528 : vector<16xi32>
    %mul3A_1530 = arith.constant 128 : i32
    %mul3A_1531 = arith.muli %select_n3A_9, %mul3A_1530 : i32
    %add3A_1532 = vector.broadcast %mul3A_1531 : i32 to vector<16xi32>
    %add3A_1533 = arith.addi %mul3A_1529, %add3A_1532 : vector<16xi32>
    %add3A_1534 = arith.constant 96 : i32
    %add3A_1535 = vector.broadcast %add3A_1534 : i32 to vector<16xi32>
    %add3A_1536 = arith.addi %add3A_1533, %add3A_1535 : vector<16xi32>
    %add3A_1537 = arith.addi %add3A_1536, %iota3A : vector<16xi32>
    %swap3A_1538 = arith.constant 10 : i32
    %swap3A_1539 = arith.index_cast %swap3A_1538 : i32 to index
    %swap3A_1540 = arith.constant 96 : index
    %swap3A_1541 = tpu.vector_load %arg15[%swap3A_1539, %swap3A_1540] {strides = array<i32>} : memref<16x128xi32, #tpu.memory_space<vmem>>, vector<16xi32>,
    tpu.vector_store %arg15[%swap3A_1539, %swap3A_1540], %add3A_1537 {strides = array<i32>} : memref<16x128xi32, #tpu.memory_space<vmem>>, vector<16xi32>,
    %get3A_1542 = arith.constant 2672 : index
    %get3A_1543 = tpu.vector_load %arg9[%get3A_1542] {strides = array<i32>} : memref<4096xi32, #tpu.memory_space<vmem>>, vector<16xi32>,
    %mul3A_1544 = arith.constant 512 : i32
    %mul3A_1545 = vector.broadcast %mul3A_1544 : i32 to vector<16xi32>
    %mul3A_1546 = arith.muli %get3A_1543, %mul3A_1545 : vector<16xi32>
    %mul3A_1547 = arith.constant 128 : i32
    %mul3A_1548 = arith.muli %select_n3A_9, %mul3A_1547 : i32
    %add3A_1549 = vector.broadcast %mul3A_1548 : i32 to vector<16xi32>
    %add3A_1550 = arith.addi %mul3A_1546, %add3A_1549 : vector<16xi32>
    %add3A_1551 = arith.constant 112 : i32
    %add3A_1552 = vector.broadcast %add3A_1551 : i32 to vector<16xi32>
    %add3A_1553 = arith.addi %add3A_1550, %add3A_1552 : vector<16xi32>
    %add3A_1554 = arith.addi %add3A_1553, %iota3A : vector<16xi32>
    %swap3A_1555 = arith.constant 10 : i32
    %swap3A_1556 = arith.index_cast %swap3A_1555 : i32 to index
    %swap3A_1557 = arith.constant 112 : index
    %swap3A_1558 = tpu.vector_load %arg15[%swap3A_1556, %swap3A_1557] {strides = array<i32>} : memref<16x128xi32, #tpu.memory_space<vmem>>, vector<16xi32>,
    tpu.vector_store %arg15[%swap3A_1556, %swap3A_1557], %add3A_1554 {strides = array<i32>} : memref<16x128xi32, #tpu.memory_space<vmem>>, vector<16xi32>,
    %get3A_1559 = arith.constant 2816 : index
    %get3A_1560 = tpu.vector_load %arg9[%get3A_1559] {strides = array<i32>} : memref<4096xi32, #tpu.memory_space<vmem>>, vector<16xi32>,
    %mul3A_1561 = arith.constant 512 : i32
    %mul3A_1562 = vector.broadcast %mul3A_1561 : i32 to vector<16xi32>
    %mul3A_1563 = arith.muli %get3A_1560, %mul3A_1562 : vector<16xi32>
    %mul3A_1564 = arith.constant 128 : i32
    %mul3A_1565 = arith.muli %select_n3A_9, %mul3A_1564 : i32
    %add3A_1566 = vector.broadcast %mul3A_1565 : i32 to vector<16xi32>
    %add3A_1567 = arith.addi %mul3A_1563, %add3A_1566 : vector<16xi32>
    %add3A_1568 = arith.constant 0 : i32
    %add3A_1569 = vector.broadcast %add3A_1568 : i32 to vector<16xi32>
    %add3A_1570 = arith.addi %add3A_1567, %add3A_1569 : vector<16xi32>
    %add3A_1571 = arith.addi %add3A_1570, %iota3A : vector<16xi32>
    %swap3A_1572 = arith.constant 11 : i32
    %swap3A_1573 = arith.index_cast %swap3A_1572 : i32 to index
    %swap3A_1574 = arith.constant 0 : index
    %swap3A_1575 = tpu.vector_load %arg15[%swap3A_1573, %swap3A_1574] {strides = array<i32>} : memref<16x128xi32, #tpu.memory_space<vmem>>, vector<16xi32>,
    tpu.vector_store %arg15[%swap3A_1573, %swap3A_1574], %add3A_1571 {strides = array<i32>} : memref<16x128xi32, #tpu.memory_space<vmem>>, vector<16xi32>,
    %get3A_1576 = arith.constant 2832 : index
    %get3A_1577 = tpu.vector_load %arg9[%get3A_1576] {strides = array<i32>} : memref<4096xi32, #tpu.memory_space<vmem>>, vector<16xi32>,
    %mul3A_1578 = arith.constant 512 : i32
    %mul3A_1579 = vector.broadcast %mul3A_1578 : i32 to vector<16xi32>
    %mul3A_1580 = arith.muli %get3A_1577, %mul3A_1579 : vector<16xi32>
    %mul3A_1581 = arith.constant 128 : i32
    %mul3A_1582 = arith.muli %select_n3A_9, %mul3A_1581 : i32
    %add3A_1583 = vector.broadcast %mul3A_1582 : i32 to vector<16xi32>
    %add3A_1584 = arith.addi %mul3A_1580, %add3A_1583 : vector<16xi32>
    %add3A_1585 = arith.constant 16 : i32
    %add3A_1586 = vector.broadcast %add3A_1585 : i32 to vector<16xi32>
    %add3A_1587 = arith.addi %add3A_1584, %add3A_1586 : vector<16xi32>
    %add3A_1588 = arith.addi %add3A_1587, %iota3A : vector<16xi32>
    %swap3A_1589 = arith.constant 11 : i32
    %swap3A_1590 = arith.index_cast %swap3A_1589 : i32 to index
    %swap3A_1591 = arith.constant 16 : index
    %swap3A_1592 = tpu.vector_load %arg15[%swap3A_1590, %swap3A_1591] {strides = array<i32>} : memref<16x128xi32, #tpu.memory_space<vmem>>, vector<16xi32>,
    tpu.vector_store %arg15[%swap3A_1590, %swap3A_1591], %add3A_1588 {strides = array<i32>} : memref<16x128xi32, #tpu.memory_space<vmem>>, vector<16xi32>,
    %get3A_1593 = arith.constant 2848 : index
    %get3A_1594 = tpu.vector_load %arg9[%get3A_1593] {strides = array<i32>} : memref<4096xi32, #tpu.memory_space<vmem>>, vector<16xi32>,
    %mul3A_1595 = arith.constant 512 : i32
    %mul3A_1596 = vector.broadcast %mul3A_1595 : i32 to vector<16xi32>
    %mul3A_1597 = arith.muli %get3A_1594, %mul3A_1596 : vector<16xi32>
    %mul3A_1598 = arith.constant 128 : i32
    %mul3A_1599 = arith.muli %select_n3A_9, %mul3A_1598 : i32
    %add3A_1600 = vector.broadcast %mul3A_1599 : i32 to vector<16xi32>
    %add3A_1601 = arith.addi %mul3A_1597, %add3A_1600 : vector<16xi32>
    %add3A_1602 = arith.constant 32 : i32
    %add3A_1603 = vector.broadcast %add3A_1602 : i32 to vector<16xi32>
    %add3A_1604 = arith.addi %add3A_1601, %add3A_1603 : vector<16xi32>
    %add3A_1605 = arith.addi %add3A_1604, %iota3A : vector<16xi32>
    %swap3A_1606 = arith.constant 11 : i32
    %swap3A_1607 = arith.index_cast %swap3A_1606 : i32 to index
    %swap3A_1608 = arith.constant 32 : index
    %swap3A_1609 = tpu.vector_load %arg15[%swap3A_1607, %swap3A_1608] {strides = array<i32>} : memref<16x128xi32, #tpu.memory_space<vmem>>, vector<16xi32>,
    tpu.vector_store %arg15[%swap3A_1607, %swap3A_1608], %add3A_1605 {strides = array<i32>} : memref<16x128xi32, #tpu.memory_space<vmem>>, vector<16xi32>,
    %get3A_1610 = arith.constant 2864 : index
    %get3A_1611 = tpu.vector_load %arg9[%get3A_1610] {strides = array<i32>} : memref<4096xi32, #tpu.memory_space<vmem>>, vector<16xi32>,
    %mul3A_1612 = arith.constant 512 : i32
    %mul3A_1613 = vector.broadcast %mul3A_1612 : i32 to vector<16xi32>
    %mul3A_1614 = arith.muli %get3A_1611, %mul3A_1613 : vector<16xi32>
    %mul3A_1615 = arith.constant 128 : i32
    %mul3A_1616 = arith.muli %select_n3A_9, %mul3A_1615 : i32
    %add3A_1617 = vector.broadcast %mul3A_1616 : i32 to vector<16xi32>
    %add3A_1618 = arith.addi %mul3A_1614, %add3A_1617 : vector<16xi32>
    %add3A_1619 = arith.constant 48 : i32
    %add3A_1620 = vector.broadcast %add3A_1619 : i32 to vector<16xi32>
    %add3A_1621 = arith.addi %add3A_1618, %add3A_1620 : vector<16xi32>
    %add3A_1622 = arith.addi %add3A_1621, %iota3A : vector<16xi32>
    %swap3A_1623 = arith.constant 11 : i32
    %swap3A_1624 = arith.index_cast %swap3A_1623 : i32 to index
    %swap3A_1625 = arith.constant 48 : index
    %swap3A_1626 = tpu.vector_load %arg15[%swap3A_1624, %swap3A_1625] {strides = array<i32>} : memref<16x128xi32, #tpu.memory_space<vmem>>, vector<16xi32>,
    tpu.vector_store %arg15[%swap3A_1624, %swap3A_1625], %add3A_1622 {strides = array<i32>} : memref<16x128xi32, #tpu.memory_space<vmem>>, vector<16xi32>,
    %get3A_1627 = arith.constant 2880 : index
    %get3A_1628 = tpu.vector_load %arg9[%get3A_1627] {strides = array<i32>} : memref<4096xi32, #tpu.memory_space<vmem>>, vector<16xi32>,
    %mul3A_1629 = arith.constant 512 : i32
    %mul3A_1630 = vector.broadcast %mul3A_1629 : i32 to vector<16xi32>
    %mul3A_1631 = arith.muli %get3A_1628, %mul3A_1630 : vector<16xi32>
    %mul3A_1632 = arith.constant 128 : i32
    %mul3A_1633 = arith.muli %select_n3A_9, %mul3A_1632 : i32
    %add3A_1634 = vector.broadcast %mul3A_1633 : i32 to vector<16xi32>
    %add3A_1635 = arith.addi %mul3A_1631, %add3A_1634 : vector<16xi32>
    %add3A_1636 = arith.constant 64 : i32
    %add3A_1637 = vector.broadcast %add3A_1636 : i32 to vector<16xi32>
    %add3A_1638 = arith.addi %add3A_1635, %add3A_1637 : vector<16xi32>
    %add3A_1639 = arith.addi %add3A_1638, %iota3A : vector<16xi32>
    %swap3A_1640 = arith.constant 11 : i32
    %swap3A_1641 = arith.index_cast %swap3A_1640 : i32 to index
    %swap3A_1642 = arith.constant 64 : index
    %swap3A_1643 = tpu.vector_load %arg15[%swap3A_1641, %swap3A_1642] {strides = array<i32>} : memref<16x128xi32, #tpu.memory_space<vmem>>, vector<16xi32>,
    tpu.vector_store %arg15[%swap3A_1641, %swap3A_1642], %add3A_1639 {strides = array<i32>} : memref<16x128xi32, #tpu.memory_space<vmem>>, vector<16xi32>,
    %get3A_1644 = arith.constant 2896 : index
    %get3A_1645 = tpu.vector_load %arg9[%get3A_1644] {strides = array<i32>} : memref<4096xi32, #tpu.memory_space<vmem>>, vector<16xi32>,
    %mul3A_1646 = arith.constant 512 : i32
    %mul3A_1647 = vector.broadcast %mul3A_1646 : i32 to vector<16xi32>
    %mul3A_1648 = arith.muli %get3A_1645, %mul3A_1647 : vector<16xi32>
    %mul3A_1649 = arith.constant 128 : i32
    %mul3A_1650 = arith.muli %select_n3A_9, %mul3A_1649 : i32
    %add3A_1651 = vector.broadcast %mul3A_1650 : i32 to vector<16xi32>
    %add3A_1652 = arith.addi %mul3A_1648, %add3A_1651 : vector<16xi32>
    %add3A_1653 = arith.constant 80 : i32
    %add3A_1654 = vector.broadcast %add3A_1653 : i32 to vector<16xi32>
    %add3A_1655 = arith.addi %add3A_1652, %add3A_1654 : vector<16xi32>
    %add3A_1656 = arith.addi %add3A_1655, %iota3A : vector<16xi32>
    %swap3A_1657 = arith.constant 11 : i32
    %swap3A_1658 = arith.index_cast %swap3A_1657 : i32 to index
    %swap3A_1659 = arith.constant 80 : index
    %swap3A_1660 = tpu.vector_load %arg15[%swap3A_1658, %swap3A_1659] {strides = array<i32>} : memref<16x128xi32, #tpu.memory_space<vmem>>, vector<16xi32>,
    tpu.vector_store %arg15[%swap3A_1658, %swap3A_1659], %add3A_1656 {strides = array<i32>} : memref<16x128xi32, #tpu.memory_space<vmem>>, vector<16xi32>,
    %get3A_1661 = arith.constant 2912 : index
    %get3A_1662 = tpu.vector_load %arg9[%get3A_1661] {strides = array<i32>} : memref<4096xi32, #tpu.memory_space<vmem>>, vector<16xi32>,
    %mul3A_1663 = arith.constant 512 : i32
    %mul3A_1664 = vector.broadcast %mul3A_1663 : i32 to vector<16xi32>
    %mul3A_1665 = arith.muli %get3A_1662, %mul3A_1664 : vector<16xi32>
    %mul3A_1666 = arith.constant 128 : i32
    %mul3A_1667 = arith.muli %select_n3A_9, %mul3A_1666 : i32
    %add3A_1668 = vector.broadcast %mul3A_1667 : i32 to vector<16xi32>
    %add3A_1669 = arith.addi %mul3A_1665, %add3A_1668 : vector<16xi32>
    %add3A_1670 = arith.constant 96 : i32
    %add3A_1671 = vector.broadcast %add3A_1670 : i32 to vector<16xi32>
    %add3A_1672 = arith.addi %add3A_1669, %add3A_1671 : vector<16xi32>
    %add3A_1673 = arith.addi %add3A_1672, %iota3A : vector<16xi32>
    %swap3A_1674 = arith.constant 11 : i32
    %swap3A_1675 = arith.index_cast %swap3A_1674 : i32 to index
    %swap3A_1676 = arith.constant 96 : index
    %swap3A_1677 = tpu.vector_load %arg15[%swap3A_1675, %swap3A_1676] {strides = array<i32>} : memref<16x128xi32, #tpu.memory_space<vmem>>, vector<16xi32>,
    tpu.vector_store %arg15[%swap3A_1675, %swap3A_1676], %add3A_1673 {strides = array<i32>} : memref<16x128xi32, #tpu.memory_space<vmem>>, vector<16xi32>,
    %get3A_1678 = arith.constant 2928 : index
    %get3A_1679 = tpu.vector_load %arg9[%get3A_1678] {strides = array<i32>} : memref<4096xi32, #tpu.memory_space<vmem>>, vector<16xi32>,
    %mul3A_1680 = arith.constant 512 : i32
    %mul3A_1681 = vector.broadcast %mul3A_1680 : i32 to vector<16xi32>
    %mul3A_1682 = arith.muli %get3A_1679, %mul3A_1681 : vector<16xi32>
    %mul3A_1683 = arith.constant 128 : i32
    %mul3A_1684 = arith.muli %select_n3A_9, %mul3A_1683 : i32
    %add3A_1685 = vector.broadcast %mul3A_1684 : i32 to vector<16xi32>
    %add3A_1686 = arith.addi %mul3A_1682, %add3A_1685 : vector<16xi32>
    %add3A_1687 = arith.constant 112 : i32
    %add3A_1688 = vector.broadcast %add3A_1687 : i32 to vector<16xi32>
    %add3A_1689 = arith.addi %add3A_1686, %add3A_1688 : vector<16xi32>
    %add3A_1690 = arith.addi %add3A_1689, %iota3A : vector<16xi32>
    %swap3A_1691 = arith.constant 11 : i32
    %swap3A_1692 = arith.index_cast %swap3A_1691 : i32 to index
    %swap3A_1693 = arith.constant 112 : index
    %swap3A_1694 = tpu.vector_load %arg15[%swap3A_1692, %swap3A_1693] {strides = array<i32>} : memref<16x128xi32, #tpu.memory_space<vmem>>, vector<16xi32>,
    tpu.vector_store %arg15[%swap3A_1692, %swap3A_1693], %add3A_1690 {strides = array<i32>} : memref<16x128xi32, #tpu.memory_space<vmem>>, vector<16xi32>,
    %get3A_1695 = arith.constant 3072 : index
    %get3A_1696 = tpu.vector_load %arg9[%get3A_1695] {strides = array<i32>} : memref<4096xi32, #tpu.memory_space<vmem>>, vector<16xi32>,
    %mul3A_1697 = arith.constant 512 : i32
    %mul3A_1698 = vector.broadcast %mul3A_1697 : i32 to vector<16xi32>
    %mul3A_1699 = arith.muli %get3A_1696, %mul3A_1698 : vector<16xi32>
    %mul3A_1700 = arith.constant 128 : i32
    %mul3A_1701 = arith.muli %select_n3A_9, %mul3A_1700 : i32
    %add3A_1702 = vector.broadcast %mul3A_1701 : i32 to vector<16xi32>
    %add3A_1703 = arith.addi %mul3A_1699, %add3A_1702 : vector<16xi32>
    %add3A_1704 = arith.constant 0 : i32
    %add3A_1705 = vector.broadcast %add3A_1704 : i32 to vector<16xi32>
    %add3A_1706 = arith.addi %add3A_1703, %add3A_1705 : vector<16xi32>
    %add3A_1707 = arith.addi %add3A_1706, %iota3A : vector<16xi32>
    %swap3A_1708 = arith.constant 12 : i32
    %swap3A_1709 = arith.index_cast %swap3A_1708 : i32 to index
    %swap3A_1710 = arith.constant 0 : index
    %swap3A_1711 = tpu.vector_load %arg15[%swap3A_1709, %swap3A_1710] {strides = array<i32>} : memref<16x128xi32, #tpu.memory_space<vmem>>, vector<16xi32>,
    tpu.vector_store %arg15[%swap3A_1709, %swap3A_1710], %add3A_1707 {strides = array<i32>} : memref<16x128xi32, #tpu.memory_space<vmem>>, vector<16xi32>,
    %get3A_1712 = arith.constant 3088 : index
    %get3A_1713 = tpu.vector_load %arg9[%get3A_1712] {strides = array<i32>} : memref<4096xi32, #tpu.memory_space<vmem>>, vector<16xi32>,
    %mul3A_1714 = arith.constant 512 : i32
    %mul3A_1715 = vector.broadcast %mul3A_1714 : i32 to vector<16xi32>
    %mul3A_1716 = arith.muli %get3A_1713, %mul3A_1715 : vector<16xi32>
    %mul3A_1717 = arith.constant 128 : i32
    %mul3A_1718 = arith.muli %select_n3A_9, %mul3A_1717 : i32
    %add3A_1719 = vector.broadcast %mul3A_1718 : i32 to vector<16xi32>
    %add3A_1720 = arith.addi %mul3A_1716, %add3A_1719 : vector<16xi32>
    %add3A_1721 = arith.constant 16 : i32
    %add3A_1722 = vector.broadcast %add3A_1721 : i32 to vector<16xi32>
    %add3A_1723 = arith.addi %add3A_1720, %add3A_1722 : vector<16xi32>
    %add3A_1724 = arith.addi %add3A_1723, %iota3A : vector<16xi32>
    %swap3A_1725 = arith.constant 12 : i32
    %swap3A_1726 = arith.index_cast %swap3A_1725 : i32 to index
    %swap3A_1727 = arith.constant 16 : index
    %swap3A_1728 = tpu.vector_load %arg15[%swap3A_1726, %swap3A_1727] {strides = array<i32>} : memref<16x128xi32, #tpu.memory_space<vmem>>, vector<16xi32>,
    tpu.vector_store %arg15[%swap3A_1726, %swap3A_1727], %add3A_1724 {strides = array<i32>} : memref<16x128xi32, #tpu.memory_space<vmem>>, vector<16xi32>,
    %get3A_1729 = arith.constant 3104 : index
    %get3A_1730 = tpu.vector_load %arg9[%get3A_1729] {strides = array<i32>} : memref<4096xi32, #tpu.memory_space<vmem>>, vector<16xi32>,
    %mul3A_1731 = arith.constant 512 : i32
    %mul3A_1732 = vector.broadcast %mul3A_1731 : i32 to vector<16xi32>
    %mul3A_1733 = arith.muli %get3A_1730, %mul3A_1732 : vector<16xi32>
    %mul3A_1734 = arith.constant 128 : i32
    %mul3A_1735 = arith.muli %select_n3A_9, %mul3A_1734 : i32
    %add3A_1736 = vector.broadcast %mul3A_1735 : i32 to vector<16xi32>
    %add3A_1737 = arith.addi %mul3A_1733, %add3A_1736 : vector<16xi32>
    %add3A_1738 = arith.constant 32 : i32
    %add3A_1739 = vector.broadcast %add3A_1738 : i32 to vector<16xi32>
    %add3A_1740 = arith.addi %add3A_1737, %add3A_1739 : vector<16xi32>
    %add3A_1741 = arith.addi %add3A_1740, %iota3A : vector<16xi32>
    %swap3A_1742 = arith.constant 12 : i32
    %swap3A_1743 = arith.index_cast %swap3A_1742 : i32 to index
    %swap3A_1744 = arith.constant 32 : index
    %swap3A_1745 = tpu.vector_load %arg15[%swap3A_1743, %swap3A_1744] {strides = array<i32>} : memref<16x128xi32, #tpu.memory_space<vmem>>, vector<16xi32>,
    tpu.vector_store %arg15[%swap3A_1743, %swap3A_1744], %add3A_1741 {strides = array<i32>} : memref<16x128xi32, #tpu.memory_space<vmem>>, vector<16xi32>,
    %get3A_1746 = arith.constant 3120 : index
    %get3A_1747 = tpu.vector_load %arg9[%get3A_1746] {strides = array<i32>} : memref<4096xi32, #tpu.memory_space<vmem>>, vector<16xi32>,
    %mul3A_1748 = arith.constant 512 : i32
    %mul3A_1749 = vector.broadcast %mul3A_1748 : i32 to vector<16xi32>
    %mul3A_1750 = arith.muli %get3A_1747, %mul3A_1749 : vector<16xi32>
    %mul3A_1751 = arith.constant 128 : i32
    %mul3A_1752 = arith.muli %select_n3A_9, %mul3A_1751 : i32
    %add3A_1753 = vector.broadcast %mul3A_1752 : i32 to vector<16xi32>
    %add3A_1754 = arith.addi %mul3A_1750, %add3A_1753 : vector<16xi32>
    %add3A_1755 = arith.constant 48 : i32
    %add3A_1756 = vector.broadcast %add3A_1755 : i32 to vector<16xi32>
    %add3A_1757 = arith.addi %add3A_1754, %add3A_1756 : vector<16xi32>
    %add3A_1758 = arith.addi %add3A_1757, %iota3A : vector<16xi32>
    %swap3A_1759 = arith.constant 12 : i32
    %swap3A_1760 = arith.index_cast %swap3A_1759 : i32 to index
    %swap3A_1761 = arith.constant 48 : index
    %swap3A_1762 = tpu.vector_load %arg15[%swap3A_1760, %swap3A_1761] {strides = array<i32>} : memref<16x128xi32, #tpu.memory_space<vmem>>, vector<16xi32>,
    tpu.vector_store %arg15[%swap3A_1760, %swap3A_1761], %add3A_1758 {strides = array<i32>} : memref<16x128xi32, #tpu.memory_space<vmem>>, vector<16xi32>,
    %get3A_1763 = arith.constant 3136 : index
    %get3A_1764 = tpu.vector_load %arg9[%get3A_1763] {strides = array<i32>} : memref<4096xi32, #tpu.memory_space<vmem>>, vector<16xi32>,
    %mul3A_1765 = arith.constant 512 : i32
    %mul3A_1766 = vector.broadcast %mul3A_1765 : i32 to vector<16xi32>
    %mul3A_1767 = arith.muli %get3A_1764, %mul3A_1766 : vector<16xi32>
    %mul3A_1768 = arith.constant 128 : i32
    %mul3A_1769 = arith.muli %select_n3A_9, %mul3A_1768 : i32
    %add3A_1770 = vector.broadcast %mul3A_1769 : i32 to vector<16xi32>
    %add3A_1771 = arith.addi %mul3A_1767, %add3A_1770 : vector<16xi32>
    %add3A_1772 = arith.constant 64 : i32
    %add3A_1773 = vector.broadcast %add3A_1772 : i32 to vector<16xi32>
    %add3A_1774 = arith.addi %add3A_1771, %add3A_1773 : vector<16xi32>
    %add3A_1775 = arith.addi %add3A_1774, %iota3A : vector<16xi32>
    %swap3A_1776 = arith.constant 12 : i32
    %swap3A_1777 = arith.index_cast %swap3A_1776 : i32 to index
    %swap3A_1778 = arith.constant 64 : index
    %swap3A_1779 = tpu.vector_load %arg15[%swap3A_1777, %swap3A_1778] {strides = array<i32>} : memref<16x128xi32, #tpu.memory_space<vmem>>, vector<16xi32>,
    tpu.vector_store %arg15[%swap3A_1777, %swap3A_1778], %add3A_1775 {strides = array<i32>} : memref<16x128xi32, #tpu.memory_space<vmem>>, vector<16xi32>,
    %get3A_1780 = arith.constant 3152 : index
    %get3A_1781 = tpu.vector_load %arg9[%get3A_1780] {strides = array<i32>} : memref<4096xi32, #tpu.memory_space<vmem>>, vector<16xi32>,
    %mul3A_1782 = arith.constant 512 : i32
    %mul3A_1783 = vector.broadcast %mul3A_1782 : i32 to vector<16xi32>
    %mul3A_1784 = arith.muli %get3A_1781, %mul3A_1783 : vector<16xi32>
    %mul3A_1785 = arith.constant 128 : i32
    %mul3A_1786 = arith.muli %select_n3A_9, %mul3A_1785 : i32
    %add3A_1787 = vector.broadcast %mul3A_1786 : i32 to vector<16xi32>
    %add3A_1788 = arith.addi %mul3A_1784, %add3A_1787 : vector<16xi32>
    %add3A_1789 = arith.constant 80 : i32
    %add3A_1790 = vector.broadcast %add3A_1789 : i32 to vector<16xi32>
    %add3A_1791 = arith.addi %add3A_1788, %add3A_1790 : vector<16xi32>
    %add3A_1792 = arith.addi %add3A_1791, %iota3A : vector<16xi32>
    %swap3A_1793 = arith.constant 12 : i32
    %swap3A_1794 = arith.index_cast %swap3A_1793 : i32 to index
    %swap3A_1795 = arith.constant 80 : index
    %swap3A_1796 = tpu.vector_load %arg15[%swap3A_1794, %swap3A_1795] {strides = array<i32>} : memref<16x128xi32, #tpu.memory_space<vmem>>, vector<16xi32>,
    tpu.vector_store %arg15[%swap3A_1794, %swap3A_1795], %add3A_1792 {strides = array<i32>} : memref<16x128xi32, #tpu.memory_space<vmem>>, vector<16xi32>,
    %get3A_1797 = arith.constant 3168 : index
    %get3A_1798 = tpu.vector_load %arg9[%get3A_1797] {strides = array<i32>} : memref<4096xi32, #tpu.memory_space<vmem>>, vector<16xi32>,
    %mul3A_1799 = arith.constant 512 : i32
    %mul3A_1800 = vector.broadcast %mul3A_1799 : i32 to vector<16xi32>
    %mul3A_1801 = arith.muli %get3A_1798, %mul3A_1800 : vector<16xi32>
    %mul3A_1802 = arith.constant 128 : i32
    %mul3A_1803 = arith.muli %select_n3A_9, %mul3A_1802 : i32
    %add3A_1804 = vector.broadcast %mul3A_1803 : i32 to vector<16xi32>
    %add3A_1805 = arith.addi %mul3A_1801, %add3A_1804 : vector<16xi32>
    %add3A_1806 = arith.constant 96 : i32
    %add3A_1807 = vector.broadcast %add3A_1806 : i32 to vector<16xi32>
    %add3A_1808 = arith.addi %add3A_1805, %add3A_1807 : vector<16xi32>
    %add3A_1809 = arith.addi %add3A_1808, %iota3A : vector<16xi32>
    %swap3A_1810 = arith.constant 12 : i32
    %swap3A_1811 = arith.index_cast %swap3A_1810 : i32 to index
    %swap3A_1812 = arith.constant 96 : index
    %swap3A_1813 = tpu.vector_load %arg15[%swap3A_1811, %swap3A_1812] {strides = array<i32>} : memref<16x128xi32, #tpu.memory_space<vmem>>, vector<16xi32>,
    tpu.vector_store %arg15[%swap3A_1811, %swap3A_1812], %add3A_1809 {strides = array<i32>} : memref<16x128xi32, #tpu.memory_space<vmem>>, vector<16xi32>,
    %get3A_1814 = arith.constant 3184 : index
    %get3A_1815 = tpu.vector_load %arg9[%get3A_1814] {strides = array<i32>} : memref<4096xi32, #tpu.memory_space<vmem>>, vector<16xi32>,
    %mul3A_1816 = arith.constant 512 : i32
    %mul3A_1817 = vector.broadcast %mul3A_1816 : i32 to vector<16xi32>
    %mul3A_1818 = arith.muli %get3A_1815, %mul3A_1817 : vector<16xi32>
    %mul3A_1819 = arith.constant 128 : i32
    %mul3A_1820 = arith.muli %select_n3A_9, %mul3A_1819 : i32
    %add3A_1821 = vector.broadcast %mul3A_1820 : i32 to vector<16xi32>
    %add3A_1822 = arith.addi %mul3A_1818, %add3A_1821 : vector<16xi32>
    %add3A_1823 = arith.constant 112 : i32
    %add3A_1824 = vector.broadcast %add3A_1823 : i32 to vector<16xi32>
    %add3A_1825 = arith.addi %add3A_1822, %add3A_1824 : vector<16xi32>
    %add3A_1826 = arith.addi %add3A_1825, %iota3A : vector<16xi32>
    %swap3A_1827 = arith.constant 12 : i32
    %swap3A_1828 = arith.index_cast %swap3A_1827 : i32 to index
    %swap3A_1829 = arith.constant 112 : index
    %swap3A_1830 = tpu.vector_load %arg15[%swap3A_1828, %swap3A_1829] {strides = array<i32>} : memref<16x128xi32, #tpu.memory_space<vmem>>, vector<16xi32>,
    tpu.vector_store %arg15[%swap3A_1828, %swap3A_1829], %add3A_1826 {strides = array<i32>} : memref<16x128xi32, #tpu.memory_space<vmem>>, vector<16xi32>,
    %get3A_1831 = arith.constant 3328 : index
    %get3A_1832 = tpu.vector_load %arg9[%get3A_1831] {strides = array<i32>} : memref<4096xi32, #tpu.memory_space<vmem>>, vector<16xi32>,
    %mul3A_1833 = arith.constant 512 : i32
    %mul3A_1834 = vector.broadcast %mul3A_1833 : i32 to vector<16xi32>
    %mul3A_1835 = arith.muli %get3A_1832, %mul3A_1834 : vector<16xi32>
    %mul3A_1836 = arith.constant 128 : i32
    %mul3A_1837 = arith.muli %select_n3A_9, %mul3A_1836 : i32
    %add3A_1838 = vector.broadcast %mul3A_1837 : i32 to vector<16xi32>
    %add3A_1839 = arith.addi %mul3A_1835, %add3A_1838 : vector<16xi32>
    %add3A_1840 = arith.constant 0 : i32
    %add3A_1841 = vector.broadcast %add3A_1840 : i32 to vector<16xi32>
    %add3A_1842 = arith.addi %add3A_1839, %add3A_1841 : vector<16xi32>
    %add3A_1843 = arith.addi %add3A_1842, %iota3A : vector<16xi32>
    %swap3A_1844 = arith.constant 13 : i32
    %swap3A_1845 = arith.index_cast %swap3A_1844 : i32 to index
    %swap3A_1846 = arith.constant 0 : index
    %swap3A_1847 = tpu.vector_load %arg15[%swap3A_1845, %swap3A_1846] {strides = array<i32>} : memref<16x128xi32, #tpu.memory_space<vmem>>, vector<16xi32>,
    tpu.vector_store %arg15[%swap3A_1845, %swap3A_1846], %add3A_1843 {strides = array<i32>} : memref<16x128xi32, #tpu.memory_space<vmem>>, vector<16xi32>,
    %get3A_1848 = arith.constant 3344 : index
    %get3A_1849 = tpu.vector_load %arg9[%get3A_1848] {strides = array<i32>} : memref<4096xi32, #tpu.memory_space<vmem>>, vector<16xi32>,
    %mul3A_1850 = arith.constant 512 : i32
    %mul3A_1851 = vector.broadcast %mul3A_1850 : i32 to vector<16xi32>
    %mul3A_1852 = arith.muli %get3A_1849, %mul3A_1851 : vector<16xi32>
    %mul3A_1853 = arith.constant 128 : i32
    %mul3A_1854 = arith.muli %select_n3A_9, %mul3A_1853 : i32
    %add3A_1855 = vector.broadcast %mul3A_1854 : i32 to vector<16xi32>
    %add3A_1856 = arith.addi %mul3A_1852, %add3A_1855 : vector<16xi32>
    %add3A_1857 = arith.constant 16 : i32
    %add3A_1858 = vector.broadcast %add3A_1857 : i32 to vector<16xi32>
    %add3A_1859 = arith.addi %add3A_1856, %add3A_1858 : vector<16xi32>
    %add3A_1860 = arith.addi %add3A_1859, %iota3A : vector<16xi32>
    %swap3A_1861 = arith.constant 13 : i32
    %swap3A_1862 = arith.index_cast %swap3A_1861 : i32 to index
    %swap3A_1863 = arith.constant 16 : index
    %swap3A_1864 = tpu.vector_load %arg15[%swap3A_1862, %swap3A_1863] {strides = array<i32>} : memref<16x128xi32, #tpu.memory_space<vmem>>, vector<16xi32>,
    tpu.vector_store %arg15[%swap3A_1862, %swap3A_1863], %add3A_1860 {strides = array<i32>} : memref<16x128xi32, #tpu.memory_space<vmem>>, vector<16xi32>,
    %get3A_1865 = arith.constant 3360 : index
    %get3A_1866 = tpu.vector_load %arg9[%get3A_1865] {strides = array<i32>} : memref<4096xi32, #tpu.memory_space<vmem>>, vector<16xi32>,
    %mul3A_1867 = arith.constant 512 : i32
    %mul3A_1868 = vector.broadcast %mul3A_1867 : i32 to vector<16xi32>
    %mul3A_1869 = arith.muli %get3A_1866, %mul3A_1868 : vector<16xi32>
    %mul3A_1870 = arith.constant 128 : i32
    %mul3A_1871 = arith.muli %select_n3A_9, %mul3A_1870 : i32
    %add3A_1872 = vector.broadcast %mul3A_1871 : i32 to vector<16xi32>
    %add3A_1873 = arith.addi %mul3A_1869, %add3A_1872 : vector<16xi32>
    %add3A_1874 = arith.constant 32 : i32
    %add3A_1875 = vector.broadcast %add3A_1874 : i32 to vector<16xi32>
    %add3A_1876 = arith.addi %add3A_1873, %add3A_1875 : vector<16xi32>
    %add3A_1877 = arith.addi %add3A_1876, %iota3A : vector<16xi32>
    %swap3A_1878 = arith.constant 13 : i32
    %swap3A_1879 = arith.index_cast %swap3A_1878 : i32 to index
    %swap3A_1880 = arith.constant 32 : index
    %swap3A_1881 = tpu.vector_load %arg15[%swap3A_1879, %swap3A_1880] {strides = array<i32>} : memref<16x128xi32, #tpu.memory_space<vmem>>, vector<16xi32>,
    tpu.vector_store %arg15[%swap3A_1879, %swap3A_1880], %add3A_1877 {strides = array<i32>} : memref<16x128xi32, #tpu.memory_space<vmem>>, vector<16xi32>,
    %get3A_1882 = arith.constant 3376 : index
    %get3A_1883 = tpu.vector_load %arg9[%get3A_1882] {strides = array<i32>} : memref<4096xi32, #tpu.memory_space<vmem>>, vector<16xi32>,
    %mul3A_1884 = arith.constant 512 : i32
    %mul3A_1885 = vector.broadcast %mul3A_1884 : i32 to vector<16xi32>
    %mul3A_1886 = arith.muli %get3A_1883, %mul3A_1885 : vector<16xi32>
    %mul3A_1887 = arith.constant 128 : i32
    %mul3A_1888 = arith.muli %select_n3A_9, %mul3A_1887 : i32
    %add3A_1889 = vector.broadcast %mul3A_1888 : i32 to vector<16xi32>
    %add3A_1890 = arith.addi %mul3A_1886, %add3A_1889 : vector<16xi32>
    %add3A_1891 = arith.constant 48 : i32
    %add3A_1892 = vector.broadcast %add3A_1891 : i32 to vector<16xi32>
    %add3A_1893 = arith.addi %add3A_1890, %add3A_1892 : vector<16xi32>
    %add3A_1894 = arith.addi %add3A_1893, %iota3A : vector<16xi32>
    %swap3A_1895 = arith.constant 13 : i32
    %swap3A_1896 = arith.index_cast %swap3A_1895 : i32 to index
    %swap3A_1897 = arith.constant 48 : index
    %swap3A_1898 = tpu.vector_load %arg15[%swap3A_1896, %swap3A_1897] {strides = array<i32>} : memref<16x128xi32, #tpu.memory_space<vmem>>, vector<16xi32>,
    tpu.vector_store %arg15[%swap3A_1896, %swap3A_1897], %add3A_1894 {strides = array<i32>} : memref<16x128xi32, #tpu.memory_space<vmem>>, vector<16xi32>,
    %get3A_1899 = arith.constant 3392 : index
    %get3A_1900 = tpu.vector_load %arg9[%get3A_1899] {strides = array<i32>} : memref<4096xi32, #tpu.memory_space<vmem>>, vector<16xi32>,
    %mul3A_1901 = arith.constant 512 : i32
    %mul3A_1902 = vector.broadcast %mul3A_1901 : i32 to vector<16xi32>
    %mul3A_1903 = arith.muli %get3A_1900, %mul3A_1902 : vector<16xi32>
    %mul3A_1904 = arith.constant 128 : i32
    %mul3A_1905 = arith.muli %select_n3A_9, %mul3A_1904 : i32
    %add3A_1906 = vector.broadcast %mul3A_1905 : i32 to vector<16xi32>
    %add3A_1907 = arith.addi %mul3A_1903, %add3A_1906 : vector<16xi32>
    %add3A_1908 = arith.constant 64 : i32
    %add3A_1909 = vector.broadcast %add3A_1908 : i32 to vector<16xi32>
    %add3A_1910 = arith.addi %add3A_1907, %add3A_1909 : vector<16xi32>
    %add3A_1911 = arith.addi %add3A_1910, %iota3A : vector<16xi32>
    %swap3A_1912 = arith.constant 13 : i32
    %swap3A_1913 = arith.index_cast %swap3A_1912 : i32 to index
    %swap3A_1914 = arith.constant 64 : index
    %swap3A_1915 = tpu.vector_load %arg15[%swap3A_1913, %swap3A_1914] {strides = array<i32>} : memref<16x128xi32, #tpu.memory_space<vmem>>, vector<16xi32>,
    tpu.vector_store %arg15[%swap3A_1913, %swap3A_1914], %add3A_1911 {strides = array<i32>} : memref<16x128xi32, #tpu.memory_space<vmem>>, vector<16xi32>,
    %get3A_1916 = arith.constant 3408 : index
    %get3A_1917 = tpu.vector_load %arg9[%get3A_1916] {strides = array<i32>} : memref<4096xi32, #tpu.memory_space<vmem>>, vector<16xi32>,
    %mul3A_1918 = arith.constant 512 : i32
    %mul3A_1919 = vector.broadcast %mul3A_1918 : i32 to vector<16xi32>
    %mul3A_1920 = arith.muli %get3A_1917, %mul3A_1919 : vector<16xi32>
    %mul3A_1921 = arith.constant 128 : i32
    %mul3A_1922 = arith.muli %select_n3A_9, %mul3A_1921 : i32
    %add3A_1923 = vector.broadcast %mul3A_1922 : i32 to vector<16xi32>
    %add3A_1924 = arith.addi %mul3A_1920, %add3A_1923 : vector<16xi32>
    %add3A_1925 = arith.constant 80 : i32
    %add3A_1926 = vector.broadcast %add3A_1925 : i32 to vector<16xi32>
    %add3A_1927 = arith.addi %add3A_1924, %add3A_1926 : vector<16xi32>
    %add3A_1928 = arith.addi %add3A_1927, %iota3A : vector<16xi32>
    %swap3A_1929 = arith.constant 13 : i32
    %swap3A_1930 = arith.index_cast %swap3A_1929 : i32 to index
    %swap3A_1931 = arith.constant 80 : index
    %swap3A_1932 = tpu.vector_load %arg15[%swap3A_1930, %swap3A_1931] {strides = array<i32>} : memref<16x128xi32, #tpu.memory_space<vmem>>, vector<16xi32>,
    tpu.vector_store %arg15[%swap3A_1930, %swap3A_1931], %add3A_1928 {strides = array<i32>} : memref<16x128xi32, #tpu.memory_space<vmem>>, vector<16xi32>,
    %get3A_1933 = arith.constant 3424 : index
    %get3A_1934 = tpu.vector_load %arg9[%get3A_1933] {strides = array<i32>} : memref<4096xi32, #tpu.memory_space<vmem>>, vector<16xi32>,
    %mul3A_1935 = arith.constant 512 : i32
    %mul3A_1936 = vector.broadcast %mul3A_1935 : i32 to vector<16xi32>
    %mul3A_1937 = arith.muli %get3A_1934, %mul3A_1936 : vector<16xi32>
    %mul3A_1938 = arith.constant 128 : i32
    %mul3A_1939 = arith.muli %select_n3A_9, %mul3A_1938 : i32
    %add3A_1940 = vector.broadcast %mul3A_1939 : i32 to vector<16xi32>
    %add3A_1941 = arith.addi %mul3A_1937, %add3A_1940 : vector<16xi32>
    %add3A_1942 = arith.constant 96 : i32
    %add3A_1943 = vector.broadcast %add3A_1942 : i32 to vector<16xi32>
    %add3A_1944 = arith.addi %add3A_1941, %add3A_1943 : vector<16xi32>
    %add3A_1945 = arith.addi %add3A_1944, %iota3A : vector<16xi32>
    %swap3A_1946 = arith.constant 13 : i32
    %swap3A_1947 = arith.index_cast %swap3A_1946 : i32 to index
    %swap3A_1948 = arith.constant 96 : index
    %swap3A_1949 = tpu.vector_load %arg15[%swap3A_1947, %swap3A_1948] {strides = array<i32>} : memref<16x128xi32, #tpu.memory_space<vmem>>, vector<16xi32>,
    tpu.vector_store %arg15[%swap3A_1947, %swap3A_1948], %add3A_1945 {strides = array<i32>} : memref<16x128xi32, #tpu.memory_space<vmem>>, vector<16xi32>,
    %get3A_1950 = arith.constant 3440 : index
    %get3A_1951 = tpu.vector_load %arg9[%get3A_1950] {strides = array<i32>} : memref<4096xi32, #tpu.memory_space<vmem>>, vector<16xi32>,
    %mul3A_1952 = arith.constant 512 : i32
    %mul3A_1953 = vector.broadcast %mul3A_1952 : i32 to vector<16xi32>
    %mul3A_1954 = arith.muli %get3A_1951, %mul3A_1953 : vector<16xi32>
    %mul3A_1955 = arith.constant 128 : i32
    %mul3A_1956 = arith.muli %select_n3A_9, %mul3A_1955 : i32
    %add3A_1957 = vector.broadcast %mul3A_1956 : i32 to vector<16xi32>
    %add3A_1958 = arith.addi %mul3A_1954, %add3A_1957 : vector<16xi32>
    %add3A_1959 = arith.constant 112 : i32
    %add3A_1960 = vector.broadcast %add3A_1959 : i32 to vector<16xi32>
    %add3A_1961 = arith.addi %add3A_1958, %add3A_1960 : vector<16xi32>
    %add3A_1962 = arith.addi %add3A_1961, %iota3A : vector<16xi32>
    %swap3A_1963 = arith.constant 13 : i32
    %swap3A_1964 = arith.index_cast %swap3A_1963 : i32 to index
    %swap3A_1965 = arith.constant 112 : index
    %swap3A_1966 = tpu.vector_load %arg15[%swap3A_1964, %swap3A_1965] {strides = array<i32>} : memref<16x128xi32, #tpu.memory_space<vmem>>, vector<16xi32>,
    tpu.vector_store %arg15[%swap3A_1964, %swap3A_1965], %add3A_1962 {strides = array<i32>} : memref<16x128xi32, #tpu.memory_space<vmem>>, vector<16xi32>,
    %get3A_1967 = arith.constant 3584 : index
    %get3A_1968 = tpu.vector_load %arg9[%get3A_1967] {strides = array<i32>} : memref<4096xi32, #tpu.memory_space<vmem>>, vector<16xi32>,
    %mul3A_1969 = arith.constant 512 : i32
    %mul3A_1970 = vector.broadcast %mul3A_1969 : i32 to vector<16xi32>
    %mul3A_1971 = arith.muli %get3A_1968, %mul3A_1970 : vector<16xi32>
    %mul3A_1972 = arith.constant 128 : i32
    %mul3A_1973 = arith.muli %select_n3A_9, %mul3A_1972 : i32
    %add3A_1974 = vector.broadcast %mul3A_1973 : i32 to vector<16xi32>
    %add3A_1975 = arith.addi %mul3A_1971, %add3A_1974 : vector<16xi32>
    %add3A_1976 = arith.constant 0 : i32
    %add3A_1977 = vector.broadcast %add3A_1976 : i32 to vector<16xi32>
    %add3A_1978 = arith.addi %add3A_1975, %add3A_1977 : vector<16xi32>
    %add3A_1979 = arith.addi %add3A_1978, %iota3A : vector<16xi32>
    %swap3A_1980 = arith.constant 14 : i32
    %swap3A_1981 = arith.index_cast %swap3A_1980 : i32 to index
    %swap3A_1982 = arith.constant 0 : index
    %swap3A_1983 = tpu.vector_load %arg15[%swap3A_1981, %swap3A_1982] {strides = array<i32>} : memref<16x128xi32, #tpu.memory_space<vmem>>, vector<16xi32>,
    tpu.vector_store %arg15[%swap3A_1981, %swap3A_1982], %add3A_1979 {strides = array<i32>} : memref<16x128xi32, #tpu.memory_space<vmem>>, vector<16xi32>,
    %get3A_1984 = arith.constant 3600 : index
    %get3A_1985 = tpu.vector_load %arg9[%get3A_1984] {strides = array<i32>} : memref<4096xi32, #tpu.memory_space<vmem>>, vector<16xi32>,
    %mul3A_1986 = arith.constant 512 : i32
    %mul3A_1987 = vector.broadcast %mul3A_1986 : i32 to vector<16xi32>
    %mul3A_1988 = arith.muli %get3A_1985, %mul3A_1987 : vector<16xi32>
    %mul3A_1989 = arith.constant 128 : i32
    %mul3A_1990 = arith.muli %select_n3A_9, %mul3A_1989 : i32
    %add3A_1991 = vector.broadcast %mul3A_1990 : i32 to vector<16xi32>
    %add3A_1992 = arith.addi %mul3A_1988, %add3A_1991 : vector<16xi32>
    %add3A_1993 = arith.constant 16 : i32
    %add3A_1994 = vector.broadcast %add3A_1993 : i32 to vector<16xi32>
    %add3A_1995 = arith.addi %add3A_1992, %add3A_1994 : vector<16xi32>
    %add3A_1996 = arith.addi %add3A_1995, %iota3A : vector<16xi32>
    %swap3A_1997 = arith.constant 14 : i32
    %swap3A_1998 = arith.index_cast %swap3A_1997 : i32 to index
    %swap3A_1999 = arith.constant 16 : index
    %swap3A_2000 = tpu.vector_load %arg15[%swap3A_1998, %swap3A_1999] {strides = array<i32>} : memref<16x128xi32, #tpu.memory_space<vmem>>, vector<16xi32>,
    tpu.vector_store %arg15[%swap3A_1998, %swap3A_1999], %add3A_1996 {strides = array<i32>} : memref<16x128xi32, #tpu.memory_space<vmem>>, vector<16xi32>,
    %get3A_2001 = arith.constant 3616 : index
    %get3A_2002 = tpu.vector_load %arg9[%get3A_2001] {strides = array<i32>} : memref<4096xi32, #tpu.memory_space<vmem>>, vector<16xi32>,
    %mul3A_2003 = arith.constant 512 : i32
    %mul3A_2004 = vector.broadcast %mul3A_2003 : i32 to vector<16xi32>
    %mul3A_2005 = arith.muli %get3A_2002, %mul3A_2004 : vector<16xi32>
    %mul3A_2006 = arith.constant 128 : i32
    %mul3A_2007 = arith.muli %select_n3A_9, %mul3A_2006 : i32
    %add3A_2008 = vector.broadcast %mul3A_2007 : i32 to vector<16xi32>
    %add3A_2009 = arith.addi %mul3A_2005, %add3A_2008 : vector<16xi32>
    %add3A_2010 = arith.constant 32 : i32
    %add3A_2011 = vector.broadcast %add3A_2010 : i32 to vector<16xi32>
    %add3A_2012 = arith.addi %add3A_2009, %add3A_2011 : vector<16xi32>
    %add3A_2013 = arith.addi %add3A_2012, %iota3A : vector<16xi32>
    %swap3A_2014 = arith.constant 14 : i32
    %swap3A_2015 = arith.index_cast %swap3A_2014 : i32 to index
    %swap3A_2016 = arith.constant 32 : index
    %swap3A_2017 = tpu.vector_load %arg15[%swap3A_2015, %swap3A_2016] {strides = array<i32>} : memref<16x128xi32, #tpu.memory_space<vmem>>, vector<16xi32>,
    tpu.vector_store %arg15[%swap3A_2015, %swap3A_2016], %add3A_2013 {strides = array<i32>} : memref<16x128xi32, #tpu.memory_space<vmem>>, vector<16xi32>,
    %get3A_2018 = arith.constant 3632 : index
    %get3A_2019 = tpu.vector_load %arg9[%get3A_2018] {strides = array<i32>} : memref<4096xi32, #tpu.memory_space<vmem>>, vector<16xi32>,
    %mul3A_2020 = arith.constant 512 : i32
    %mul3A_2021 = vector.broadcast %mul3A_2020 : i32 to vector<16xi32>
    %mul3A_2022 = arith.muli %get3A_2019, %mul3A_2021 : vector<16xi32>
    %mul3A_2023 = arith.constant 128 : i32
    %mul3A_2024 = arith.muli %select_n3A_9, %mul3A_2023 : i32
    %add3A_2025 = vector.broadcast %mul3A_2024 : i32 to vector<16xi32>
    %add3A_2026 = arith.addi %mul3A_2022, %add3A_2025 : vector<16xi32>
    %add3A_2027 = arith.constant 48 : i32
    %add3A_2028 = vector.broadcast %add3A_2027 : i32 to vector<16xi32>
    %add3A_2029 = arith.addi %add3A_2026, %add3A_2028 : vector<16xi32>
    %add3A_2030 = arith.addi %add3A_2029, %iota3A : vector<16xi32>
    %swap3A_2031 = arith.constant 14 : i32
    %swap3A_2032 = arith.index_cast %swap3A_2031 : i32 to index
    %swap3A_2033 = arith.constant 48 : index
    %swap3A_2034 = tpu.vector_load %arg15[%swap3A_2032, %swap3A_2033] {strides = array<i32>} : memref<16x128xi32, #tpu.memory_space<vmem>>, vector<16xi32>,
    tpu.vector_store %arg15[%swap3A_2032, %swap3A_2033], %add3A_2030 {strides = array<i32>} : memref<16x128xi32, #tpu.memory_space<vmem>>, vector<16xi32>,
    %get3A_2035 = arith.constant 3648 : index
    %get3A_2036 = tpu.vector_load %arg9[%get3A_2035] {strides = array<i32>} : memref<4096xi32, #tpu.memory_space<vmem>>, vector<16xi32>,
    %mul3A_2037 = arith.constant 512 : i32
    %mul3A_2038 = vector.broadcast %mul3A_2037 : i32 to vector<16xi32>
    %mul3A_2039 = arith.muli %get3A_2036, %mul3A_2038 : vector<16xi32>
    %mul3A_2040 = arith.constant 128 : i32
    %mul3A_2041 = arith.muli %select_n3A_9, %mul3A_2040 : i32
    %add3A_2042 = vector.broadcast %mul3A_2041 : i32 to vector<16xi32>
    %add3A_2043 = arith.addi %mul3A_2039, %add3A_2042 : vector<16xi32>
    %add3A_2044 = arith.constant 64 : i32
    %add3A_2045 = vector.broadcast %add3A_2044 : i32 to vector<16xi32>
    %add3A_2046 = arith.addi %add3A_2043, %add3A_2045 : vector<16xi32>
    %add3A_2047 = arith.addi %add3A_2046, %iota3A : vector<16xi32>
    %swap3A_2048 = arith.constant 14 : i32
    %swap3A_2049 = arith.index_cast %swap3A_2048 : i32 to index
    %swap3A_2050 = arith.constant 64 : index
    %swap3A_2051 = tpu.vector_load %arg15[%swap3A_2049, %swap3A_2050] {strides = array<i32>} : memref<16x128xi32, #tpu.memory_space<vmem>>, vector<16xi32>,
    tpu.vector_store %arg15[%swap3A_2049, %swap3A_2050], %add3A_2047 {strides = array<i32>} : memref<16x128xi32, #tpu.memory_space<vmem>>, vector<16xi32>,
    %get3A_2052 = arith.constant 3664 : index
    %get3A_2053 = tpu.vector_load %arg9[%get3A_2052] {strides = array<i32>} : memref<4096xi32, #tpu.memory_space<vmem>>, vector<16xi32>,
    %mul3A_2054 = arith.constant 512 : i32
    %mul3A_2055 = vector.broadcast %mul3A_2054 : i32 to vector<16xi32>
    %mul3A_2056 = arith.muli %get3A_2053, %mul3A_2055 : vector<16xi32>
    %mul3A_2057 = arith.constant 128 : i32
    %mul3A_2058 = arith.muli %select_n3A_9, %mul3A_2057 : i32
    %add3A_2059 = vector.broadcast %mul3A_2058 : i32 to vector<16xi32>
    %add3A_2060 = arith.addi %mul3A_2056, %add3A_2059 : vector<16xi32>
    %add3A_2061 = arith.constant 80 : i32
    %add3A_2062 = vector.broadcast %add3A_2061 : i32 to vector<16xi32>
    %add3A_2063 = arith.addi %add3A_2060, %add3A_2062 : vector<16xi32>
    %add3A_2064 = arith.addi %add3A_2063, %iota3A : vector<16xi32>
    %swap3A_2065 = arith.constant 14 : i32
    %swap3A_2066 = arith.index_cast %swap3A_2065 : i32 to index
    %swap3A_2067 = arith.constant 80 : index
    %swap3A_2068 = tpu.vector_load %arg15[%swap3A_2066, %swap3A_2067] {strides = array<i32>} : memref<16x128xi32, #tpu.memory_space<vmem>>, vector<16xi32>,
    tpu.vector_store %arg15[%swap3A_2066, %swap3A_2067], %add3A_2064 {strides = array<i32>} : memref<16x128xi32, #tpu.memory_space<vmem>>, vector<16xi32>,
    %get3A_2069 = arith.constant 3680 : index
    %get3A_2070 = tpu.vector_load %arg9[%get3A_2069] {strides = array<i32>} : memref<4096xi32, #tpu.memory_space<vmem>>, vector<16xi32>,
    %mul3A_2071 = arith.constant 512 : i32
    %mul3A_2072 = vector.broadcast %mul3A_2071 : i32 to vector<16xi32>
    %mul3A_2073 = arith.muli %get3A_2070, %mul3A_2072 : vector<16xi32>
    %mul3A_2074 = arith.constant 128 : i32
    %mul3A_2075 = arith.muli %select_n3A_9, %mul3A_2074 : i32
    %add3A_2076 = vector.broadcast %mul3A_2075 : i32 to vector<16xi32>
    %add3A_2077 = arith.addi %mul3A_2073, %add3A_2076 : vector<16xi32>
    %add3A_2078 = arith.constant 96 : i32
    %add3A_2079 = vector.broadcast %add3A_2078 : i32 to vector<16xi32>
    %add3A_2080 = arith.addi %add3A_2077, %add3A_2079 : vector<16xi32>
    %add3A_2081 = arith.addi %add3A_2080, %iota3A : vector<16xi32>
    %swap3A_2082 = arith.constant 14 : i32
    %swap3A_2083 = arith.index_cast %swap3A_2082 : i32 to index
    %swap3A_2084 = arith.constant 96 : index
    %swap3A_2085 = tpu.vector_load %arg15[%swap3A_2083, %swap3A_2084] {strides = array<i32>} : memref<16x128xi32, #tpu.memory_space<vmem>>, vector<16xi32>,
    tpu.vector_store %arg15[%swap3A_2083, %swap3A_2084], %add3A_2081 {strides = array<i32>} : memref<16x128xi32, #tpu.memory_space<vmem>>, vector<16xi32>,
    %get3A_2086 = arith.constant 3696 : index
    %get3A_2087 = tpu.vector_load %arg9[%get3A_2086] {strides = array<i32>} : memref<4096xi32, #tpu.memory_space<vmem>>, vector<16xi32>,
    %mul3A_2088 = arith.constant 512 : i32
    %mul3A_2089 = vector.broadcast %mul3A_2088 : i32 to vector<16xi32>
    %mul3A_2090 = arith.muli %get3A_2087, %mul3A_2089 : vector<16xi32>
    %mul3A_2091 = arith.constant 128 : i32
    %mul3A_2092 = arith.muli %select_n3A_9, %mul3A_2091 : i32
    %add3A_2093 = vector.broadcast %mul3A_2092 : i32 to vector<16xi32>
    %add3A_2094 = arith.addi %mul3A_2090, %add3A_2093 : vector<16xi32>
    %add3A_2095 = arith.constant 112 : i32
    %add3A_2096 = vector.broadcast %add3A_2095 : i32 to vector<16xi32>
    %add3A_2097 = arith.addi %add3A_2094, %add3A_2096 : vector<16xi32>
    %add3A_2098 = arith.addi %add3A_2097, %iota3A : vector<16xi32>
    %swap3A_2099 = arith.constant 14 : i32
    %swap3A_2100 = arith.index_cast %swap3A_2099 : i32 to index
    %swap3A_2101 = arith.constant 112 : index
    %swap3A_2102 = tpu.vector_load %arg15[%swap3A_2100, %swap3A_2101] {strides = array<i32>} : memref<16x128xi32, #tpu.memory_space<vmem>>, vector<16xi32>,
    tpu.vector_store %arg15[%swap3A_2100, %swap3A_2101], %add3A_2098 {strides = array<i32>} : memref<16x128xi32, #tpu.memory_space<vmem>>, vector<16xi32>,
    %get3A_2103 = arith.constant 3840 : index
    %get3A_2104 = tpu.vector_load %arg9[%get3A_2103] {strides = array<i32>} : memref<4096xi32, #tpu.memory_space<vmem>>, vector<16xi32>,
    %mul3A_2105 = arith.constant 512 : i32
    %mul3A_2106 = vector.broadcast %mul3A_2105 : i32 to vector<16xi32>
    %mul3A_2107 = arith.muli %get3A_2104, %mul3A_2106 : vector<16xi32>
    %mul3A_2108 = arith.constant 128 : i32
    %mul3A_2109 = arith.muli %select_n3A_9, %mul3A_2108 : i32
    %add3A_2110 = vector.broadcast %mul3A_2109 : i32 to vector<16xi32>
    %add3A_2111 = arith.addi %mul3A_2107, %add3A_2110 : vector<16xi32>
    %add3A_2112 = arith.constant 0 : i32
    %add3A_2113 = vector.broadcast %add3A_2112 : i32 to vector<16xi32>
    %add3A_2114 = arith.addi %add3A_2111, %add3A_2113 : vector<16xi32>
    %add3A_2115 = arith.addi %add3A_2114, %iota3A : vector<16xi32>
    %swap3A_2116 = arith.constant 15 : i32
    %swap3A_2117 = arith.index_cast %swap3A_2116 : i32 to index
    %swap3A_2118 = arith.constant 0 : index
    %swap3A_2119 = tpu.vector_load %arg15[%swap3A_2117, %swap3A_2118] {strides = array<i32>} : memref<16x128xi32, #tpu.memory_space<vmem>>, vector<16xi32>,
    tpu.vector_store %arg15[%swap3A_2117, %swap3A_2118], %add3A_2115 {strides = array<i32>} : memref<16x128xi32, #tpu.memory_space<vmem>>, vector<16xi32>,
    %get3A_2120 = arith.constant 3856 : index
    %get3A_2121 = tpu.vector_load %arg9[%get3A_2120] {strides = array<i32>} : memref<4096xi32, #tpu.memory_space<vmem>>, vector<16xi32>,
    %mul3A_2122 = arith.constant 512 : i32
    %mul3A_2123 = vector.broadcast %mul3A_2122 : i32 to vector<16xi32>
    %mul3A_2124 = arith.muli %get3A_2121, %mul3A_2123 : vector<16xi32>
    %mul3A_2125 = arith.constant 128 : i32
    %mul3A_2126 = arith.muli %select_n3A_9, %mul3A_2125 : i32
    %add3A_2127 = vector.broadcast %mul3A_2126 : i32 to vector<16xi32>
    %add3A_2128 = arith.addi %mul3A_2124, %add3A_2127 : vector<16xi32>
    %add3A_2129 = arith.constant 16 : i32
    %add3A_2130 = vector.broadcast %add3A_2129 : i32 to vector<16xi32>
    %add3A_2131 = arith.addi %add3A_2128, %add3A_2130 : vector<16xi32>
    %add3A_2132 = arith.addi %add3A_2131, %iota3A : vector<16xi32>
    %swap3A_2133 = arith.constant 15 : i32
    %swap3A_2134 = arith.index_cast %swap3A_2133 : i32 to index
    %swap3A_2135 = arith.constant 16 : index
    %swap3A_2136 = tpu.vector_load %arg15[%swap3A_2134, %swap3A_2135] {strides = array<i32>} : memref<16x128xi32, #tpu.memory_space<vmem>>, vector<16xi32>,
    tpu.vector_store %arg15[%swap3A_2134, %swap3A_2135], %add3A_2132 {strides = array<i32>} : memref<16x128xi32, #tpu.memory_space<vmem>>, vector<16xi32>,
    %get3A_2137 = arith.constant 3872 : index
    %get3A_2138 = tpu.vector_load %arg9[%get3A_2137] {strides = array<i32>} : memref<4096xi32, #tpu.memory_space<vmem>>, vector<16xi32>,
    %mul3A_2139 = arith.constant 512 : i32
    %mul3A_2140 = vector.broadcast %mul3A_2139 : i32 to vector<16xi32>
    %mul3A_2141 = arith.muli %get3A_2138, %mul3A_2140 : vector<16xi32>
    %mul3A_2142 = arith.constant 128 : i32
    %mul3A_2143 = arith.muli %select_n3A_9, %mul3A_2142 : i32
    %add3A_2144 = vector.broadcast %mul3A_2143 : i32 to vector<16xi32>
    %add3A_2145 = arith.addi %mul3A_2141, %add3A_2144 : vector<16xi32>
    %add3A_2146 = arith.constant 32 : i32
    %add3A_2147 = vector.broadcast %add3A_2146 : i32 to vector<16xi32>
    %add3A_2148 = arith.addi %add3A_2145, %add3A_2147 : vector<16xi32>
    %add3A_2149 = arith.addi %add3A_2148, %iota3A : vector<16xi32>
    %swap3A_2150 = arith.constant 15 : i32
    %swap3A_2151 = arith.index_cast %swap3A_2150 : i32 to index
    %swap3A_2152 = arith.constant 32 : index
    %swap3A_2153 = tpu.vector_load %arg15[%swap3A_2151, %swap3A_2152] {strides = array<i32>} : memref<16x128xi32, #tpu.memory_space<vmem>>, vector<16xi32>,
    tpu.vector_store %arg15[%swap3A_2151, %swap3A_2152], %add3A_2149 {strides = array<i32>} : memref<16x128xi32, #tpu.memory_space<vmem>>, vector<16xi32>,
    %get3A_2154 = arith.constant 3888 : index
    %get3A_2155 = tpu.vector_load %arg9[%get3A_2154] {strides = array<i32>} : memref<4096xi32, #tpu.memory_space<vmem>>, vector<16xi32>,
    %mul3A_2156 = arith.constant 512 : i32
    %mul3A_2157 = vector.broadcast %mul3A_2156 : i32 to vector<16xi32>
    %mul3A_2158 = arith.muli %get3A_2155, %mul3A_2157 : vector<16xi32>
    %mul3A_2159 = arith.constant 128 : i32
    %mul3A_2160 = arith.muli %select_n3A_9, %mul3A_2159 : i32
    %add3A_2161 = vector.broadcast %mul3A_2160 : i32 to vector<16xi32>
    %add3A_2162 = arith.addi %mul3A_2158, %add3A_2161 : vector<16xi32>
    %add3A_2163 = arith.constant 48 : i32
    %add3A_2164 = vector.broadcast %add3A_2163 : i32 to vector<16xi32>
    %add3A_2165 = arith.addi %add3A_2162, %add3A_2164 : vector<16xi32>
    %add3A_2166 = arith.addi %add3A_2165, %iota3A : vector<16xi32>
    %swap3A_2167 = arith.constant 15 : i32
    %swap3A_2168 = arith.index_cast %swap3A_2167 : i32 to index
    %swap3A_2169 = arith.constant 48 : index
    %swap3A_2170 = tpu.vector_load %arg15[%swap3A_2168, %swap3A_2169] {strides = array<i32>} : memref<16x128xi32, #tpu.memory_space<vmem>>, vector<16xi32>,
    tpu.vector_store %arg15[%swap3A_2168, %swap3A_2169], %add3A_2166 {strides = array<i32>} : memref<16x128xi32, #tpu.memory_space<vmem>>, vector<16xi32>,
    %get3A_2171 = arith.constant 3904 : index
    %get3A_2172 = tpu.vector_load %arg9[%get3A_2171] {strides = array<i32>} : memref<4096xi32, #tpu.memory_space<vmem>>, vector<16xi32>,
    %mul3A_2173 = arith.constant 512 : i32
    %mul3A_2174 = vector.broadcast %mul3A_2173 : i32 to vector<16xi32>
    %mul3A_2175 = arith.muli %get3A_2172, %mul3A_2174 : vector<16xi32>
    %mul3A_2176 = arith.constant 128 : i32
    %mul3A_2177 = arith.muli %select_n3A_9, %mul3A_2176 : i32
    %add3A_2178 = vector.broadcast %mul3A_2177 : i32 to vector<16xi32>
    %add3A_2179 = arith.addi %mul3A_2175, %add3A_2178 : vector<16xi32>
    %add3A_2180 = arith.constant 64 : i32
    %add3A_2181 = vector.broadcast %add3A_2180 : i32 to vector<16xi32>
    %add3A_2182 = arith.addi %add3A_2179, %add3A_2181 : vector<16xi32>
    %add3A_2183 = arith.addi %add3A_2182, %iota3A : vector<16xi32>
    %swap3A_2184 = arith.constant 15 : i32
    %swap3A_2185 = arith.index_cast %swap3A_2184 : i32 to index
    %swap3A_2186 = arith.constant 64 : index
    %swap3A_2187 = tpu.vector_load %arg15[%swap3A_2185, %swap3A_2186] {strides = array<i32>} : memref<16x128xi32, #tpu.memory_space<vmem>>, vector<16xi32>,
    tpu.vector_store %arg15[%swap3A_2185, %swap3A_2186], %add3A_2183 {strides = array<i32>} : memref<16x128xi32, #tpu.memory_space<vmem>>, vector<16xi32>,
    %get3A_2188 = arith.constant 3920 : index
    %get3A_2189 = tpu.vector_load %arg9[%get3A_2188] {strides = array<i32>} : memref<4096xi32, #tpu.memory_space<vmem>>, vector<16xi32>,
    %mul3A_2190 = arith.constant 512 : i32
    %mul3A_2191 = vector.broadcast %mul3A_2190 : i32 to vector<16xi32>
    %mul3A_2192 = arith.muli %get3A_2189, %mul3A_2191 : vector<16xi32>
    %mul3A_2193 = arith.constant 128 : i32
    %mul3A_2194 = arith.muli %select_n3A_9, %mul3A_2193 : i32
    %add3A_2195 = vector.broadcast %mul3A_2194 : i32 to vector<16xi32>
    %add3A_2196 = arith.addi %mul3A_2192, %add3A_2195 : vector<16xi32>
    %add3A_2197 = arith.constant 80 : i32
    %add3A_2198 = vector.broadcast %add3A_2197 : i32 to vector<16xi32>
    %add3A_2199 = arith.addi %add3A_2196, %add3A_2198 : vector<16xi32>
    %add3A_2200 = arith.addi %add3A_2199, %iota3A : vector<16xi32>
    %swap3A_2201 = arith.constant 15 : i32
    %swap3A_2202 = arith.index_cast %swap3A_2201 : i32 to index
    %swap3A_2203 = arith.constant 80 : index
    %swap3A_2204 = tpu.vector_load %arg15[%swap3A_2202, %swap3A_2203] {strides = array<i32>} : memref<16x128xi32, #tpu.memory_space<vmem>>, vector<16xi32>,
    tpu.vector_store %arg15[%swap3A_2202, %swap3A_2203], %add3A_2200 {strides = array<i32>} : memref<16x128xi32, #tpu.memory_space<vmem>>, vector<16xi32>,
    %get3A_2205 = arith.constant 3936 : index
    %get3A_2206 = tpu.vector_load %arg9[%get3A_2205] {strides = array<i32>} : memref<4096xi32, #tpu.memory_space<vmem>>, vector<16xi32>,
    %mul3A_2207 = arith.constant 512 : i32
    %mul3A_2208 = vector.broadcast %mul3A_2207 : i32 to vector<16xi32>
    %mul3A_2209 = arith.muli %get3A_2206, %mul3A_2208 : vector<16xi32>
    %mul3A_2210 = arith.constant 128 : i32
    %mul3A_2211 = arith.muli %select_n3A_9, %mul3A_2210 : i32
    %add3A_2212 = vector.broadcast %mul3A_2211 : i32 to vector<16xi32>
    %add3A_2213 = arith.addi %mul3A_2209, %add3A_2212 : vector<16xi32>
    %add3A_2214 = arith.constant 96 : i32
    %add3A_2215 = vector.broadcast %add3A_2214 : i32 to vector<16xi32>
    %add3A_2216 = arith.addi %add3A_2213, %add3A_2215 : vector<16xi32>
    %add3A_2217 = arith.addi %add3A_2216, %iota3A : vector<16xi32>
    %swap3A_2218 = arith.constant 15 : i32
    %swap3A_2219 = arith.index_cast %swap3A_2218 : i32 to index
    %swap3A_2220 = arith.constant 96 : index
    %swap3A_2221 = tpu.vector_load %arg15[%swap3A_2219, %swap3A_2220] {strides = array<i32>} : memref<16x128xi32, #tpu.memory_space<vmem>>, vector<16xi32>,
    tpu.vector_store %arg15[%swap3A_2219, %swap3A_2220], %add3A_2217 {strides = array<i32>} : memref<16x128xi32, #tpu.memory_space<vmem>>, vector<16xi32>,
    %get3A_2222 = arith.constant 3952 : index
    %get3A_2223 = tpu.vector_load %arg9[%get3A_2222] {strides = array<i32>} : memref<4096xi32, #tpu.memory_space<vmem>>, vector<16xi32>,
    %mul3A_2224 = arith.constant 512 : i32
    %mul3A_2225 = vector.broadcast %mul3A_2224 : i32 to vector<16xi32>
    %mul3A_2226 = arith.muli %get3A_2223, %mul3A_2225 : vector<16xi32>
    %mul3A_2227 = arith.constant 128 : i32
    %mul3A_2228 = arith.muli %select_n3A_9, %mul3A_2227 : i32
    %add3A_2229 = vector.broadcast %mul3A_2228 : i32 to vector<16xi32>
    %add3A_2230 = arith.addi %mul3A_2226, %add3A_2229 : vector<16xi32>
    %add3A_2231 = arith.constant 112 : i32
    %add3A_2232 = vector.broadcast %add3A_2231 : i32 to vector<16xi32>
    %add3A_2233 = arith.addi %add3A_2230, %add3A_2232 : vector<16xi32>
    %add3A_2234 = arith.addi %add3A_2233, %iota3A : vector<16xi32>
    %swap3A_2235 = arith.constant 15 : i32
    %swap3A_2236 = arith.index_cast %swap3A_2235 : i32 to index
    %swap3A_2237 = arith.constant 112 : index
    %swap3A_2238 = tpu.vector_load %arg15[%swap3A_2236, %swap3A_2237] {strides = array<i32>} : memref<16x128xi32, #tpu.memory_space<vmem>>, vector<16xi32>,
    tpu.vector_store %arg15[%swap3A_2236, %swap3A_2237], %add3A_2234 {strides = array<i32>} : memref<16x128xi32, #tpu.memory_space<vmem>>, vector<16xi32>,
    %barrier3A = arith.constant 0 : index
    tpu.barrier barrier_id(%barrier3A)
    %dma_start3A = arith.constant 0 : i32
    %dma_start3A_2239 = arith.constant 0 : i32
    %dma_start3A_2240 = tpu.memref_slice %arg15[%dma_start3A, %dma_start3A_2239] : memref<16x128xi32, #tpu.memory_space<vmem>> -> memref<1x128xi32, #tpu.memory_space<vmem>>
    %dma_start3A_2241 = tpu.memref_squeeze %dma_start3A_2240 : memref<1x128xi32, #tpu.memory_space<vmem>> -> memref<128xi32, #tpu.memory_space<vmem>>
    %dma_start3A_2242 = arith.constant 0 : i32
    %dma_start3A_2243 = arith.constant 0 : i32
    %dma_start3A_2244 = tpu.memref_slice %arg16[%dma_start3A_2242, %dma_start3A_2243] : memref<1024x128xf32, #tpu.memory_space<vmem_shared>> -> memref<1024x128xf32, #tpu.memory_space<vmem_shared>>
    tpu.enqueue_indirect_dma source(%dma_start3A_2244 : memref<1024x128xf32, #tpu.memory_space<vmem_shared>>) target(%arg11 : memref<128x128xf32, #tpu.memory_space<vmem>>) offsets(%dma_start3A_2241 : memref<128xi32, #tpu.memory_space<vmem>>) semaphore(%arg17 : memref<!tpu.dma_semaphore, #tpu.memory_space<semaphore_mem>>)
    %dma_start3A_2245 = arith.constant 1 : i32
    %dma_start3A_2246 = arith.constant 0 : i32
    %dma_start3A_2247 = tpu.memref_slice %arg8[%dma_start3A_2245, %dma_start3A_2246] : memref<32x128xi32, #tpu.memory_space<vmem>> -> memref<1x128xi32, #tpu.memory_space<vmem>>
    %dma_start3A_2248 = tpu.memref_squeeze %dma_start3A_2247 : memref<1x128xi32, #tpu.memory_space<vmem>> -> memref<128xi32, #tpu.memory_space<vmem>>
    %dma_start3A_2249 = arith.constant 0 : i32
    %dma_start3A_2250 = arith.constant 0 : i32
    %dma_start3A_2251 = tpu.memref_slice %arg4[%dma_start3A_2249, %dma_start3A_2250] : memref<100000x128xf32, #tpu.memory_space<hbm>> -> memref<100000x128xf32, #tpu.memory_space<hbm>>
    tpu.enqueue_indirect_dma source(%dma_start3A_2251 : memref<100000x128xf32, #tpu.memory_space<hbm>>) target(%arg12 : memref<128x128xf32, #tpu.memory_space<vmem>>) offsets(%dma_start3A_2248 : memref<128xi32, #tpu.memory_space<vmem>>) semaphore(%arg18 : memref<!tpu.dma_semaphore, #tpu.memory_space<semaphore_mem>>)
    %dma_start3A_2252 = arith.constant 1 : i32
    %dma_start3A_2253 = arith.constant 0 : i32
    %dma_start3A_2254 = tpu.memref_slice %arg15[%dma_start3A_2252, %dma_start3A_2253] : memref<16x128xi32, #tpu.memory_space<vmem>> -> memref<1x128xi32, #tpu.memory_space<vmem>>
    %dma_start3A_2255 = tpu.memref_squeeze %dma_start3A_2254 : memref<1x128xi32, #tpu.memory_space<vmem>> -> memref<128xi32, #tpu.memory_space<vmem>>
    %dma_start3A_2256 = arith.constant 0 : i32
    %dma_start3A_2257 = arith.constant 0 : i32
    %dma_start3A_2258 = tpu.memref_slice %arg16[%dma_start3A_2256, %dma_start3A_2257] : memref<1024x128xf32, #tpu.memory_space<vmem_shared>> -> memref<1024x128xf32, #tpu.memory_space<vmem_shared>>
    tpu.enqueue_indirect_dma source(%dma_start3A_2258 : memref<1024x128xf32, #tpu.memory_space<vmem_shared>>) target(%arg13 : memref<128x128xf32, #tpu.memory_space<vmem>>) offsets(%dma_start3A_2255 : memref<128xi32, #tpu.memory_space<vmem>>) semaphore(%arg19 : memref<!tpu.dma_semaphore, #tpu.memory_space<semaphore_mem>>)
    %dma_start3A_2259 = arith.constant 3 : i32
    %dma_start3A_2260 = arith.constant 0 : i32
    %dma_start3A_2261 = tpu.memref_slice %arg8[%dma_start3A_2259, %dma_start3A_2260] : memref<32x128xi32, #tpu.memory_space<vmem>> -> memref<1x128xi32, #tpu.memory_space<vmem>>
    %dma_start3A_2262 = tpu.memref_squeeze %dma_start3A_2261 : memref<1x128xi32, #tpu.memory_space<vmem>> -> memref<128xi32, #tpu.memory_space<vmem>>
    %dma_start3A_2263 = arith.constant 0 : i32
    %dma_start3A_2264 = arith.constant 0 : i32
    %dma_start3A_2265 = tpu.memref_slice %arg4[%dma_start3A_2263, %dma_start3A_2264] : memref<100000x128xf32, #tpu.memory_space<hbm>> -> memref<100000x128xf32, #tpu.memory_space<hbm>>
    tpu.enqueue_indirect_dma source(%dma_start3A_2265 : memref<100000x128xf32, #tpu.memory_space<hbm>>) target(%arg14 : memref<128x128xf32, #tpu.memory_space<vmem>>) offsets(%dma_start3A_2262 : memref<128xi32, #tpu.memory_space<vmem>>) semaphore(%arg20 : memref<!tpu.dma_semaphore, #tpu.memory_space<semaphore_mem>>)
    %scan3A = arith.constant 0 : i32
    %scan3A_2266 = arith.constant 8 : i32
    %scan3A_2267 = arith.addi %scan3A, %scan3A_2266 : i32
    %scan3A_2268 = arith.constant 1 : i32
    scf.for %scan3A_2321 = %scan3A to %scan3A_2267 step %scan3A_2268  : i32 {
      %mul3A_2322 = arith.constant 1 : i32
      %mul3A_2323 = arith.muli %scan3A_2321, %mul3A_2322 : i32
      %add3A_2324 = arith.constant 0 : i32
      %add3A_2325 = arith.addi %add3A_2324, %mul3A_2323 : i32
      %mul3A_2326 = arith.constant 4 : i32
      %mul3A_2327 = arith.muli %add3A_2325, %mul3A_2326 : i32
      %add3A_2328 = arith.constant 0 : i32
      %add3A_2329 = arith.addi %mul3A_2327, %add3A_2328 : i32
      %mul3A_2330 = arith.constant 2 : i32
      %mul3A_2331 = arith.muli %add3A_2325, %mul3A_2330 : i32
      %add3A_2332 = arith.constant 0 : i32
      %add3A_2333 = arith.addi %mul3A_2331, %add3A_2332 : i32
      %dma_wait3A_2334 = arith.constant 0 : i32
      %dma_wait3A_2335 = tpu.memref_slice %arg15[%add3A_2333, %dma_wait3A_2334] : memref<16x128xi32, #tpu.memory_space<vmem>> -> memref<1x128xi32, #tpu.memory_space<vmem>>
      %dma_wait3A_2336 = tpu.memref_squeeze %dma_wait3A_2335 : memref<1x128xi32, #tpu.memory_space<vmem>> -> memref<128xi32, #tpu.memory_space<vmem>>
      %dma_wait3A_2337 = arith.constant 0 : i32
      %dma_wait3A_2338 = arith.constant 0 : i32
      %dma_wait3A_2339 = tpu.memref_slice %arg16[%dma_wait3A_2337, %dma_wait3A_2338] : memref<1024x128xf32, #tpu.memory_space<vmem_shared>> -> memref<1024x128xf32, #tpu.memory_space<vmem_shared>>
      tpu.wait_indirect_dma semaphore(%arg17 : memref<!tpu.dma_semaphore, #tpu.memory_space<semaphore_mem>>) src(%dma_wait3A_2339 : memref<1024x128xf32, #tpu.memory_space<vmem_shared>>) dst(%arg11 : memref<128x128xf32, #tpu.memory_space<vmem>>)
      %dma_start3A_2340 = arith.constant 0 : i32
      %dma_start3A_2341 = tpu.memref_slice %arg8[%add3A_2329, %dma_start3A_2340] : memref<32x128xi32, #tpu.memory_space<vmem>> -> memref<1x128xi32, #tpu.memory_space<vmem>>
      %dma_start3A_2342 = tpu.memref_squeeze %dma_start3A_2341 : memref<1x128xi32, #tpu.memory_space<vmem>> -> memref<128xi32, #tpu.memory_space<vmem>>
      %dma_start3A_2343 = arith.constant 0 : i32
      %dma_start3A_2344 = arith.constant 0 : i32
      %dma_start3A_2345 = tpu.memref_slice %arg4[%dma_start3A_2343, %dma_start3A_2344] : memref<100000x128xf32, #tpu.memory_space<hbm>> -> memref<100000x128xf32, #tpu.memory_space<hbm>>
      tpu.enqueue_indirect_dma source(%dma_start3A_2345 : memref<100000x128xf32, #tpu.memory_space<hbm>>) target(%arg11 : memref<128x128xf32, #tpu.memory_space<vmem>>) offsets(%dma_start3A_2342 : memref<128xi32, #tpu.memory_space<vmem>>) semaphore(%arg17 : memref<!tpu.dma_semaphore, #tpu.memory_space<semaphore_mem>>) {add = true}
      %dma_wait3A_2346 = arith.constant 0 : i32
      %dma_wait3A_2347 = tpu.memref_slice %arg8[%add3A_2329, %dma_wait3A_2346] : memref<32x128xi32, #tpu.memory_space<vmem>> -> memref<1x128xi32, #tpu.memory_space<vmem>>
      %dma_wait3A_2348 = tpu.memref_squeeze %dma_wait3A_2347 : memref<1x128xi32, #tpu.memory_space<vmem>> -> memref<128xi32, #tpu.memory_space<vmem>>
      %dma_wait3A_2349 = arith.constant 0 : i32
      %dma_wait3A_2350 = arith.constant 0 : i32
      %dma_wait3A_2351 = tpu.memref_slice %arg4[%dma_wait3A_2349, %dma_wait3A_2350] : memref<100000x128xf32, #tpu.memory_space<hbm>> -> memref<100000x128xf32, #tpu.memory_space<hbm>>
      tpu.wait_indirect_dma semaphore(%arg17 : memref<!tpu.dma_semaphore, #tpu.memory_space<semaphore_mem>>) src(%dma_wait3A_2351 : memref<100000x128xf32, #tpu.memory_space<hbm>>) dst(%arg11 : memref<128x128xf32, #tpu.memory_space<vmem>>)
      %mul3A_2352 = arith.constant 32 : i32
      %mul3A_2353 = arith.muli %select_n3A_30, %mul3A_2352 : i32
      %add3A_2354 = arith.addi %mul3A_2353, %add3A_2329 : i32
      %mul3A_2355 = arith.constant 512 : i32
      %mul3A_2356 = arith.muli %add3A_2354, %mul3A_2355 : i32
      %mul3A_2357 = arith.constant 128 : i32
      %mul3A_2358 = arith.muli %select_n3A_9, %mul3A_2357 : i32
      %add3A_2359 = arith.addi %mul3A_2356, %mul3A_2358 : i32
      %dma_start3A_2360 = arith.constant 0 : i32
      %dma_start3A_2361 = tpu.memref_slice %arg7[%add3A_2359, %dma_start3A_2360] : memref<131072x128xf32, #tpu.memory_space<hbm>> -> memref<128x128xf32, #tpu.memory_space<hbm>>
      %dma_start3A_2362 = arith.constant 0 : i32
      %dma_start3A_2363 = tpu.memref_slice %arg7[%add3A_2359, %dma_start3A_2362] : memref<131072x128xf32, #tpu.memory_space<hbm>> -> memref<128x128xf32, #tpu.memory_space<hbm>>
      tpu.enqueue_dma source(%arg11 : memref<128x128xf32, #tpu.memory_space<vmem>>) target(%dma_start3A_2363 : memref<128x128xf32, #tpu.memory_space<hbm>>) target_semaphore(%arg21 : memref<!tpu.dma_semaphore, #tpu.memory_space<semaphore_mem>>)
      %add3A_2364 = arith.constant 1 : i32
      %add3A_2365 = arith.addi %mul3A_2327, %add3A_2364 : i32
      %dma_wait3A_2366 = arith.constant 0 : i32
      %dma_wait3A_2367 = tpu.memref_slice %arg8[%add3A_2365, %dma_wait3A_2366] : memref<32x128xi32, #tpu.memory_space<vmem>> -> memref<1x128xi32, #tpu.memory_space<vmem>>
      %dma_wait3A_2368 = tpu.memref_squeeze %dma_wait3A_2367 : memref<1x128xi32, #tpu.memory_space<vmem>> -> memref<128xi32, #tpu.memory_space<vmem>>
      %dma_wait3A_2369 = arith.constant 0 : i32
      %dma_wait3A_2370 = arith.constant 0 : i32
      %dma_wait3A_2371 = tpu.memref_slice %arg4[%dma_wait3A_2369, %dma_wait3A_2370] : memref<100000x128xf32, #tpu.memory_space<hbm>> -> memref<100000x128xf32, #tpu.memory_space<hbm>>
      tpu.wait_indirect_dma semaphore(%arg18 : memref<!tpu.dma_semaphore, #tpu.memory_space<semaphore_mem>>) src(%dma_wait3A_2371 : memref<100000x128xf32, #tpu.memory_space<hbm>>) dst(%arg12 : memref<128x128xf32, #tpu.memory_space<vmem>>)
      %parallel_loop3A = arith.constant 0 : i32
      %parallel_loop3A_2372 = arith.constant 128 : i32
      %parallel_loop3A_2373 = arith.constant 1 : i32
      scf.for %parallel_loop3A_2450 = %parallel_loop3A to %parallel_loop3A_2372 step %parallel_loop3A_2373  : i32 {
        %parallel_loop3A_2451 = arith.constant 128 : i32
        %parallel_loop3A_2452 = arith.muli %add3A_2365, %parallel_loop3A_2451 : i32
        %parallel_loop3A_2453 = arith.addi %parallel_loop3A_2452, %parallel_loop3A_2450 : i32
        %parallel_loop3A_2454 = vector.broadcast %parallel_loop3A_2453 : i32 to vector<16xi32>
        %parallel_loop3A_2455 = tpu.vector_load_idx %arg9[%parallel_loop3A_2454] : memref<4096xi32, #tpu.memory_space<vmem>>[vector<16xi32>], vector<16xi32>,
        %parallel_loop3A_2456 = arith.constant 16384 : i32
        %parallel_loop3A_2457 = vector.broadcast %parallel_loop3A_2456 : i32 to vector<16xi32>
        %parallel_loop3A_2458 = arith.muli %parallel_loop3A_2455, %parallel_loop3A_2457 : vector<16xi32>
        %parallel_loop3A_2459 = arith.constant 128 : i32
        %parallel_loop3A_2460 = arith.muli %parallel_loop3A_2450, %parallel_loop3A_2459 : i32
        %parallel_loop3A_2461 = vector.broadcast %parallel_loop3A_2460 : i32 to vector<16xi32>
        %parallel_loop3A_2462 = arith.addi %parallel_loop3A_2458, %parallel_loop3A_2461 : vector<16xi32>
        %parallel_loop3A_2463 = arith.addi %parallel_loop3A_2462, %add3A_43 : vector<16xi32>
        %parallel_loop3A_2464 = tpu.vector_load_idx %arg10[%parallel_loop3A_2463] : memref<32768xf32, #tpu.memory_space<vmem>>[vector<16xi32>], vector<16xf32>,
        %parallel_loop3A_2465 = arith.constant 0 : i32
        %parallel_loop3A_2466 = tpu.memref_slice %arg12[%parallel_loop3A_2450, %parallel_loop3A_2465] : memref<128x128xf32, #tpu.memory_space<vmem>> -> memref<1x128xf32, #tpu.memory_space<vmem>>
        %parallel_loop3A_2467 = tpu.memref_squeeze %parallel_loop3A_2466 : memref<1x128xf32, #tpu.memory_space<vmem>> -> memref<128xf32, #tpu.memory_space<vmem>>
        %parallel_loop3A_2468 = arith.constant 0 : index
        %parallel_loop3A_2469 = tpu.vector_load %parallel_loop3A_2467[%parallel_loop3A_2468] {strides = array<i32>} : memref<128xf32, #tpu.memory_space<vmem>>, vector<16xf32>,
        tpu.vector_store %parallel_loop3A_2467[%parallel_loop3A_2468], %parallel_loop3A_2464 {add = true, strides = array<i32>} : memref<128xf32, #tpu.memory_space<vmem>>, vector<16xf32>,
        %parallel_loop3A_2470 = arith.addi %parallel_loop3A_2462, %add3A_46 : vector<16xi32>
        %parallel_loop3A_2471 = tpu.vector_load_idx %arg10[%parallel_loop3A_2470] : memref<32768xf32, #tpu.memory_space<vmem>>[vector<16xi32>], vector<16xf32>,
        %parallel_loop3A_2472 = arith.constant 0 : i32
        %parallel_loop3A_2473 = tpu.memref_slice %arg12[%parallel_loop3A_2450, %parallel_loop3A_2472] : memref<128x128xf32, #tpu.memory_space<vmem>> -> memref<1x128xf32, #tpu.memory_space<vmem>>
        %parallel_loop3A_2474 = tpu.memref_squeeze %parallel_loop3A_2473 : memref<1x128xf32, #tpu.memory_space<vmem>> -> memref<128xf32, #tpu.memory_space<vmem>>
        %parallel_loop3A_2475 = arith.constant 16 : index
        %parallel_loop3A_2476 = tpu.vector_load %parallel_loop3A_2474[%parallel_loop3A_2475] {strides = array<i32>} : memref<128xf32, #tpu.memory_space<vmem>>, vector<16xf32>,
        tpu.vector_store %parallel_loop3A_2474[%parallel_loop3A_2475], %parallel_loop3A_2471 {add = true, strides = array<i32>} : memref<128xf32, #tpu.memory_space<vmem>>, vector<16xf32>,
        %parallel_loop3A_2477 = arith.addi %parallel_loop3A_2462, %add3A_49 : vector<16xi32>
        %parallel_loop3A_2478 = tpu.vector_load_idx %arg10[%parallel_loop3A_2477] : memref<32768xf32, #tpu.memory_space<vmem>>[vector<16xi32>], vector<16xf32>,
        %parallel_loop3A_2479 = arith.constant 0 : i32
        %parallel_loop3A_2480 = tpu.memref_slice %arg12[%parallel_loop3A_2450, %parallel_loop3A_2479] : memref<128x128xf32, #tpu.memory_space<vmem>> -> memref<1x128xf32, #tpu.memory_space<vmem>>
        %parallel_loop3A_2481 = tpu.memref_squeeze %parallel_loop3A_2480 : memref<1x128xf32, #tpu.memory_space<vmem>> -> memref<128xf32, #tpu.memory_space<vmem>>
        %parallel_loop3A_2482 = arith.constant 32 : index
        %parallel_loop3A_2483 = tpu.vector_load %parallel_loop3A_2481[%parallel_loop3A_2482] {strides = array<i32>} : memref<128xf32, #tpu.memory_space<vmem>>, vector<16xf32>,
        tpu.vector_store %parallel_loop3A_2481[%parallel_loop3A_2482], %parallel_loop3A_2478 {add = true, strides = array<i32>} : memref<128xf32, #tpu.memory_space<vmem>>, vector<16xf32>,
        %parallel_loop3A_2484 = arith.addi %parallel_loop3A_2462, %add3A_52 : vector<16xi32>
        %parallel_loop3A_2485 = tpu.vector_load_idx %arg10[%parallel_loop3A_2484] : memref<32768xf32, #tpu.memory_space<vmem>>[vector<16xi32>], vector<16xf32>,
        %parallel_loop3A_2486 = arith.constant 0 : i32
        %parallel_loop3A_2487 = tpu.memref_slice %arg12[%parallel_loop3A_2450, %parallel_loop3A_2486] : memref<128x128xf32, #tpu.memory_space<vmem>> -> memref<1x128xf32, #tpu.memory_space<vmem>>
        %parallel_loop3A_2488 = tpu.memref_squeeze %parallel_loop3A_2487 : memref<1x128xf32, #tpu.memory_space<vmem>> -> memref<128xf32, #tpu.memory_space<vmem>>
        %parallel_loop3A_2489 = arith.constant 48 : index
        %parallel_loop3A_2490 = tpu.vector_load %parallel_loop3A_2488[%parallel_loop3A_2489] {strides = array<i32>} : memref<128xf32, #tpu.memory_space<vmem>>, vector<16xf32>,
        tpu.vector_store %parallel_loop3A_2488[%parallel_loop3A_2489], %parallel_loop3A_2485 {add = true, strides = array<i32>} : memref<128xf32, #tpu.memory_space<vmem>>, vector<16xf32>,
        %parallel_loop3A_2491 = arith.addi %parallel_loop3A_2462, %add3A_55 : vector<16xi32>
        %parallel_loop3A_2492 = tpu.vector_load_idx %arg10[%parallel_loop3A_2491] : memref<32768xf32, #tpu.memory_space<vmem>>[vector<16xi32>], vector<16xf32>,
        %parallel_loop3A_2493 = arith.constant 0 : i32
        %parallel_loop3A_2494 = tpu.memref_slice %arg12[%parallel_loop3A_2450, %parallel_loop3A_2493] : memref<128x128xf32, #tpu.memory_space<vmem>> -> memref<1x128xf32, #tpu.memory_space<vmem>>
        %parallel_loop3A_2495 = tpu.memref_squeeze %parallel_loop3A_2494 : memref<1x128xf32, #tpu.memory_space<vmem>> -> memref<128xf32, #tpu.memory_space<vmem>>
        %parallel_loop3A_2496 = arith.constant 64 : index
        %parallel_loop3A_2497 = tpu.vector_load %parallel_loop3A_2495[%parallel_loop3A_2496] {strides = array<i32>} : memref<128xf32, #tpu.memory_space<vmem>>, vector<16xf32>,
        tpu.vector_store %parallel_loop3A_2495[%parallel_loop3A_2496], %parallel_loop3A_2492 {add = true, strides = array<i32>} : memref<128xf32, #tpu.memory_space<vmem>>, vector<16xf32>,
        %parallel_loop3A_2498 = arith.addi %parallel_loop3A_2462, %add3A_58 : vector<16xi32>
        %parallel_loop3A_2499 = tpu.vector_load_idx %arg10[%parallel_loop3A_2498] : memref<32768xf32, #tpu.memory_space<vmem>>[vector<16xi32>], vector<16xf32>,
        %parallel_loop3A_2500 = arith.constant 0 : i32
        %parallel_loop3A_2501 = tpu.memref_slice %arg12[%parallel_loop3A_2450, %parallel_loop3A_2500] : memref<128x128xf32, #tpu.memory_space<vmem>> -> memref<1x128xf32, #tpu.memory_space<vmem>>
        %parallel_loop3A_2502 = tpu.memref_squeeze %parallel_loop3A_2501 : memref<1x128xf32, #tpu.memory_space<vmem>> -> memref<128xf32, #tpu.memory_space<vmem>>
        %parallel_loop3A_2503 = arith.constant 80 : index
        %parallel_loop3A_2504 = tpu.vector_load %parallel_loop3A_2502[%parallel_loop3A_2503] {strides = array<i32>} : memref<128xf32, #tpu.memory_space<vmem>>, vector<16xf32>,
        tpu.vector_store %parallel_loop3A_2502[%parallel_loop3A_2503], %parallel_loop3A_2499 {add = true, strides = array<i32>} : memref<128xf32, #tpu.memory_space<vmem>>, vector<16xf32>,
        %parallel_loop3A_2505 = arith.addi %parallel_loop3A_2462, %add3A_61 : vector<16xi32>
        %parallel_loop3A_2506 = tpu.vector_load_idx %arg10[%parallel_loop3A_2505] : memref<32768xf32, #tpu.memory_space<vmem>>[vector<16xi32>], vector<16xf32>,
        %parallel_loop3A_2507 = arith.constant 0 : i32
        %parallel_loop3A_2508 = tpu.memref_slice %arg12[%parallel_loop3A_2450, %parallel_loop3A_2507] : memref<128x128xf32, #tpu.memory_space<vmem>> -> memref<1x128xf32, #tpu.memory_space<vmem>>
        %parallel_loop3A_2509 = tpu.memref_squeeze %parallel_loop3A_2508 : memref<1x128xf32, #tpu.memory_space<vmem>> -> memref<128xf32, #tpu.memory_space<vmem>>
        %parallel_loop3A_2510 = arith.constant 96 : index
        %parallel_loop3A_2511 = tpu.vector_load %parallel_loop3A_2509[%parallel_loop3A_2510] {strides = array<i32>} : memref<128xf32, #tpu.memory_space<vmem>>, vector<16xf32>,
        tpu.vector_store %parallel_loop3A_2509[%parallel_loop3A_2510], %parallel_loop3A_2506 {add = true, strides = array<i32>} : memref<128xf32, #tpu.memory_space<vmem>>, vector<16xf32>,
        %parallel_loop3A_2512 = arith.addi %parallel_loop3A_2462, %add3A_64 : vector<16xi32>
        %parallel_loop3A_2513 = tpu.vector_load_idx %arg10[%parallel_loop3A_2512] : memref<32768xf32, #tpu.memory_space<vmem>>[vector<16xi32>], vector<16xf32>,
        %parallel_loop3A_2514 = arith.constant 0 : i32
        %parallel_loop3A_2515 = tpu.memref_slice %arg12[%parallel_loop3A_2450, %parallel_loop3A_2514] : memref<128x128xf32, #tpu.memory_space<vmem>> -> memref<1x128xf32, #tpu.memory_space<vmem>>
        %parallel_loop3A_2516 = tpu.memref_squeeze %parallel_loop3A_2515 : memref<1x128xf32, #tpu.memory_space<vmem>> -> memref<128xf32, #tpu.memory_space<vmem>>
        %parallel_loop3A_2517 = arith.constant 112 : index
        %parallel_loop3A_2518 = tpu.vector_load %parallel_loop3A_2516[%parallel_loop3A_2517] {strides = array<i32>} : memref<128xf32, #tpu.memory_space<vmem>>, vector<16xf32>,
        tpu.vector_store %parallel_loop3A_2516[%parallel_loop3A_2517], %parallel_loop3A_2513 {add = true, strides = array<i32>} : memref<128xf32, #tpu.memory_space<vmem>>, vector<16xf32>,
      } {sc.loop_unroll_factor = 4 : i64, sc.parallel_access}
      %mul3A_2374 = arith.constant 32 : i32
      %mul3A_2375 = arith.muli %select_n3A_30, %mul3A_2374 : i32
      %add3A_2376 = arith.addi %mul3A_2375, %add3A_2365 : i32
      %mul3A_2377 = arith.constant 512 : i32
      %mul3A_2378 = arith.muli %add3A_2376, %mul3A_2377 : i32
      %mul3A_2379 = arith.constant 128 : i32
      %mul3A_2380 = arith.muli %select_n3A_9, %mul3A_2379 : i32
      %add3A_2381 = arith.addi %mul3A_2378, %mul3A_2380 : i32
      %dma_start3A_2382 = arith.constant 0 : i32
      %dma_start3A_2383 = tpu.memref_slice %arg7[%add3A_2381, %dma_start3A_2382] : memref<131072x128xf32, #tpu.memory_space<hbm>> -> memref<128x128xf32, #tpu.memory_space<hbm>>
      %dma_start3A_2384 = arith.constant 0 : i32
      %dma_start3A_2385 = tpu.memref_slice %arg7[%add3A_2381, %dma_start3A_2384] : memref<131072x128xf32, #tpu.memory_space<hbm>> -> memref<128x128xf32, #tpu.memory_space<hbm>>
      tpu.enqueue_dma source(%arg12 : memref<128x128xf32, #tpu.memory_space<vmem>>) target(%dma_start3A_2385 : memref<128x128xf32, #tpu.memory_space<hbm>>) target_semaphore(%arg22 : memref<!tpu.dma_semaphore, #tpu.memory_space<semaphore_mem>>)
      %add3A_2386 = arith.constant 2 : i32
      %add3A_2387 = arith.addi %mul3A_2327, %add3A_2386 : i32
      %mul3A_2388 = arith.constant 2 : i32
      %mul3A_2389 = arith.muli %add3A_2325, %mul3A_2388 : i32
      %add3A_2390 = arith.constant 1 : i32
      %add3A_2391 = arith.addi %mul3A_2389, %add3A_2390 : i32
      %dma_wait3A_2392 = arith.constant 0 : i32
      %dma_wait3A_2393 = tpu.memref_slice %arg15[%add3A_2391, %dma_wait3A_2392] : memref<16x128xi32, #tpu.memory_space<vmem>> -> memref<1x128xi32, #tpu.memory_space<vmem>>
      %dma_wait3A_2394 = tpu.memref_squeeze %dma_wait3A_2393 : memref<1x128xi32, #tpu.memory_space<vmem>> -> memref<128xi32, #tpu.memory_space<vmem>>
      %dma_wait3A_2395 = arith.constant 0 : i32
      %dma_wait3A_2396 = arith.constant 0 : i32
      %dma_wait3A_2397 = tpu.memref_slice %arg16[%dma_wait3A_2395, %dma_wait3A_2396] : memref<1024x128xf32, #tpu.memory_space<vmem_shared>> -> memref<1024x128xf32, #tpu.memory_space<vmem_shared>>
      tpu.wait_indirect_dma semaphore(%arg19 : memref<!tpu.dma_semaphore, #tpu.memory_space<semaphore_mem>>) src(%dma_wait3A_2397 : memref<1024x128xf32, #tpu.memory_space<vmem_shared>>) dst(%arg13 : memref<128x128xf32, #tpu.memory_space<vmem>>)
      %dma_start3A_2398 = arith.constant 0 : i32
      %dma_start3A_2399 = tpu.memref_slice %arg8[%add3A_2387, %dma_start3A_2398] : memref<32x128xi32, #tpu.memory_space<vmem>> -> memref<1x128xi32, #tpu.memory_space<vmem>>
      %dma_start3A_2400 = tpu.memref_squeeze %dma_start3A_2399 : memref<1x128xi32, #tpu.memory_space<vmem>> -> memref<128xi32, #tpu.memory_space<vmem>>
      %dma_start3A_2401 = arith.constant 0 : i32
      %dma_start3A_2402 = arith.constant 0 : i32
      %dma_start3A_2403 = tpu.memref_slice %arg4[%dma_start3A_2401, %dma_start3A_2402] : memref<100000x128xf32, #tpu.memory_space<hbm>> -> memref<100000x128xf32, #tpu.memory_space<hbm>>
      tpu.enqueue_indirect_dma source(%dma_start3A_2403 : memref<100000x128xf32, #tpu.memory_space<hbm>>) target(%arg13 : memref<128x128xf32, #tpu.memory_space<vmem>>) offsets(%dma_start3A_2400 : memref<128xi32, #tpu.memory_space<vmem>>) semaphore(%arg19 : memref<!tpu.dma_semaphore, #tpu.memory_space<semaphore_mem>>) {add = true}
      %dma_wait3A_2404 = arith.constant 0 : i32
      %dma_wait3A_2405 = tpu.memref_slice %arg8[%add3A_2387, %dma_wait3A_2404] : memref<32x128xi32, #tpu.memory_space<vmem>> -> memref<1x128xi32, #tpu.memory_space<vmem>>
      %dma_wait3A_2406 = tpu.memref_squeeze %dma_wait3A_2405 : memref<1x128xi32, #tpu.memory_space<vmem>> -> memref<128xi32, #tpu.memory_space<vmem>>
      %dma_wait3A_2407 = arith.constant 0 : i32
      %dma_wait3A_2408 = arith.constant 0 : i32
      %dma_wait3A_2409 = tpu.memref_slice %arg4[%dma_wait3A_2407, %dma_wait3A_2408] : memref<100000x128xf32, #tpu.memory_space<hbm>> -> memref<100000x128xf32, #tpu.memory_space<hbm>>
      tpu.wait_indirect_dma semaphore(%arg19 : memref<!tpu.dma_semaphore, #tpu.memory_space<semaphore_mem>>) src(%dma_wait3A_2409 : memref<100000x128xf32, #tpu.memory_space<hbm>>) dst(%arg13 : memref<128x128xf32, #tpu.memory_space<vmem>>)
      %mul3A_2410 = arith.constant 32 : i32
      %mul3A_2411 = arith.muli %select_n3A_30, %mul3A_2410 : i32
      %add3A_2412 = arith.addi %mul3A_2411, %add3A_2387 : i32
      %mul3A_2413 = arith.constant 512 : i32
      %mul3A_2414 = arith.muli %add3A_2412, %mul3A_2413 : i32
      %mul3A_2415 = arith.constant 128 : i32
      %mul3A_2416 = arith.muli %select_n3A_9, %mul3A_2415 : i32
      %add3A_2417 = arith.addi %mul3A_2414, %mul3A_2416 : i32
      %dma_start3A_2418 = arith.constant 0 : i32
      %dma_start3A_2419 = tpu.memref_slice %arg7[%add3A_2417, %dma_start3A_2418] : memref<131072x128xf32, #tpu.memory_space<hbm>> -> memref<128x128xf32, #tpu.memory_space<hbm>>
      %dma_start3A_2420 = arith.constant 0 : i32
      %dma_start3A_2421 = tpu.memref_slice %arg7[%add3A_2417, %dma_start3A_2420] : memref<131072x128xf32, #tpu.memory_space<hbm>> -> memref<128x128xf32, #tpu.memory_space<hbm>>
      tpu.enqueue_dma source(%arg13 : memref<128x128xf32, #tpu.memory_space<vmem>>) target(%dma_start3A_2421 : memref<128x128xf32, #tpu.memory_space<hbm>>) target_semaphore(%arg23 : memref<!tpu.dma_semaphore, #tpu.memory_space<semaphore_mem>>)
      %add3A_2422 = arith.constant 3 : i32
      %add3A_2423 = arith.addi %mul3A_2327, %add3A_2422 : i32
      %dma_wait3A_2424 = arith.constant 0 : i32
      %dma_wait3A_2425 = tpu.memref_slice %arg8[%add3A_2423, %dma_wait3A_2424] : memref<32x128xi32, #tpu.memory_space<vmem>> -> memref<1x128xi32, #tpu.memory_space<vmem>>
      %dma_wait3A_2426 = tpu.memref_squeeze %dma_wait3A_2425 : memref<1x128xi32, #tpu.memory_space<vmem>> -> memref<128xi32, #tpu.memory_space<vmem>>
      %dma_wait3A_2427 = arith.constant 0 : i32
      %dma_wait3A_2428 = arith.constant 0 : i32
      %dma_wait3A_2429 = tpu.memref_slice %arg4[%dma_wait3A_2427, %dma_wait3A_2428] : memref<100000x128xf32, #tpu.memory_space<hbm>> -> memref<100000x128xf32, #tpu.memory_space<hbm>>
      tpu.wait_indirect_dma semaphore(%arg20 : memref<!tpu.dma_semaphore, #tpu.memory_space<semaphore_mem>>) src(%dma_wait3A_2429 : memref<100000x128xf32, #tpu.memory_space<hbm>>) dst(%arg14 : memref<128x128xf32, #tpu.memory_space<vmem>>)
      %parallel_loop3A_2430 = arith.constant 0 : i32
      %parallel_loop3A_2431 = arith.constant 128 : i32
      %parallel_loop3A_2432 = arith.constant 1 : i32
      scf.for %parallel_loop3A_2450 = %parallel_loop3A_2430 to %parallel_loop3A_2431 step %parallel_loop3A_2432  : i32 {
        %parallel_loop3A_2451 = arith.constant 128 : i32
        %parallel_loop3A_2452 = arith.muli %add3A_2423, %parallel_loop3A_2451 : i32
        %parallel_loop3A_2453 = arith.addi %parallel_loop3A_2452, %parallel_loop3A_2450 : i32
        %parallel_loop3A_2454 = vector.broadcast %parallel_loop3A_2453 : i32 to vector<16xi32>
        %parallel_loop3A_2455 = tpu.vector_load_idx %arg9[%parallel_loop3A_2454] : memref<4096xi32, #tpu.memory_space<vmem>>[vector<16xi32>], vector<16xi32>,
        %parallel_loop3A_2456 = arith.constant 16384 : i32
        %parallel_loop3A_2457 = vector.broadcast %parallel_loop3A_2456 : i32 to vector<16xi32>
        %parallel_loop3A_2458 = arith.muli %parallel_loop3A_2455, %parallel_loop3A_2457 : vector<16xi32>
        %parallel_loop3A_2459 = arith.constant 128 : i32
        %parallel_loop3A_2460 = arith.muli %parallel_loop3A_2450, %parallel_loop3A_2459 : i32
        %parallel_loop3A_2461 = vector.broadcast %parallel_loop3A_2460 : i32 to vector<16xi32>
        %parallel_loop3A_2462 = arith.addi %parallel_loop3A_2458, %parallel_loop3A_2461 : vector<16xi32>
        %parallel_loop3A_2463 = arith.addi %parallel_loop3A_2462, %add3A_43 : vector<16xi32>
        %parallel_loop3A_2464 = tpu.vector_load_idx %arg10[%parallel_loop3A_2463] : memref<32768xf32, #tpu.memory_space<vmem>>[vector<16xi32>], vector<16xf32>,
        %parallel_loop3A_2465 = arith.constant 0 : i32
        %parallel_loop3A_2466 = tpu.memref_slice %arg14[%parallel_loop3A_2450, %parallel_loop3A_2465] : memref<128x128xf32, #tpu.memory_space<vmem>> -> memref<1x128xf32, #tpu.memory_space<vmem>>
        %parallel_loop3A_2467 = tpu.memref_squeeze %parallel_loop3A_2466 : memref<1x128xf32, #tpu.memory_space<vmem>> -> memref<128xf32, #tpu.memory_space<vmem>>
        %parallel_loop3A_2468 = arith.constant 0 : index
        %parallel_loop3A_2469 = tpu.vector_load %parallel_loop3A_2467[%parallel_loop3A_2468] {strides = array<i32>} : memref<128xf32, #tpu.memory_space<vmem>>, vector<16xf32>,
        tpu.vector_store %parallel_loop3A_2467[%parallel_loop3A_2468], %parallel_loop3A_2464 {add = true, strides = array<i32>} : memref<128xf32, #tpu.memory_space<vmem>>, vector<16xf32>,
        %parallel_loop3A_2470 = arith.addi %parallel_loop3A_2462, %add3A_46 : vector<16xi32>
        %parallel_loop3A_2471 = tpu.vector_load_idx %arg10[%parallel_loop3A_2470] : memref<32768xf32, #tpu.memory_space<vmem>>[vector<16xi32>], vector<16xf32>,
        %parallel_loop3A_2472 = arith.constant 0 : i32
        %parallel_loop3A_2473 = tpu.memref_slice %arg14[%parallel_loop3A_2450, %parallel_loop3A_2472] : memref<128x128xf32, #tpu.memory_space<vmem>> -> memref<1x128xf32, #tpu.memory_space<vmem>>
        %parallel_loop3A_2474 = tpu.memref_squeeze %parallel_loop3A_2473 : memref<1x128xf32, #tpu.memory_space<vmem>> -> memref<128xf32, #tpu.memory_space<vmem>>
        %parallel_loop3A_2475 = arith.constant 16 : index
        %parallel_loop3A_2476 = tpu.vector_load %parallel_loop3A_2474[%parallel_loop3A_2475] {strides = array<i32>} : memref<128xf32, #tpu.memory_space<vmem>>, vector<16xf32>,
        tpu.vector_store %parallel_loop3A_2474[%parallel_loop3A_2475], %parallel_loop3A_2471 {add = true, strides = array<i32>} : memref<128xf32, #tpu.memory_space<vmem>>, vector<16xf32>,
        %parallel_loop3A_2477 = arith.addi %parallel_loop3A_2462, %add3A_49 : vector<16xi32>
        %parallel_loop3A_2478 = tpu.vector_load_idx %arg10[%parallel_loop3A_2477] : memref<32768xf32, #tpu.memory_space<vmem>>[vector<16xi32>], vector<16xf32>,
        %parallel_loop3A_2479 = arith.constant 0 : i32
        %parallel_loop3A_2480 = tpu.memref_slice %arg14[%parallel_loop3A_2450, %parallel_loop3A_2479] : memref<128x128xf32, #tpu.memory_space<vmem>> -> memref<1x128xf32, #tpu.memory_space<vmem>>
        %parallel_loop3A_2481 = tpu.memref_squeeze %parallel_loop3A_2480 : memref<1x128xf32, #tpu.memory_space<vmem>> -> memref<128xf32, #tpu.memory_space<vmem>>
        %parallel_loop3A_2482 = arith.constant 32 : index
        %parallel_loop3A_2483 = tpu.vector_load %parallel_loop3A_2481[%parallel_loop3A_2482] {strides = array<i32>} : memref<128xf32, #tpu.memory_space<vmem>>, vector<16xf32>,
        tpu.vector_store %parallel_loop3A_2481[%parallel_loop3A_2482], %parallel_loop3A_2478 {add = true, strides = array<i32>} : memref<128xf32, #tpu.memory_space<vmem>>, vector<16xf32>,
        %parallel_loop3A_2484 = arith.addi %parallel_loop3A_2462, %add3A_52 : vector<16xi32>
        %parallel_loop3A_2485 = tpu.vector_load_idx %arg10[%parallel_loop3A_2484] : memref<32768xf32, #tpu.memory_space<vmem>>[vector<16xi32>], vector<16xf32>,
        %parallel_loop3A_2486 = arith.constant 0 : i32
        %parallel_loop3A_2487 = tpu.memref_slice %arg14[%parallel_loop3A_2450, %parallel_loop3A_2486] : memref<128x128xf32, #tpu.memory_space<vmem>> -> memref<1x128xf32, #tpu.memory_space<vmem>>
        %parallel_loop3A_2488 = tpu.memref_squeeze %parallel_loop3A_2487 : memref<1x128xf32, #tpu.memory_space<vmem>> -> memref<128xf32, #tpu.memory_space<vmem>>
        %parallel_loop3A_2489 = arith.constant 48 : index
        %parallel_loop3A_2490 = tpu.vector_load %parallel_loop3A_2488[%parallel_loop3A_2489] {strides = array<i32>} : memref<128xf32, #tpu.memory_space<vmem>>, vector<16xf32>,
        tpu.vector_store %parallel_loop3A_2488[%parallel_loop3A_2489], %parallel_loop3A_2485 {add = true, strides = array<i32>} : memref<128xf32, #tpu.memory_space<vmem>>, vector<16xf32>,
        %parallel_loop3A_2491 = arith.addi %parallel_loop3A_2462, %add3A_55 : vector<16xi32>
        %parallel_loop3A_2492 = tpu.vector_load_idx %arg10[%parallel_loop3A_2491] : memref<32768xf32, #tpu.memory_space<vmem>>[vector<16xi32>], vector<16xf32>,
        %parallel_loop3A_2493 = arith.constant 0 : i32
        %parallel_loop3A_2494 = tpu.memref_slice %arg14[%parallel_loop3A_2450, %parallel_loop3A_2493] : memref<128x128xf32, #tpu.memory_space<vmem>> -> memref<1x128xf32, #tpu.memory_space<vmem>>
        %parallel_loop3A_2495 = tpu.memref_squeeze %parallel_loop3A_2494 : memref<1x128xf32, #tpu.memory_space<vmem>> -> memref<128xf32, #tpu.memory_space<vmem>>
        %parallel_loop3A_2496 = arith.constant 64 : index
        %parallel_loop3A_2497 = tpu.vector_load %parallel_loop3A_2495[%parallel_loop3A_2496] {strides = array<i32>} : memref<128xf32, #tpu.memory_space<vmem>>, vector<16xf32>,
        tpu.vector_store %parallel_loop3A_2495[%parallel_loop3A_2496], %parallel_loop3A_2492 {add = true, strides = array<i32>} : memref<128xf32, #tpu.memory_space<vmem>>, vector<16xf32>,
        %parallel_loop3A_2498 = arith.addi %parallel_loop3A_2462, %add3A_58 : vector<16xi32>
        %parallel_loop3A_2499 = tpu.vector_load_idx %arg10[%parallel_loop3A_2498] : memref<32768xf32, #tpu.memory_space<vmem>>[vector<16xi32>], vector<16xf32>,
        %parallel_loop3A_2500 = arith.constant 0 : i32
        %parallel_loop3A_2501 = tpu.memref_slice %arg14[%parallel_loop3A_2450, %parallel_loop3A_2500] : memref<128x128xf32, #tpu.memory_space<vmem>> -> memref<1x128xf32, #tpu.memory_space<vmem>>
        %parallel_loop3A_2502 = tpu.memref_squeeze %parallel_loop3A_2501 : memref<1x128xf32, #tpu.memory_space<vmem>> -> memref<128xf32, #tpu.memory_space<vmem>>
        %parallel_loop3A_2503 = arith.constant 80 : index
        %parallel_loop3A_2504 = tpu.vector_load %parallel_loop3A_2502[%parallel_loop3A_2503] {strides = array<i32>} : memref<128xf32, #tpu.memory_space<vmem>>, vector<16xf32>,
        tpu.vector_store %parallel_loop3A_2502[%parallel_loop3A_2503], %parallel_loop3A_2499 {add = true, strides = array<i32>} : memref<128xf32, #tpu.memory_space<vmem>>, vector<16xf32>,
        %parallel_loop3A_2505 = arith.addi %parallel_loop3A_2462, %add3A_61 : vector<16xi32>
        %parallel_loop3A_2506 = tpu.vector_load_idx %arg10[%parallel_loop3A_2505] : memref<32768xf32, #tpu.memory_space<vmem>>[vector<16xi32>], vector<16xf32>,
        %parallel_loop3A_2507 = arith.constant 0 : i32
        %parallel_loop3A_2508 = tpu.memref_slice %arg14[%parallel_loop3A_2450, %parallel_loop3A_2507] : memref<128x128xf32, #tpu.memory_space<vmem>> -> memref<1x128xf32, #tpu.memory_space<vmem>>
        %parallel_loop3A_2509 = tpu.memref_squeeze %parallel_loop3A_2508 : memref<1x128xf32, #tpu.memory_space<vmem>> -> memref<128xf32, #tpu.memory_space<vmem>>
        %parallel_loop3A_2510 = arith.constant 96 : index
        %parallel_loop3A_2511 = tpu.vector_load %parallel_loop3A_2509[%parallel_loop3A_2510] {strides = array<i32>} : memref<128xf32, #tpu.memory_space<vmem>>, vector<16xf32>,
        tpu.vector_store %parallel_loop3A_2509[%parallel_loop3A_2510], %parallel_loop3A_2506 {add = true, strides = array<i32>} : memref<128xf32, #tpu.memory_space<vmem>>, vector<16xf32>,
        %parallel_loop3A_2512 = arith.addi %parallel_loop3A_2462, %add3A_64 : vector<16xi32>
        %parallel_loop3A_2513 = tpu.vector_load_idx %arg10[%parallel_loop3A_2512] : memref<32768xf32, #tpu.memory_space<vmem>>[vector<16xi32>], vector<16xf32>,
        %parallel_loop3A_2514 = arith.constant 0 : i32
        %parallel_loop3A_2515 = tpu.memref_slice %arg14[%parallel_loop3A_2450, %parallel_loop3A_2514] : memref<128x128xf32, #tpu.memory_space<vmem>> -> memref<1x128xf32, #tpu.memory_space<vmem>>
        %parallel_loop3A_2516 = tpu.memref_squeeze %parallel_loop3A_2515 : memref<1x128xf32, #tpu.memory_space<vmem>> -> memref<128xf32, #tpu.memory_space<vmem>>
        %parallel_loop3A_2517 = arith.constant 112 : index
        %parallel_loop3A_2518 = tpu.vector_load %parallel_loop3A_2516[%parallel_loop3A_2517] {strides = array<i32>} : memref<128xf32, #tpu.memory_space<vmem>>, vector<16xf32>,
        tpu.vector_store %parallel_loop3A_2516[%parallel_loop3A_2517], %parallel_loop3A_2513 {add = true, strides = array<i32>} : memref<128xf32, #tpu.memory_space<vmem>>, vector<16xf32>,
      } {sc.loop_unroll_factor = 4 : i64, sc.parallel_access}
      %mul3A_2433 = arith.constant 32 : i32
      %mul3A_2434 = arith.muli %select_n3A_30, %mul3A_2433 : i32
      %add3A_2435 = arith.addi %mul3A_2434, %add3A_2423 : i32
      %mul3A_2436 = arith.constant 512 : i32
      %mul3A_2437 = arith.muli %add3A_2435, %mul3A_2436 : i32
      %mul3A_2438 = arith.constant 128 : i32
      %mul3A_2439 = arith.muli %select_n3A_9, %mul3A_2438 : i32
      %add3A_2440 = arith.addi %mul3A_2437, %mul3A_2439 : i32
      %dma_start3A_2441 = arith.constant 0 : i32
      %dma_start3A_2442 = tpu.memref_slice %arg7[%add3A_2440, %dma_start3A_2441] : memref<131072x128xf32, #tpu.memory_space<hbm>> -> memref<128x128xf32, #tpu.memory_space<hbm>>
      %dma_start3A_2443 = arith.constant 0 : i32
      %dma_start3A_2444 = tpu.memref_slice %arg7[%add3A_2440, %dma_start3A_2443] : memref<131072x128xf32, #tpu.memory_space<hbm>> -> memref<128x128xf32, #tpu.memory_space<hbm>>
      tpu.enqueue_dma source(%arg14 : memref<128x128xf32, #tpu.memory_space<vmem>>) target(%dma_start3A_2444 : memref<128x128xf32, #tpu.memory_space<hbm>>) target_semaphore(%arg24 : memref<!tpu.dma_semaphore, #tpu.memory_space<semaphore_mem>>)
      %lt3A_2445 = arith.constant 7 : i32
      %lt3A_2446 = arith.cmpi slt, %add3A_2325, %lt3A_2445 : i32
      %convert_element_type3A_2447 = arith.extui %lt3A_2446 : i1 to i32
      %cond3A_2448 = arith.constant 0 : i32
      %cond3A_2449 = arith.cmpi ne, %convert_element_type3A_2447, %cond3A_2448 : i32
      scf.if %cond3A_2449 {
        %add3A_2450 = arith.constant 0 : i32
        %add3A_2451 = arith.addi %mul3A_2327, %add3A_2450 : i32
        %mul3A_2452 = arith.constant 32 : i32
        %mul3A_2453 = arith.muli %select_n3A_30, %mul3A_2452 : i32
        %add3A_2454 = arith.addi %mul3A_2453, %add3A_2451 : i32
        %mul3A_2455 = arith.constant 512 : i32
        %mul3A_2456 = arith.muli %add3A_2454, %mul3A_2455 : i32
        %mul3A_2457 = arith.constant 128 : i32
        %mul3A_2458 = arith.muli %select_n3A_9, %mul3A_2457 : i32
        %add3A_2459 = arith.addi %mul3A_2456, %mul3A_2458 : i32
        %dma_wait3A_2460 = arith.constant 0 : i32
        %dma_wait3A_2461 = tpu.memref_slice %arg7[%add3A_2459, %dma_wait3A_2460] : memref<131072x128xf32, #tpu.memory_space<hbm>> -> memref<128x128xf32, #tpu.memory_space<hbm>>
        %dma_wait3A_2462 = arith.constant 0 : i32
        %dma_wait3A_2463 = tpu.memref_slice %arg7[%add3A_2459, %dma_wait3A_2462] : memref<131072x128xf32, #tpu.memory_space<hbm>> -> memref<128x128xf32, #tpu.memory_space<hbm>>
        tpu.wait_dma2 semaphore(%arg21 : memref<!tpu.dma_semaphore, #tpu.memory_space<semaphore_mem>>) src(%arg11 : memref<128x128xf32, #tpu.memory_space<vmem>>) dst(%dma_wait3A_2463 : memref<128x128xf32, #tpu.memory_space<hbm>>)
        %mul3A_2464 = arith.constant 2 : i32
        %mul3A_2465 = arith.muli %add3A_2325, %mul3A_2464 : i32
        %add3A_2466 = arith.constant 2 : i32
        %add3A_2467 = arith.addi %mul3A_2465, %add3A_2466 : i32
        %add3A_2468 = arith.constant 0 : i32
        %add3A_2469 = arith.addi %add3A_2467, %add3A_2468 : i32
        %dma_start3A_2470 = arith.constant 0 : i32
        %dma_start3A_2471 = tpu.memref_slice %arg15[%add3A_2469, %dma_start3A_2470] : memref<16x128xi32, #tpu.memory_space<vmem>> -> memref<1x128xi32, #tpu.memory_space<vmem>>
        %dma_start3A_2472 = tpu.memref_squeeze %dma_start3A_2471 : memref<1x128xi32, #tpu.memory_space<vmem>> -> memref<128xi32, #tpu.memory_space<vmem>>
        %dma_start3A_2473 = arith.constant 0 : i32
        %dma_start3A_2474 = arith.constant 0 : i32
        %dma_start3A_2475 = tpu.memref_slice %arg16[%dma_start3A_2473, %dma_start3A_2474] : memref<1024x128xf32, #tpu.memory_space<vmem_shared>> -> memref<1024x128xf32, #tpu.memory_space<vmem_shared>>
        tpu.enqueue_indirect_dma source(%dma_start3A_2475 : memref<1024x128xf32, #tpu.memory_space<vmem_shared>>) target(%arg11 : memref<128x128xf32, #tpu.memory_space<vmem>>) offsets(%dma_start3A_2472 : memref<128xi32, #tpu.memory_space<vmem>>) semaphore(%arg17 : memref<!tpu.dma_semaphore, #tpu.memory_space<semaphore_mem>>)
        %add3A_2476 = arith.constant 1 : i32
        %add3A_2477 = arith.addi %mul3A_2327, %add3A_2476 : i32
        %mul3A_2478 = arith.constant 32 : i32
        %mul3A_2479 = arith.muli %select_n3A_30, %mul3A_2478 : i32
        %add3A_2480 = arith.addi %mul3A_2479, %add3A_2477 : i32
        %mul3A_2481 = arith.constant 512 : i32
        %mul3A_2482 = arith.muli %add3A_2480, %mul3A_2481 : i32
        %mul3A_2483 = arith.constant 128 : i32
        %mul3A_2484 = arith.muli %select_n3A_9, %mul3A_2483 : i32
        %add3A_2485 = arith.addi %mul3A_2482, %mul3A_2484 : i32
        %dma_wait3A_2486 = arith.constant 0 : i32
        %dma_wait3A_2487 = tpu.memref_slice %arg7[%add3A_2485, %dma_wait3A_2486] : memref<131072x128xf32, #tpu.memory_space<hbm>> -> memref<128x128xf32, #tpu.memory_space<hbm>>
        %dma_wait3A_2488 = arith.constant 0 : i32
        %dma_wait3A_2489 = tpu.memref_slice %arg7[%add3A_2485, %dma_wait3A_2488] : memref<131072x128xf32, #tpu.memory_space<hbm>> -> memref<128x128xf32, #tpu.memory_space<hbm>>
        tpu.wait_dma2 semaphore(%arg22 : memref<!tpu.dma_semaphore, #tpu.memory_space<semaphore_mem>>) src(%arg12 : memref<128x128xf32, #tpu.memory_space<vmem>>) dst(%dma_wait3A_2489 : memref<128x128xf32, #tpu.memory_space<hbm>>)
        %add3A_2490 = arith.constant 4 : i32
        %add3A_2491 = arith.addi %add3A_2477, %add3A_2490 : i32
        %dma_start3A_2492 = arith.constant 0 : i32
        %dma_start3A_2493 = tpu.memref_slice %arg8[%add3A_2491, %dma_start3A_2492] : memref<32x128xi32, #tpu.memory_space<vmem>> -> memref<1x128xi32, #tpu.memory_space<vmem>>
        %dma_start3A_2494 = tpu.memref_squeeze %dma_start3A_2493 : memref<1x128xi32, #tpu.memory_space<vmem>> -> memref<128xi32, #tpu.memory_space<vmem>>
        %dma_start3A_2495 = arith.constant 0 : i32
        %dma_start3A_2496 = arith.constant 0 : i32
        %dma_start3A_2497 = tpu.memref_slice %arg4[%dma_start3A_2495, %dma_start3A_2496] : memref<100000x128xf32, #tpu.memory_space<hbm>> -> memref<100000x128xf32, #tpu.memory_space<hbm>>
        tpu.enqueue_indirect_dma source(%dma_start3A_2497 : memref<100000x128xf32, #tpu.memory_space<hbm>>) target(%arg12 : memref<128x128xf32, #tpu.memory_space<vmem>>) offsets(%dma_start3A_2494 : memref<128xi32, #tpu.memory_space<vmem>>) semaphore(%arg18 : memref<!tpu.dma_semaphore, #tpu.memory_space<semaphore_mem>>)
        %add3A_2498 = arith.constant 2 : i32
        %add3A_2499 = arith.addi %mul3A_2327, %add3A_2498 : i32
        %mul3A_2500 = arith.constant 32 : i32
        %mul3A_2501 = arith.muli %select_n3A_30, %mul3A_2500 : i32
        %add3A_2502 = arith.addi %mul3A_2501, %add3A_2499 : i32
        %mul3A_2503 = arith.constant 512 : i32
        %mul3A_2504 = arith.muli %add3A_2502, %mul3A_2503 : i32
        %mul3A_2505 = arith.constant 128 : i32
        %mul3A_2506 = arith.muli %select_n3A_9, %mul3A_2505 : i32
        %add3A_2507 = arith.addi %mul3A_2504, %mul3A_2506 : i32
        %dma_wait3A_2508 = arith.constant 0 : i32
        %dma_wait3A_2509 = tpu.memref_slice %arg7[%add3A_2507, %dma_wait3A_2508] : memref<131072x128xf32, #tpu.memory_space<hbm>> -> memref<128x128xf32, #tpu.memory_space<hbm>>
        %dma_wait3A_2510 = arith.constant 0 : i32
        %dma_wait3A_2511 = tpu.memref_slice %arg7[%add3A_2507, %dma_wait3A_2510] : memref<131072x128xf32, #tpu.memory_space<hbm>> -> memref<128x128xf32, #tpu.memory_space<hbm>>
        tpu.wait_dma2 semaphore(%arg23 : memref<!tpu.dma_semaphore, #tpu.memory_space<semaphore_mem>>) src(%arg13 : memref<128x128xf32, #tpu.memory_space<vmem>>) dst(%dma_wait3A_2511 : memref<128x128xf32, #tpu.memory_space<hbm>>)
        %mul3A_2512 = arith.constant 2 : i32
        %mul3A_2513 = arith.muli %add3A_2325, %mul3A_2512 : i32
        %add3A_2514 = arith.constant 2 : i32
        %add3A_2515 = arith.addi %mul3A_2513, %add3A_2514 : i32
        %add3A_2516 = arith.constant 1 : i32
        %add3A_2517 = arith.addi %add3A_2515, %add3A_2516 : i32
        %dma_start3A_2518 = arith.constant 0 : i32
        %dma_start3A_2519 = tpu.memref_slice %arg15[%add3A_2517, %dma_start3A_2518] : memref<16x128xi32, #tpu.memory_space<vmem>> -> memref<1x128xi32, #tpu.memory_space<vmem>>
        %dma_start3A_2520 = tpu.memref_squeeze %dma_start3A_2519 : memref<1x128xi32, #tpu.memory_space<vmem>> -> memref<128xi32, #tpu.memory_space<vmem>>
        %dma_start3A_2521 = arith.constant 0 : i32
        %dma_start3A_2522 = arith.constant 0 : i32
        %dma_start3A_2523 = tpu.memref_slice %arg16[%dma_start3A_2521, %dma_start3A_2522] : memref<1024x128xf32, #tpu.memory_space<vmem_shared>> -> memref<1024x128xf32, #tpu.memory_space<vmem_shared>>
        tpu.enqueue_indirect_dma source(%dma_start3A_2523 : memref<1024x128xf32, #tpu.memory_space<vmem_shared>>) target(%arg13 : memref<128x128xf32, #tpu.memory_space<vmem>>) offsets(%dma_start3A_2520 : memref<128xi32, #tpu.memory_space<vmem>>) semaphore(%arg19 : memref<!tpu.dma_semaphore, #tpu.memory_space<semaphore_mem>>)
        %add3A_2524 = arith.constant 3 : i32
        %add3A_2525 = arith.addi %mul3A_2327, %add3A_2524 : i32
        %mul3A_2526 = arith.constant 32 : i32
        %mul3A_2527 = arith.muli %select_n3A_30, %mul3A_2526 : i32
        %add3A_2528 = arith.addi %mul3A_2527, %add3A_2525 : i32
        %mul3A_2529 = arith.constant 512 : i32
        %mul3A_2530 = arith.muli %add3A_2528, %mul3A_2529 : i32
        %mul3A_2531 = arith.constant 128 : i32
        %mul3A_2532 = arith.muli %select_n3A_9, %mul3A_2531 : i32
        %add3A_2533 = arith.addi %mul3A_2530, %mul3A_2532 : i32
        %dma_wait3A_2534 = arith.constant 0 : i32
        %dma_wait3A_2535 = tpu.memref_slice %arg7[%add3A_2533, %dma_wait3A_2534] : memref<131072x128xf32, #tpu.memory_space<hbm>> -> memref<128x128xf32, #tpu.memory_space<hbm>>
        %dma_wait3A_2536 = arith.constant 0 : i32
        %dma_wait3A_2537 = tpu.memref_slice %arg7[%add3A_2533, %dma_wait3A_2536] : memref<131072x128xf32, #tpu.memory_space<hbm>> -> memref<128x128xf32, #tpu.memory_space<hbm>>
        tpu.wait_dma2 semaphore(%arg24 : memref<!tpu.dma_semaphore, #tpu.memory_space<semaphore_mem>>) src(%arg14 : memref<128x128xf32, #tpu.memory_space<vmem>>) dst(%dma_wait3A_2537 : memref<128x128xf32, #tpu.memory_space<hbm>>)
        %add3A_2538 = arith.constant 4 : i32
        %add3A_2539 = arith.addi %add3A_2525, %add3A_2538 : i32
        %dma_start3A_2540 = arith.constant 0 : i32
        %dma_start3A_2541 = tpu.memref_slice %arg8[%add3A_2539, %dma_start3A_2540] : memref<32x128xi32, #tpu.memory_space<vmem>> -> memref<1x128xi32, #tpu.memory_space<vmem>>
        %dma_start3A_2542 = tpu.memref_squeeze %dma_start3A_2541 : memref<1x128xi32, #tpu.memory_space<vmem>> -> memref<128xi32, #tpu.memory_space<vmem>>
        %dma_start3A_2543 = arith.constant 0 : i32
        %dma_start3A_2544 = arith.constant 0 : i32
        %dma_start3A_2545 = tpu.memref_slice %arg4[%dma_start3A_2543, %dma_start3A_2544] : memref<100000x128xf32, #tpu.memory_space<hbm>> -> memref<100000x128xf32, #tpu.memory_space<hbm>>
        tpu.enqueue_indirect_dma source(%dma_start3A_2545 : memref<100000x128xf32, #tpu.memory_space<hbm>>) target(%arg14 : memref<128x128xf32, #tpu.memory_space<vmem>>) offsets(%dma_start3A_2542 : memref<128xi32, #tpu.memory_space<vmem>>) semaphore(%arg20 : memref<!tpu.dma_semaphore, #tpu.memory_space<semaphore_mem>>)
      } else {
      }
    }
    %scan3A_2269 = arith.constant 8 : i32
    %mul3A_2270 = arith.constant 32 : i32
    %mul3A_2271 = arith.muli %select_n3A_30, %mul3A_2270 : i32
    %add3A_2272 = arith.constant 28 : i32
    %add3A_2273 = arith.addi %mul3A_2271, %add3A_2272 : i32
    %mul3A_2274 = arith.constant 512 : i32
    %mul3A_2275 = arith.muli %add3A_2273, %mul3A_2274 : i32
    %mul3A_2276 = arith.constant 128 : i32
    %mul3A_2277 = arith.muli %select_n3A_9, %mul3A_2276 : i32
    %add3A_2278 = arith.addi %mul3A_2275, %mul3A_2277 : i32
    %dma_wait3A = arith.constant 0 : i32
    %dma_wait3A_2279 = tpu.memref_slice %arg7[%add3A_2278, %dma_wait3A] : memref<131072x128xf32, #tpu.memory_space<hbm>> -> memref<128x128xf32, #tpu.memory_space<hbm>>
    %dma_wait3A_2280 = arith.constant 0 : i32
    %dma_wait3A_2281 = tpu.memref_slice %arg7[%add3A_2278, %dma_wait3A_2280] : memref<131072x128xf32, #tpu.memory_space<hbm>> -> memref<128x128xf32, #tpu.memory_space<hbm>>
    tpu.wait_dma2 semaphore(%arg21 : memref<!tpu.dma_semaphore, #tpu.memory_space<semaphore_mem>>) src(%arg11 : memref<128x128xf32, #tpu.memory_space<vmem>>) dst(%dma_wait3A_2281 : memref<128x128xf32, #tpu.memory_space<hbm>>)
    %mul3A_2282 = arith.constant 32 : i32
    %mul3A_2283 = arith.muli %select_n3A_30, %mul3A_2282 : i32
    %add3A_2284 = arith.constant 29 : i32
    %add3A_2285 = arith.addi %mul3A_2283, %add3A_2284 : i32
    %mul3A_2286 = arith.constant 512 : i32
    %mul3A_2287 = arith.muli %add3A_2285, %mul3A_2286 : i32
    %mul3A_2288 = arith.constant 128 : i32
    %mul3A_2289 = arith.muli %select_n3A_9, %mul3A_2288 : i32
    %add3A_2290 = arith.addi %mul3A_2287, %mul3A_2289 : i32
    %dma_wait3A_2291 = arith.constant 0 : i32
    %dma_wait3A_2292 = tpu.memref_slice %arg7[%add3A_2290, %dma_wait3A_2291] : memref<131072x128xf32, #tpu.memory_space<hbm>> -> memref<128x128xf32, #tpu.memory_space<hbm>>
    %dma_wait3A_2293 = arith.constant 0 : i32
    %dma_wait3A_2294 = tpu.memref_slice %arg7[%add3A_2290, %dma_wait3A_2293] : memref<131072x128xf32, #tpu.memory_space<hbm>> -> memref<128x128xf32, #tpu.memory_space<hbm>>
    tpu.wait_dma2 semaphore(%arg22 : memref<!tpu.dma_semaphore, #tpu.memory_space<semaphore_mem>>) src(%arg12 : memref<128x128xf32, #tpu.memory_space<vmem>>) dst(%dma_wait3A_2294 : memref<128x128xf32, #tpu.memory_space<hbm>>)
    %mul3A_2295 = arith.constant 32 : i32
    %mul3A_2296 = arith.muli %select_n3A_30, %mul3A_2295 : i32
    %add3A_2297 = arith.constant 30 : i32
    %add3A_2298 = arith.addi %mul3A_2296, %add3A_2297 : i32
    %mul3A_2299 = arith.constant 512 : i32
    %mul3A_2300 = arith.muli %add3A_2298, %mul3A_2299 : i32
    %mul3A_2301 = arith.constant 128 : i32
    %mul3A_2302 = arith.muli %select_n3A_9, %mul3A_2301 : i32
    %add3A_2303 = arith.addi %mul3A_2300, %mul3A_2302 : i32
    %dma_wait3A_2304 = arith.constant 0 : i32
    %dma_wait3A_2305 = tpu.memref_slice %arg7[%add3A_2303, %dma_wait3A_2304] : memref<131072x128xf32, #tpu.memory_space<hbm>> -> memref<128x128xf32, #tpu.memory_space<hbm>>
    %dma_wait3A_2306 = arith.constant 0 : i32
    %dma_wait3A_2307 = tpu.memref_slice %arg7[%add3A_2303, %dma_wait3A_2306] : memref<131072x128xf32, #tpu.memory_space<hbm>> -> memref<128x128xf32, #tpu.memory_space<hbm>>
    tpu.wait_dma2 semaphore(%arg23 : memref<!tpu.dma_semaphore, #tpu.memory_space<semaphore_mem>>) src(%arg13 : memref<128x128xf32, #tpu.memory_space<vmem>>) dst(%dma_wait3A_2307 : memref<128x128xf32, #tpu.memory_space<hbm>>)
    %mul3A_2308 = arith.constant 32 : i32
    %mul3A_2309 = arith.muli %select_n3A_30, %mul3A_2308 : i32
    %add3A_2310 = arith.constant 31 : i32
    %add3A_2311 = arith.addi %mul3A_2309, %add3A_2310 : i32
    %mul3A_2312 = arith.constant 512 : i32
    %mul3A_2313 = arith.muli %add3A_2311, %mul3A_2312 : i32
    %mul3A_2314 = arith.constant 128 : i32
    %mul3A_2315 = arith.muli %select_n3A_9, %mul3A_2314 : i32
    %add3A_2316 = arith.addi %mul3A_2313, %mul3A_2315 : i32
    %dma_wait3A_2317 = arith.constant 0 : i32
    %dma_wait3A_2318 = tpu.memref_slice %arg7[%add3A_2316, %dma_wait3A_2317] : memref<131072x128xf32, #tpu.memory_space<hbm>> -> memref<128x128xf32, #tpu.memory_space<hbm>>
    %dma_wait3A_2319 = arith.constant 0 : i32
    %dma_wait3A_2320 = tpu.memref_slice %arg7[%add3A_2316, %dma_wait3A_2319] : memref<131072x128xf32, #tpu.memory_space<hbm>> -> memref<128x128xf32, #tpu.memory_space<hbm>>
    tpu.wait_dma2 semaphore(%arg24 : memref<!tpu.dma_semaphore, #tpu.memory_space<semaphore_mem>>) src(%arg14 : memref<128x128xf32, #tpu.memory_space<vmem>>) dst(%dma_wait3A_2320 : memref<128x128xf32, #tpu.memory_space<hbm>>)
    return
  }
}

module attributes {stable_mosaic.version = 14 : i64} {
  func.func @_prep_body(%arg0: memref<2x128xf32, #tpu.memory_space<vmem>>, %arg1: memref<512x128xf32, #tpu.memory_space<vmem>>, %arg2: memref<2x512x128xf32, #tpu.memory_space<vmem>>) attributes {dimension_semantics = [], scalar_prefetch = 0 : i64, scratch_operands = 0 : i64, tpu.core_type = #tpu.core_type<tc>} {
    %get3A = arith.constant 0 : index
    %get3A_0 = arith.constant 0 : index
    %get3A_1 = vector.load %arg0[%get3A, %get3A_0] : memref<2x128xf32, #tpu.memory_space<vmem>>, vector<2x128xf32>
    %broadcast_in_dim3A = vector.shape_cast %get3A_1 : vector<2x128xf32> to vector<2x1x128xf32>
    %get3A_2 = arith.constant 0 : index
    %get3A_3 = arith.constant 0 : index
    %get3A_4 = vector.load %arg1[%get3A_2, %get3A_3] : memref<512x128xf32, #tpu.memory_space<vmem>>, vector<512x128xf32>
    %broadcast_in_dim3A_5 = vector.shape_cast %get3A_4 : vector<512x128xf32> to vector<1x512x128xf32>
    %add3A = vector.broadcast %broadcast_in_dim3A : vector<2x1x128xf32> to vector<2x512x128xf32>
    %add3A_6 = vector.broadcast %broadcast_in_dim3A_5 : vector<1x512x128xf32> to vector<2x512x128xf32>
    %add3A_7 = arith.addf %add3A, %add3A_6 : vector<2x512x128xf32>
    %swap3A = arith.constant 0 : index
    %swap3A_8 = arith.constant 0 : index
    %swap3A_9 = arith.constant 0 : index
    %swap3A_10 = vector.load %arg2[%swap3A, %swap3A_8, %swap3A_9] : memref<2x512x128xf32, #tpu.memory_space<vmem>>, vector<2x512x128xf32>
    tpu.vector_store %arg2[%swap3A, %swap3A_8, %swap3A_9], %add3A_7 {strides = array<i32>} : memref<2x512x128xf32, #tpu.memory_space<vmem>>, vector<2x512x128xf32>,
    return
  }
}

</mosaic_0001>

<sc_bundles>
// kernel: kernel.4.cloned.1.call-start
scs
__scs_entry_jumppad:
0x0: {  	(pc) =	sbr.rel $0x88, $3  }
0x1: {  	(tag) =	ssettag $0x0;
	lr =	simm.s32 $0x1  }
0x2: {  	[smem:$0x3F9C] =	sst lr;
	_ =	strace $0xD0000000  }
0x3: {  	_ = 	snop  }
0x4: {  	_ = 	snop  }
0x5: {  	_ = 	snop  }
0x6: {  	_ = 	snop  }
0x7: {  	_ = 	snop  }
__scs_overlays_trampoline_lowered:
0x8: {  	[smem:$0x3FAB] =	sst s0  }
0x9: {  	[smem:$0x3FAC] =	sst s1  }
0xa: {  	[smem:$0x3FAD] =	sst s2  }
0xb: {  	[smem:$0x3FAE] =	sst s3  }
0xc: {  	[smem:$0x3FAF] =	sst s4  }
0xd: {  	[smem:$0x3FB0] =	sst s5  }
0xe: {  	[smem:$0x3FB1] =	sst s6  }
0xf: {  	[smem:$0x3FB2] =	sst s7  }
0x10: {  	[smem:$0x3FB3] =	sst s8  }
0x11: {  	[smem:$0x3FB4] =	sst s9;
	s0 =	simm.s32 @!p0 $0x0  }
0x12: {  	s1 =	sld [smem:$0x3F9A];
	s0 =	simm.s32 @p0 $0x1  }
0x13: {  	[smem:$0x3FB5] =	sst s0;
	s0 =	simm.s32 @!p1 $0x0  }
0x14: {  	s2 =	sld [smem:$0x3F99];
	s0 =	simm.s32 @p1 $0x1  }
0x15: {  	[smem:$0x3FB6] =	sst s0;
	s0 =	simm.s32 @!p2 $0x0  }
0x16: {  	s3 =	sld [smem:$0x3FDB];
	s0 =	simm.s32 @p2 $0x1  }
0x17: {  	s4 =	simm.s32 $0x1BF5;
	[smem:$0x3FB8] =	sst s0  }
0x18: {  	s0 =	sld [smem:$0x3F9B];
	_ =	swait.ge [sflag:s4], $0x0  }
0x19: {  	s7 =	sld [smem:$0x3F9C]  }
0x1a: {  	s8 =	sadd.s32 $0xFFFFE003, lr  }
0x1b: {  	s9 =	sadd.s32 $0xFFFFFEF7, lr;
	s5 =	simm.s32 $0xFFFFFFFF;
	p2 =	slt.u32 s8, $0xFFFFF086  }
0x1c: {  	p1 =	slt.u32 s9, $0xF7A;
	s5 =	simm.s32 @!p2 $0x0  }
0x1d: {  	s5 =	simm.s32 @p1 $0x1;
	p0 =	seq.s32 s7, s2  }
0x1e: {  	s7 =	smul.u32 @!p0 $0xF7A, s2;
	p2 =	seq.s32 @!p0 s5, $0x0  }
0x1f: {  	s9 =	smul.u32 $0xF7A, s1;
	s8 =	simm.s32 @!p0 $0x1BF5;
	p2 =	por !p2, p0  }
0x20: {  	[sflag:s8] =	ssyncset.s32 @!p0 $0xFFFFF086;
	s6 =	sadd.s32 @!p0 s3, s7;
	s7 =	simm.s32 @!p0 $0x108  }
0x21: {  	s3 =	sadd.s32 s3, s9;
	s6 =	sadd.s32 @!p0 $0x88, s6;
	s7 =	simm.s32 @p2 $0x1082  }
0x22: {  	[simem:s7], [sflag:s8] =	dma.local @!p0 [hbm:s6], $0xF7A  }
0x23: {  	s9 =	sor.u32 $0xD0000000, s2;
	s6 =	simm.s32 $0x108;
	_ =	swait.ge @!p0 [sflag:s8], $0x0  }
0x24: {  	s3 =	sadd.s32 $0x88, s3;
	s6 =	simm.s32 @!p1 $0x1082;
	[sflag:s4] =	ssyncset.s32 $0xFFFFF086  }
0x25: {  	[simem:s6], [sflag:s4] =	dma.local [hbm:s3], $0xF7A  }
0x26: {  	[smem:$0x3F9C] =	sst s1;
	(tag) =	ssettag s2;
	_ =	strace s9  }
0x27: {  	s1 =	sld [smem:$0x3FAC]  }
0x28: {  	s2 =	sld [smem:$0x3FAD]  }
0x29: {  	s4 =	sld [smem:$0x3FAF]  }
0x2a: {  	p0 =	seq.s32 s5, $0x0;
	s5 =	sld [smem:$0x3FB0]  }
0x2b: {  	s6 =	sld [smem:$0x3FB1]  }
0x2c: {  	s7 =	sld [smem:$0x3FB2]  }
0x2d: {  	s3 =	simm.s32 $0x108;
	s8 =	sld [smem:$0x3FB3]  }
0x2e: {  	s3 =	simm.s32 @!p0 $0x1082;
	s9 =	sld [smem:$0x3FB4]  }
0x2f: {  	lr =	sadd.s32 s0, s3;
	s0 =	sld [smem:$0x3FAB]  }
0x30: {  	s3 =	sld [smem:$0x3FAE]  }
0x31: {  	[smem:$0x3FB7] =	sst s10  }
0x32: {  	s10 =	sld [smem:$0x3FB5];
	_ =	sdelay $0x3  }
0x33: {  	p0 =	seq.s32 s10, $0x1;
	s10 =	sld [smem:$0x3FB7];
	_ =	sdelay $0x3  }
0x34: {  	[smem:$0x3FB7] =	sst s10  }
0x35: {  	s10 =	sld [smem:$0x3FB6];
	_ =	sdelay $0x3  }
0x36: {  	p1 =	seq.s32 s10, $0x1;
	s10 =	sld [smem:$0x3FB7];
	_ =	sdelay $0x3  }
0x37: {  	[smem:$0x3FB7] =	sst s10  }
0x38: {  	s10 =	sld [smem:$0x3FB8]  }
0x39: {  	_ = 	snop;
	(pc) =	sbr.ind lr, $3  }
0x3a: {  	_ = 	snop  }
0x3b: {  	_ = 	snop  }
0x3c: {  	p2 =	seq.s32 s10, $0x1;
	s10 =	sld [smem:$0x3FB7]  }
0x3d: {  	_ =	shalt  }
0x3e: {  	_ =	shalt  }
0x3f: {  	_ =	shalt  }
0x40: {  	_ =	shalt  }
0x41: {  	_ =	shalt  }
0x42: {  	_ =	shalt  }
0x43: {  	_ =	shalt  }
0x44: {  	_ =	shalt  }
0x45: {  	_ =	shalt  }
0x46: {  	_ =	shalt  }
0x47: {  	_ =	shalt  }
0x48: {  	_ =	shalt  }
0x49: {  	_ =	shalt  }
0x4a: {  	_ =	shalt  }
0x4b: {  	_ =	shalt  }
0x4c: {  	_ =	shalt  }
0x4d: {  	_ =	shalt  }
0x4e: {  	_ =	shalt  }
0x4f: {  	_ =	shalt  }
0x50: {  	_ =	shalt  }
0x51: {  	_ =	shalt  }
0x52: {  	_ =	shalt  }
0x53: {  	_ =	shalt  }
0x54: {  	_ =	shalt  }
0x55: {  	_ =	shalt  }
0x56: {  	_ =	shalt  }
0x57: {  	_ =	shalt  }
0x58: {  	_ =	shalt  }
0x59: {  	_ =	shalt  }
0x5a: {  	_ =	shalt  }
0x5b: {  	_ =	shalt  }
0x5c: {  	_ =	shalt  }
0x5d: {  	_ =	shalt  }
0x5e: {  	_ =	shalt  }
0x5f: {  	_ =	shalt  }
0x60: {  	_ =	shalt  }
0x61: {  	_ =	shalt  }
0x62: {  	_ =	shalt  }
0x63: {  	_ =	shalt  }
0x64: {  	_ =	shalt  }
0x65: {  	_ =	shalt  }
0x66: {  	_ =	shalt  }
0x67: {  	_ =	shalt  }
0x68: {  	_ =	shalt  }
0x69: {  	_ =	shalt  }
0x6a: {  	_ =	shalt  }
0x6b: {  	_ =	shalt  }
0x6c: {  	_ =	shalt  }
0x6d: {  	_ =	shalt  }
0x6e: {  	_ =	shalt  }
0x6f: {  	_ =	shalt  }
0x70: {  	_ =	shalt  }
0x71: {  	_ =	shalt  }
0x72: {  	_ =	shalt  }
0x73: {  	_ =	shalt  }
0x74: {  	_ =	shalt  }
0x75: {  	_ =	shalt  }
0x76: {  	_ =	shalt  }
0x77: {  	_ =	shalt  }
0x78: {  	_ =	shalt  }
0x79: {  	_ =	shalt  }
0x7a: {  	_ =	shalt  }
0x7b: {  	_ =	shalt  }
0x7c: {  	_ =	shalt  }
0x7d: {  	_ =	shalt  }
0x7e: {  	_ =	shalt  }
0x7f: {  	_ =	shalt  }
0x80: {  	_ =	shalt  }
0x81: {  	_ =	shalt  }
0x82: {  	_ =	shalt  }
0x83: {  	_ =	shalt  }
0x84: {  	_ =	shalt  }
0x85: {  	_ =	shalt  }
0x86: {  	_ =	shalt  }
0x87: {  	_ =	shalt  }
.Lfunc_end0:
.L_simem_size_0:
called_computation_lowered:
.L_overlay_start_0:
0x88: {  	s2 =	sld [smem:$0x3FD9]  }
0x89: {  	s3 =	sld [smem:$0x3FFE];
	_ =	sdelay $0x1  }
0x8a: {  	s1 =	srdreg.scid  }
0x8b: {  	s0 =	sand.u32 $0x1, s1  }
0x8c: {  	s17 =	sshll.u32 s0, $0xA;
	s2 =	sadd.s32 s3, s2  }
0x8d: {  	s2 =	sadd.s32 s2, s17  }
0x8e: {  	[smem:$0x3FC3] =	sst s2  }
0x8f: {  	_ = 	snop  }
0x90: {  	s2 =	sld [smem:$0x3FC7]  }
0x91: {  	s18 =	sld [smem:$0x3FD0];
	(tm) =	ssettm $0x1  }
0x92: {  	s4 =	sld [smem:$0x3FFB];
	_ =	sdelay $0x3  }
0x93: {  	_ =	strace s4  }
0x94: {  	s4 =	sld [smem:$0x3FFC];
	_ =	sdelay $0x3  }
0x95: {  	_ =	strace s4  }
0x96: {  	s4 =	sld [smem:$0x3FFD];
	_ =	sdelay $0x3  }
0x97: {  	_ =	strace s4  }
0x98: {  	_ =	strace $0x8FFFFFFF  }
0x99: {  	s19 =	sld [smem:$0x3FDB];
	_ =	sdelay $0x1  }
0x9a: {  	s5 =	simm.s32 $_scs_section_size  }
0x9b: {  	s6 =	simm.s32 $_size__tile_overlayer_lowered;
	s7 =	simm.s32 $_tile_overlayer_lowered  }
0x9c: {  	s22 =	simm.s32 $0x1BFF;
	s21 =	sshll.u32 s7, $0x1;
	s4 =	sadd.s32 s5, s19  }
0x9d: {  	s8 =	simm.s32 $0x0;
	s20 =	sshll.u32 s6, $0x1;
	s6 =	sadd.s32 s21, s4  }
0x9e: {  	[timem:s8], [sflag:s22] =	dma.local [hbm:s6], s20  }
0x9f: {  	_ =	swait.ge [sflag:s22], s20  }
0xa0: {  	s5 =	ssub.s32 $0x0, s20;
	[sflag:s22] =	ssyncset.done $0x0  }
0xa1: {  	[sflag:s22] =	ssyncadd.s32 s5;
	_ =	sdelay $0x1  }
0xa2: {  	s23 =	simm.s32 $0x1B8B  }
0xa3: {  	_ =	swait.ge [sflag:s23], $0x1  }
0xa4: {  	[sflag:s23] =	ssyncset.done $0x0  }
0xa5: {  	s25 =	simm.s32 $0x1B8E;
	s24 =	sld [smem:$0x3FFE];
	[sflag:s23] =	ssyncadd.s32 $0xFFFFFFFF  }
0xa6: {  	s26 =	simm.s32 $execute0_lowered;
	[smem:$0x3FD2] =	sst s25  }
0xa7: {  	s6 =	sshll.u32 s26, $0x1;
	_ =	strace $0x80000046;
	[dreg:$0x1] =	wrdreg $0xFFFFFFFF  }
0xa8: {  	s28 =	simm.s32 $_size_execute0_lowered;
	s4 =	sadd.s32 s4, s6;
	[dreg:$0x0] =	wrdreg $0x0  }
0xa9: {  	s6 =	sshll.u32 s28, $0x1;
	[dreg:$0x2] =	wrdreg s4  }
0xaa: {  	[dreg:$0x3] =	wrdreg s6  }
0xab: {  	[dreg:$0x4] =	wrdreg $0xC0  }
0xac: {  	_ =	task [dreg:s8], $0x5FFFF  }
0xad: {  	[dreg:$0x1] =	wrdreg $0xFFFFFFFF  }
0xae: {  	[dreg:$0x0] =	wrdreg $0x60  }
0xaf: {  	[dreg:$0x2] =	wrdreg s24  }
0xb0: {  	[dreg:$0x3] =	wrdreg s2  }
0xb1: {  	[dreg:$0x4] =	wrdreg s18  }
0xb2: {  	[dreg:$0x5] =	wrdreg $0x1A8000  }
0xb3: {  	[dreg:$0x6] =	wrdreg $0x9  }
0xb4: {  	_ =	task.clear_ibuf [dreg:s8], $0x7FFFF;
	_ =	strace $0x90000046  }
0xb5: {  	s29 =	simm.s32 $0x9;
	_ =	strace $0x80000048  }
0xb6: {  	_ =	swait.ge [sflag:s29], $0x1  }
0xb7: {  	[sflag:s29] =	ssyncadd.s32 $0xFFFFFFFF  }
0xb8: {  	_ =	strace $0x90000048  }
0xb9: {  	_ =	sfence  }
0xba: {  	s30 =	sld [smem:$0x0];
	_ =	sdelay $0x2  }
0xbb: {  	s31 =	sshll.u32 s1, $0xD;
	s1 =	sshrl.u32 s1, $0x2  }
0xbc: {  	s3 =	sand.u32 $0x4000, s31;
	s1 =	sadd.s32 s1, s30  }
0xbd: {  	s0 =	sor.u32 s3, s0;
	s1 =	sshll.u32 s1, $0x11  }
0xbe: {  	s0 =	sor.u32 s1, s0  }
0xbf: {  	s0 =	sadd.s32 $0x8F2B, s0  }
0xc0: {  	[sflag:s0] =	ssyncadd.remote.s32 $0x1  }
0xc1: {  	_ =	sfence.sel $0xFFFF  }
0xc2: {  	[dreg:$0x0] =	wrdreg $0xFFFFFFFF;
	(pc) =	sbr.abs _section_cstart, $3  }
0xc3: {  	[dreg:$0x1] =	wrdreg $0xFFFFFFFF  }
0xc4: {  	_ =	task.clear_ibuf [dreg:s8], $0x2FFFF;
	_ =	strace $0x9FFFFFFF  }
0xc5: {  	(tm) =	ssettm $0x7FFFFFFF  }
tec
execute0_lowered:
.L_overlay_start_1:
0x0: {  	(tag) =	ssettag $0x1  }
0x1: {  	s1 =	rddreg [dreg:$0x0]  }
0x2: {  	s0 =	rddreg [dreg:$0x1]  }
0x3: {  	s4 =	stileid.u32;
	s6 =	rddreg [dreg:$0x2]  }
0x4: {  	s3 =	srdreg.scid;
	s2 =	rddreg [dreg:$0x3]  }
0x5: {  	s15 =	simm.s32 $0x1000;
	s16 =	simm.s32 $0x2000;
	s28 =	simm.s32 $0x2  }
0x6: {  	s29 =	simm.s32 $0x3;
	s30 =	simm.s32 $0x4;
	s31 =	simm.s32 $0x5  }
0x7: {  	s17 =	simm.s32 $0x7;
	s5 =	sshll.u32 s4, $0x1;
	s7 =	sand.u32 $0x1, s3  }
0x8: {  	s20 =	sshrl.u32 s4, $0x1;
	s3 =	simm.s32 $0x0;
	p0 =	sne.s32 s4, $0x0  }
0x9: {  	s4 =	simm.s32 $0x0;
	s19 =	sand.u32 $0x2, s5;
	s9 =	sshll.u32 s20, $0xE  }
0xa: {  	[smem:$0x7FF] =	sst s3;
	s10 =	sshll.u32 s20, $0x9;
	s5 =	sshll.u32 s20, $0x5  }
0xb: {  	s20 =	simm.s32 $0xA000;
	s8 =	sor.u32 s7, s19;
	_ =	strace $0x80000047  }
0xc: {  	s10 =	sadd.s32 s10, s1;
	s7 =	ssub.s32 $0x2, s7;
	s19 =	simm.s32 $0x8  }
0xd: {  	s11 =	sshll.u32 s8, $0x7;
	s12 =	sshll.u32 s8, $0x4;
	s13 =	sshll.u32 s8, $0xC  }
0xe: {  	s21 =	sshrl.u32 s7, $0x1;
	s25 =	sshll.u32 s8, $0xB;
	s9 =	sor.u32 s9, s11  }
0xf: {  	s12 =	sadd.s32 s12, s1;
	s10 =	sadd.s32 s13, s10;
	s13 =	simm.s32 $0x80  }
0x10: {  	s9 =	sshrl.u32 s9, $0x3;
	s22 =	sadd.s32 $0x8C00, s10;
	s24 =	sadd.s32 $0x4C00, s12  }
0x11: {  	s26 =	sadd.s32 $0x6C00, s12;
	s10 =	sadd.s32 s6, s25;
	[dreg:$0x6] =	wrdreg s22  }
0x12: {  	v0 =	vlaneseq.u32;
	s25 =	simm.s32 $0x16000;
	s9 =	sadd.s32 s9, s1;
	[dreg:$0x8] =	wrdreg s24  }
.Ltmp0:
0x13: {  	v1 =	vor.u32 $0x10, v0;
	v4 =	vor.u32 $0x20, v0;
	v5 =	vor.u32 $0x30, v0;
	s1 =	sadd.s32 $0xC00, s1;
	[dreg:$0x9] =	wrdreg s26;
	(pc) =	sbr.rel .LBB2_1-.Ltmp0, $4  }
0x14: {  	v6 =	vor.u32 $0x40, v0;
	v10 =	vor.u32 $0x50, v0;
	v11 =	vor.u32 $0x60, v0;
	[dreg:$0x5] =	wrdreg s1;
	s1 =	ssub.s32 s7, s21;
	s23 =	sadd.s32 $0xCC00, s9  }
0x15: {  	v12 =	vor.u32 $0x70, v0;
	v2 =	vor.u32 s11, v0;
	v3 =	vor.u32 s11, v1;
	s26 =	simm.s32 $0x1;
	[dreg:$0x7] =	wrdreg s23;
	s1 =	smax.u32 s1, $0x1  }
0x16: {  	v7 =	vor.u32 s11, v4;
	v8 =	vor.u32 s11, v5;
	v9 =	vor.u32 s11, v6;
	s21 =	simm.s32 $0xE000;
	[dreg:$0xa] =	wrdreg s1;
	s1 =	sshrl.u32 @!p0 s2, $0x3  }
0x17: {  	v13 =	vor.u32 s11, v10;
	v14 =	vor.u32 s11, v11;
	v15 =	vor.u32 s11, v12;
	s23 =	simm.s32 $0x12000;
	[dreg:$0xb] =	wrdreg s1;
	s1 =	simm.s32 $0x6  }
.LBB2_8:
0x18: {  	_ =	swait.ge [sflag:s1], $0x4000  }
0x19: {  	[sflag:s1] =	ssyncset.done $0x0  }
0x1a: {  	[sflag:s1] =	ssyncadd.s32 $0xFFFFC000  }
0x1b: {  	_ =	swait.ge [sflag:s17], $0x4000  }
0x1c: {  	[sflag:s17] =	ssyncset.done $0x0  }
0x1d: {  	[sflag:s17] =	ssyncadd.s32 $0xFFFFC000  }
0x1e: {  	_ =	swait.ge [sflag:s19], $0x4000  }
0x1f: {  	s4 =	rddreg [dreg:$0xc]  }
0x20: {  	s2 =	rddreg [dreg:$0xa];
	s4 =	sadd.s32 $0x1, s4  }
0x21: {  	p1 =	sne.s32 s4, s2  }
.Ltmp1:
0x22: {  	_ = 	snop;
	(pc) =	sbr.rel @!p1 .LBB2_9-.Ltmp1, $3  }
0x23: {  	_ =	sdelay $0x1  }
0x24: {  	[sflag:s19] =	ssyncset.done $0x0  }
0x25: {  	[sflag:s19] =	ssyncadd.s32 $0xFFFFC000  }
.LBB2_1:
0x26: {  	[dreg:$0xc] =	wrdreg s4  }
0x27: {  	s2 =	rddreg [dreg:$0x6];
	s8 =	simm.s32 $0x9  }
0x28: {  	[tilespmem:s3], [sflag:$0x9] =	stream.linear.gather [hbm4b:s2+s3], $0x1000, $0x38;
	[tilespmem:$0x1C800] =	vst v63  }
0x29: {  	_ =	swait.ge [sflag:s8], $0x1000  }
0x2a: {  	[sflag:s8] =	ssyncset.done $0x0  }
0x2b: {  	s6 =	simm.s32 $0x200;
	s9 =	rddreg [dreg:$0x7];
	[sflag:s8] =	ssyncadd.s32 $0xFFFFF000  }
0x2c: {  	[tilespmem:s15], [sflag:$0x9] =	stream.strided.gather [hbm4b:s9+s13], $0x1000, s6, s13, $0x38;
	[tilespmem:$0x1C800] =	vst v63  }
0x2d: {  	_ =	swait.ge [sflag:s8], $0x1000  }
0x2e: {  	[sflag:s8] =	ssyncset.done $0x0  }
0x2f: {  	s11 =	rddreg [dreg:$0x8];
	[sflag:s8] =	ssyncadd.s32 $0xFFFFF000  }
0x30: {  	[tilespmem:s16], [sflag:$0x9] =	stream.strided.gather [hbm4b:s11+s13], $0x4000, s6, s13, $0x38;
	[tilespmem:$0x1C800] =	vst v63  }
0x31: {  	_ =	swait.ge [sflag:s8], $0x4000  }
0x32: {  	[sflag:s8] =	ssyncset.done $0x0  }
0x33: {  	s7 =	simm.s32 $0x6000;
	s12 =	rddreg [dreg:$0x9];
	[sflag:s8] =	ssyncadd.s32 $0xFFFFC000  }
0x34: {  	[tilespmem:s7], [sflag:$0x9] =	stream.strided.gather [hbm4b:s12+s13], $0x4000, s6, s13, $0x38;
	[tilespmem:$0x1C800] =	vst v63  }
0x35: {  	_ =	swait.ge [sflag:s8], $0x4000  }
0x36: {  	[sflag:s8] =	ssyncset.done $0x0;
	s2 =	rddreg [dreg:$0x5]  }
0x37: {  	s4 =	simm.s32 @!p0 $0x1C09;
	s6 =	rddreg [dreg:$0xb];
	[sflag:s8] =	ssyncadd.s32 $0xFFFFC000  }
0x38: {  	[spmem:s6], [sflag:s4] =	dma.local @!p0 [hbm:s2], $0x4000  }
0x39: {  	s4 =	simm.s32 @!p0 $0x9  }
0x3a: {  	_ =	swait.ge @!p0 [sflag:s4], $0x4000  }
0x3b: {  	[sflag:s4] =	ssyncset.done @!p0 $0x0  }
0x3c: {  	[sflag:s4] =	ssyncadd.s32 @!p0 $0xFFFFC000  }
0x3d: {  	v16 =	vld [tilespmem:$0x1000]  }
0x3e: {  	v17 =	vld [tilespmem:$0x1010]  }
0x3f: {  	v18 =	vld [tilespmem:$0x1020]  }
0x40: {  	v19 =	vld [tilespmem:$0x1030]  }
0x41: {  	v20 =	vld [tilespmem:$0x1040]  }
0x42: {  	v21 =	vld [tilespmem:$0x1050];
	v16 =	vshll.u32 v16, $0x9  }
0x43: {  	v22 =	vld [tilespmem:$0x1060];
	v17 =	vshll.u32 v17, $0x9;
	v16 =	vor.u32 v2, v16  }
0x44: {  	v63 =	vld [tilespmem:$0x1070];
	[tilespmem:$0x1A000] =	vst v16;
	v16 =	vor.u32 v3, v17;
	v17 =	vshll.u32 v18, $0x9  }
0x45: {  	v24 =	vld [tilespmem:$0x1100];
	[tilespmem:$0x1A010] =	vst v16;
	v16 =	vor.u32 v7, v17;
	v17 =	vshll.u32 v19, $0x9  }
0x46: {  	v25 =	vld [tilespmem:$0x1110];
	[tilespmem:$0x1A020] =	vst v16;
	v16 =	vor.u32 v8, v17;
	v17 =	vshll.u32 v20, $0x9  }
0x47: {  	v26 =	vld [tilespmem:$0x1120];
	[tilespmem:$0x1A030] =	vst v16;
	v16 =	vor.u32 v9, v17;
	v17 =	vshll.u32 v21, $0x9  }
0x48: {  	v27 =	vld [tilespmem:$0x1130];
	[tilespmem:$0x1A040] =	vst v16;
	v16 =	vor.u32 v13, v17;
	v17 =	vshll.u32 v22, $0x9  }
0x49: {  	v28 =	vld [tilespmem:$0x1140];
	[tilespmem:$0x1A050] =	vst v16;
	v16 =	vor.u32 v14, v17;
	v17 =	vshll.u32 v63, $0x9  }
0x4a: {  	v29 =	vld [tilespmem:$0x1150];
	[tilespmem:$0x1A060] =	vst v16;
	v16 =	vor.u32 v15, v17;
	v17 =	vshll.u32 v24, $0x9  }
0x4b: {  	v30 =	vld [tilespmem:$0x1160];
	[tilespmem:$0x1A070] =	vst v16;
	v16 =	vor.u32 v2, v17;
	v17 =	vshll.u32 v25, $0x9  }
0x4c: {  	v31 =	vld [tilespmem:$0x1170];
	[tilespmem:$0x1A080] =	vst v16;
	v16 =	vor.u32 v3, v17;
	v17 =	vshll.u32 v26, $0x9  }
0x4d: {  	v32 =	vld [tilespmem:$0x1200];
	[tilespmem:$0x1A090] =	vst v16;
	v16 =	vor.u32 v7, v17;
	v17 =	vshll.u32 v27, $0x9  }
0x4e: {  	v33 =	vld [tilespmem:$0x1210];
	[tilespmem:$0x1A0A0] =	vst v16;
	v16 =	vor.u32 v8, v17;
	v17 =	vshll.u32 v28, $0x9  }
0x4f: {  	v34 =	vld [tilespmem:$0x1220];
	[tilespmem:$0x1A0B0] =	vst v16;
	v16 =	vor.u32 v9, v17;
	v17 =	vshll.u32 v29, $0x9  }
0x50: {  	v35 =	vld [tilespmem:$0x1230];
	[tilespmem:$0x1A0C0] =	vst v16;
	v16 =	vor.u32 v13, v17;
	v17 =	vshll.u32 v30, $0x9  }
0x51: {  	v36 =	vld [tilespmem:$0x1240];
	[tilespmem:$0x1A0D0] =	vst v16;
	v16 =	vor.u32 v14, v17;
	v17 =	vshll.u32 v31, $0x9  }
0x52: {  	v37 =	vld [tilespmem:$0x1250];
	[tilespmem:$0x1A0E0] =	vst v16;
	v16 =	vor.u32 v15, v17;
	v17 =	vshll.u32 v32, $0x9  }
0x53: {  	v38 =	vld [tilespmem:$0x1260];
	[tilespmem:$0x1A0F0] =	vst v16;
	v16 =	vor.u32 v2, v17;
	v17 =	vshll.u32 v33, $0x9  }
0x54: {  	v39 =	vld [tilespmem:$0x1270];
	[tilespmem:$0x1A100] =	vst v16;
	v16 =	vor.u32 v3, v17;
	v17 =	vshll.u32 v34, $0x9  }
0x55: {  	v40 =	vld [tilespmem:$0x1300];
	[tilespmem:$0x1A110] =	vst v16;
	v16 =	vor.u32 v7, v17;
	v17 =	vshll.u32 v35, $0x9  }
0x56: {  	v41 =	vld [tilespmem:$0x1310];
	[tilespmem:$0x1A120] =	vst v16;
	v16 =	vor.u32 v8, v17;
	v17 =	vshll.u32 v36, $0x9  }
0x57: {  	v42 =	vld [tilespmem:$0x1320];
	[tilespmem:$0x1A130] =	vst v16;
	v16 =	vor.u32 v9, v17;
	v17 =	vshll.u32 v37, $0x9  }
0x58: {  	v43 =	vld [tilespmem:$0x1330];
	[tilespmem:$0x1A140] =	vst v16;
	v16 =	vor.u32 v13, v17;
	v17 =	vshll.u32 v38, $0x9  }
0x59: {  	v44 =	vld [tilespmem:$0x1340];
	[tilespmem:$0x1A150] =	vst v16;
	v16 =	vor.u32 v14, v17;
	v17 =	vshll.u32 v39, $0x9  }
0x5a: {  	v45 =	vld [tilespmem:$0x1350];
	[tilespmem:$0x1A160] =	vst v16;
	v16 =	vor.u32 v15, v17;
	v17 =	vshll.u32 v40, $0x9  }
0x5b: {  	v46 =	vld [tilespmem:$0x1360];
	[tilespmem:$0x1A170] =	vst v16;
	v16 =	vor.u32 v2, v17;
	v17 =	vshll.u32 v41, $0x9  }
0x5c: {  	v47 =	vld [tilespmem:$0x1370];
	[tilespmem:$0x1A180] =	vst v16;
	v16 =	vor.u32 v3, v17;
	v17 =	vshll.u32 v42, $0x9  }
0x5d: {  	v48 =	vld [tilespmem:$0x1400];
	[tilespmem:$0x1A190] =	vst v16;
	v16 =	vor.u32 v7, v17;
	v17 =	vshll.u32 v43, $0x9  }
0x5e: {  	v49 =	vld [tilespmem:$0x1410];
	[tilespmem:$0x1A1A0] =	vst v16;
	v16 =	vor.u32 v8, v17;
	v17 =	vshll.u32 v44, $0x9  }
0x5f: {  	v50 =	vld [tilespmem:$0x1420];
	[tilespmem:$0x1A1B0] =	vst v16;
	v16 =	vor.u32 v9, v17;
	v17 =	vshll.u32 v45, $0x9  }
0x60: {  	v51 =	vld [tilespmem:$0x1430];
	[tilespmem:$0x1A1C0] =	vst v16;
	v16 =	vor.u32 v13, v17;
	v17 =	vshll.u32 v46, $0x9  }
0x61: {  	v52 =	vld [tilespmem:$0x1440];
	[tilespmem:$0x1A1D0] =	vst v16;
	v16 =	vor.u32 v14, v17;
	v17 =	vshll.u32 v47, $0x9  }
0x62: {  	v53 =	vld [tilespmem:$0x1450];
	[tilespmem:$0x1A1E0] =	vst v16;
	v16 =	vor.u32 v15, v17;
	v17 =	vshll.u32 v48, $0x9  }
0x63: {  	v54 =	vld [tilespmem:$0x1460];
	[tilespmem:$0x1A1F0] =	vst v16;
	v16 =	vor.u32 v2, v17;
	v17 =	vshll.u32 v49, $0x9  }
0x64: {  	v55 =	vld [tilespmem:$0x1470];
	[tilespmem:$0x1A200] =	vst v16;
	v16 =	vor.u32 v3, v17;
	v17 =	vshll.u32 v50, $0x9  }
0x65: {  	v56 =	vld [tilespmem:$0x1500];
	[tilespmem:$0x1A210] =	vst v16;
	v16 =	vor.u32 v7, v17;
	v17 =	vshll.u32 v51, $0x9  }
0x66: {  	v57 =	vld [tilespmem:$0x1510];
	[tilespmem:$0x1A220] =	vst v16;
	v16 =	vor.u32 v8, v17;
	v17 =	vshll.u32 v52, $0x9  }
0x67: {  	v58 =	vld [tilespmem:$0x1520];
	[tilespmem:$0x1A230] =	vst v16;
	v16 =	vor.u32 v9, v17;
	v17 =	vshll.u32 v53, $0x9  }
0x68: {  	v59 =	vld [tilespmem:$0x1530];
	[tilespmem:$0x1A240] =	vst v16;
	v16 =	vor.u32 v13, v17;
	v17 =	vshll.u32 v54, $0x9  }
0x69: {  	v60 =	vld [tilespmem:$0x1540];
	[tilespmem:$0x1A250] =	vst v16;
	v16 =	vor.u32 v14, v17;
	v17 =	vshll.u32 v55, $0x9  }
0x6a: {  	v61 =	vld [tilespmem:$0x1550];
	[tilespmem:$0x1A260] =	vst v16;
	v16 =	vor.u32 v15, v17;
	v17 =	vshll.u32 v56, $0x9  }
0x6b: {  	v62 =	vld [tilespmem:$0x1560];
	[tilespmem:$0x1A270] =	vst v16;
	v16 =	vor.u32 v2, v17;
	v17 =	vshll.u32 v57, $0x9  }
0x6c: {  	v63 =	vld [tilespmem:$0x1570];
	[tilespmem:$0x1A280] =	vst v16;
	v16 =	vor.u32 v3, v17;
	v17 =	vshll.u32 v58, $0x9  }
0x6d: {  	v24 =	vld [tilespmem:$0x1600];
	[tilespmem:$0x1A290] =	vst v16;
	v16 =	vor.u32 v7, v17;
	v17 =	vshll.u32 v59, $0x9  }
0x6e: {  	v25 =	vld [tilespmem:$0x1610];
	[tilespmem:$0x1A2A0] =	vst v16;
	v16 =	vor.u32 v8, v17;
	v17 =	vshll.u32 v60, $0x9  }
0x6f: {  	v26 =	vld [tilespmem:$0x1620];
	[tilespmem:$0x1A2B0] =	vst v16;
	v16 =	vor.u32 v9, v17;
	v17 =	vshll.u32 v61, $0x9  }
0x70: {  	v27 =	vld [tilespmem:$0x1630];
	[tilespmem:$0x1A2C0] =	vst v16;
	v16 =	vor.u32 v13, v17;
	v17 =	vshll.u32 v62, $0x9  }
0x71: {  	v28 =	vld [tilespmem:$0x1640];
	[tilespmem:$0x1A2D0] =	vst v16;
	v16 =	vor.u32 v14, v17;
	v17 =	vshll.u32 v63, $0x9  }
0x72: {  	v29 =	vld [tilespmem:$0x1650];
	[tilespmem:$0x1A2E0] =	vst v16;
	v16 =	vor.u32 v15, v17;
	v17 =	vshll.u32 v24, $0x9  }
0x73: {  	v30 =	vld [tilespmem:$0x1660];
	[tilespmem:$0x1A2F0] =	vst v16;
	v16 =	vor.u32 v2, v17;
	v17 =	vshll.u32 v25, $0x9  }
0x74: {  	v31 =	vld [tilespmem:$0x1670];
	[tilespmem:$0x1A300] =	vst v16;
	v16 =	vor.u32 v3, v17;
	v17 =	vshll.u32 v26, $0x9  }
0x75: {  	v32 =	vld [tilespmem:$0x1700];
	[tilespmem:$0x1A310] =	vst v16;
	v16 =	vor.u32 v7, v17;
	v17 =	vshll.u32 v27, $0x9  }
0x76: {  	v33 =	vld [tilespmem:$0x1710];
	[tilespmem:$0x1A320] =	vst v16;
	v16 =	vor.u32 v8, v17;
	v17 =	vshll.u32 v28, $0x9  }
0x77: {  	v34 =	vld [tilespmem:$0x1720];
	[tilespmem:$0x1A330] =	vst v16;
	v16 =	vor.u32 v9, v17;
	v17 =	vshll.u32 v29, $0x9  }
0x78: {  	v35 =	vld [tilespmem:$0x1730];
	[tilespmem:$0x1A340] =	vst v16;
	v16 =	vor.u32 v13, v17;
	v17 =	vshll.u32 v30, $0x9  }
0x79: {  	v36 =	vld [tilespmem:$0x1740];
	[tilespmem:$0x1A350] =	vst v16;
	v16 =	vor.u32 v14, v17;
	v17 =	vshll.u32 v31, $0x9  }
0x7a: {  	v37 =	vld [tilespmem:$0x1750];
	[tilespmem:$0x1A360] =	vst v16;
	v16 =	vor.u32 v15, v17;
	v17 =	vshll.u32 v32, $0x9  }
0x7b: {  	v38 =	vld [tilespmem:$0x1760];
	[tilespmem:$0x1A370] =	vst v16;
	v16 =	vor.u32 v2, v17;
	v17 =	vshll.u32 v33, $0x9  }
0x7c: {  	v39 =	vld [tilespmem:$0x1770];
	[tilespmem:$0x1A380] =	vst v16;
	v16 =	vor.u32 v3, v17;
	v17 =	vshll.u32 v34, $0x9  }
0x7d: {  	v40 =	vld [tilespmem:$0x1800];
	[tilespmem:$0x1A390] =	vst v16;
	v16 =	vor.u32 v7, v17;
	v17 =	vshll.u32 v35, $0x9  }
0x7e: {  	v41 =	vld [tilespmem:$0x1810];
	[tilespmem:$0x1A3A0] =	vst v16;
	v16 =	vor.u32 v8, v17;
	v17 =	vshll.u32 v36, $0x9  }
0x7f: {  	v42 =	vld [tilespmem:$0x1820];
	[tilespmem:$0x1A3B0] =	vst v16;
	v16 =	vor.u32 v9, v17;
	v17 =	vshll.u32 v37, $0x9  }
0x80: {  	v43 =	vld [tilespmem:$0x1830];
	[tilespmem:$0x1A3C0] =	vst v16;
	v16 =	vor.u32 v13, v17;
	v17 =	vshll.u32 v38, $0x9  }
0x81: {  	v44 =	vld [tilespmem:$0x1840];
	[tilespmem:$0x1A3D0] =	vst v16;
	v16 =	vor.u32 v14, v17;
	v17 =	vshll.u32 v39, $0x9  }
0x82: {  	v45 =	vld [tilespmem:$0x1850];
	[tilespmem:$0x1A3E0] =	vst v16;
	v16 =	vor.u32 v15, v17;
	v17 =	vshll.u32 v40, $0x9  }
0x83: {  	v46 =	vld [tilespmem:$0x1860];
	[tilespmem:$0x1A3F0] =	vst v16;
	v16 =	vor.u32 v2, v17;
	v17 =	vshll.u32 v41, $0x9  }
0x84: {  	v47 =	vld [tilespmem:$0x1870];
	[tilespmem:$0x1A400] =	vst v16;
	v16 =	vor.u32 v3, v17;
	v17 =	vshll.u32 v42, $0x9  }
0x85: {  	v48 =	vld [tilespmem:$0x1900];
	[tilespmem:$0x1A410] =	vst v16;
	v16 =	vor.u32 v7, v17;
	v17 =	vshll.u32 v43, $0x9  }
0x86: {  	v49 =	vld [tilespmem:$0x1910];
	[tilespmem:$0x1A420] =	vst v16;
	v16 =	vor.u32 v8, v17;
	v17 =	vshll.u32 v44, $0x9  }
0x87: {  	v50 =	vld [tilespmem:$0x1920];
	[tilespmem:$0x1A430] =	vst v16;
	v16 =	vor.u32 v9, v17;
	v17 =	vshll.u32 v45, $0x9  }
0x88: {  	v51 =	vld [tilespmem:$0x1930];
	[tilespmem:$0x1A440] =	vst v16;
	v16 =	vor.u32 v13, v17;
	v17 =	vshll.u32 v46, $0x9  }
0x89: {  	v52 =	vld [tilespmem:$0x1940];
	[tilespmem:$0x1A450] =	vst v16;
	v16 =	vor.u32 v14, v17;
	v17 =	vshll.u32 v47, $0x9  }
0x8a: {  	v53 =	vld [tilespmem:$0x1950];
	[tilespmem:$0x1A460] =	vst v16;
	v16 =	vor.u32 v15, v17;
	v17 =	vshll.u32 v48, $0x9  }
0x8b: {  	v54 =	vld [tilespmem:$0x1960];
	[tilespmem:$0x1A470] =	vst v16;
	v16 =	vor.u32 v2, v17;
	v17 =	vshll.u32 v49, $0x9  }
0x8c: {  	v55 =	vld [tilespmem:$0x1970];
	[tilespmem:$0x1A480] =	vst v16;
	v16 =	vor.u32 v3, v17;
	v17 =	vshll.u32 v50, $0x9  }
0x8d: {  	v56 =	vld [tilespmem:$0x1A00];
	[tilespmem:$0x1A490] =	vst v16;
	v16 =	vor.u32 v7, v17;
	v17 =	vshll.u32 v51, $0x9  }
0x8e: {  	v57 =	vld [tilespmem:$0x1A10];
	[tilespmem:$0x1A4A0] =	vst v16;
	v16 =	vor.u32 v8, v17;
	v17 =	vshll.u32 v52, $0x9  }
0x8f: {  	v58 =	vld [tilespmem:$0x1A20];
	[tilespmem:$0x1A4B0] =	vst v16;
	v16 =	vor.u32 v9, v17;
	v17 =	vshll.u32 v53, $0x9  }
0x90: {  	v59 =	vld [tilespmem:$0x1A30];
	[tilespmem:$0x1A4C0] =	vst v16;
	v16 =	vor.u32 v13, v17;
	v17 =	vshll.u32 v54, $0x9  }
0x91: {  	v60 =	vld [tilespmem:$0x1A40];
	[tilespmem:$0x1A4D0] =	vst v16;
	v16 =	vor.u32 v14, v17;
	v17 =	vshll.u32 v55, $0x9  }
0x92: {  	v61 =	vld [tilespmem:$0x1A50];
	[tilespmem:$0x1A4E0] =	vst v16;
	v16 =	vor.u32 v15, v17;
	v17 =	vshll.u32 v56, $0x9  }
0x93: {  	v62 =	vld [tilespmem:$0x1A60];
	[tilespmem:$0x1A4F0] =	vst v16;
	v16 =	vor.u32 v2, v17;
	v17 =	vshll.u32 v57, $0x9  }
0x94: {  	v63 =	vld [tilespmem:$0x1A70];
	[tilespmem:$0x1A500] =	vst v16;
	v16 =	vor.u32 v3, v17;
	v17 =	vshll.u32 v58, $0x9  }
0x95: {  	v24 =	vld [tilespmem:$0x1B00];
	[tilespmem:$0x1A510] =	vst v16;
	v16 =	vor.u32 v7, v17;
	v17 =	vshll.u32 v59, $0x9  }
0x96: {  	v25 =	vld [tilespmem:$0x1B10];
	[tilespmem:$0x1A520] =	vst v16;
	v16 =	vor.u32 v8, v17;
	v17 =	vshll.u32 v60, $0x9  }
0x97: {  	v26 =	vld [tilespmem:$0x1B20];
	[tilespmem:$0x1A530] =	vst v16;
	v16 =	vor.u32 v9, v17;
	v17 =	vshll.u32 v61, $0x9  }
0x98: {  	v27 =	vld [tilespmem:$0x1B30];
	[tilespmem:$0x1A540] =	vst v16;
	v16 =	vor.u32 v13, v17;
	v17 =	vshll.u32 v62, $0x9  }
0x99: {  	v28 =	vld [tilespmem:$0x1B40];
	[tilespmem:$0x1A550] =	vst v16;
	v16 =	vor.u32 v14, v17;
	v17 =	vshll.u32 v63, $0x9  }
0x9a: {  	v29 =	vld [tilespmem:$0x1B50];
	[tilespmem:$0x1A560] =	vst v16;
	v16 =	vor.u32 v15, v17;
	v17 =	vshll.u32 v24, $0x9  }
0x9b: {  	v30 =	vld [tilespmem:$0x1B60];
	[tilespmem:$0x1A570] =	vst v16;
	v16 =	vor.u32 v2, v17;
	v17 =	vshll.u32 v25, $0x9  }
0x9c: {  	v31 =	vld [tilespmem:$0x1B70];
	[tilespmem:$0x1A580] =	vst v16;
	v16 =	vor.u32 v3, v17;
	v17 =	vshll.u32 v26, $0x9  }
0x9d: {  	v32 =	vld [tilespmem:$0x1C00];
	[tilespmem:$0x1A590] =	vst v16;
	v16 =	vor.u32 v7, v17;
	v17 =	vshll.u32 v27, $0x9  }
0x9e: {  	v33 =	vld [tilespmem:$0x1C10];
	[tilespmem:$0x1A5A0] =	vst v16;
	v16 =	vor.u32 v8, v17;
	v17 =	vshll.u32 v28, $0x9  }
0x9f: {  	v34 =	vld [tilespmem:$0x1C20];
	[tilespmem:$0x1A5B0] =	vst v16;
	v16 =	vor.u32 v9, v17;
	v17 =	vshll.u32 v29, $0x9  }
0xa0: {  	v35 =	vld [tilespmem:$0x1C30];
	[tilespmem:$0x1A5C0] =	vst v16;
	v16 =	vor.u32 v13, v17;
	v17 =	vshll.u32 v30, $0x9  }
0xa1: {  	v36 =	vld [tilespmem:$0x1C40];
	[tilespmem:$0x1A5D0] =	vst v16;
	v16 =	vor.u32 v14, v17;
	v17 =	vshll.u32 v31, $0x9  }
0xa2: {  	v37 =	vld [tilespmem:$0x1C50];
	[tilespmem:$0x1A5E0] =	vst v16;
	v16 =	vor.u32 v15, v17;
	v17 =	vshll.u32 v32, $0x9  }
0xa3: {  	v38 =	vld [tilespmem:$0x1C60];
	[tilespmem:$0x1A5F0] =	vst v16;
	v16 =	vor.u32 v2, v17;
	v17 =	vshll.u32 v33, $0x9  }
0xa4: {  	v39 =	vld [tilespmem:$0x1C70];
	[tilespmem:$0x1A600] =	vst v16;
	v16 =	vor.u32 v3, v17;
	v17 =	vshll.u32 v34, $0x9  }
0xa5: {  	v40 =	vld [tilespmem:$0x1D00];
	[tilespmem:$0x1A610] =	vst v16;
	v16 =	vor.u32 v7, v17;
	v17 =	vshll.u32 v35, $0x9  }
0xa6: {  	v41 =	vld [tilespmem:$0x1D10];
	[tilespmem:$0x1A620] =	vst v16;
	v16 =	vor.u32 v8, v17;
	v17 =	vshll.u32 v36, $0x9  }
0xa7: {  	v42 =	vld [tilespmem:$0x1D20];
	[tilespmem:$0x1A630] =	vst v16;
	v16 =	vor.u32 v9, v17;
	v17 =	vshll.u32 v37, $0x9  }
0xa8: {  	v43 =	vld [tilespmem:$0x1D30];
	[tilespmem:$0x1A640] =	vst v16;
	v16 =	vor.u32 v13, v17;
	v17 =	vshll.u32 v38, $0x9  }
0xa9: {  	v44 =	vld [tilespmem:$0x1D40];
	[tilespmem:$0x1A650] =	vst v16;
	v16 =	vor.u32 v14, v17;
	v17 =	vshll.u32 v39, $0x9  }
0xaa: {  	v45 =	vld [tilespmem:$0x1D50];
	[tilespmem:$0x1A660] =	vst v16;
	v16 =	vor.u32 v15, v17;
	v17 =	vshll.u32 v40, $0x9  }
0xab: {  	v46 =	vld [tilespmem:$0x1D60];
	[tilespmem:$0x1A670] =	vst v16;
	v16 =	vor.u32 v2, v17;
	v17 =	vshll.u32 v41, $0x9  }
0xac: {  	v47 =	vld [tilespmem:$0x1D70];
	[tilespmem:$0x1A680] =	vst v16;
	v16 =	vor.u32 v3, v17;
	v17 =	vshll.u32 v42, $0x9  }
0xad: {  	v48 =	vld [tilespmem:$0x1E00];
	[tilespmem:$0x1A690] =	vst v16;
	v16 =	vor.u32 v7, v17;
	v17 =	vshll.u32 v43, $0x9  }
0xae: {  	v49 =	vld [tilespmem:$0x1E10];
	[tilespmem:$0x1A6A0] =	vst v16;
	v16 =	vor.u32 v8, v17;
	v17 =	vshll.u32 v44, $0x9  }
0xaf: {  	v50 =	vld [tilespmem:$0x1E20];
	[tilespmem:$0x1A6B0] =	vst v16;
	v16 =	vor.u32 v9, v17;
	v17 =	vshll.u32 v45, $0x9  }
0xb0: {  	v51 =	vld [tilespmem:$0x1E30];
	[tilespmem:$0x1A6C0] =	vst v16;
	v16 =	vor.u32 v13, v17;
	v17 =	vshll.u32 v46, $0x9  }
0xb1: {  	v52 =	vld [tilespmem:$0x1E40];
	[tilespmem:$0x1A6D0] =	vst v16;
	v16 =	vor.u32 v14, v17;
	v17 =	vshll.u32 v47, $0x9  }
0xb2: {  	v53 =	vld [tilespmem:$0x1E50];
	[tilespmem:$0x1A6E0] =	vst v16;
	v16 =	vor.u32 v15, v17;
	v17 =	vshll.u32 v48, $0x9  }
0xb3: {  	v54 =	vld [tilespmem:$0x1E60];
	[tilespmem:$0x1A6F0] =	vst v16;
	v16 =	vor.u32 v2, v17;
	v17 =	vshll.u32 v49, $0x9  }
0xb4: {  	v55 =	vld [tilespmem:$0x1E70];
	[tilespmem:$0x1A700] =	vst v16;
	v16 =	vor.u32 v3, v17;
	v17 =	vshll.u32 v50, $0x9  }
0xb5: {  	v56 =	vld [tilespmem:$0x1F00];
	[tilespmem:$0x1A710] =	vst v16;
	v16 =	vor.u32 v7, v17;
	v17 =	vshll.u32 v51, $0x9  }
0xb6: {  	v57 =	vld [tilespmem:$0x1F10];
	[tilespmem:$0x1A720] =	vst v16;
	v16 =	vor.u32 v8, v17;
	v17 =	vshll.u32 v52, $0x9  }
0xb7: {  	v58 =	vld [tilespmem:$0x1F20];
	[tilespmem:$0x1A730] =	vst v16;
	v16 =	vor.u32 v9, v17;
	v17 =	vshll.u32 v53, $0x9  }
0xb8: {  	v59 =	vld [tilespmem:$0x1F30];
	[tilespmem:$0x1A740] =	vst v16;
	v16 =	vor.u32 v13, v17;
	v17 =	vshll.u32 v54, $0x9  }
0xb9: {  	v60 =	vld [tilespmem:$0x1F40];
	[tilespmem:$0x1A750] =	vst v16;
	v16 =	vor.u32 v14, v17;
	v17 =	vshll.u32 v55, $0x9  }
0xba: {  	v61 =	vld [tilespmem:$0x1F50];
	[tilespmem:$0x1A760] =	vst v16;
	v16 =	vor.u32 v15, v17;
	v17 =	vshll.u32 v56, $0x9  }
0xbb: {  	v62 =	vld [tilespmem:$0x1F60];
	[tilespmem:$0x1A770] =	vst v16;
	v16 =	vor.u32 v2, v17;
	v17 =	vshll.u32 v57, $0x9  }
0xbc: {  	v63 =	vld [tilespmem:$0x1F70];
	[tilespmem:$0x1A780] =	vst v16;
	v16 =	vor.u32 v3, v17;
	v17 =	vshll.u32 v58, $0x9  }
0xbd: {  	[tilespmem:$0x1A790] =	vst v16;
	v16 =	vor.u32 v7, v17;
	v17 =	vshll.u32 v59, $0x9  }
0xbe: {  	[tilespmem:$0x1A7A0] =	vst v16;
	v16 =	vor.u32 v8, v17;
	v17 =	vshll.u32 v60, $0x9  }
0xbf: {  	[tilespmem:$0x1A7B0] =	vst v16;
	v16 =	vor.u32 v9, v17;
	v17 =	vshll.u32 v61, $0x9  }
0xc0: {  	[tilespmem:$0x1A7C0] =	vst v16;
	v16 =	vor.u32 v13, v17;
	v17 =	vshll.u32 v62, $0x9  }
0xc1: {  	[tilespmem:$0x1A7D0] =	vst v16;
	v16 =	vor.u32 v14, v17;
	v17 =	vshll.u32 v63, $0x9  }
0xc2: {  	[tilespmem:$0x1A7E0] =	vst v16;
	v16 =	vor.u32 v15, v17  }
0xc3: {  	[tilespmem:$0x1A7F0] =	vst v16  }
0xc4: {  	[bflag:$0x0] =	sbarrier.arrive $0xFFFF  }
0xc5: {  	s18 =	simm.s32 $0x1A000;
	s14 =	rddreg [dreg:$0x3]  }
0xc6: {  	[tilespmem:s20], [sflag:$0x1] =	stream.indirect.gather [spmem:s14], $0x80, s18, s13, $0xb8;
	[tilespmem:$0x1C800] =	vst v63  }
0xc7: {  	_ = 	snop  }
0xc8: {  	[tilespmem:s21], [sflag:$0x2] =	stream.indirect.gather [hbm4b:s0+s13], $0x80, s13, s13, $0xb8;
	[tilespmem:$0x1C800] =	vst v63  }
0xc9: {  	s22 =	simm.s32 $0x1A080  }
0xca: {  	[tilespmem:s23], [sflag:$0x3] =	stream.indirect.gather [spmem:s14], $0x80, s22, s13, $0xb8;
	[tilespmem:$0x1C800] =	vst v63  }
0xcb: {  	s24 =	simm.s32 $0x180  }
0xcc: {  	[tilespmem:s25], [sflag:$0x4] =	stream.indirect.gather [hbm4b:s0+s13], $0x80, s24, s13, $0xb8;
	[tilespmem:$0x1C800] =	vst v63  }
0xcd: {  	s4 =	simm.s32 $0x0;
	s24 =	simm.s32 $0x0  }
.LBB2_2:
0xce: {  	s7 =	sshll.u32 s4, $0x2;
	_ =	swait.ge [sflag:s26], $0x4000;
	s6 =	sshll.u32 s4, $0x9  }
0xcf: {  	s8 =	sadd.s32 $0xFFFFFFFC, s24;
	[sflag:s26] =	ssyncset.done $0x0;
	s6 =	sand.u32 $0x3FFFFE00, s6  }
0xd0: {  	s9 =	sadd.s32 $0x86, s8;
	s11 =	sadd.s32 $0x84, s8;
	[sflag:s26] =	ssyncadd.s32 $0xFFFFC000  }
0xd1: {  	v16 =	vmov s9;
	[tilespmem:s20], [sflag:$0x1] =	stream.indirect.gather.add.f32 [hbm:s0], $0x80, s6, s13, $0xb8;
	[tilespmem:$0x1C800] =	vst v63  }
0xd2: {  	s22 =	sadd.s32 s5, s7;
	s2 =	sadd.s32 $0x85, s8;
	v17 =	vmov s11;
	v16 =	vand.u32 $0xFFFFFFFE, v16;
	_ =	swait.ge [sflag:s26], $0x4000  }
0xd3: {  	s9 =	sshll.u32 s22, $0xD;
	v18 =	vmov s2;
	v17 =	vand.u32 $0xFFFFFFFC, v17;
	v16 =	vbroadcast v16, $0x0;
	[sflag:s26] =	ssyncset.done $0x0  }
0xd4: {  	s9 =	sadd.s32 s9, s10;
	v18 =	vand.u32 $0xFFFFFFFD, v18;
	v17 =	vbroadcast v17, $0x0;
	[sflag:s26] =	ssyncadd.s32 $0xFFFFC000  }
0xd5: {  	v18 =	vbroadcast v18, $0x0;
	[hbm4b:s9+s3] =	stream.linear.scatter [tilespmem:s20], [sflag:$0x5], $0x4000, $0x38;
	[tilespmem:$0x1C800] =	vst v63  }
0xd6: {  	s8 =	sadd.s32 $0x87, s8;
	_ =	swait.ge [sflag:s28], $0x4000  }
0xd7: {  	v19 =	vmov s8;
	[sflag:s28] =	ssyncset.done $0x0  }
0xd8: {  	[sflag:s28] =	ssyncadd.s32 $0xFFFFC000  }
0xd9: {  	v16 =	vld.idx.msk [tilespmem:v16+s15+$0x0], $0xffff  }
0xda: {  	v17 =	vld.idx.msk [tilespmem:v17+s15+$0x0], $0xffff  }
0xdb: {  	v18 =	vld.idx.msk [tilespmem:v18+s15+$0x0], $0xffff  }
0xdc: {  	v19 =	vld.idx.msk [tilespmem:v19+s15+$0x0], $0xffff;
	_ =	sdelay $0x1  }
0xdd: {  	s11 =	simm.s32 $0x100;
	v16 =	vshll.u32 v16, $0xE  }
0xde: {  	s12 =	simm.s32 $0x0;
	v17 =	vshll.u32 v17, $0xE;
	v16 =	vadd.s32 s11, v16  }
0xdf: {  	s14 =	simm.s32 $0x80;
	v18 =	vshll.u32 v18, $0xE;
	v17 =	vadd.s32 s12, v17;
	v20 =	vor.u32 v0, v16  }
0xe0: {  	s18 =	simm.s32 $0x180;
	v22 =	vadd.s32 s14, v18;
	v18 =	vshll.u32 v19, $0xE;
	v21 =	vor.u32 v0, v17  }
0xe1: {  	v23 =	vadd.s32 s18, v18  }
0xe2: {  	v18 =	vor.u32 v0, v23  }
0xe3: {  	v19 =	vor.u32 v0, v22  }
0xe4: {  	v20 =	vld.idx.msk [tilespmem:v20+s16+$0x0], $0xffff  }
0xe5: {  	v21 =	vld.idx.msk [tilespmem:v21+s16+$0x0], $0xffff  }
0xe6: {  	v24 =	vor.u32 v1, v16  }
0xe7: {  	v18 =	vld.idx.msk [tilespmem:v18+s16+$0x0], $0xffff  }
0xe8: {  	s8 =	simm.s32 $0xE1F0;
	v25 =	vor.u32 v1, v17;
	v19 =	vld.idx.msk [tilespmem:v19+s16+$0x0], $0xffff  }
0xe9: {  	[tilespmem:s8+$0xFFFFFF10] =	vst.add.f32.msk $0xffff, v20  }
0xea: {  	v20 =	vor.u32 v1, v22;
	[tilespmem:s8+$0xFFFFFE10] =	vst.add.f32.msk $0xffff, v21  }
0xeb: {  	v21 =	vor.u32 v1, v23;
	v24 =	vld.idx.msk [tilespmem:v24+s16+$0x0], $0xffff  }
0xec: {  	[tilespmem:s8+$0xFFFFFF90] =	vst.add.f32.msk $0xffff, v18  }
0xed: {  	v18 =	vld.idx.msk [tilespmem:v25+s16+$0x0], $0xffff  }
0xee: {  	[tilespmem:s8+$0xFFFFFE90] =	vst.add.f32.msk $0xffff, v19;
	v19 =	vor.u32 v4, v16  }
0xef: {  	v25 =	vor.u32 v4, v17;
	v20 =	vld.idx.msk [tilespmem:v20+s16+$0x0], $0xffff  }
0xf0: {  	v21 =	vld.idx.msk [tilespmem:v21+s16+$0x0], $0xffff  }
0xf1: {  	[tilespmem:s8+$0xFFFFFF20] =	vst.add.f32.msk $0xffff, v24  }
0xf2: {  	[tilespmem:s8+$0xFFFFFE20] =	vst.add.f32.msk $0xffff, v18;
	v18 =	vor.u32 v4, v22  }
0xf3: {  	v19 =	vld.idx.msk [tilespmem:v19+s16+$0x0], $0xffff  }
0xf4: {  	v24 =	vor.u32 v5, v16;
	v25 =	vld.idx.msk [tilespmem:v25+s16+$0x0], $0xffff  }
0xf5: {  	[tilespmem:s8+$0xFFFFFEA0] =	vst.add.f32.msk $0xffff, v20  }
0xf6: {  	v20 =	vor.u32 v4, v23;
	[tilespmem:s8+$0xFFFFFFA0] =	vst.add.f32.msk $0xffff, v21  }
0xf7: {  	v18 =	vld.idx.msk [tilespmem:v18+s16+$0x0], $0xffff  }
0xf8: {  	[tilespmem:s8+$0xFFFFFF30] =	vst.add.f32.msk $0xffff, v19;
	v19 =	vor.u32 v5, v17  }
0xf9: {  	v24 =	vld.idx.msk [tilespmem:v24+s16+$0x0], $0xffff  }
0xfa: {  	[tilespmem:s8+$0xFFFFFE30] =	vst.add.f32.msk $0xffff, v25;
	v25 =	vor.u32 v5, v22  }
0xfb: {  	v21 =	vor.u32 v6, v16;
	v20 =	vld.idx.msk [tilespmem:v20+s16+$0x0], $0xffff  }
0xfc: {  	[tilespmem:s8+$0xFFFFFEB0] =	vst.add.f32.msk $0xffff, v18  }
0xfd: {  	v26 =	vor.u32 v5, v23;
	v19 =	vld.idx.msk [tilespmem:v19+s16+$0x0], $0xffff  }
0xfe: {  	[tilespmem:s8+$0xFFFFFF40] =	vst.add.f32.msk $0xffff, v24  }
0xff: {  	v24 =	vld.idx.msk [tilespmem:v25+s16+$0x0], $0xffff  }
0x100: {  	v21 =	vld.idx.msk [tilespmem:v21+s16+$0x0], $0xffff  }
0x101: {  	v18 =	vor.u32 v10, v16;
	[tilespmem:s8+$0xFFFFFFB0] =	vst.add.f32.msk $0xffff, v20  }
0x102: {  	v20 =	vor.u32 v6, v17;
	v25 =	vld.idx.msk [tilespmem:v26+s16+$0x0], $0xffff  }
0x103: {  	[tilespmem:s8+$0xFFFFFE40] =	vst.add.f32.msk $0xffff, v19  }
0x104: {  	v19 =	vor.u32 v6, v22;
	[tilespmem:s8+$0xFFFFFEC0] =	vst.add.f32.msk $0xffff, v24  }
0x105: {  	[tilespmem:s8+$0xFFFFFF50] =	vst.add.f32.msk $0xffff, v21;
	v21 =	vor.u32 v6, v23  }
0x106: {  	v18 =	vld.idx.msk [tilespmem:v18+s16+$0x0], $0xffff  }
0x107: {  	v20 =	vld.idx.msk [tilespmem:v20+s16+$0x0], $0xffff  }
0x108: {  	v24 =	vor.u32 v11, v16;
	[tilespmem:s8+$0xFFFFFFC0] =	vst.add.f32.msk $0xffff, v25  }
0x109: {  	v25 =	vor.u32 v10, v17;
	v19 =	vld.idx.msk [tilespmem:v19+s16+$0x0], $0xffff  }
0x10a: {  	v21 =	vld.idx.msk [tilespmem:v21+s16+$0x0], $0xffff  }
0x10b: {  	[tilespmem:s8+$0xFFFFFF60] =	vst.add.f32.msk $0xffff, v18  }
0x10c: {  	v18 =	vor.u32 v10, v22;
	[tilespmem:s8+$0xFFFFFE50] =	vst.add.f32.msk $0xffff, v20  }
0x10d: {  	v24 =	vld.idx.msk [tilespmem:v24+s16+$0x0], $0xffff  }
0x10e: {  	s22 =	sadd.s32 $0x0, s24;
	v20 =	vld.idx.msk [tilespmem:v25+s16+$0x0], $0xffff;
	v25 =	vor.u32 v10, v23  }
0x10f: {  	s2 =	sadd.s32 $0x86, s22;
	[tilespmem:s8+$0xFFFFFED0] =	vst.add.f32.msk $0xffff, v19  }
0x110: {  	s14 =	sadd.s32 $0x84, s22;
	v16 =	vor.u32 v12, v16;
	v19 =	vmov s2;
	[tilespmem:s8+$0xFFFFFFD0] =	vst.add.f32.msk $0xffff, v21  }
0x111: {  	v26 =	vmov s14;
	v19 =	vand.u32 $0xFFFFFFFE, v19;
	v21 =	vor.u32 v11, v17;
	v18 =	vld.idx.msk [tilespmem:v18+s16+$0x0], $0xffff  }
0x112: {  	s12 =	sadd.s32 $0x85, s22;
	v26 =	vand.u32 $0xFFFFFFFC, v26;
	v19 =	vbroadcast v19, $0x0;
	[tilespmem:s8+$0xFFFFFF70] =	vst.add.f32.msk $0xffff, v24  }
0x113: {  	v27 =	vmov s12;
	v24 =	vbroadcast v26, $0x0;
	v25 =	vld.idx.msk [tilespmem:v25+s16+$0x0], $0xffff  }
0x114: {  	s9 =	sadd.s32 $0x87, s22;
	v26 =	vand.u32 $0xFFFFFFFD, v27;
	[tilespmem:s8+$0xFFFFFE60] =	vst.add.f32.msk $0xffff, v20  }
0x115: {  	v20 =	vmov s9;
	v16 =	vld.idx.msk [tilespmem:v16+s16+$0x0], $0xffff;
	v26 =	vbroadcast v26, $0x0  }
0x116: {  	v21 =	vld.idx.msk [tilespmem:v21+s16+$0x0], $0xffff  }
0x117: {  	[tilespmem:s8+$0xFFFFFEE0] =	vst.add.f32.msk $0xffff, v18  }
0x118: {  	v18 =	vor.u32 v11, v22;
	v19 =	vld.idx.msk [tilespmem:v19+s15+$0x0], $0xffff  }
0x119: {  	v27 =	vor.u32 v11, v23;
	v24 =	vld.idx.msk [tilespmem:v24+s15+$0x0], $0xffff  }
0x11a: {  	v20 =	vld.idx.msk [tilespmem:v20+s15+$0x0], $0xffff  }
0x11b: {  	v26 =	vld.idx.msk [tilespmem:v26+s15+$0x0], $0xffff  }
0x11c: {  	v17 =	vor.u32 v12, v17;
	[tilespmem:s8+$0xFFFFFFE0] =	vst.add.f32.msk $0xffff, v25  }
0x11d: {  	s14 =	simm.s32 $0x300;
	v25 =	vld.idx.msk [tilespmem:v18+s16+$0x0], $0xffff;
	v18 =	vshll.u32 v19, $0xE  }
0x11e: {  	s18 =	simm.s32 $0x200;
	v19 =	vld.idx.msk [tilespmem:v27+s16+$0x0], $0xffff;
	v18 =	vadd.s32 s14, v18;
	v24 =	vshll.u32 v24, $0xE  }
0x11f: {  	[tilespmem:s8+$0xFFFFFF80] =	vst.add.f32.msk $0xffff, v16;
	v29 =	vadd.s32 s18, v24;
	v24 =	vor.u32 v0, v18  }
0x120: {  	s22 =	simm.s32 $0x280;
	[tilespmem:s8+$0xFFFFFE70] =	vst.add.f32.msk $0xffff, v21;
	v16 =	vshll.u32 v26, $0xE;
	v21 =	vor.u32 v0, v29  }
0x121: {  	v31 =	vadd.s32 s22, v16;
	v16 =	vshll.u32 v20, $0xE;
	v20 =	vld.idx.msk [tilespmem:v17+s16+$0x0], $0xffff  }
0x122: {  	s11 =	simm.s32 $0x380;
	v17 =	vor.u32 v0, v31;
	[tilespmem:s8+$0xFFFFFEF0] =	vst.add.f32.msk $0xffff, v25  }
0x123: {  	v22 =	vor.u32 v12, v22;
	v32 =	vadd.s32 s11, v16;
	[tilespmem:s8+$0xFFFFFFF0] =	vst.add.f32.msk $0xffff, v19  }
0x124: {  	v19 =	vor.u32 v12, v23;
	v16 =	vor.u32 v0, v32;
	v23 =	vld.idx.msk [tilespmem:v24+s16+$0x0], $0xffff  }
0x125: {  	v21 =	vld.idx.msk [tilespmem:v21+s16+$0x0], $0xffff  }
0x126: {  	[tilespmem:s8+$0xFFFFFE80] =	vst.add.f32.msk $0xffff, v20  }
0x127: {  	v25 =	vor.u32 v1, v18;
	v24 =	vld.idx.msk [tilespmem:v17+s16+$0x0], $0xffff  }
0x128: {  	v17 =	vld.idx.msk [tilespmem:v22+s16+$0x0], $0xffff  }
0x129: {  	v26 =	vld.idx.msk [tilespmem:v16+s16+$0x0], $0xffff  }
0x12a: {  	s9 =	simm.s32 $0xE3F0;
	v16 =	vld.idx.msk [tilespmem:v19+s16+$0x0], $0xffff  }
0x12b: {  	v19 =	vor.u32 v1, v29;
	[tilespmem:s9+$0xFFFFFF10] =	vst.add.f32.msk $0xffff, v23  }
0x12c: {  	v22 =	vor.u32 v1, v31;
	v23 =	vld.idx.msk [tilespmem:v25+s16+$0x0], $0xffff  }
0x12d: {  	[tilespmem:s9+$0xFFFFFE10] =	vst.add.f32.msk $0xffff, v21  }
0x12e: {  	v21 =	vor.u32 v4, v18;
	[tilespmem:s9+$0xFFFFFE90] =	vst.add.f32.msk $0xffff, v24  }
0x12f: {  	v24 =	vor.u32 v1, v32;
	[tilespmem:s9+$0xFFFFFF90] =	vst.add.f32.msk $0xffff, v26  }
0x130: {  	v19 =	vld.idx.msk [tilespmem:v19+s16+$0x0], $0xffff  }
0x131: {  	v22 =	vld.idx.msk [tilespmem:v22+s16+$0x0], $0xffff  }
0x132: {  	[tilespmem:s9+$0xFFFFFF20] =	vst.add.f32.msk $0xffff, v23;
	v23 =	vor.u32 v4, v29  }
0x133: {  	v21 =	vld.idx.msk [tilespmem:v21+s16+$0x0], $0xffff  }
0x134: {  	v24 =	vld.idx.msk [tilespmem:v24+s16+$0x0], $0xffff  }
0x135: {  	v25 =	vor.u32 v5, v18;
	[tilespmem:s9+$0xFFFFFE20] =	vst.add.f32.msk $0xffff, v19  }
0x136: {  	v19 =	vor.u32 v4, v31;
	[tilespmem:s9+$0xFFFFFEA0] =	vst.add.f32.msk $0xffff, v22  }
0x137: {  	v20 =	vor.u32 v4, v32;
	v22 =	vld.idx.msk [tilespmem:v23+s16+$0x0], $0xffff  }
0x138: {  	[tilespmem:s9+$0xFFFFFF30] =	vst.add.f32.msk $0xffff, v21  }
0x139: {  	v21 =	vor.u32 v5, v29;
	[tilespmem:s9+$0xFFFFFFA0] =	vst.add.f32.msk $0xffff, v24  }
0x13a: {  	v23 =	vld.idx.msk [tilespmem:v25+s16+$0x0], $0xffff  }
0x13b: {  	v19 =	vld.idx.msk [tilespmem:v19+s16+$0x0], $0xffff  }
0x13c: {  	v20 =	vld.idx.msk [tilespmem:v20+s16+$0x0], $0xffff  }
0x13d: {  	v24 =	vor.u32 v6, v18;
	[tilespmem:s9+$0xFFFFFE30] =	vst.add.f32.msk $0xffff, v22  }
0x13e: {  	v25 =	vor.u32 v5, v32;
	v21 =	vld.idx.msk [tilespmem:v21+s16+$0x0], $0xffff  }
0x13f: {  	v22 =	vor.u32 v5, v31;
	[tilespmem:s9+$0xFFFFFF40] =	vst.add.f32.msk $0xffff, v23  }
0x140: {  	[tilespmem:s9+$0xFFFFFEB0] =	vst.add.f32.msk $0xffff, v19  }
0x141: {  	[tilespmem:s9+$0xFFFFFFB0] =	vst.add.f32.msk $0xffff, v20;
	v20 =	vor.u32 v6, v29  }
0x142: {  	v23 =	vld.idx.msk [tilespmem:v24+s16+$0x0], $0xffff  }
0x143: {  	v24 =	vld.idx.msk [tilespmem:v25+s16+$0x0], $0xffff  }
0x144: {  	v19 =	vor.u32 v10, v18;
	v22 =	vld.idx.msk [tilespmem:v22+s16+$0x0], $0xffff  }
0x145: {  	[tilespmem:s9+$0xFFFFFE40] =	vst.add.f32.msk $0xffff, v21  }
0x146: {  	v21 =	vor.u32 v6, v31;
	v33 =	vld.idx.msk [tilespmem:v20+s16+$0x0], $0xffff  }
0x147: {  	[tilespmem:s9+$0xFFFFFF50] =	vst.add.f32.msk $0xffff, v23  }
0x148: {  	v23 =	vor.u32 v6, v32;
	[tilespmem:s9+$0xFFFFFFC0] =	vst.add.f32.msk $0xffff, v24  }
0x149: {  	v19 =	vld.idx.msk [tilespmem:v19+s16+$0x0], $0xffff  }
0x14a: {  	v20 =	vor.u32 v11, v18;
	[tilespmem:s9+$0xFFFFFEC0] =	vst.add.f32.msk $0xffff, v22  }
0x14b: {  	v27 =	vor.u32 v10, v29;
	v30 =	vld.idx.msk [tilespmem:v21+s16+$0x0], $0xffff  }
0x14c: {  	[tilespmem:s9+$0xFFFFFE50] =	vst.add.f32.msk $0xffff, v33  }
0x14d: {  	v26 =	vor.u32 v10, v31;
	v25 =	vor.u32 v10, v32;
	v28 =	vld.idx.msk [tilespmem:v23+s16+$0x0], $0xffff  }
0x14e: {  	v24 =	vor.u32 v11, v29;
	v22 =	vor.u32 v11, v31;
	v21 =	vor.u32 v12, v29;
	[tilespmem:s9+$0xFFFFFF60] =	vst.add.f32.msk $0xffff, v19  }
0x14f: {  	s14 =	simm.s32 $0x4;
	s18 =	sor.u32 $0x1, s7;
	v23 =	vor.u32 v11, v32;
	v19 =	vor.u32 v12, v31;
	v29 =	vld.idx.msk [tilespmem:v20+s16+$0x0], $0xffff;
	v20 =	vor.u32 v12, v32  }
.LBB2_3:
0x150: {  	s12 =	sadd.s32 s14, s24;
	v27 =	vld.idx.msk [tilespmem:v27+s16+$0x0], $0xffff;
	v18 =	vor.u32 v12, v18  }
0x151: {  	s14 =	sadd.s32 $0x4, s14;
	s22 =	sadd.s32 $0x84, s12;
	s2 =	sadd.s32 $0x86, s12;
	[tilespmem:s9+$0xFFFFFED0] =	vst.add.f32.msk $0xffff, v30  }
0x152: {  	p1 =	slt.u32 s14, $0x7C;
	v30 =	vmov s22;
	s22 =	sadd.s32 $0x85, s12;
	v31 =	vmov s2;
	s2 =	sadd.s32 $0x87, s12;
	[tilespmem:s9+$0xFFFFFFD0] =	vst.add.f32.msk $0xffff, v28  }
0x153: {  	v28 =	vand.u32 $0xFFFFFFFC, v30;
	v30 =	vmov s22;
	v31 =	vand.u32 $0xFFFFFFFE, v31;
	v26 =	vld.idx.msk [tilespmem:v26+s16+$0x0], $0xffff  }
0x154: {  	v28 =	vbroadcast v28, $0x0;
	v30 =	vand.u32 $0xFFFFFFFD, v30;
	v31 =	vbroadcast v31, $0x0;
	[tilespmem:s9+$0xFFFFFF70] =	vst.add.f32.msk $0xffff, v29  }
0x155: {  	v29 =	vbroadcast v30, $0x0;
	v30 =	vmov s2;
	v18 =	vld.idx.msk [tilespmem:v18+s16+$0x0], $0xffff  }
0x156: {  	v25 =	vld.idx.msk [tilespmem:v25+s16+$0x0], $0xffff  }
0x157: {  	[tilespmem:s9+$0xFFFFFE60] =	vst.add.f32.msk $0xffff, v27  }
0x158: {  	v24 =	vld.idx.msk [tilespmem:v24+s16+$0x0], $0xffff  }
0x159: {  	[tilespmem:s9+$0xFFFFFEE0] =	vst.add.f32.msk $0xffff, v26  }
0x15a: {  	v26 =	vld.idx.msk [tilespmem:v31+s15+$0x0], $0xffff  }
0x15b: {  	[tilespmem:s9+$0xFFFFFF80] =	vst.add.f32.msk $0xffff, v18  }
0x15c: {  	v18 =	vld.idx.msk [tilespmem:v28+s15+$0x0], $0xffff  }
0x15d: {  	v27 =	vld.idx.msk [tilespmem:v29+s15+$0x0], $0xffff  }
0x15e: {  	v28 =	vld.idx.msk [tilespmem:v30+s15+$0x0], $0xffff  }
0x15f: {  	[tilespmem:s9+$0xFFFFFFE0] =	vst.add.f32.msk $0xffff, v25  }
0x160: {  	s11 =	sadd.s32 $0x200, s11;
	v22 =	vld.idx.msk [tilespmem:v22+s16+$0x0], $0xffff  }
0x161: {  	s12 =	sadd.s32 $0xFFFFFF00, s11;
	s22 =	sadd.s32 $0xFFFFFF80, s11;
	s2 =	sadd.s32 $0xFFFFFE80, s11;
	v25 =	vshll.u32 v26, $0xE;
	v23 =	vld.idx.msk [tilespmem:v23+s16+$0x0], $0xffff  }
0x162: {  	v26 =	vshll.u32 v18, $0xE;
	v18 =	vadd.s32 s22, v25;
	[tilespmem:s9+$0xFFFFFE70] =	vst.add.f32.msk $0xffff, v24  }
0x163: {  	v29 =	vadd.s32 s2, v26;
	v24 =	vshll.u32 v27, $0xE;
	v25 =	vor.u32 v0, v18;
	v30 =	vld.idx.msk [tilespmem:v21+s16+$0x0], $0xffff  }
0x164: {  	v21 =	vor.u32 v0, v29;
	v31 =	vadd.s32 s12, v24;
	v24 =	vshll.u32 v28, $0xE;
	[tilespmem:s8+$0xFFFFFF00] =	vst.add.f32.msk $0xffff, v17  }
0x165: {  	v28 =	vor.u32 v1, v29;
	v17 =	vor.u32 v0, v31;
	v32 =	vadd.s32 s11, v24;
	[tilespmem:s8+$0x0] =	vst.add.f32.msk $0xffff, v16;
	s8 =	smov.u32 s9  }
0x166: {  	v33 =	vor.u32 v1, v31;
	v16 =	vor.u32 v0, v32;
	v34 =	vor.u32 v1, v32;
	[tilespmem:s9+$0xFFFFFEF0] =	vst.add.f32.msk $0xffff, v22  }
0x167: {  	v35 =	vor.u32 v4, v29;
	v36 =	vor.u32 v4, v31;
	v37 =	vor.u32 v4, v32;
	[tilespmem:s9+$0xFFFFFFF0] =	vst.add.f32.msk $0xffff, v23  }
0x168: {  	v38 =	vor.u32 v5, v29;
	v39 =	vor.u32 v5, v31;
	v41 =	vor.u32 v5, v32;
	v40 =	vld.idx.msk [tilespmem:v25+s16+$0x0], $0xffff  }
0x169: {  	v43 =	vor.u32 v6, v29;
	v44 =	vor.u32 v6, v31;
	v45 =	vor.u32 v6, v32;
	v42 =	vld.idx.msk [tilespmem:v21+s16+$0x0], $0xffff  }
0x16a: {  	v47 =	vor.u32 v1, v18;
	v27 =	vor.u32 v10, v29;
	v26 =	vor.u32 v10, v31;
	v46 =	vld.idx.msk [tilespmem:v17+s16+$0x0], $0xffff  }
0x16b: {  	v24 =	vor.u32 v11, v29;
	v22 =	vor.u32 v11, v31;
	v25 =	vor.u32 v10, v32;
	v48 =	vld.idx.msk [tilespmem:v16+s16+$0x0], $0xffff  }
0x16c: {  	v23 =	vor.u32 v11, v32;
	v21 =	vor.u32 v12, v29;
	v17 =	vld.idx.msk [tilespmem:v19+s16+$0x0], $0xffff;
	v19 =	vor.u32 v12, v31  }
0x16d: {  	s9 =	sadd.s32 $0x200, s9;
	v16 =	vld.idx.msk [tilespmem:v20+s16+$0x0], $0xffff;
	v20 =	vor.u32 v12, v32  }
0x16e: {  	[tilespmem:s9+$0xFFFFFF10] =	vst.add.f32.msk $0xffff, v40  }
0x16f: {  	v29 =	vld.idx.msk [tilespmem:v47+s16+$0x0], $0xffff  }
0x170: {  	[tilespmem:s9+$0xFFFFFE10] =	vst.add.f32.msk $0xffff, v42  }
0x171: {  	v31 =	vor.u32 v4, v18;
	[tilespmem:s9+$0xFFFFFE90] =	vst.add.f32.msk $0xffff, v46  }
0x172: {  	[tilespmem:s9+$0xFFFFFF90] =	vst.add.f32.msk $0xffff, v48  }
0x173: {  	v28 =	vld.idx.msk [tilespmem:v28+s16+$0x0], $0xffff  }
0x174: {  	v32 =	vld.idx.msk [tilespmem:v33+s16+$0x0], $0xffff  }
0x175: {  	[tilespmem:s9+$0xFFFFFF20] =	vst.add.f32.msk $0xffff, v29  }
0x176: {  	v29 =	vld.idx.msk [tilespmem:v31+s16+$0x0], $0xffff  }
0x177: {  	v31 =	vld.idx.msk [tilespmem:v34+s16+$0x0], $0xffff  }
0x178: {  	v33 =	vor.u32 v5, v18;
	[tilespmem:s8+$0xFFFFFE80] =	vst.add.f32.msk $0xffff, v30  }
0x179: {  	[tilespmem:s9+$0xFFFFFE20] =	vst.add.f32.msk $0xffff, v28  }
0x17a: {  	[tilespmem:s9+$0xFFFFFEA0] =	vst.add.f32.msk $0xffff, v32  }
0x17b: {  	v28 =	vld.idx.msk [tilespmem:v35+s16+$0x0], $0xffff  }
0x17c: {  	[tilespmem:s9+$0xFFFFFF30] =	vst.add.f32.msk $0xffff, v29  }
0x17d: {  	v29 =	vld.idx.msk [tilespmem:v33+s16+$0x0], $0xffff  }
0x17e: {  	[tilespmem:s9+$0xFFFFFFA0] =	vst.add.f32.msk $0xffff, v31  }
0x17f: {  	v31 =	vor.u32 v6, v18;
	v30 =	vld.idx.msk [tilespmem:v36+s16+$0x0], $0xffff  }
0x180: {  	v32 =	vld.idx.msk [tilespmem:v37+s16+$0x0], $0xffff  }
0x181: {  	[tilespmem:s9+$0xFFFFFE30] =	vst.add.f32.msk $0xffff, v28  }
0x182: {  	v28 =	vld.idx.msk [tilespmem:v38+s16+$0x0], $0xffff  }
0x183: {  	[tilespmem:s9+$0xFFFFFF40] =	vst.add.f32.msk $0xffff, v29  }
0x184: {  	v29 =	vld.idx.msk [tilespmem:v31+s16+$0x0], $0xffff  }
0x185: {  	[tilespmem:s9+$0xFFFFFEB0] =	vst.add.f32.msk $0xffff, v30  }
0x186: {  	v30 =	vor.u32 v10, v18;
	[tilespmem:s9+$0xFFFFFFB0] =	vst.add.f32.msk $0xffff, v32  }
0x187: {  	v31 =	vld.idx.msk [tilespmem:v39+s16+$0x0], $0xffff  }
0x188: {  	v32 =	vld.idx.msk [tilespmem:v41+s16+$0x0], $0xffff  }
0x189: {  	[tilespmem:s9+$0xFFFFFE40] =	vst.add.f32.msk $0xffff, v28  }
0x18a: {  	[tilespmem:s9+$0xFFFFFF50] =	vst.add.f32.msk $0xffff, v29  }
0x18b: {  	v29 =	vld.idx.msk [tilespmem:v30+s16+$0x0], $0xffff  }
0x18c: {  	v33 =	vld.idx.msk [tilespmem:v43+s16+$0x0], $0xffff  }
0x18d: {  	[tilespmem:s9+$0xFFFFFEC0] =	vst.add.f32.msk $0xffff, v31;
	v31 =	vor.u32 v11, v18  }
0x18e: {  	[tilespmem:s9+$0xFFFFFFC0] =	vst.add.f32.msk $0xffff, v32  }
.Ltmp2:
0x18f: {  	v30 =	vld.idx.msk [tilespmem:v44+s16+$0x0], $0xffff;
	(pc) =	sbr.rel @p1 .LBB2_3-.Ltmp2, $4  }
0x190: {  	v28 =	vld.idx.msk [tilespmem:v45+s16+$0x0], $0xffff  }
0x191: {  	[tilespmem:s9+$0xFFFFFF60] =	vst.add.f32.msk $0xffff, v29  }
0x192: {  	v29 =	vld.idx.msk [tilespmem:v31+s16+$0x0], $0xffff  }
0x193: {  	[tilespmem:s9+$0xFFFFFE50] =	vst.add.f32.msk $0xffff, v33  }
0x194: {  	_ =	sdelay $0x3  }
0x195: {  	v27 =	vld.idx.msk [tilespmem:v27+s16+$0x0], $0xffff  }
0x196: {  	v18 =	vor.u32 v12, v18;
	[tilespmem:s9+$0xFFFFFED0] =	vst.add.f32.msk $0xffff, v30  }
0x197: {  	[tilespmem:s9+$0xFFFFFFD0] =	vst.add.f32.msk $0xffff, v28  }
0x198: {  	v26 =	vld.idx.msk [tilespmem:v26+s16+$0x0], $0xffff  }
0x199: {  	v25 =	vld.idx.msk [tilespmem:v25+s16+$0x0], $0xffff  }
0x19a: {  	[tilespmem:s9+$0xFFFFFF70] =	vst.add.f32.msk $0xffff, v29  }
0x19b: {  	v18 =	vld.idx.msk [tilespmem:v18+s16+$0x0], $0xffff  }
0x19c: {  	[tilespmem:s9+$0xFFFFFE60] =	vst.add.f32.msk $0xffff, v27  }
0x19d: {  	v24 =	vld.idx.msk [tilespmem:v24+s16+$0x0], $0xffff  }
0x19e: {  	[tilespmem:s9+$0xFFFFFEE0] =	vst.add.f32.msk $0xffff, v26  }
0x19f: {  	[tilespmem:s9+$0xFFFFFFE0] =	vst.add.f32.msk $0xffff, v25  }
0x1a0: {  	v22 =	vld.idx.msk [tilespmem:v22+s16+$0x0], $0xffff  }
0x1a1: {  	v23 =	vld.idx.msk [tilespmem:v23+s16+$0x0], $0xffff  }
0x1a2: {  	[tilespmem:s9+$0xFFFFFF80] =	vst.add.f32.msk $0xffff, v18  }
0x1a3: {  	[tilespmem:s9+$0xFFFFFE70] =	vst.add.f32.msk $0xffff, v24  }
0x1a4: {  	v18 =	vld.idx.msk [tilespmem:v21+s16+$0x0], $0xffff  }
0x1a5: {  	[tilespmem:s9+$0xFFFFFEF0] =	vst.add.f32.msk $0xffff, v22  }
0x1a6: {  	[tilespmem:s9+$0xFFFFFFF0] =	vst.add.f32.msk $0xffff, v23  }
0x1a7: {  	v19 =	vld.idx.msk [tilespmem:v19+s16+$0x0], $0xffff  }
0x1a8: {  	v20 =	vld.idx.msk [tilespmem:v20+s16+$0x0], $0xffff  }
0x1a9: {  	[tilespmem:s8+$0xFFFFFF00] =	vst.add.f32.msk $0xffff, v17  }
0x1aa: {  	[tilespmem:s8+$0x0] =	vst.add.f32.msk $0xffff, v16  }
0x1ab: {  	s2 =	sadd.s32 s5, s18;
	[tilespmem:s9+$0xFFFFFE80] =	vst.add.f32.msk $0xffff, v18  }
0x1ac: {  	s2 =	sshll.u32 s2, $0xD;
	[tilespmem:s9+$0xFFFFFF00] =	vst.add.f32.msk $0xffff, v19  }
0x1ad: {  	s2 =	sadd.s32 s2, s10;
	[tilespmem:s9+$0x0] =	vst.add.f32.msk $0xffff, v20  }
0x1ae: {  	[hbm4b:s2+s3] =	stream.linear.scatter [tilespmem:s21], [sflag:$0x6], $0x4000, $0x38;
	[tilespmem:$0x1C800] =	vst v63  }
0x1af: {  	s12 =	sadd.s32 $0xFFFFFFFC, s24;
	s9 =	sor.u32 $0x2, s7;
	_ =	swait.ge [sflag:s29], $0x4000  }
0x1b0: {  	s14 =	sadd.s32 $0x184, s12;
	s11 =	sshll.u32 s9, $0x7;
	[sflag:s29] =	ssyncset.done $0x0  }
0x1b1: {  	s8 =	sand.u32 $0x3FFFFF80, s11;
	s11 =	sadd.s32 $0x186, s12;
	[sflag:s29] =	ssyncadd.s32 $0xFFFFC000  }
0x1b2: {  	v16 =	vmov s11;
	[tilespmem:s23], [sflag:$0x3] =	stream.indirect.gather.add.f32 [hbm:s0], $0x80, s8, s13, $0xb8;
	[tilespmem:$0x1C800] =	vst v63  }
0x1b3: {  	s18 =	sadd.s32 $0x185, s12;
	v17 =	vmov s14;
	s2 =	sadd.s32 s5, s9;
	v16 =	vand.u32 $0xFFFFFFFE, v16;
	_ =	swait.ge [sflag:s29], $0x4000  }
0x1b4: {  	v17 =	vand.u32 $0xFFFFFFFC, v17;
	v18 =	vmov s18;
	s2 =	sshll.u32 s2, $0xD;
	v16 =	vbroadcast v16, $0x0;
	[sflag:s29] =	ssyncset.done $0x0  }
0x1b5: {  	v17 =	vbroadcast v17, $0x0;
	v18 =	vand.u32 $0xFFFFFFFD, v18;
	s2 =	sadd.s32 s2, s10;
	[sflag:s29] =	ssyncadd.s32 $0xFFFFC000  }
0x1b6: {  	v18 =	vbroadcast v18, $0x0;
	[hbm4b:s2+s3] =	stream.linear.scatter [tilespmem:s23], [sflag:$0x7], $0x4000, $0x38;
	[tilespmem:$0x1C800] =	vst v63  }
0x1b7: {  	s22 =	sadd.s32 $0x187, s12;
	_ =	swait.ge [sflag:s30], $0x4000  }
0x1b8: {  	v19 =	vmov s22;
	[sflag:s30] =	ssyncset.done $0x0  }
0x1b9: {  	[sflag:s30] =	ssyncadd.s32 $0xFFFFC000  }
0x1ba: {  	v16 =	vld.idx.msk [tilespmem:v16+s15+$0x0], $0xffff  }
0x1bb: {  	v17 =	vld.idx.msk [tilespmem:v17+s15+$0x0], $0xffff  }
0x1bc: {  	v18 =	vld.idx.msk [tilespmem:v18+s15+$0x0], $0xffff  }
0x1bd: {  	v19 =	vld.idx.msk [tilespmem:v19+s15+$0x0], $0xffff;
	_ =	sdelay $0x1  }
0x1be: {  	s8 =	simm.s32 $0x100;
	v16 =	vshll.u32 v16, $0xE  }
0x1bf: {  	s9 =	simm.s32 $0x0;
	v17 =	vshll.u32 v17, $0xE;
	v16 =	vadd.s32 s8, v16  }
0x1c0: {  	s11 =	simm.s32 $0x80;
	v18 =	vshll.u32 v18, $0xE;
	v17 =	vadd.s32 s9, v17;
	v20 =	vor.u32 v0, v16  }
0x1c1: {  	s12 =	simm.s32 $0x180;
	v22 =	vadd.s32 s11, v18;
	v18 =	vshll.u32 v19, $0xE;
	v21 =	vor.u32 v0, v17  }
0x1c2: {  	v23 =	vadd.s32 s12, v18  }
0x1c3: {  	v18 =	vor.u32 v0, v23  }
0x1c4: {  	v19 =	vor.u32 v0, v22  }
0x1c5: {  	v20 =	vld.idx.msk [tilespmem:v20+s16+$0x0], $0xffff  }
0x1c6: {  	v21 =	vld.idx.msk [tilespmem:v21+s16+$0x0], $0xffff  }
0x1c7: {  	v24 =	vor.u32 v1, v16  }
0x1c8: {  	v18 =	vld.idx.msk [tilespmem:v18+s16+$0x0], $0xffff  }
0x1c9: {  	s8 =	simm.s32 $0x161F0;
	v25 =	vor.u32 v1, v17;
	v19 =	vld.idx.msk [tilespmem:v19+s16+$0x0], $0xffff  }
0x1ca: {  	[tilespmem:s8+$0xFFFFFF10] =	vst.add.f32.msk $0xffff, v20  }
0x1cb: {  	v20 =	vor.u32 v1, v22;
	[tilespmem:s8+$0xFFFFFE10] =	vst.add.f32.msk $0xffff, v21  }
0x1cc: {  	v21 =	vor.u32 v1, v23;
	v24 =	vld.idx.msk [tilespmem:v24+s16+$0x0], $0xffff  }
0x1cd: {  	[tilespmem:s8+$0xFFFFFF90] =	vst.add.f32.msk $0xffff, v18  }
0x1ce: {  	v18 =	vld.idx.msk [tilespmem:v25+s16+$0x0], $0xffff  }
0x1cf: {  	[tilespmem:s8+$0xFFFFFE90] =	vst.add.f32.msk $0xffff, v19;
	v19 =	vor.u32 v4, v16  }
0x1d0: {  	v25 =	vor.u32 v4, v17;
	v20 =	vld.idx.msk [tilespmem:v20+s16+$0x0], $0xffff  }
0x1d1: {  	v21 =	vld.idx.msk [tilespmem:v21+s16+$0x0], $0xffff  }
0x1d2: {  	[tilespmem:s8+$0xFFFFFF20] =	vst.add.f32.msk $0xffff, v24  }
0x1d3: {  	[tilespmem:s8+$0xFFFFFE20] =	vst.add.f32.msk $0xffff, v18;
	v18 =	vor.u32 v4, v22  }
0x1d4: {  	v19 =	vld.idx.msk [tilespmem:v19+s16+$0x0], $0xffff  }
0x1d5: {  	v24 =	vor.u32 v5, v16;
	v25 =	vld.idx.msk [tilespmem:v25+s16+$0x0], $0xffff  }
0x1d6: {  	[tilespmem:s8+$0xFFFFFEA0] =	vst.add.f32.msk $0xffff, v20  }
0x1d7: {  	v20 =	vor.u32 v4, v23;
	[tilespmem:s8+$0xFFFFFFA0] =	vst.add.f32.msk $0xffff, v21  }
0x1d8: {  	v18 =	vld.idx.msk [tilespmem:v18+s16+$0x0], $0xffff  }
0x1d9: {  	[tilespmem:s8+$0xFFFFFF30] =	vst.add.f32.msk $0xffff, v19;
	v19 =	vor.u32 v5, v17  }
0x1da: {  	v24 =	vld.idx.msk [tilespmem:v24+s16+$0x0], $0xffff  }
0x1db: {  	[tilespmem:s8+$0xFFFFFE30] =	vst.add.f32.msk $0xffff, v25;
	v25 =	vor.u32 v5, v22  }
0x1dc: {  	v21 =	vor.u32 v6, v16;
	v20 =	vld.idx.msk [tilespmem:v20+s16+$0x0], $0xffff  }
0x1dd: {  	[tilespmem:s8+$0xFFFFFEB0] =	vst.add.f32.msk $0xffff, v18  }
0x1de: {  	v26 =	vor.u32 v5, v23;
	v19 =	vld.idx.msk [tilespmem:v19+s16+$0x0], $0xffff  }
0x1df: {  	[tilespmem:s8+$0xFFFFFF40] =	vst.add.f32.msk $0xffff, v24  }
0x1e0: {  	v24 =	vld.idx.msk [tilespmem:v25+s16+$0x0], $0xffff  }
0x1e1: {  	v21 =	vld.idx.msk [tilespmem:v21+s16+$0x0], $0xffff  }
0x1e2: {  	v18 =	vor.u32 v10, v16;
	[tilespmem:s8+$0xFFFFFFB0] =	vst.add.f32.msk $0xffff, v20  }
0x1e3: {  	v20 =	vor.u32 v6, v17;
	v25 =	vld.idx.msk [tilespmem:v26+s16+$0x0], $0xffff  }
0x1e4: {  	[tilespmem:s8+$0xFFFFFE40] =	vst.add.f32.msk $0xffff, v19  }
0x1e5: {  	v19 =	vor.u32 v6, v22;
	[tilespmem:s8+$0xFFFFFEC0] =	vst.add.f32.msk $0xffff, v24  }
0x1e6: {  	[tilespmem:s8+$0xFFFFFF50] =	vst.add.f32.msk $0xffff, v21;
	v21 =	vor.u32 v6, v23  }
0x1e7: {  	v18 =	vld.idx.msk [tilespmem:v18+s16+$0x0], $0xffff  }
0x1e8: {  	v20 =	vld.idx.msk [tilespmem:v20+s16+$0x0], $0xffff  }
0x1e9: {  	v24 =	vor.u32 v11, v16;
	[tilespmem:s8+$0xFFFFFFC0] =	vst.add.f32.msk $0xffff, v25  }
0x1ea: {  	v25 =	vor.u32 v10, v17;
	v19 =	vld.idx.msk [tilespmem:v19+s16+$0x0], $0xffff  }
0x1eb: {  	v21 =	vld.idx.msk [tilespmem:v21+s16+$0x0], $0xffff  }
0x1ec: {  	[tilespmem:s8+$0xFFFFFF60] =	vst.add.f32.msk $0xffff, v18  }
0x1ed: {  	v18 =	vor.u32 v10, v22;
	[tilespmem:s8+$0xFFFFFE50] =	vst.add.f32.msk $0xffff, v20  }
0x1ee: {  	v24 =	vld.idx.msk [tilespmem:v24+s16+$0x0], $0xffff  }
0x1ef: {  	s14 =	sadd.s32 $0x0, s24;
	v20 =	vld.idx.msk [tilespmem:v25+s16+$0x0], $0xffff;
	v25 =	vor.u32 v10, v23  }
0x1f0: {  	s18 =	sadd.s32 $0x186, s14;
	[tilespmem:s8+$0xFFFFFED0] =	vst.add.f32.msk $0xffff, v19  }
0x1f1: {  	s22 =	sadd.s32 $0x184, s14;
	v16 =	vor.u32 v12, v16;
	v19 =	vmov s18;
	[tilespmem:s8+$0xFFFFFFD0] =	vst.add.f32.msk $0xffff, v21  }
0x1f2: {  	v26 =	vmov s22;
	v19 =	vand.u32 $0xFFFFFFFE, v19;
	v21 =	vor.u32 v11, v17;
	v18 =	vld.idx.msk [tilespmem:v18+s16+$0x0], $0xffff  }
0x1f3: {  	s12 =	sadd.s32 $0x185, s14;
	v26 =	vand.u32 $0xFFFFFFFC, v26;
	v19 =	vbroadcast v19, $0x0;
	[tilespmem:s8+$0xFFFFFF70] =	vst.add.f32.msk $0xffff, v24  }
0x1f4: {  	v27 =	vmov s12;
	v24 =	vbroadcast v26, $0x0;
	v25 =	vld.idx.msk [tilespmem:v25+s16+$0x0], $0xffff  }
0x1f5: {  	s2 =	sadd.s32 $0x187, s14;
	v26 =	vand.u32 $0xFFFFFFFD, v27;
	[tilespmem:s8+$0xFFFFFE60] =	vst.add.f32.msk $0xffff, v20  }
0x1f6: {  	v20 =	vmov s2;
	v16 =	vld.idx.msk [tilespmem:v16+s16+$0x0], $0xffff;
	v26 =	vbroadcast v26, $0x0  }
0x1f7: {  	v21 =	vld.idx.msk [tilespmem:v21+s16+$0x0], $0xffff  }
0x1f8: {  	[tilespmem:s8+$0xFFFFFEE0] =	vst.add.f32.msk $0xffff, v18  }
0x1f9: {  	v18 =	vor.u32 v11, v22;
	v19 =	vld.idx.msk [tilespmem:v19+s15+$0x0], $0xffff  }
0x1fa: {  	v27 =	vor.u32 v11, v23;
	v24 =	vld.idx.msk [tilespmem:v24+s15+$0x0], $0xffff  }
0x1fb: {  	v20 =	vld.idx.msk [tilespmem:v20+s15+$0x0], $0xffff  }
0x1fc: {  	v26 =	vld.idx.msk [tilespmem:v26+s15+$0x0], $0xffff  }
0x1fd: {  	v17 =	vor.u32 v12, v17;
	[tilespmem:s8+$0xFFFFFFE0] =	vst.add.f32.msk $0xffff, v25  }
0x1fe: {  	s14 =	simm.s32 $0x300;
	v25 =	vld.idx.msk [tilespmem:v18+s16+$0x0], $0xffff;
	v18 =	vshll.u32 v19, $0xE  }
0x1ff: {  	s18 =	simm.s32 $0x200;
	v19 =	vld.idx.msk [tilespmem:v27+s16+$0x0], $0xffff;
	v18 =	vadd.s32 s14, v18;
	v24 =	vshll.u32 v24, $0xE  }
0x200: {  	[tilespmem:s8+$0xFFFFFF80] =	vst.add.f32.msk $0xffff, v16;
	v29 =	vadd.s32 s18, v24;
	v24 =	vor.u32 v0, v18  }
0x201: {  	s22 =	simm.s32 $0x280;
	[tilespmem:s8+$0xFFFFFE70] =	vst.add.f32.msk $0xffff, v21;
	v16 =	vshll.u32 v26, $0xE;
	v21 =	vor.u32 v0, v29  }
0x202: {  	v31 =	vadd.s32 s22, v16;
	v16 =	vshll.u32 v20, $0xE;
	v20 =	vld.idx.msk [tilespmem:v17+s16+$0x0], $0xffff  }
0x203: {  	s11 =	simm.s32 $0x380;
	v17 =	vor.u32 v0, v31;
	[tilespmem:s8+$0xFFFFFEF0] =	vst.add.f32.msk $0xffff, v25  }
0x204: {  	v22 =	vor.u32 v12, v22;
	v32 =	vadd.s32 s11, v16;
	[tilespmem:s8+$0xFFFFFFF0] =	vst.add.f32.msk $0xffff, v19  }
0x205: {  	v19 =	vor.u32 v12, v23;
	v16 =	vor.u32 v0, v32;
	v23 =	vld.idx.msk [tilespmem:v24+s16+$0x0], $0xffff  }
0x206: {  	v21 =	vld.idx.msk [tilespmem:v21+s16+$0x0], $0xffff  }
0x207: {  	[tilespmem:s8+$0xFFFFFE80] =	vst.add.f32.msk $0xffff, v20  }
0x208: {  	v25 =	vor.u32 v1, v18;
	v24 =	vld.idx.msk [tilespmem:v17+s16+$0x0], $0xffff  }
0x209: {  	v17 =	vld.idx.msk [tilespmem:v22+s16+$0x0], $0xffff  }
0x20a: {  	v26 =	vld.idx.msk [tilespmem:v16+s16+$0x0], $0xffff  }
0x20b: {  	s9 =	simm.s32 $0x163F0;
	v16 =	vld.idx.msk [tilespmem:v19+s16+$0x0], $0xffff  }
0x20c: {  	v19 =	vor.u32 v1, v29;
	[tilespmem:s9+$0xFFFFFF10] =	vst.add.f32.msk $0xffff, v23  }
0x20d: {  	v22 =	vor.u32 v1, v31;
	v23 =	vld.idx.msk [tilespmem:v25+s16+$0x0], $0xffff  }
0x20e: {  	[tilespmem:s9+$0xFFFFFE10] =	vst.add.f32.msk $0xffff, v21  }
0x20f: {  	v21 =	vor.u32 v4, v18;
	[tilespmem:s9+$0xFFFFFE90] =	vst.add.f32.msk $0xffff, v24  }
0x210: {  	v24 =	vor.u32 v1, v32;
	[tilespmem:s9+$0xFFFFFF90] =	vst.add.f32.msk $0xffff, v26  }
0x211: {  	v19 =	vld.idx.msk [tilespmem:v19+s16+$0x0], $0xffff  }
0x212: {  	v22 =	vld.idx.msk [tilespmem:v22+s16+$0x0], $0xffff  }
0x213: {  	[tilespmem:s9+$0xFFFFFF20] =	vst.add.f32.msk $0xffff, v23;
	v23 =	vor.u32 v4, v29  }
0x214: {  	v21 =	vld.idx.msk [tilespmem:v21+s16+$0x0], $0xffff  }
0x215: {  	v24 =	vld.idx.msk [tilespmem:v24+s16+$0x0], $0xffff  }
0x216: {  	v25 =	vor.u32 v5, v18;
	[tilespmem:s9+$0xFFFFFE20] =	vst.add.f32.msk $0xffff, v19  }
0x217: {  	v19 =	vor.u32 v4, v31;
	[tilespmem:s9+$0xFFFFFEA0] =	vst.add.f32.msk $0xffff, v22  }
0x218: {  	v20 =	vor.u32 v4, v32;
	v22 =	vld.idx.msk [tilespmem:v23+s16+$0x0], $0xffff  }
0x219: {  	[tilespmem:s9+$0xFFFFFF30] =	vst.add.f32.msk $0xffff, v21  }
0x21a: {  	v21 =	vor.u32 v5, v29;
	[tilespmem:s9+$0xFFFFFFA0] =	vst.add.f32.msk $0xffff, v24  }
0x21b: {  	v23 =	vld.idx.msk [tilespmem:v25+s16+$0x0], $0xffff  }
0x21c: {  	v19 =	vld.idx.msk [tilespmem:v19+s16+$0x0], $0xffff  }
0x21d: {  	v20 =	vld.idx.msk [tilespmem:v20+s16+$0x0], $0xffff  }
0x21e: {  	v24 =	vor.u32 v6, v18;
	[tilespmem:s9+$0xFFFFFE30] =	vst.add.f32.msk $0xffff, v22  }
0x21f: {  	v25 =	vor.u32 v5, v32;
	v21 =	vld.idx.msk [tilespmem:v21+s16+$0x0], $0xffff  }
0x220: {  	v22 =	vor.u32 v5, v31;
	[tilespmem:s9+$0xFFFFFF40] =	vst.add.f32.msk $0xffff, v23  }
0x221: {  	[tilespmem:s9+$0xFFFFFEB0] =	vst.add.f32.msk $0xffff, v19  }
0x222: {  	[tilespmem:s9+$0xFFFFFFB0] =	vst.add.f32.msk $0xffff, v20;
	v20 =	vor.u32 v6, v29  }
0x223: {  	v23 =	vld.idx.msk [tilespmem:v24+s16+$0x0], $0xffff  }
0x224: {  	v24 =	vld.idx.msk [tilespmem:v25+s16+$0x0], $0xffff  }
0x225: {  	v19 =	vor.u32 v10, v18;
	v22 =	vld.idx.msk [tilespmem:v22+s16+$0x0], $0xffff  }
0x226: {  	[tilespmem:s9+$0xFFFFFE40] =	vst.add.f32.msk $0xffff, v21  }
0x227: {  	v21 =	vor.u32 v6, v31;
	v33 =	vld.idx.msk [tilespmem:v20+s16+$0x0], $0xffff  }
0x228: {  	[tilespmem:s9+$0xFFFFFF50] =	vst.add.f32.msk $0xffff, v23  }
0x229: {  	v23 =	vor.u32 v6, v32;
	[tilespmem:s9+$0xFFFFFFC0] =	vst.add.f32.msk $0xffff, v24  }
0x22a: {  	v19 =	vld.idx.msk [tilespmem:v19+s16+$0x0], $0xffff  }
0x22b: {  	v20 =	vor.u32 v11, v18;
	[tilespmem:s9+$0xFFFFFEC0] =	vst.add.f32.msk $0xffff, v22  }
0x22c: {  	v27 =	vor.u32 v10, v29;
	v30 =	vld.idx.msk [tilespmem:v21+s16+$0x0], $0xffff  }
0x22d: {  	[tilespmem:s9+$0xFFFFFE50] =	vst.add.f32.msk $0xffff, v33  }
0x22e: {  	v26 =	vor.u32 v10, v31;
	v25 =	vor.u32 v10, v32;
	v28 =	vld.idx.msk [tilespmem:v23+s16+$0x0], $0xffff  }
0x22f: {  	v24 =	vor.u32 v11, v29;
	v22 =	vor.u32 v11, v31;
	v21 =	vor.u32 v12, v29;
	[tilespmem:s9+$0xFFFFFF60] =	vst.add.f32.msk $0xffff, v19  }
0x230: {  	s7 =	sor.u32 $0x3, s7;
	s14 =	simm.s32 $0x4;
	v23 =	vor.u32 v11, v32;
	v19 =	vor.u32 v12, v31;
	v29 =	vld.idx.msk [tilespmem:v20+s16+$0x0], $0xffff;
	v20 =	vor.u32 v12, v32  }
.LBB2_5:
0x231: {  	s2 =	sadd.s32 s14, s24;
	v27 =	vld.idx.msk [tilespmem:v27+s16+$0x0], $0xffff;
	v18 =	vor.u32 v12, v18  }
0x232: {  	s14 =	sadd.s32 $0x4, s14;
	s12 =	sadd.s32 $0x184, s2;
	s18 =	sadd.s32 $0x186, s2;
	[tilespmem:s9+$0xFFFFFED0] =	vst.add.f32.msk $0xffff, v30  }
0x233: {  	p1 =	slt.u32 s14, $0x7C;
	v30 =	vmov s12;
	s12 =	sadd.s32 $0x185, s2;
	v31 =	vmov s18;
	s2 =	sadd.s32 $0x187, s2;
	[tilespmem:s9+$0xFFFFFFD0] =	vst.add.f32.msk $0xffff, v28  }
0x234: {  	v28 =	vand.u32 $0xFFFFFFFC, v30;
	v30 =	vmov s12;
	v31 =	vand.u32 $0xFFFFFFFE, v31;
	v26 =	vld.idx.msk [tilespmem:v26+s16+$0x0], $0xffff  }
0x235: {  	v28 =	vbroadcast v28, $0x0;
	v30 =	vand.u32 $0xFFFFFFFD, v30;
	v31 =	vbroadcast v31, $0x0;
	[tilespmem:s9+$0xFFFFFF70] =	vst.add.f32.msk $0xffff, v29  }
0x236: {  	v29 =	vbroadcast v30, $0x0;
	v30 =	vmov s2;
	v18 =	vld.idx.msk [tilespmem:v18+s16+$0x0], $0xffff  }
0x237: {  	v25 =	vld.idx.msk [tilespmem:v25+s16+$0x0], $0xffff  }
0x238: {  	[tilespmem:s9+$0xFFFFFE60] =	vst.add.f32.msk $0xffff, v27  }
0x239: {  	v24 =	vld.idx.msk [tilespmem:v24+s16+$0x0], $0xffff  }
0x23a: {  	[tilespmem:s9+$0xFFFFFEE0] =	vst.add.f32.msk $0xffff, v26  }
0x23b: {  	v26 =	vld.idx.msk [tilespmem:v31+s15+$0x0], $0xffff  }
0x23c: {  	[tilespmem:s9+$0xFFFFFF80] =	vst.add.f32.msk $0xffff, v18  }
0x23d: {  	v18 =	vld.idx.msk [tilespmem:v28+s15+$0x0], $0xffff  }
0x23e: {  	v27 =	vld.idx.msk [tilespmem:v29+s15+$0x0], $0xffff  }
0x23f: {  	v28 =	vld.idx.msk [tilespmem:v30+s15+$0x0], $0xffff  }
0x240: {  	[tilespmem:s9+$0xFFFFFFE0] =	vst.add.f32.msk $0xffff, v25  }
0x241: {  	s11 =	sadd.s32 $0x200, s11;
	v22 =	vld.idx.msk [tilespmem:v22+s16+$0x0], $0xffff  }
0x242: {  	s18 =	sadd.s32 $0xFFFFFF80, s11;
	s12 =	sadd.s32 $0xFFFFFF00, s11;
	s2 =	sadd.s32 $0xFFFFFE80, s11;
	v25 =	vshll.u32 v26, $0xE;
	v23 =	vld.idx.msk [tilespmem:v23+s16+$0x0], $0xffff  }
0x243: {  	v26 =	vshll.u32 v18, $0xE;
	v18 =	vadd.s32 s18, v25;
	[tilespmem:s9+$0xFFFFFE70] =	vst.add.f32.msk $0xffff, v24  }
0x244: {  	v29 =	vadd.s32 s2, v26;
	v24 =	vshll.u32 v27, $0xE;
	v25 =	vor.u32 v0, v18;
	v30 =	vld.idx.msk [tilespmem:v21+s16+$0x0], $0xffff  }
0x245: {  	v21 =	vor.u32 v0, v29;
	v31 =	vadd.s32 s12, v24;
	v24 =	vshll.u32 v28, $0xE;
	[tilespmem:s8+$0xFFFFFF00] =	vst.add.f32.msk $0xffff, v17  }
0x246: {  	v28 =	vor.u32 v1, v29;
	v17 =	vor.u32 v0, v31;
	v32 =	vadd.s32 s11, v24;
	[tilespmem:s8+$0x0] =	vst.add.f32.msk $0xffff, v16;
	s8 =	smov.u32 s9  }
0x247: {  	v33 =	vor.u32 v1, v31;
	v16 =	vor.u32 v0, v32;
	v34 =	vor.u32 v1, v32;
	[tilespmem:s9+$0xFFFFFEF0] =	vst.add.f32.msk $0xffff, v22  }
0x248: {  	v35 =	vor.u32 v4, v29;
	v36 =	vor.u32 v4, v31;
	v37 =	vor.u32 v4, v32;
	[tilespmem:s9+$0xFFFFFFF0] =	vst.add.f32.msk $0xffff, v23  }
0x249: {  	v38 =	vor.u32 v5, v29;
	v39 =	vor.u32 v5, v31;
	v41 =	vor.u32 v5, v32;
	v40 =	vld.idx.msk [tilespmem:v25+s16+$0x0], $0xffff  }
0x24a: {  	v43 =	vor.u32 v6, v29;
	v44 =	vor.u32 v6, v31;
	v45 =	vor.u32 v6, v32;
	v42 =	vld.idx.msk [tilespmem:v21+s16+$0x0], $0xffff  }
0x24b: {  	v47 =	vor.u32 v1, v18;
	v27 =	vor.u32 v10, v29;
	v26 =	vor.u32 v10, v31;
	v46 =	vld.idx.msk [tilespmem:v17+s16+$0x0], $0xffff  }
0x24c: {  	v24 =	vor.u32 v11, v29;
	v22 =	vor.u32 v11, v31;
	v25 =	vor.u32 v10, v32;
	v48 =	vld.idx.msk [tilespmem:v16+s16+$0x0], $0xffff  }
0x24d: {  	v23 =	vor.u32 v11, v32;
	v21 =	vor.u32 v12, v29;
	v17 =	vld.idx.msk [tilespmem:v19+s16+$0x0], $0xffff;
	v19 =	vor.u32 v12, v31  }
0x24e: {  	s9 =	sadd.s32 $0x200, s9;
	v16 =	vld.idx.msk [tilespmem:v20+s16+$0x0], $0xffff;
	v20 =	vor.u32 v12, v32  }
0x24f: {  	[tilespmem:s9+$0xFFFFFF10] =	vst.add.f32.msk $0xffff, v40  }
0x250: {  	v29 =	vld.idx.msk [tilespmem:v47+s16+$0x0], $0xffff  }
0x251: {  	[tilespmem:s9+$0xFFFFFE10] =	vst.add.f32.msk $0xffff, v42  }
0x252: {  	v31 =	vor.u32 v4, v18;
	[tilespmem:s9+$0xFFFFFE90] =	vst.add.f32.msk $0xffff, v46  }
0x253: {  	[tilespmem:s9+$0xFFFFFF90] =	vst.add.f32.msk $0xffff, v48  }
0x254: {  	v28 =	vld.idx.msk [tilespmem:v28+s16+$0x0], $0xffff  }
0x255: {  	v32 =	vld.idx.msk [tilespmem:v33+s16+$0x0], $0xffff  }
0x256: {  	[tilespmem:s9+$0xFFFFFF20] =	vst.add.f32.msk $0xffff, v29  }
0x257: {  	v29 =	vld.idx.msk [tilespmem:v31+s16+$0x0], $0xffff  }
0x258: {  	v31 =	vld.idx.msk [tilespmem:v34+s16+$0x0], $0xffff  }
0x259: {  	v33 =	vor.u32 v5, v18;
	[tilespmem:s8+$0xFFFFFE80] =	vst.add.f32.msk $0xffff, v30  }
0x25a: {  	[tilespmem:s9+$0xFFFFFE20] =	vst.add.f32.msk $0xffff, v28  }
0x25b: {  	[tilespmem:s9+$0xFFFFFEA0] =	vst.add.f32.msk $0xffff, v32  }
0x25c: {  	v28 =	vld.idx.msk [tilespmem:v35+s16+$0x0], $0xffff  }
0x25d: {  	[tilespmem:s9+$0xFFFFFF30] =	vst.add.f32.msk $0xffff, v29  }
0x25e: {  	v29 =	vld.idx.msk [tilespmem:v33+s16+$0x0], $0xffff  }
0x25f: {  	[tilespmem:s9+$0xFFFFFFA0] =	vst.add.f32.msk $0xffff, v31  }
0x260: {  	v31 =	vor.u32 v6, v18;
	v30 =	vld.idx.msk [tilespmem:v36+s16+$0x0], $0xffff  }
0x261: {  	v32 =	vld.idx.msk [tilespmem:v37+s16+$0x0], $0xffff  }
0x262: {  	[tilespmem:s9+$0xFFFFFE30] =	vst.add.f32.msk $0xffff, v28  }
0x263: {  	v28 =	vld.idx.msk [tilespmem:v38+s16+$0x0], $0xffff  }
0x264: {  	[tilespmem:s9+$0xFFFFFF40] =	vst.add.f32.msk $0xffff, v29  }
0x265: {  	v29 =	vld.idx.msk [tilespmem:v31+s16+$0x0], $0xffff  }
0x266: {  	[tilespmem:s9+$0xFFFFFEB0] =	vst.add.f32.msk $0xffff, v30  }
0x267: {  	v30 =	vor.u32 v10, v18;
	[tilespmem:s9+$0xFFFFFFB0] =	vst.add.f32.msk $0xffff, v32  }
0x268: {  	v31 =	vld.idx.msk [tilespmem:v39+s16+$0x0], $0xffff  }
0x269: {  	v32 =	vld.idx.msk [tilespmem:v41+s16+$0x0], $0xffff  }
0x26a: {  	[tilespmem:s9+$0xFFFFFE40] =	vst.add.f32.msk $0xffff, v28  }
0x26b: {  	[tilespmem:s9+$0xFFFFFF50] =	vst.add.f32.msk $0xffff, v29  }
0x26c: {  	v29 =	vld.idx.msk [tilespmem:v30+s16+$0x0], $0xffff  }
0x26d: {  	v33 =	vld.idx.msk [tilespmem:v43+s16+$0x0], $0xffff  }
0x26e: {  	[tilespmem:s9+$0xFFFFFEC0] =	vst.add.f32.msk $0xffff, v31;
	v31 =	vor.u32 v11, v18  }
0x26f: {  	[tilespmem:s9+$0xFFFFFFC0] =	vst.add.f32.msk $0xffff, v32  }
.Ltmp3:
0x270: {  	v30 =	vld.idx.msk [tilespmem:v44+s16+$0x0], $0xffff;
	(pc) =	sbr.rel @p1 .LBB2_5-.Ltmp3, $4  }
0x271: {  	v28 =	vld.idx.msk [tilespmem:v45+s16+$0x0], $0xffff  }
0x272: {  	[tilespmem:s9+$0xFFFFFF60] =	vst.add.f32.msk $0xffff, v29  }
0x273: {  	v29 =	vld.idx.msk [tilespmem:v31+s16+$0x0], $0xffff  }
0x274: {  	[tilespmem:s9+$0xFFFFFE50] =	vst.add.f32.msk $0xffff, v33  }
0x275: {  	_ =	sdelay $0x3  }
0x276: {  	v27 =	vld.idx.msk [tilespmem:v27+s16+$0x0], $0xffff  }
0x277: {  	[tilespmem:s9+$0xFFFFFED0] =	vst.add.f32.msk $0xffff, v30  }
0x278: {  	[tilespmem:s8+$0xFFFFFF00] =	vst.add.f32.msk $0xffff, v17  }
0x279: {  	[tilespmem:s9+$0xFFFFFFD0] =	vst.add.f32.msk $0xffff, v28  }
0x27a: {  	v26 =	vld.idx.msk [tilespmem:v26+s16+$0x0], $0xffff  }
0x27b: {  	v25 =	vld.idx.msk [tilespmem:v25+s16+$0x0], $0xffff  }
0x27c: {  	[tilespmem:s9+$0xFFFFFF70] =	vst.add.f32.msk $0xffff, v29  }
0x27d: {  	[tilespmem:s9+$0xFFFFFE60] =	vst.add.f32.msk $0xffff, v27  }
0x27e: {  	v18 =	vor.u32 v12, v18;
	v24 =	vld.idx.msk [tilespmem:v24+s16+$0x0], $0xffff  }
0x27f: {  	[tilespmem:s9+$0xFFFFFEE0] =	vst.add.f32.msk $0xffff, v26  }
0x280: {  	[tilespmem:s9+$0xFFFFFFE0] =	vst.add.f32.msk $0xffff, v25  }
0x281: {  	v22 =	vld.idx.msk [tilespmem:v22+s16+$0x0], $0xffff  }
0x282: {  	v23 =	vld.idx.msk [tilespmem:v23+s16+$0x0], $0xffff  }
0x283: {  	v18 =	vld.idx.msk [tilespmem:v18+s16+$0x0], $0xffff  }
0x284: {  	[tilespmem:s9+$0xFFFFFE70] =	vst.add.f32.msk $0xffff, v24  }
0x285: {  	v63 =	vld.idx.msk [tilespmem:v21+s16+$0x0], $0xffff  }
0x286: {  	[tilespmem:s9+$0xFFFFFEF0] =	vst.add.f32.msk $0xffff, v22  }
0x287: {  	[tilespmem:s9+$0xFFFFFFF0] =	vst.add.f32.msk $0xffff, v23  }
0x288: {  	v19 =	vld.idx.msk [tilespmem:v19+s16+$0x0], $0xffff  }
0x289: {  	v20 =	vld.idx.msk [tilespmem:v20+s16+$0x0], $0xffff  }
0x28a: {  	[tilespmem:s8+$0x0] =	vst.add.f32.msk $0xffff, v16  }
0x28b: {  	[tilespmem:s9+$0xFFFFFF80] =	vst.add.f32.msk $0xffff, v18  }
0x28c: {  	s2 =	sadd.s32 s5, s7;
	[tilespmem:s9+$0xFFFFFE80] =	vst.add.f32.msk $0xffff, v63  }
0x28d: {  	p1 =	seq.s32 s4, $0x7;
	s2 =	sshll.u32 s2, $0xD;
	[tilespmem:s9+$0xFFFFFF00] =	vst.add.f32.msk $0xffff, v19  }
.Ltmp4:
0x28e: {  	s2 =	sadd.s32 s2, s10;
	[tilespmem:s9+$0x0] =	vst.add.f32.msk $0xffff, v20;
	(pc) =	sbr.rel @p1 .LBB2_8-.Ltmp4, $4  }
0x28f: {  	[hbm4b:s2+s3] =	stream.linear.scatter [tilespmem:s25], [sflag:$0x8], $0x4000, $0x38;
	[tilespmem:$0x1C800] =	vst v63  }
0x290: {  	_ =	swait.ge [sflag:s31], $0x4000  }
0x291: {  	[sflag:s31] =	ssyncset.done $0x0  }
0x292: {  	[sflag:s31] =	ssyncadd.s32 $0xFFFFC000  }
0x293: {  	s2 =	sshll.u32 s4, $0x8  }
0x294: {  	s2 =	sand.u32 $0x3FFFFF00, s2  }
0x295: {  	s8 =	rddreg [dreg:$0x3];
	s7 =	sadd.s32 $0x1A100, s2  }
0x296: {  	[tilespmem:s20], [sflag:$0x1] =	stream.indirect.gather [spmem:s8], $0x80, s7, s13, $0xb8;
	[tilespmem:$0x1C800] =	vst v63  }
0x297: {  	_ =	swait.ge [sflag:s1], $0x4000  }
0x298: {  	[sflag:s1] =	ssyncset.done $0x0  }
0x299: {  	s18 =	sadd.s32 $0x280, s6;
	[sflag:s1] =	ssyncadd.s32 $0xFFFFC000  }
0x29a: {  	[tilespmem:s21], [sflag:$0x2] =	stream.indirect.gather [hbm4b:s0+s13], $0x80, s18, s13, $0xb8;
	[tilespmem:$0x1C800] =	vst v63  }
0x29b: {  	_ =	swait.ge [sflag:s17], $0x4000  }
0x29c: {  	[sflag:s17] =	ssyncset.done $0x0  }
0x29d: {  	s2 =	sadd.s32 $0x1A180, s2;
	[sflag:s17] =	ssyncadd.s32 $0xFFFFC000  }
0x29e: {  	[tilespmem:s23], [sflag:$0x3] =	stream.indirect.gather [spmem:s8], $0x80, s2, s13, $0xb8;
	[tilespmem:$0x1C800] =	vst v63  }
.Ltmp5:
0x29f: {  	_ = 	snop;
	(pc) =	sbr.rel .LBB2_2-.Ltmp5, $4  }
0x2a0: {  	_ =	swait.ge [sflag:s19], $0x4000  }
0x2a1: {  	s22 =	sadd.s32 $0x380, s6;
	[sflag:s19] =	ssyncset.done $0x0  }
0x2a2: {  	s4 =	sadd.s32 $0x1, s4;
	s24 =	sadd.s32 $0x200, s24;
	[sflag:s19] =	ssyncadd.s32 $0xFFFFC000  }
0x2a3: {  	[tilespmem:s25], [sflag:$0x4] =	stream.indirect.gather [hbm4b:s0+s13], $0x80, s22, s13, $0xb8;
	[tilespmem:$0x1C800] =	vst v63  }
.LBB2_9:
0x2a4: {  	_ =	sfence.sel $0x180000  }
0x2a5: {  	[bflag:$0x0] =	sbarrier.arrive $0xFFFF  }
0x2a6: {  	_ =	strace $0x90000047  }
0x2a7: {  	[bflag:$0x2] =	sbarrier.arrive $0xFFFF  }
0x2a8: {  	s0 =	rddreg [dreg:$0x4]  }
0x2a9: {  	s0 =	sadd.s32 @!p0 $0x100000, s0  }
0x2aa: {  	[sflag:s0] =	ssyncadd.tile.s32 @!p0 $0x1;
	_ =	shalt  }
.Lfunc_end2:
_tile_overlayer_lowered:
.L_overlay_start_2:
0x2ab: {  	(tag) =	ssettag $0x2  }
0x2ac: {  	s0 =	rddreg [dreg:$0x0];
	s2 =	stileid.u32  }
0x2ad: {  	s1 =	rddreg [dreg:$0x1];
	p0 =	sne.s32 s2, $0x0  }
0x2ae: {  	s3 =	rddreg [dreg:$0x2];
	[bflag:$0x3] =	sbarrier.arrive $0xFFFF;
	s2 =	simm.s32 @!p0 $0x1C09  }
0x2af: {  	[timem:s3], [sflag:s2] =	dma.local @!p0 [hbm:s0], s1  }
0x2b0: {  	s0 =	simm.s32 @!p0 $0x9  }
0x2b1: {  	_ =	swait.ge @!p0 [sflag:s0], s1  }
0x2b2: {  	s1 =	ssub.s32 @!p0 $0x0, s1;
	[sflag:s0] =	ssyncset.done @!p0 $0x0  }
0x2b3: {  	[sflag:s0] =	ssyncadd.s32 @!p0 s1  }
0x2b4: {  	[bflag:$0x3] =	sbarrier.arrive $0xFFFF  }
0x2b5: {  	_ =	shalt  }

</sc_bundles>
